<compile_context>
chip_gen: v7x
topology: tpu7x:2x2x1
jax: 0.10.2.dev20260603
libtpu: 0.0.44.dev20260713+nightly
codegen_flags: <defaults>
</compile_context>

<pallas_src>
import functools

import jax
import jax.numpy as jnp
from jax import lax
from jax.experimental import pallas as pl
from jax.experimental.pallas import tpu as pltpu
from jax.experimental.pallas import tpu_sc as plsc

_NUM_EMB = 1000000
_DIM = 64
_BATCH = 16384
_HIST = 50
_N_IDX = _BATCH * _HIST

_MM_BLOCK = 8000

_ROUND_MAGIC = 12582912.0


_RP_W = 24960
_RP_NFULL = _NUM_EMB // _RP_W
_RP_TAIL = _NUM_EMB - _RP_NFULL * _RP_W
_RP_E = _RP_W * _DIM
_RP_TE = _RP_TAIL * _DIM


def _repack_body(w_hbm, wtail_hbm, lin_hbm, mm_ref,
                 inb, outb, tailb, acc_ref, sin, sout, stail):
    j = pl.program_id(0)
    jm = j % 2

    @pl.when(j == 0)
    def _prime():
        pltpu.make_async_copy(
            w_hbm.at[:, pl.ds(0, _RP_W)], inb.at[0], sin.at[0]).start()

    @pl.when(j + 1 < _RP_NFULL)
    def _prefetch():
        pltpu.make_async_copy(
            w_hbm.at[:, pl.ds((j + 1) * _RP_W, _RP_W)],
            inb.at[(j + 1) % 2], sin.at[(j + 1) % 2]).start()

    @pl.when(j < _RP_NFULL)
    def _main():
        pltpu.make_async_copy(
            w_hbm.at[:, pl.ds(j * _RP_W, _RP_W)], inb.at[jm], sin.at[jm]).wait()
        blk = inb[jm]
        bmin = jnp.min(blk)
        bmax = jnp.max(blk)

        @pl.when(j == 0)
        def _init():
            acc_ref[0] = bmin
            acc_ref[1] = bmax

        @pl.when(j > 0)
        def _acc():
            acc_ref[0] = jnp.minimum(acc_ref[0], bmin)
            acc_ref[1] = jnp.maximum(acc_ref[1], bmax)

        @pl.when(j >= 2)
        def _drain_out():
            pltpu.make_async_copy(
                outb.at[jm], lin_hbm.at[pl.ds((j - 2) * _RP_W, _RP_W), :],
                sout.at[jm]).wait()

        outb[jm, :, pl.ds(0, _DIM)] = blk.T
        pltpu.make_async_copy(
            outb.at[jm], lin_hbm.at[pl.ds(j * _RP_W, _RP_W), :],
            sout.at[jm]).start()

    @pl.when(j == _RP_NFULL)
    def _tail():
        pltpu.make_async_copy(wtail_hbm, tailb, stail).start()
        pltpu.make_async_copy(wtail_hbm, tailb, stail).wait()
        tb = tailb[...]
        acc_ref[0] = jnp.minimum(acc_ref[0], jnp.min(tb))
        acc_ref[1] = jnp.maximum(acc_ref[1], jnp.max(tb))
        pltpu.make_async_copy(
            outb.at[0], lin_hbm.at[pl.ds((_RP_NFULL - 2) * _RP_W, _RP_W), :],
            sout.at[0]).wait()
        outb[0, pl.ds(0, _RP_TAIL), pl.ds(0, _DIM)] = tb.T
        pltpu.make_async_copy(
            outb.at[0, pl.ds(0, _RP_TAIL), :],
            lin_hbm.at[pl.ds(_RP_NFULL * _RP_W, _RP_TAIL), :], sout.at[0]).start()
        pltpu.make_async_copy(
            outb.at[1], lin_hbm.at[pl.ds((_RP_NFULL - 1) * _RP_W, _RP_W), :],
            sout.at[1]).wait()
        pltpu.make_async_copy(
            outb.at[0, pl.ds(0, _RP_TAIL), :],
            lin_hbm.at[pl.ds(_RP_NFULL * _RP_W, _RP_TAIL), :], sout.at[0]).wait()
        mm_ref[0] = acc_ref[0]
        mm_ref[1] = acc_ref[1]


def _repack_minmax(weight_t, weight_tail):
    return pl.pallas_call(
        _repack_body,
        grid=(_RP_NFULL + 1,),
        in_specs=[pl.BlockSpec(memory_space=pl.ANY),
                  pl.BlockSpec(memory_space=pl.ANY)],
        out_specs=[pl.BlockSpec(memory_space=pl.ANY),
                   pl.BlockSpec(memory_space=pltpu.SMEM)],
        out_shape=[jax.ShapeDtypeStruct((_NUM_EMB, 128), jnp.float32),
                   jax.ShapeDtypeStruct((2,), jnp.float32)],
        scratch_shapes=[
            pltpu.VMEM((2, _DIM, _RP_W), jnp.float32),
            pltpu.VMEM((2, _RP_W, 128), jnp.float32),
            pltpu.VMEM((_DIM, _RP_TAIL), jnp.float32),
            pltpu.SMEM((2,), jnp.float32),
            pltpu.SemaphoreType.DMA((2,)),
            pltpu.SemaphoreType.DMA((2,)),
            pltpu.SemaphoreType.DMA,
        ],
        compiler_params=pltpu.CompilerParams(vmem_limit_bytes=110_000_000),
    )(weight_t, weight_tail)


def _make_gather_kernel(n_workers, b_per_w, chunk, n_out=_N_IDX):
    n_chunks = b_per_w // chunk
    n_pairs = n_chunks // 2
    mesh = plsc.VectorSubcoreMesh(core_axis_name="c", subcore_axis_name="s")

    scratch_types = [
            pltpu.VMEM((2, chunk), jnp.int32),
            pltpu.VMEM((chunk, 128), jnp.float32),
            pltpu.VMEM((chunk, 128), jnp.float32),
            pltpu.VMEM((4, 16), jnp.float32),
            pltpu.SemaphoreType.DMA,
            pltpu.SemaphoreType.DMA,
            pltpu.SemaphoreType.DMA,
            pltpu.SemaphoreType.DMA,
        ]

    @functools.partial(
        pl.kernel,
        mesh=mesh,
        compiler_params=pltpu.CompilerParams(use_tc_tiling_on_sc=False),
        out_type=jax.ShapeDtypeStruct((n_out, _DIM), jnp.float32),
        scratch_types=scratch_types,
    )
    def gather_dequant(idx_hbm, table_hbm, params_hbm, out_hbm,
                       idx_v, rows0, rows1, params_v, sg0, sg1, ss0, ss1):
        wid = lax.axis_index("s") * 2 + lax.axis_index("c")
        base = wid * b_per_w
        pltpu.sync_copy(params_hbm, params_v)
        inv_scale = params_v[0, :]
        zp = params_v[1, :]
        scale = params_v[2, :]
        zp_scale = params_v[3, :]

        def dequant(buf):
            def row_body(r, c2):
                for j in range(_DIM // 16):
                    w = buf[r, pl.ds(j * 16, 16)]
                    t = w * inv_scale + zp
                    t = jnp.maximum(t, -128.0)
                    t = jnp.minimum(t, 127.0)
                    q = (t + _ROUND_MAGIC) - _ROUND_MAGIC
                    buf[r, pl.ds(j * 16, 16)] = q * scale - zp_scale
                return c2
            lax.fori_loop(0, chunk, row_body, 0)

        def drain_gather(buf, sem):
            pltpu.make_async_copy(
                table_hbm.at[pl.ds(0, chunk), :], buf, sem).wait()

        def drain_store(buf, sem):
            pltpu.make_async_copy(
                buf.at[:, pl.ds(0, _DIM)],
                out_hbm.at[pl.ds(base, chunk)], sem).wait()

        pltpu.sync_copy(idx_hbm.at[pl.ds(base, chunk)], idx_v.at[0])
        pltpu.async_copy(table_hbm.at[idx_v.at[0]], rows0, sg0)

        def pair_body(p, carry):
            k0 = 2 * p
            off0 = base + k0 * chunk
            off1 = off0 + chunk

            @pl.when(p > 0)
            def _():
                drain_store(rows1, ss1)

            pltpu.sync_copy(idx_hbm.at[pl.ds(off1, chunk)], idx_v.at[1])
            pltpu.async_copy(table_hbm.at[idx_v.at[1]], rows1, sg1)

            drain_gather(rows0, sg0)
            dequant(rows0)
            pltpu.async_copy(rows0.at[:, pl.ds(0, _DIM)],
                             out_hbm.at[pl.ds(off0, chunk)], ss0)

            @pl.when(p < n_pairs - 1)
            def _():
                drain_store(rows0, ss0)
                pltpu.sync_copy(
                    idx_hbm.at[pl.ds(off0 + 2 * chunk, chunk)], idx_v.at[0])
                pltpu.async_copy(table_hbm.at[idx_v.at[0]], rows0, sg0)

            drain_gather(rows1, sg1)
            dequant(rows1)
            pltpu.async_copy(rows1.at[:, pl.ds(0, _DIM)],
                             out_hbm.at[pl.ds(off1, chunk)], ss1)
            return carry

        lax.fori_loop(0, n_pairs, pair_body, 0)
        drain_store(rows0, ss0)
        drain_store(rows1, ss1)

    return gather_dequant


def kernel(x, weight):
    wt = weight.T
    table_lin, mm = _repack_minmax(wt, wt[:, _RP_NFULL * _RP_W:])
    wmin, wmax = mm[0], mm[1]
    scale = (wmax - wmin) / 255.0
    zp = -128.0 - wmin / scale
    params = jnp.stack([
        jnp.full((16,), 1.0 / scale, jnp.float32),
        jnp.full((16,), zp, jnp.float32),
        jnp.full((16,), scale, jnp.float32),
        jnp.full((16,), zp * scale, jnp.float32),
    ])

    info = plsc.get_sparse_core_info()
    n_workers = info.num_cores * info.num_subcores
    nsplit = 4
    n_part = _N_IDX // nsplit
    b_per_w = n_part // n_workers
    k = _make_gather_kernel(n_workers, b_per_w, chunk=400, n_out=n_part)
    xf = x.reshape(-1)
    parts = []
    for i in range(nsplit):
        o = k(xf[i * n_part:(i + 1) * n_part], table_lin, params)
        parts.append(o.reshape(_BATCH // nsplit, _HIST, _DIM))
    return jnp.concatenate(parts, axis=0)

# --- scband reference (transcript-rebuilt; emitter-appended) ---
"""Pipeline reference for scband-shared-embedding-37864431681675 (READ-ONLY COPY).

The authoritative reference and input builder live on the scoring server;
editing this copy changes nothing except your own understanding.
"""

import jax, jax.numpy as jnp
import numpy as np

NUM_EMBEDDINGS = 1000000
EMBEDDING_DIM = 64
BATCH = 16384
HIST_LEN = 50
BITS = 8

def setup_inputs(seed: int = 0) -> dict:
    key = jax.random.key(seed)
    k1, k2 = jax.random.split(key)
    x = jax.random.randint(k1, (BATCH, HIST_LEN), 0, NUM_EMBEDDINGS, dtype=jnp.int32)
    weight = 0.02 * jax.random.normal(k2, (NUM_EMBEDDINGS, EMBEDDING_DIM), dtype=jnp.float32)
    return {"x": x, "weight": weight}

def _quantize_weights(weight):
    qmin = -(2 ** (BITS - 1))
    qmax = 2 ** (BITS - 1) - 1
    wmin = jnp.min(weight)
    wmax = jnp.max(weight)
    scale = (wmax - wmin) / (qmax - qmin)
    zero_point = qmin - wmin / scale
    quantized = jnp.clip(jnp.round(weight / scale + zero_point), qmin, qmax)
    return (quantized - zero_point) * scale

def reference(x, weight):
    deq_weight = _quantize_weights(weight)
    return jnp.take(deq_weight, x, axis=0)

if __name__ == "__main__":
    import jax
    _d = setup_inputs()
    print(jax.jit(kernel)(*tuple(_d.values())))

</pallas_src>

<mosaic_0001>
#map = affine_map<(d0, d1) -> (0)>
#map1 = affine_map<(d0, d1) -> (0, 0)>
module attributes {stable_mosaic.version = 14 : i64} {
  func.func @gather_dequant(%arg0: i32, %arg1: i32, %arg2: memref<204800xi32, #tpu.memory_space<hbm>>, %arg3: memref<1000000x128xf32, #tpu.memory_space<hbm>>, %arg4: memref<4x16xf32, #tpu.memory_space<hbm>>, %arg5: memref<204800x64xf32, #tpu.memory_space<hbm>>, %arg6: memref<2x400xi32, #tpu.memory_space<vmem>>, %arg7: memref<400x128xf32, #tpu.memory_space<vmem>>, %arg8: memref<400x128xf32, #tpu.memory_space<vmem>>, %arg9: memref<4x16xf32, #tpu.memory_space<vmem>>, %arg10: memref<!tpu.dma_semaphore, #tpu.memory_space<semaphore_mem>>, %arg11: memref<!tpu.dma_semaphore, #tpu.memory_space<semaphore_mem>>, %arg12: memref<!tpu.dma_semaphore, #tpu.memory_space<semaphore_mem>>, %arg13: memref<!tpu.dma_semaphore, #tpu.memory_space<semaphore_mem>>) attributes {dimension_semantics = [#tpu.dimension_semantics<core_parallel>, #tpu.dimension_semantics<subcore_parallel>], iteration_bounds = array<i64: 2, 16>, scalar_prefetch = 0 : i64, scratch_operands = 8 : i64, tpu.core_type = #tpu.core_type<sc_vector_subcore>, window_params = [{transform_indices = #map}, {transform_indices = #map1}, {transform_indices = #map1}, {transform_indices = #map1}]} {
    %mul3A = arith.constant 2 : i32
    %mul3A_0 = arith.muli %arg1, %mul3A : i32
    %add3A = arith.addi %mul3A_0, %arg0 : i32
    %mul3A_1 = arith.constant 6400 : i32
    %mul3A_2 = arith.muli %add3A, %mul3A_1 : i32
    "tpu.region"() ({
      %run_scoped3A_52 = tpu.sem_alloc : memref<!tpu.dma_semaphore, #tpu.memory_space<semaphore_mem>>
      tpu.enqueue_dma source(%arg4 : memref<4x16xf32, #tpu.memory_space<hbm>>) target(%arg9 : memref<4x16xf32, #tpu.memory_space<vmem>>) target_semaphore(%run_scoped3A_52 : memref<!tpu.dma_semaphore, #tpu.memory_space<semaphore_mem>>)
      tpu.wait_dma2 semaphore(%run_scoped3A_52 : memref<!tpu.dma_semaphore, #tpu.memory_space<semaphore_mem>>) src(%arg4 : memref<4x16xf32, #tpu.memory_space<hbm>>) dst(%arg9 : memref<4x16xf32, #tpu.memory_space<vmem>>)
      tpu.yield
    }) : () -> ()
    %get3A = arith.constant 0 : i32
    %get3A_3 = arith.index_cast %get3A : i32 to index
    %get3A_4 = arith.constant 0 : index
    %get3A_5 = tpu.vector_load %arg9[%get3A_3, %get3A_4] {strides = array<i32>} : memref<4x16xf32, #tpu.memory_space<vmem>>, vector<1x16xf32>,
    %get3A_6 = vector.shape_cast %get3A_5 : vector<1x16xf32> to vector<16xf32>
    %get3A_7 = arith.constant 1 : i32
    %get3A_8 = arith.index_cast %get3A_7 : i32 to index
    %get3A_9 = arith.constant 0 : index
    %get3A_10 = tpu.vector_load %arg9[%get3A_8, %get3A_9] {strides = array<i32>} : memref<4x16xf32, #tpu.memory_space<vmem>>, vector<1x16xf32>,
    %get3A_11 = vector.shape_cast %get3A_10 : vector<1x16xf32> to vector<16xf32>
    %get3A_12 = arith.constant 2 : i32
    %get3A_13 = arith.index_cast %get3A_12 : i32 to index
    %get3A_14 = arith.constant 0 : index
    %get3A_15 = tpu.vector_load %arg9[%get3A_13, %get3A_14] {strides = array<i32>} : memref<4x16xf32, #tpu.memory_space<vmem>>, vector<1x16xf32>,
    %get3A_16 = vector.shape_cast %get3A_15 : vector<1x16xf32> to vector<16xf32>
    %get3A_17 = arith.constant 3 : i32
    %get3A_18 = arith.index_cast %get3A_17 : i32 to index
    %get3A_19 = arith.constant 0 : index
    %get3A_20 = tpu.vector_load %arg9[%get3A_18, %get3A_19] {strides = array<i32>} : memref<4x16xf32, #tpu.memory_space<vmem>>, vector<1x16xf32>,
    %get3A_21 = vector.shape_cast %get3A_20 : vector<1x16xf32> to vector<16xf32>
    %run_scoped3A = arith.constant 0 : i32
    "tpu.region"() ({
      %run_scoped3A_52 = tpu.sem_alloc : memref<!tpu.dma_semaphore, #tpu.memory_space<semaphore_mem>>
      %dma_start3A_53 = arith.constant 0 : i32
      %dma_start3A_54 = tpu.memref_slice %arg6[%run_scoped3A, %dma_start3A_53] : memref<2x400xi32, #tpu.memory_space<vmem>> -> memref<1x400xi32, #tpu.memory_space<vmem>>
      %dma_start3A_55 = tpu.memref_squeeze %dma_start3A_54 : memref<1x400xi32, #tpu.memory_space<vmem>> -> memref<400xi32, #tpu.memory_space<vmem>>
      %dma_start3A_56 = tpu.memref_slice %arg2[%mul3A_2] : memref<204800xi32, #tpu.memory_space<hbm>> -> memref<400xi32, #tpu.memory_space<hbm>>
      %dma_start3A_57 = arith.constant 0 : i32
      %dma_start3A_58 = tpu.memref_slice %arg6[%run_scoped3A, %dma_start3A_57] : memref<2x400xi32, #tpu.memory_space<vmem>> -> memref<1x400xi32, #tpu.memory_space<vmem>>
      %dma_start3A_59 = tpu.memref_squeeze %dma_start3A_58 : memref<1x400xi32, #tpu.memory_space<vmem>> -> memref<400xi32, #tpu.memory_space<vmem>>
      %dma_start3A_60 = tpu.memref_slice %arg2[%mul3A_2] : memref<204800xi32, #tpu.memory_space<hbm>> -> memref<400xi32, #tpu.memory_space<hbm>>
      tpu.enqueue_dma source(%dma_start3A_60 : memref<400xi32, #tpu.memory_space<hbm>>) target(%dma_start3A_59 : memref<400xi32, #tpu.memory_space<vmem>>) target_semaphore(%run_scoped3A_52 : memref<!tpu.dma_semaphore, #tpu.memory_space<semaphore_mem>>)
      %dma_wait3A_61 = arith.constant 0 : i32
      %dma_wait3A_62 = tpu.memref_slice %arg6[%run_scoped3A, %dma_wait3A_61] : memref<2x400xi32, #tpu.memory_space<vmem>> -> memref<1x400xi32, #tpu.memory_space<vmem>>
      %dma_wait3A_63 = tpu.memref_squeeze %dma_wait3A_62 : memref<1x400xi32, #tpu.memory_space<vmem>> -> memref<400xi32, #tpu.memory_space<vmem>>
      %dma_wait3A_64 = tpu.memref_slice %arg2[%mul3A_2] : memref<204800xi32, #tpu.memory_space<hbm>> -> memref<400xi32, #tpu.memory_space<hbm>>
      %dma_wait3A_65 = arith.constant 0 : i32
      %dma_wait3A_66 = tpu.memref_slice %arg6[%run_scoped3A, %dma_wait3A_65] : memref<2x400xi32, #tpu.memory_space<vmem>> -> memref<1x400xi32, #tpu.memory_space<vmem>>
      %dma_wait3A_67 = tpu.memref_squeeze %dma_wait3A_66 : memref<1x400xi32, #tpu.memory_space<vmem>> -> memref<400xi32, #tpu.memory_space<vmem>>
      %dma_wait3A_68 = tpu.memref_slice %arg2[%mul3A_2] : memref<204800xi32, #tpu.memory_space<hbm>> -> memref<400xi32, #tpu.memory_space<hbm>>
      tpu.wait_dma2 semaphore(%run_scoped3A_52 : memref<!tpu.dma_semaphore, #tpu.memory_space<semaphore_mem>>) src(%dma_wait3A_68 : memref<400xi32, #tpu.memory_space<hbm>>) dst(%dma_wait3A_67 : memref<400xi32, #tpu.memory_space<vmem>>)
      tpu.yield
    }) : () -> ()
    %dma_start3A = arith.constant 0 : i32
    %dma_start3A_22 = arith.constant 0 : i32
    %dma_start3A_23 = tpu.memref_slice %arg6[%dma_start3A, %dma_start3A_22] : memref<2x400xi32, #tpu.memory_space<vmem>> -> memref<1x400xi32, #tpu.memory_space<vmem>>
    %dma_start3A_24 = tpu.memref_squeeze %dma_start3A_23 : memref<1x400xi32, #tpu.memory_space<vmem>> -> memref<400xi32, #tpu.memory_space<vmem>>
    %dma_start3A_25 = arith.constant 0 : i32
    %dma_start3A_26 = arith.constant 0 : i32
    %dma_start3A_27 = tpu.memref_slice %arg3[%dma_start3A_25, %dma_start3A_26] : memref<1000000x128xf32, #tpu.memory_space<hbm>> -> memref<1000000x128xf32, #tpu.memory_space<hbm>>
    tpu.enqueue_indirect_dma source(%dma_start3A_27 : memref<1000000x128xf32, #tpu.memory_space<hbm>>) target(%arg7 : memref<400x128xf32, #tpu.memory_space<vmem>>) offsets(%dma_start3A_24 : memref<400xi32, #tpu.memory_space<vmem>>) semaphore(%arg10 : memref<!tpu.dma_semaphore, #tpu.memory_space<semaphore_mem>>)
    %scan3A = arith.constant 0 : i32
    %scan3A_28 = arith.constant 0 : i32
    %scan3A_29 = arith.constant 8 : i32
    %scan3A_30 = arith.addi %scan3A_28, %scan3A_29 : i32
    %scan3A_31 = arith.constant 1 : i32
    scf.for %scan3A_52 = %scan3A_28 to %scan3A_30 step %scan3A_31  : i32 {
      %mul3A_53 = arith.constant 2 : i32
      %mul3A_54 = arith.muli %mul3A_53, %scan3A_52 : i32
      %mul3A_55 = arith.constant 400 : i32
      %mul3A_56 = arith.muli %mul3A_54, %mul3A_55 : i32
      %add3A_57 = arith.addi %mul3A_2, %mul3A_56 : i32
      %add3A_58 = arith.constant 400 : i32
      %add3A_59 = arith.addi %add3A_57, %add3A_58 : i32
      %gt3A = arith.constant 0 : i32
      %gt3A_60 = arith.cmpi sgt, %scan3A_52, %gt3A : i32
      %convert_element_type3A = arith.extui %gt3A_60 : i1 to i32
      %cond3A = arith.constant 0 : i32
      %cond3A_61 = arith.cmpi ne, %convert_element_type3A, %cond3A : i32
      scf.if %cond3A_61 {
        %dma_wait3A_118 = arith.constant 0 : i32
        %dma_wait3A_119 = arith.constant 0 : i32
        %dma_wait3A_120 = tpu.memref_slice %arg8[%dma_wait3A_118, %dma_wait3A_119] : memref<400x128xf32, #tpu.memory_space<vmem>> -> memref<400x64xf32, #tpu.memory_space<vmem>>
        %dma_wait3A_121 = arith.constant 0 : i32
        %dma_wait3A_122 = tpu.memref_slice %arg5[%mul3A_2, %dma_wait3A_121] : memref<204800x64xf32, #tpu.memory_space<hbm>> -> memref<400x64xf32, #tpu.memory_space<hbm>>
        %dma_wait3A_123 = arith.constant 0 : i32
        %dma_wait3A_124 = tpu.memref_slice %arg5[%mul3A_2, %dma_wait3A_123] : memref<204800x64xf32, #tpu.memory_space<hbm>> -> memref<400x64xf32, #tpu.memory_space<hbm>>
        %dma_wait3A_125 = arith.constant 0 : i32
        %dma_wait3A_126 = arith.constant 0 : i32
        %dma_wait3A_127 = tpu.memref_slice %arg8[%dma_wait3A_125, %dma_wait3A_126] : memref<400x128xf32, #tpu.memory_space<vmem>> -> memref<400x64xf32, #tpu.memory_space<vmem>>
        tpu.wait_dma2 semaphore(%arg13 : memref<!tpu.dma_semaphore, #tpu.memory_space<semaphore_mem>>) src(%dma_wait3A_127 : memref<400x64xf32, #tpu.memory_space<vmem>>) dst(%dma_wait3A_124 : memref<400x64xf32, #tpu.memory_space<hbm>>)
      } else {
      }
      %run_scoped3A_62 = arith.constant 1 : i32
      "tpu.region"() ({
        %run_scoped3A_118 = tpu.sem_alloc : memref<!tpu.dma_semaphore, #tpu.memory_space<semaphore_mem>>
        %dma_start3A_119 = arith.constant 0 : i32
        %dma_start3A_120 = tpu.memref_slice %arg6[%run_scoped3A_62, %dma_start3A_119] : memref<2x400xi32, #tpu.memory_space<vmem>> -> memref<1x400xi32, #tpu.memory_space<vmem>>
        %dma_start3A_121 = tpu.memref_squeeze %dma_start3A_120 : memref<1x400xi32, #tpu.memory_space<vmem>> -> memref<400xi32, #tpu.memory_space<vmem>>
        %dma_start3A_122 = tpu.memref_slice %arg2[%add3A_59] : memref<204800xi32, #tpu.memory_space<hbm>> -> memref<400xi32, #tpu.memory_space<hbm>>
        %dma_start3A_123 = arith.constant 0 : i32
        %dma_start3A_124 = tpu.memref_slice %arg6[%run_scoped3A_62, %dma_start3A_123] : memref<2x400xi32, #tpu.memory_space<vmem>> -> memref<1x400xi32, #tpu.memory_space<vmem>>
        %dma_start3A_125 = tpu.memref_squeeze %dma_start3A_124 : memref<1x400xi32, #tpu.memory_space<vmem>> -> memref<400xi32, #tpu.memory_space<vmem>>
        %dma_start3A_126 = tpu.memref_slice %arg2[%add3A_59] : memref<204800xi32, #tpu.memory_space<hbm>> -> memref<400xi32, #tpu.memory_space<hbm>>
        tpu.enqueue_dma source(%dma_start3A_126 : memref<400xi32, #tpu.memory_space<hbm>>) target(%dma_start3A_125 : memref<400xi32, #tpu.memory_space<vmem>>) target_semaphore(%run_scoped3A_118 : memref<!tpu.dma_semaphore, #tpu.memory_space<semaphore_mem>>)
        %dma_wait3A_127 = arith.constant 0 : i32
        %dma_wait3A_128 = tpu.memref_slice %arg6[%run_scoped3A_62, %dma_wait3A_127] : memref<2x400xi32, #tpu.memory_space<vmem>> -> memref<1x400xi32, #tpu.memory_space<vmem>>
        %dma_wait3A_129 = tpu.memref_squeeze %dma_wait3A_128 : memref<1x400xi32, #tpu.memory_space<vmem>> -> memref<400xi32, #tpu.memory_space<vmem>>
        %dma_wait3A_130 = tpu.memref_slice %arg2[%add3A_59] : memref<204800xi32, #tpu.memory_space<hbm>> -> memref<400xi32, #tpu.memory_space<hbm>>
        %dma_wait3A_131 = arith.constant 0 : i32
        %dma_wait3A_132 = tpu.memref_slice %arg6[%run_scoped3A_62, %dma_wait3A_131] : memref<2x400xi32, #tpu.memory_space<vmem>> -> memref<1x400xi32, #tpu.memory_space<vmem>>
        %dma_wait3A_133 = tpu.memref_squeeze %dma_wait3A_132 : memref<1x400xi32, #tpu.memory_space<vmem>> -> memref<400xi32, #tpu.memory_space<vmem>>
        %dma_wait3A_134 = tpu.memref_slice %arg2[%add3A_59] : memref<204800xi32, #tpu.memory_space<hbm>> -> memref<400xi32, #tpu.memory_space<hbm>>
        tpu.wait_dma2 semaphore(%run_scoped3A_118 : memref<!tpu.dma_semaphore, #tpu.memory_space<semaphore_mem>>) src(%dma_wait3A_134 : memref<400xi32, #tpu.memory_space<hbm>>) dst(%dma_wait3A_133 : memref<400xi32, #tpu.memory_space<vmem>>)
        tpu.yield
      }) : () -> ()
      %dma_start3A_63 = arith.constant 1 : i32
      %dma_start3A_64 = arith.constant 0 : i32
      %dma_start3A_65 = tpu.memref_slice %arg6[%dma_start3A_63, %dma_start3A_64] : memref<2x400xi32, #tpu.memory_space<vmem>> -> memref<1x400xi32, #tpu.memory_space<vmem>>
      %dma_start3A_66 = tpu.memref_squeeze %dma_start3A_65 : memref<1x400xi32, #tpu.memory_space<vmem>> -> memref<400xi32, #tpu.memory_space<vmem>>
      %dma_start3A_67 = arith.constant 0 : i32
      %dma_start3A_68 = arith.constant 0 : i32
      %dma_start3A_69 = tpu.memref_slice %arg3[%dma_start3A_67, %dma_start3A_68] : memref<1000000x128xf32, #tpu.memory_space<hbm>> -> memref<1000000x128xf32, #tpu.memory_space<hbm>>
      tpu.enqueue_indirect_dma source(%dma_start3A_69 : memref<1000000x128xf32, #tpu.memory_space<hbm>>) target(%arg8 : memref<400x128xf32, #tpu.memory_space<vmem>>) offsets(%dma_start3A_66 : memref<400xi32, #tpu.memory_space<vmem>>) semaphore(%arg11 : memref<!tpu.dma_semaphore, #tpu.memory_space<semaphore_mem>>)
      %dma_wait3A_70 = arith.constant 0 : i32
      %dma_wait3A_71 = arith.constant 0 : i32
      %dma_wait3A_72 = tpu.memref_slice %arg3[%dma_wait3A_70, %dma_wait3A_71] : memref<1000000x128xf32, #tpu.memory_space<hbm>> -> memref<400x128xf32, #tpu.memory_space<hbm>>
      %dma_wait3A_73 = arith.constant 0 : i32
      %dma_wait3A_74 = arith.constant 0 : i32
      %dma_wait3A_75 = tpu.memref_slice %arg3[%dma_wait3A_73, %dma_wait3A_74] : memref<1000000x128xf32, #tpu.memory_space<hbm>> -> memref<400x128xf32, #tpu.memory_space<hbm>>
      tpu.wait_dma2 semaphore(%arg10 : memref<!tpu.dma_semaphore, #tpu.memory_space<semaphore_mem>>) src(%dma_wait3A_75 : memref<400x128xf32, #tpu.memory_space<hbm>>) dst(%arg7 : memref<400x128xf32, #tpu.memory_space<vmem>>)
      %scan3A_76 = arith.constant 0 : i32
      %scan3A_77 = arith.constant 0 : i32
      %scan3A_78 = arith.constant 400 : i32
      %scan3A_79 = arith.addi %scan3A_77, %scan3A_78 : i32
      %scan3A_80 = arith.constant 1 : i32
      scf.for %scan3A_118 = %scan3A_77 to %scan3A_79 step %scan3A_80  : i32 {
        %get3A_119 = arith.index_cast %scan3A_118 : i32 to index
        %get3A_120 = arith.constant 0 : index
        %get3A_121 = tpu.vector_load %arg7[%get3A_119, %get3A_120] {strides = array<i32>} : memref<400x128xf32, #tpu.memory_space<vmem>>, vector<1x16xf32>,
        %get3A_122 = vector.shape_cast %get3A_121 : vector<1x16xf32> to vector<16xf32>
        %mul3A_123 = arith.mulf %get3A_122, %get3A_6 : vector<16xf32>
        %add3A_124 = arith.addf %mul3A_123, %get3A_11 : vector<16xf32>
        %max3A = arith.constant -1.280000e+02 : f32
        %max3A_125 = vector.broadcast %max3A : f32 to vector<16xf32>
        %max3A_126 = arith.maximumf %add3A_124, %max3A_125 : vector<16xf32>
        %min3A = arith.constant 1.270000e+02 : f32
        %min3A_127 = vector.broadcast %min3A : f32 to vector<16xf32>
        %min3A_128 = arith.minimumf %max3A_126, %min3A_127 : vector<16xf32>
        %add3A_129 = arith.constant 0x4B400000 : f32
        %add3A_130 = vector.broadcast %add3A_129 : f32 to vector<16xf32>
        %add3A_131 = arith.addf %min3A_128, %add3A_130 : vector<16xf32>
        %sub3A = arith.constant 0x4B400000 : f32
        %sub3A_132 = vector.broadcast %sub3A : f32 to vector<16xf32>
        %sub3A_133 = arith.subf %add3A_131, %sub3A_132 : vector<16xf32>
        %mul3A_134 = arith.mulf %sub3A_133, %get3A_16 : vector<16xf32>
        %sub3A_135 = arith.subf %mul3A_134, %get3A_21 : vector<16xf32>
        %swap3A = arith.index_cast %scan3A_118 : i32 to index
        %swap3A_136 = arith.constant 0 : index
        %swap3A_137 = tpu.vector_load %arg7[%swap3A, %swap3A_136] {strides = array<i32>} : memref<400x128xf32, #tpu.memory_space<vmem>>, vector<1x16xf32>,
        %swap3A_138 = vector.shape_cast %swap3A_137 : vector<1x16xf32> to vector<16xf32>
        %swap3A_139 = vector.shape_cast %sub3A_135 : vector<16xf32> to vector<1x16xf32>
        tpu.vector_store %arg7[%swap3A, %swap3A_136], %swap3A_139 {strides = array<i32>} : memref<400x128xf32, #tpu.memory_space<vmem>>, vector<1x16xf32>,
        %get3A_140 = arith.index_cast %scan3A_118 : i32 to index
        %get3A_141 = arith.constant 16 : index
        %get3A_142 = tpu.vector_load %arg7[%get3A_140, %get3A_141] {strides = array<i32>} : memref<400x128xf32, #tpu.memory_space<vmem>>, vector<1x16xf32>,
        %get3A_143 = vector.shape_cast %get3A_142 : vector<1x16xf32> to vector<16xf32>
        %mul3A_144 = arith.mulf %get3A_143, %get3A_6 : vector<16xf32>
        %add3A_145 = arith.addf %mul3A_144, %get3A_11 : vector<16xf32>
        %max3A_146 = arith.constant -1.280000e+02 : f32
        %max3A_147 = vector.broadcast %max3A_146 : f32 to vector<16xf32>
        %max3A_148 = arith.maximumf %add3A_145, %max3A_147 : vector<16xf32>
        %min3A_149 = arith.constant 1.270000e+02 : f32
        %min3A_150 = vector.broadcast %min3A_149 : f32 to vector<16xf32>
        %min3A_151 = arith.minimumf %max3A_148, %min3A_150 : vector<16xf32>
        %add3A_152 = arith.constant 0x4B400000 : f32
        %add3A_153 = vector.broadcast %add3A_152 : f32 to vector<16xf32>
        %add3A_154 = arith.addf %min3A_151, %add3A_153 : vector<16xf32>
        %sub3A_155 = arith.constant 0x4B400000 : f32
        %sub3A_156 = vector.broadcast %sub3A_155 : f32 to vector<16xf32>
        %sub3A_157 = arith.subf %add3A_154, %sub3A_156 : vector<16xf32>
        %mul3A_158 = arith.mulf %sub3A_157, %get3A_16 : vector<16xf32>
        %sub3A_159 = arith.subf %mul3A_158, %get3A_21 : vector<16xf32>
        %swap3A_160 = arith.index_cast %scan3A_118 : i32 to index
        %swap3A_161 = arith.constant 16 : index
        %swap3A_162 = tpu.vector_load %arg7[%swap3A_160, %swap3A_161] {strides = array<i32>} : memref<400x128xf32, #tpu.memory_space<vmem>>, vector<1x16xf32>,
        %swap3A_163 = vector.shape_cast %swap3A_162 : vector<1x16xf32> to vector<16xf32>
        %swap3A_164 = vector.shape_cast %sub3A_159 : vector<16xf32> to vector<1x16xf32>
        tpu.vector_store %arg7[%swap3A_160, %swap3A_161], %swap3A_164 {strides = array<i32>} : memref<400x128xf32, #tpu.memory_space<vmem>>, vector<1x16xf32>,
        %get3A_165 = arith.index_cast %scan3A_118 : i32 to index
        %get3A_166 = arith.constant 32 : index
        %get3A_167 = tpu.vector_load %arg7[%get3A_165, %get3A_166] {strides = array<i32>} : memref<400x128xf32, #tpu.memory_space<vmem>>, vector<1x16xf32>,
        %get3A_168 = vector.shape_cast %get3A_167 : vector<1x16xf32> to vector<16xf32>
        %mul3A_169 = arith.mulf %get3A_168, %get3A_6 : vector<16xf32>
        %add3A_170 = arith.addf %mul3A_169, %get3A_11 : vector<16xf32>
        %max3A_171 = arith.constant -1.280000e+02 : f32
        %max3A_172 = vector.broadcast %max3A_171 : f32 to vector<16xf32>
        %max3A_173 = arith.maximumf %add3A_170, %max3A_172 : vector<16xf32>
        %min3A_174 = arith.constant 1.270000e+02 : f32
        %min3A_175 = vector.broadcast %min3A_174 : f32 to vector<16xf32>
        %min3A_176 = arith.minimumf %max3A_173, %min3A_175 : vector<16xf32>
        %add3A_177 = arith.constant 0x4B400000 : f32
        %add3A_178 = vector.broadcast %add3A_177 : f32 to vector<16xf32>
        %add3A_179 = arith.addf %min3A_176, %add3A_178 : vector<16xf32>
        %sub3A_180 = arith.constant 0x4B400000 : f32
        %sub3A_181 = vector.broadcast %sub3A_180 : f32 to vector<16xf32>
        %sub3A_182 = arith.subf %add3A_179, %sub3A_181 : vector<16xf32>
        %mul3A_183 = arith.mulf %sub3A_182, %get3A_16 : vector<16xf32>
        %sub3A_184 = arith.subf %mul3A_183, %get3A_21 : vector<16xf32>
        %swap3A_185 = arith.index_cast %scan3A_118 : i32 to index
        %swap3A_186 = arith.constant 32 : index
        %swap3A_187 = tpu.vector_load %arg7[%swap3A_185, %swap3A_186] {strides = array<i32>} : memref<400x128xf32, #tpu.memory_space<vmem>>, vector<1x16xf32>,
        %swap3A_188 = vector.shape_cast %swap3A_187 : vector<1x16xf32> to vector<16xf32>
        %swap3A_189 = vector.shape_cast %sub3A_184 : vector<16xf32> to vector<1x16xf32>
        tpu.vector_store %arg7[%swap3A_185, %swap3A_186], %swap3A_189 {strides = array<i32>} : memref<400x128xf32, #tpu.memory_space<vmem>>, vector<1x16xf32>,
        %get3A_190 = arith.index_cast %scan3A_118 : i32 to index
        %get3A_191 = arith.constant 48 : index
        %get3A_192 = tpu.vector_load %arg7[%get3A_190, %get3A_191] {strides = array<i32>} : memref<400x128xf32, #tpu.memory_space<vmem>>, vector<1x16xf32>,
        %get3A_193 = vector.shape_cast %get3A_192 : vector<1x16xf32> to vector<16xf32>
        %mul3A_194 = arith.mulf %get3A_193, %get3A_6 : vector<16xf32>
        %add3A_195 = arith.addf %mul3A_194, %get3A_11 : vector<16xf32>
        %max3A_196 = arith.constant -1.280000e+02 : f32
        %max3A_197 = vector.broadcast %max3A_196 : f32 to vector<16xf32>
        %max3A_198 = arith.maximumf %add3A_195, %max3A_197 : vector<16xf32>
        %min3A_199 = arith.constant 1.270000e+02 : f32
        %min3A_200 = vector.broadcast %min3A_199 : f32 to vector<16xf32>
        %min3A_201 = arith.minimumf %max3A_198, %min3A_200 : vector<16xf32>
        %add3A_202 = arith.constant 0x4B400000 : f32
        %add3A_203 = vector.broadcast %add3A_202 : f32 to vector<16xf32>
        %add3A_204 = arith.addf %min3A_201, %add3A_203 : vector<16xf32>
        %sub3A_205 = arith.constant 0x4B400000 : f32
        %sub3A_206 = vector.broadcast %sub3A_205 : f32 to vector<16xf32>
        %sub3A_207 = arith.subf %add3A_204, %sub3A_206 : vector<16xf32>
        %mul3A_208 = arith.mulf %sub3A_207, %get3A_16 : vector<16xf32>
        %sub3A_209 = arith.subf %mul3A_208, %get3A_21 : vector<16xf32>
        %swap3A_210 = arith.index_cast %scan3A_118 : i32 to index
        %swap3A_211 = arith.constant 48 : index
        %swap3A_212 = tpu.vector_load %arg7[%swap3A_210, %swap3A_211] {strides = array<i32>} : memref<400x128xf32, #tpu.memory_space<vmem>>, vector<1x16xf32>,
        %swap3A_213 = vector.shape_cast %swap3A_212 : vector<1x16xf32> to vector<16xf32>
        %swap3A_214 = vector.shape_cast %sub3A_209 : vector<16xf32> to vector<1x16xf32>
        tpu.vector_store %arg7[%swap3A_210, %swap3A_211], %swap3A_214 {strides = array<i32>} : memref<400x128xf32, #tpu.memory_space<vmem>>, vector<1x16xf32>,
      }
      %scan3A_81 = arith.constant 400 : i32
      %dma_start3A_82 = arith.constant 0 : i32
      %dma_start3A_83 = arith.constant 0 : i32
      %dma_start3A_84 = tpu.memref_slice %arg7[%dma_start3A_82, %dma_start3A_83] : memref<400x128xf32, #tpu.memory_space<vmem>> -> memref<400x64xf32, #tpu.memory_space<vmem>>
      %dma_start3A_85 = arith.constant 0 : i32
      %dma_start3A_86 = tpu.memref_slice %arg5[%add3A_57, %dma_start3A_85] : memref<204800x64xf32, #tpu.memory_space<hbm>> -> memref<400x64xf32, #tpu.memory_space<hbm>>
      %dma_start3A_87 = arith.constant 0 : i32
      %dma_start3A_88 = tpu.memref_slice %arg5[%add3A_57, %dma_start3A_87] : memref<204800x64xf32, #tpu.memory_space<hbm>> -> memref<400x64xf32, #tpu.memory_space<hbm>>
      %dma_start3A_89 = arith.constant 0 : i32
      %dma_start3A_90 = arith.constant 0 : i32
      %dma_start3A_91 = tpu.memref_slice %arg7[%dma_start3A_89, %dma_start3A_90] : memref<400x128xf32, #tpu.memory_space<vmem>> -> memref<400x64xf32, #tpu.memory_space<vmem>>
      tpu.enqueue_dma source(%dma_start3A_91 : memref<400x64xf32, #tpu.memory_space<vmem>>) target(%dma_start3A_88 : memref<400x64xf32, #tpu.memory_space<hbm>>) target_semaphore(%arg12 : memref<!tpu.dma_semaphore, #tpu.memory_space<semaphore_mem>>)
      %lt3A = arith.constant 7 : i32
      %lt3A_92 = arith.cmpi slt, %scan3A_52, %lt3A : i32
      %convert_element_type3A_93 = arith.extui %lt3A_92 : i1 to i32
      %cond3A_94 = arith.constant 0 : i32
      %cond3A_95 = arith.cmpi ne, %convert_element_type3A_93, %cond3A_94 : i32
      scf.if %cond3A_95 {
        %dma_wait3A_118 = arith.constant 0 : i32
        %dma_wait3A_119 = arith.constant 0 : i32
        %dma_wait3A_120 = tpu.memref_slice %arg7[%dma_wait3A_118, %dma_wait3A_119] : memref<400x128xf32, #tpu.memory_space<vmem>> -> memref<400x64xf32, #tpu.memory_space<vmem>>
        %dma_wait3A_121 = arith.constant 0 : i32
        %dma_wait3A_122 = tpu.memref_slice %arg5[%mul3A_2, %dma_wait3A_121] : memref<204800x64xf32, #tpu.memory_space<hbm>> -> memref<400x64xf32, #tpu.memory_space<hbm>>
        %dma_wait3A_123 = arith.constant 0 : i32
        %dma_wait3A_124 = tpu.memref_slice %arg5[%mul3A_2, %dma_wait3A_123] : memref<204800x64xf32, #tpu.memory_space<hbm>> -> memref<400x64xf32, #tpu.memory_space<hbm>>
        %dma_wait3A_125 = arith.constant 0 : i32
        %dma_wait3A_126 = arith.constant 0 : i32
        %dma_wait3A_127 = tpu.memref_slice %arg7[%dma_wait3A_125, %dma_wait3A_126] : memref<400x128xf32, #tpu.memory_space<vmem>> -> memref<400x64xf32, #tpu.memory_space<vmem>>
        tpu.wait_dma2 semaphore(%arg12 : memref<!tpu.dma_semaphore, #tpu.memory_space<semaphore_mem>>) src(%dma_wait3A_127 : memref<400x64xf32, #tpu.memory_space<vmem>>) dst(%dma_wait3A_124 : memref<400x64xf32, #tpu.memory_space<hbm>>)
        %add3A_128 = arith.constant 800 : i32
        %add3A_129 = arith.addi %add3A_57, %add3A_128 : i32
        %run_scoped3A_130 = arith.constant 0 : i32
        "tpu.region"() ({
          %run_scoped3A_138 = tpu.sem_alloc : memref<!tpu.dma_semaphore, #tpu.memory_space<semaphore_mem>>
          %dma_start3A_139 = arith.constant 0 : i32
          %dma_start3A_140 = tpu.memref_slice %arg6[%run_scoped3A_130, %dma_start3A_139] : memref<2x400xi32, #tpu.memory_space<vmem>> -> memref<1x400xi32, #tpu.memory_space<vmem>>
          %dma_start3A_141 = tpu.memref_squeeze %dma_start3A_140 : memref<1x400xi32, #tpu.memory_space<vmem>> -> memref<400xi32, #tpu.memory_space<vmem>>
          %dma_start3A_142 = tpu.memref_slice %arg2[%add3A_129] : memref<204800xi32, #tpu.memory_space<hbm>> -> memref<400xi32, #tpu.memory_space<hbm>>
          %dma_start3A_143 = arith.constant 0 : i32
          %dma_start3A_144 = tpu.memref_slice %arg6[%run_scoped3A_130, %dma_start3A_143] : memref<2x400xi32, #tpu.memory_space<vmem>> -> memref<1x400xi32, #tpu.memory_space<vmem>>
          %dma_start3A_145 = tpu.memref_squeeze %dma_start3A_144 : memref<1x400xi32, #tpu.memory_space<vmem>> -> memref<400xi32, #tpu.memory_space<vmem>>
          %dma_start3A_146 = tpu.memref_slice %arg2[%add3A_129] : memref<204800xi32, #tpu.memory_space<hbm>> -> memref<400xi32, #tpu.memory_space<hbm>>
          tpu.enqueue_dma source(%dma_start3A_146 : memref<400xi32, #tpu.memory_space<hbm>>) target(%dma_start3A_145 : memref<400xi32, #tpu.memory_space<vmem>>) target_semaphore(%run_scoped3A_138 : memref<!tpu.dma_semaphore, #tpu.memory_space<semaphore_mem>>)
          %dma_wait3A_147 = arith.constant 0 : i32
          %dma_wait3A_148 = tpu.memref_slice %arg6[%run_scoped3A_130, %dma_wait3A_147] : memref<2x400xi32, #tpu.memory_space<vmem>> -> memref<1x400xi32, #tpu.memory_space<vmem>>
          %dma_wait3A_149 = tpu.memref_squeeze %dma_wait3A_148 : memref<1x400xi32, #tpu.memory_space<vmem>> -> memref<400xi32, #tpu.memory_space<vmem>>
          %dma_wait3A_150 = tpu.memref_slice %arg2[%add3A_129] : memref<204800xi32, #tpu.memory_space<hbm>> -> memref<400xi32, #tpu.memory_space<hbm>>
          %dma_wait3A_151 = arith.constant 0 : i32
          %dma_wait3A_152 = tpu.memref_slice %arg6[%run_scoped3A_130, %dma_wait3A_151] : memref<2x400xi32, #tpu.memory_space<vmem>> -> memref<1x400xi32, #tpu.memory_space<vmem>>
          %dma_wait3A_153 = tpu.memref_squeeze %dma_wait3A_152 : memref<1x400xi32, #tpu.memory_space<vmem>> -> memref<400xi32, #tpu.memory_space<vmem>>
          %dma_wait3A_154 = tpu.memref_slice %arg2[%add3A_129] : memref<204800xi32, #tpu.memory_space<hbm>> -> memref<400xi32, #tpu.memory_space<hbm>>
          tpu.wait_dma2 semaphore(%run_scoped3A_138 : memref<!tpu.dma_semaphore, #tpu.memory_space<semaphore_mem>>) src(%dma_wait3A_154 : memref<400xi32, #tpu.memory_space<hbm>>) dst(%dma_wait3A_153 : memref<400xi32, #tpu.memory_space<vmem>>)
          tpu.yield
        }) : () -> ()
        %dma_start3A_131 = arith.constant 0 : i32
        %dma_start3A_132 = arith.constant 0 : i32
        %dma_start3A_133 = tpu.memref_slice %arg6[%dma_start3A_131, %dma_start3A_132] : memref<2x400xi32, #tpu.memory_space<vmem>> -> memref<1x400xi32, #tpu.memory_space<vmem>>
        %dma_start3A_134 = tpu.memref_squeeze %dma_start3A_133 : memref<1x400xi32, #tpu.memory_space<vmem>> -> memref<400xi32, #tpu.memory_space<vmem>>
        %dma_start3A_135 = arith.constant 0 : i32
        %dma_start3A_136 = arith.constant 0 : i32
        %dma_start3A_137 = tpu.memref_slice %arg3[%dma_start3A_135, %dma_start3A_136] : memref<1000000x128xf32, #tpu.memory_space<hbm>> -> memref<1000000x128xf32, #tpu.memory_space<hbm>>
        tpu.enqueue_indirect_dma source(%dma_start3A_137 : memref<1000000x128xf32, #tpu.memory_space<hbm>>) target(%arg7 : memref<400x128xf32, #tpu.memory_space<vmem>>) offsets(%dma_start3A_134 : memref<400xi32, #tpu.memory_space<vmem>>) semaphore(%arg10 : memref<!tpu.dma_semaphore, #tpu.memory_space<semaphore_mem>>)
      } else {
      }
      %dma_wait3A_96 = arith.constant 0 : i32
      %dma_wait3A_97 = arith.constant 0 : i32
      %dma_wait3A_98 = tpu.memref_slice %arg3[%dma_wait3A_96, %dma_wait3A_97] : memref<1000000x128xf32, #tpu.memory_space<hbm>> -> memref<400x128xf32, #tpu.memory_space<hbm>>
      %dma_wait3A_99 = arith.constant 0 : i32
      %dma_wait3A_100 = arith.constant 0 : i32
      %dma_wait3A_101 = tpu.memref_slice %arg3[%dma_wait3A_99, %dma_wait3A_100] : memref<1000000x128xf32, #tpu.memory_space<hbm>> -> memref<400x128xf32, #tpu.memory_space<hbm>>
      tpu.wait_dma2 semaphore(%arg11 : memref<!tpu.dma_semaphore, #tpu.memory_space<semaphore_mem>>) src(%dma_wait3A_101 : memref<400x128xf32, #tpu.memory_space<hbm>>) dst(%arg8 : memref<400x128xf32, #tpu.memory_space<vmem>>)
      %scan3A_102 = arith.constant 0 : i32
      %scan3A_103 = arith.constant 0 : i32
      %scan3A_104 = arith.constant 400 : i32
      %scan3A_105 = arith.addi %scan3A_103, %scan3A_104 : i32
      %scan3A_106 = arith.constant 1 : i32
      scf.for %scan3A_118 = %scan3A_103 to %scan3A_105 step %scan3A_106  : i32 {
        %get3A_119 = arith.index_cast %scan3A_118 : i32 to index
        %get3A_120 = arith.constant 0 : index
        %get3A_121 = tpu.vector_load %arg8[%get3A_119, %get3A_120] {strides = array<i32>} : memref<400x128xf32, #tpu.memory_space<vmem>>, vector<1x16xf32>,
        %get3A_122 = vector.shape_cast %get3A_121 : vector<1x16xf32> to vector<16xf32>
        %mul3A_123 = arith.mulf %get3A_122, %get3A_6 : vector<16xf32>
        %add3A_124 = arith.addf %mul3A_123, %get3A_11 : vector<16xf32>
        %max3A = arith.constant -1.280000e+02 : f32
        %max3A_125 = vector.broadcast %max3A : f32 to vector<16xf32>
        %max3A_126 = arith.maximumf %add3A_124, %max3A_125 : vector<16xf32>
        %min3A = arith.constant 1.270000e+02 : f32
        %min3A_127 = vector.broadcast %min3A : f32 to vector<16xf32>
        %min3A_128 = arith.minimumf %max3A_126, %min3A_127 : vector<16xf32>
        %add3A_129 = arith.constant 0x4B400000 : f32
        %add3A_130 = vector.broadcast %add3A_129 : f32 to vector<16xf32>
        %add3A_131 = arith.addf %min3A_128, %add3A_130 : vector<16xf32>
        %sub3A = arith.constant 0x4B400000 : f32
        %sub3A_132 = vector.broadcast %sub3A : f32 to vector<16xf32>
        %sub3A_133 = arith.subf %add3A_131, %sub3A_132 : vector<16xf32>
        %mul3A_134 = arith.mulf %sub3A_133, %get3A_16 : vector<16xf32>
        %sub3A_135 = arith.subf %mul3A_134, %get3A_21 : vector<16xf32>
        %swap3A = arith.index_cast %scan3A_118 : i32 to index
        %swap3A_136 = arith.constant 0 : index
        %swap3A_137 = tpu.vector_load %arg8[%swap3A, %swap3A_136] {strides = array<i32>} : memref<400x128xf32, #tpu.memory_space<vmem>>, vector<1x16xf32>,
        %swap3A_138 = vector.shape_cast %swap3A_137 : vector<1x16xf32> to vector<16xf32>
        %swap3A_139 = vector.shape_cast %sub3A_135 : vector<16xf32> to vector<1x16xf32>
        tpu.vector_store %arg8[%swap3A, %swap3A_136], %swap3A_139 {strides = array<i32>} : memref<400x128xf32, #tpu.memory_space<vmem>>, vector<1x16xf32>,
        %get3A_140 = arith.index_cast %scan3A_118 : i32 to index
        %get3A_141 = arith.constant 16 : index
        %get3A_142 = tpu.vector_load %arg8[%get3A_140, %get3A_141] {strides = array<i32>} : memref<400x128xf32, #tpu.memory_space<vmem>>, vector<1x16xf32>,
        %get3A_143 = vector.shape_cast %get3A_142 : vector<1x16xf32> to vector<16xf32>
        %mul3A_144 = arith.mulf %get3A_143, %get3A_6 : vector<16xf32>
        %add3A_145 = arith.addf %mul3A_144, %get3A_11 : vector<16xf32>
        %max3A_146 = arith.constant -1.280000e+02 : f32
        %max3A_147 = vector.broadcast %max3A_146 : f32 to vector<16xf32>
        %max3A_148 = arith.maximumf %add3A_145, %max3A_147 : vector<16xf32>
        %min3A_149 = arith.constant 1.270000e+02 : f32
        %min3A_150 = vector.broadcast %min3A_149 : f32 to vector<16xf32>
        %min3A_151 = arith.minimumf %max3A_148, %min3A_150 : vector<16xf32>
        %add3A_152 = arith.constant 0x4B400000 : f32
        %add3A_153 = vector.broadcast %add3A_152 : f32 to vector<16xf32>
        %add3A_154 = arith.addf %min3A_151, %add3A_153 : vector<16xf32>
        %sub3A_155 = arith.constant 0x4B400000 : f32
        %sub3A_156 = vector.broadcast %sub3A_155 : f32 to vector<16xf32>
        %sub3A_157 = arith.subf %add3A_154, %sub3A_156 : vector<16xf32>
        %mul3A_158 = arith.mulf %sub3A_157, %get3A_16 : vector<16xf32>
        %sub3A_159 = arith.subf %mul3A_158, %get3A_21 : vector<16xf32>
        %swap3A_160 = arith.index_cast %scan3A_118 : i32 to index
        %swap3A_161 = arith.constant 16 : index
        %swap3A_162 = tpu.vector_load %arg8[%swap3A_160, %swap3A_161] {strides = array<i32>} : memref<400x128xf32, #tpu.memory_space<vmem>>, vector<1x16xf32>,
        %swap3A_163 = vector.shape_cast %swap3A_162 : vector<1x16xf32> to vector<16xf32>
        %swap3A_164 = vector.shape_cast %sub3A_159 : vector<16xf32> to vector<1x16xf32>
        tpu.vector_store %arg8[%swap3A_160, %swap3A_161], %swap3A_164 {strides = array<i32>} : memref<400x128xf32, #tpu.memory_space<vmem>>, vector<1x16xf32>,
        %get3A_165 = arith.index_cast %scan3A_118 : i32 to index
        %get3A_166 = arith.constant 32 : index
        %get3A_167 = tpu.vector_load %arg8[%get3A_165, %get3A_166] {strides = array<i32>} : memref<400x128xf32, #tpu.memory_space<vmem>>, vector<1x16xf32>,
        %get3A_168 = vector.shape_cast %get3A_167 : vector<1x16xf32> to vector<16xf32>
        %mul3A_169 = arith.mulf %get3A_168, %get3A_6 : vector<16xf32>
        %add3A_170 = arith.addf %mul3A_169, %get3A_11 : vector<16xf32>
        %max3A_171 = arith.constant -1.280000e+02 : f32
        %max3A_172 = vector.broadcast %max3A_171 : f32 to vector<16xf32>
        %max3A_173 = arith.maximumf %add3A_170, %max3A_172 : vector<16xf32>
        %min3A_174 = arith.constant 1.270000e+02 : f32
        %min3A_175 = vector.broadcast %min3A_174 : f32 to vector<16xf32>
        %min3A_176 = arith.minimumf %max3A_173, %min3A_175 : vector<16xf32>
        %add3A_177 = arith.constant 0x4B400000 : f32
        %add3A_178 = vector.broadcast %add3A_177 : f32 to vector<16xf32>
        %add3A_179 = arith.addf %min3A_176, %add3A_178 : vector<16xf32>
        %sub3A_180 = arith.constant 0x4B400000 : f32
        %sub3A_181 = vector.broadcast %sub3A_180 : f32 to vector<16xf32>
        %sub3A_182 = arith.subf %add3A_179, %sub3A_181 : vector<16xf32>
        %mul3A_183 = arith.mulf %sub3A_182, %get3A_16 : vector<16xf32>
        %sub3A_184 = arith.subf %mul3A_183, %get3A_21 : vector<16xf32>
        %swap3A_185 = arith.index_cast %scan3A_118 : i32 to index
        %swap3A_186 = arith.constant 32 : index
        %swap3A_187 = tpu.vector_load %arg8[%swap3A_185, %swap3A_186] {strides = array<i32>} : memref<400x128xf32, #tpu.memory_space<vmem>>, vector<1x16xf32>,
        %swap3A_188 = vector.shape_cast %swap3A_187 : vector<1x16xf32> to vector<16xf32>
        %swap3A_189 = vector.shape_cast %sub3A_184 : vector<16xf32> to vector<1x16xf32>
        tpu.vector_store %arg8[%swap3A_185, %swap3A_186], %swap3A_189 {strides = array<i32>} : memref<400x128xf32, #tpu.memory_space<vmem>>, vector<1x16xf32>,
        %get3A_190 = arith.index_cast %scan3A_118 : i32 to index
        %get3A_191 = arith.constant 48 : index
        %get3A_192 = tpu.vector_load %arg8[%get3A_190, %get3A_191] {strides = array<i32>} : memref<400x128xf32, #tpu.memory_space<vmem>>, vector<1x16xf32>,
        %get3A_193 = vector.shape_cast %get3A_192 : vector<1x16xf32> to vector<16xf32>
        %mul3A_194 = arith.mulf %get3A_193, %get3A_6 : vector<16xf32>
        %add3A_195 = arith.addf %mul3A_194, %get3A_11 : vector<16xf32>
        %max3A_196 = arith.constant -1.280000e+02 : f32
        %max3A_197 = vector.broadcast %max3A_196 : f32 to vector<16xf32>
        %max3A_198 = arith.maximumf %add3A_195, %max3A_197 : vector<16xf32>
        %min3A_199 = arith.constant 1.270000e+02 : f32
        %min3A_200 = vector.broadcast %min3A_199 : f32 to vector<16xf32>
        %min3A_201 = arith.minimumf %max3A_198, %min3A_200 : vector<16xf32>
        %add3A_202 = arith.constant 0x4B400000 : f32
        %add3A_203 = vector.broadcast %add3A_202 : f32 to vector<16xf32>
        %add3A_204 = arith.addf %min3A_201, %add3A_203 : vector<16xf32>
        %sub3A_205 = arith.constant 0x4B400000 : f32
        %sub3A_206 = vector.broadcast %sub3A_205 : f32 to vector<16xf32>
        %sub3A_207 = arith.subf %add3A_204, %sub3A_206 : vector<16xf32>
        %mul3A_208 = arith.mulf %sub3A_207, %get3A_16 : vector<16xf32>
        %sub3A_209 = arith.subf %mul3A_208, %get3A_21 : vector<16xf32>
        %swap3A_210 = arith.index_cast %scan3A_118 : i32 to index
        %swap3A_211 = arith.constant 48 : index
        %swap3A_212 = tpu.vector_load %arg8[%swap3A_210, %swap3A_211] {strides = array<i32>} : memref<400x128xf32, #tpu.memory_space<vmem>>, vector<1x16xf32>,
        %swap3A_213 = vector.shape_cast %swap3A_212 : vector<1x16xf32> to vector<16xf32>
        %swap3A_214 = vector.shape_cast %sub3A_209 : vector<16xf32> to vector<1x16xf32>
        tpu.vector_store %arg8[%swap3A_210, %swap3A_211], %swap3A_214 {strides = array<i32>} : memref<400x128xf32, #tpu.memory_space<vmem>>, vector<1x16xf32>,
      }
      %scan3A_107 = arith.constant 400 : i32
      %dma_start3A_108 = arith.constant 0 : i32
      %dma_start3A_109 = arith.constant 0 : i32
      %dma_start3A_110 = tpu.memref_slice %arg8[%dma_start3A_108, %dma_start3A_109] : memref<400x128xf32, #tpu.memory_space<vmem>> -> memref<400x64xf32, #tpu.memory_space<vmem>>
      %dma_start3A_111 = arith.constant 0 : i32
      %dma_start3A_112 = tpu.memref_slice %arg5[%add3A_59, %dma_start3A_111] : memref<204800x64xf32, #tpu.memory_space<hbm>> -> memref<400x64xf32, #tpu.memory_space<hbm>>
      %dma_start3A_113 = arith.constant 0 : i32
      %dma_start3A_114 = tpu.memref_slice %arg5[%add3A_59, %dma_start3A_113] : memref<204800x64xf32, #tpu.memory_space<hbm>> -> memref<400x64xf32, #tpu.memory_space<hbm>>
      %dma_start3A_115 = arith.constant 0 : i32
      %dma_start3A_116 = arith.constant 0 : i32
      %dma_start3A_117 = tpu.memref_slice %arg8[%dma_start3A_115, %dma_start3A_116] : memref<400x128xf32, #tpu.memory_space<vmem>> -> memref<400x64xf32, #tpu.memory_space<vmem>>
      tpu.enqueue_dma source(%dma_start3A_117 : memref<400x64xf32, #tpu.memory_space<vmem>>) target(%dma_start3A_114 : memref<400x64xf32, #tpu.memory_space<hbm>>) target_semaphore(%arg13 : memref<!tpu.dma_semaphore, #tpu.memory_space<semaphore_mem>>)
    }
    %scan3A_32 = arith.constant 8 : i32
    %dma_wait3A = arith.constant 0 : i32
    %dma_wait3A_33 = arith.constant 0 : i32
    %dma_wait3A_34 = tpu.memref_slice %arg7[%dma_wait3A, %dma_wait3A_33] : memref<400x128xf32, #tpu.memory_space<vmem>> -> memref<400x64xf32, #tpu.memory_space<vmem>>
    %dma_wait3A_35 = arith.constant 0 : i32
    %dma_wait3A_36 = tpu.memref_slice %arg5[%mul3A_2, %dma_wait3A_35] : memref<204800x64xf32, #tpu.memory_space<hbm>> -> memref<400x64xf32, #tpu.memory_space<hbm>>
    %dma_wait3A_37 = arith.constant 0 : i32
    %dma_wait3A_38 = tpu.memref_slice %arg5[%mul3A_2, %dma_wait3A_37] : memref<204800x64xf32, #tpu.memory_space<hbm>> -> memref<400x64xf32, #tpu.memory_space<hbm>>
    %dma_wait3A_39 = arith.constant 0 : i32
    %dma_wait3A_40 = arith.constant 0 : i32
    %dma_wait3A_41 = tpu.memref_slice %arg7[%dma_wait3A_39, %dma_wait3A_40] : memref<400x128xf32, #tpu.memory_space<vmem>> -> memref<400x64xf32, #tpu.memory_space<vmem>>
    tpu.wait_dma2 semaphore(%arg12 : memref<!tpu.dma_semaphore, #tpu.memory_space<semaphore_mem>>) src(%dma_wait3A_41 : memref<400x64xf32, #tpu.memory_space<vmem>>) dst(%dma_wait3A_38 : memref<400x64xf32, #tpu.memory_space<hbm>>)
    %dma_wait3A_42 = arith.constant 0 : i32
    %dma_wait3A_43 = arith.constant 0 : i32
    %dma_wait3A_44 = tpu.memref_slice %arg8[%dma_wait3A_42, %dma_wait3A_43] : memref<400x128xf32, #tpu.memory_space<vmem>> -> memref<400x64xf32, #tpu.memory_space<vmem>>
    %dma_wait3A_45 = arith.constant 0 : i32
    %dma_wait3A_46 = tpu.memref_slice %arg5[%mul3A_2, %dma_wait3A_45] : memref<204800x64xf32, #tpu.memory_space<hbm>> -> memref<400x64xf32, #tpu.memory_space<hbm>>
    %dma_wait3A_47 = arith.constant 0 : i32
    %dma_wait3A_48 = tpu.memref_slice %arg5[%mul3A_2, %dma_wait3A_47] : memref<204800x64xf32, #tpu.memory_space<hbm>> -> memref<400x64xf32, #tpu.memory_space<hbm>>
    %dma_wait3A_49 = arith.constant 0 : i32
    %dma_wait3A_50 = arith.constant 0 : i32
    %dma_wait3A_51 = tpu.memref_slice %arg8[%dma_wait3A_49, %dma_wait3A_50] : memref<400x128xf32, #tpu.memory_space<vmem>> -> memref<400x64xf32, #tpu.memory_space<vmem>>
    tpu.wait_dma2 semaphore(%arg13 : memref<!tpu.dma_semaphore, #tpu.memory_space<semaphore_mem>>) src(%dma_wait3A_51 : memref<400x64xf32, #tpu.memory_space<vmem>>) dst(%dma_wait3A_48 : memref<400x64xf32, #tpu.memory_space<hbm>>)
    return
  }
}

#map = affine_map<(d0, d1) -> (0)>
#map1 = affine_map<(d0, d1) -> (0, 0)>
module attributes {stable_mosaic.version = 14 : i64} {
  func.func @gather_dequant(%arg0: i32, %arg1: i32, %arg2: memref<204800xi32, #tpu.memory_space<hbm>>, %arg3: memref<1000000x128xf32, #tpu.memory_space<hbm>>, %arg4: memref<4x16xf32, #tpu.memory_space<hbm>>, %arg5: memref<204800x64xf32, #tpu.memory_space<hbm>>, %arg6: memref<2x400xi32, #tpu.memory_space<vmem>>, %arg7: memref<400x128xf32, #tpu.memory_space<vmem>>, %arg8: memref<400x128xf32, #tpu.memory_space<vmem>>, %arg9: memref<4x16xf32, #tpu.memory_space<vmem>>, %arg10: memref<!tpu.dma_semaphore, #tpu.memory_space<semaphore_mem>>, %arg11: memref<!tpu.dma_semaphore, #tpu.memory_space<semaphore_mem>>, %arg12: memref<!tpu.dma_semaphore, #tpu.memory_space<semaphore_mem>>, %arg13: memref<!tpu.dma_semaphore, #tpu.memory_space<semaphore_mem>>) attributes {dimension_semantics = [#tpu.dimension_semantics<core_parallel>, #tpu.dimension_semantics<subcore_parallel>], iteration_bounds = array<i64: 2, 16>, scalar_prefetch = 0 : i64, scratch_operands = 8 : i64, tpu.core_type = #tpu.core_type<sc_vector_subcore>, window_params = [{transform_indices = #map}, {transform_indices = #map1}, {transform_indices = #map1}, {transform_indices = #map1}]} {
    %mul3A = arith.constant 2 : i32
    %mul3A_0 = arith.muli %arg1, %mul3A : i32
    %add3A = arith.addi %mul3A_0, %arg0 : i32
    %mul3A_1 = arith.constant 6400 : i32
    %mul3A_2 = arith.muli %add3A, %mul3A_1 : i32
    "tpu.region"() ({
      %run_scoped3A_52 = tpu.sem_alloc : memref<!tpu.dma_semaphore, #tpu.memory_space<semaphore_mem>>
      tpu.enqueue_dma source(%arg4 : memref<4x16xf32, #tpu.memory_space<hbm>>) target(%arg9 : memref<4x16xf32, #tpu.memory_space<vmem>>) target_semaphore(%run_scoped3A_52 : memref<!tpu.dma_semaphore, #tpu.memory_space<semaphore_mem>>)
      tpu.wait_dma2 semaphore(%run_scoped3A_52 : memref<!tpu.dma_semaphore, #tpu.memory_space<semaphore_mem>>) src(%arg4 : memref<4x16xf32, #tpu.memory_space<hbm>>) dst(%arg9 : memref<4x16xf32, #tpu.memory_space<vmem>>)
      tpu.yield
    }) : () -> ()
    %get3A = arith.constant 0 : i32
    %get3A_3 = arith.index_cast %get3A : i32 to index
    %get3A_4 = arith.constant 0 : index
    %get3A_5 = tpu.vector_load %arg9[%get3A_3, %get3A_4] {strides = array<i32>} : memref<4x16xf32, #tpu.memory_space<vmem>>, vector<1x16xf32>,
    %get3A_6 = vector.shape_cast %get3A_5 : vector<1x16xf32> to vector<16xf32>
    %get3A_7 = arith.constant 1 : i32
    %get3A_8 = arith.index_cast %get3A_7 : i32 to index
    %get3A_9 = arith.constant 0 : index
    %get3A_10 = tpu.vector_load %arg9[%get3A_8, %get3A_9] {strides = array<i32>} : memref<4x16xf32, #tpu.memory_space<vmem>>, vector<1x16xf32>,
    %get3A_11 = vector.shape_cast %get3A_10 : vector<1x16xf32> to vector<16xf32>
    %get3A_12 = arith.constant 2 : i32
    %get3A_13 = arith.index_cast %get3A_12 : i32 to index
    %get3A_14 = arith.constant 0 : index
    %get3A_15 = tpu.vector_load %arg9[%get3A_13, %get3A_14] {strides = array<i32>} : memref<4x16xf32, #tpu.memory_space<vmem>>, vector<1x16xf32>,
    %get3A_16 = vector.shape_cast %get3A_15 : vector<1x16xf32> to vector<16xf32>
    %get3A_17 = arith.constant 3 : i32
    %get3A_18 = arith.index_cast %get3A_17 : i32 to index
    %get3A_19 = arith.constant 0 : index
    %get3A_20 = tpu.vector_load %arg9[%get3A_18, %get3A_19] {strides = array<i32>} : memref<4x16xf32, #tpu.memory_space<vmem>>, vector<1x16xf32>,
    %get3A_21 = vector.shape_cast %get3A_20 : vector<1x16xf32> to vector<16xf32>
    %run_scoped3A = arith.constant 0 : i32
    "tpu.region"() ({
      %run_scoped3A_52 = tpu.sem_alloc : memref<!tpu.dma_semaphore, #tpu.memory_space<semaphore_mem>>
      %dma_start3A_53 = arith.constant 0 : i32
      %dma_start3A_54 = tpu.memref_slice %arg6[%run_scoped3A, %dma_start3A_53] : memref<2x400xi32, #tpu.memory_space<vmem>> -> memref<1x400xi32, #tpu.memory_space<vmem>>
      %dma_start3A_55 = tpu.memref_squeeze %dma_start3A_54 : memref<1x400xi32, #tpu.memory_space<vmem>> -> memref<400xi32, #tpu.memory_space<vmem>>
      %dma_start3A_56 = tpu.memref_slice %arg2[%mul3A_2] : memref<204800xi32, #tpu.memory_space<hbm>> -> memref<400xi32, #tpu.memory_space<hbm>>
      %dma_start3A_57 = arith.constant 0 : i32
      %dma_start3A_58 = tpu.memref_slice %arg6[%run_scoped3A, %dma_start3A_57] : memref<2x400xi32, #tpu.memory_space<vmem>> -> memref<1x400xi32, #tpu.memory_space<vmem>>
      %dma_start3A_59 = tpu.memref_squeeze %dma_start3A_58 : memref<1x400xi32, #tpu.memory_space<vmem>> -> memref<400xi32, #tpu.memory_space<vmem>>
      %dma_start3A_60 = tpu.memref_slice %arg2[%mul3A_2] : memref<204800xi32, #tpu.memory_space<hbm>> -> memref<400xi32, #tpu.memory_space<hbm>>
      tpu.enqueue_dma source(%dma_start3A_60 : memref<400xi32, #tpu.memory_space<hbm>>) target(%dma_start3A_59 : memref<400xi32, #tpu.memory_space<vmem>>) target_semaphore(%run_scoped3A_52 : memref<!tpu.dma_semaphore, #tpu.memory_space<semaphore_mem>>)
      %dma_wait3A_61 = arith.constant 0 : i32
      %dma_wait3A_62 = tpu.memref_slice %arg6[%run_scoped3A, %dma_wait3A_61] : memref<2x400xi32, #tpu.memory_space<vmem>> -> memref<1x400xi32, #tpu.memory_space<vmem>>
      %dma_wait3A_63 = tpu.memref_squeeze %dma_wait3A_62 : memref<1x400xi32, #tpu.memory_space<vmem>> -> memref<400xi32, #tpu.memory_space<vmem>>
      %dma_wait3A_64 = tpu.memref_slice %arg2[%mul3A_2] : memref<204800xi32, #tpu.memory_space<hbm>> -> memref<400xi32, #tpu.memory_space<hbm>>
      %dma_wait3A_65 = arith.constant 0 : i32
      %dma_wait3A_66 = tpu.memref_slice %arg6[%run_scoped3A, %dma_wait3A_65] : memref<2x400xi32, #tpu.memory_space<vmem>> -> memref<1x400xi32, #tpu.memory_space<vmem>>
      %dma_wait3A_67 = tpu.memref_squeeze %dma_wait3A_66 : memref<1x400xi32, #tpu.memory_space<vmem>> -> memref<400xi32, #tpu.memory_space<vmem>>
      %dma_wait3A_68 = tpu.memref_slice %arg2[%mul3A_2] : memref<204800xi32, #tpu.memory_space<hbm>> -> memref<400xi32, #tpu.memory_space<hbm>>
      tpu.wait_dma2 semaphore(%run_scoped3A_52 : memref<!tpu.dma_semaphore, #tpu.memory_space<semaphore_mem>>) src(%dma_wait3A_68 : memref<400xi32, #tpu.memory_space<hbm>>) dst(%dma_wait3A_67 : memref<400xi32, #tpu.memory_space<vmem>>)
      tpu.yield
    }) : () -> ()
    %dma_start3A = arith.constant 0 : i32
    %dma_start3A_22 = arith.constant 0 : i32
    %dma_start3A_23 = tpu.memref_slice %arg6[%dma_start3A, %dma_start3A_22] : memref<2x400xi32, #tpu.memory_space<vmem>> -> memref<1x400xi32, #tpu.memory_space<vmem>>
    %dma_start3A_24 = tpu.memref_squeeze %dma_start3A_23 : memref<1x400xi32, #tpu.memory_space<vmem>> -> memref<400xi32, #tpu.memory_space<vmem>>
    %dma_start3A_25 = arith.constant 0 : i32
    %dma_start3A_26 = arith.constant 0 : i32
    %dma_start3A_27 = tpu.memref_slice %arg3[%dma_start3A_25, %dma_start3A_26] : memref<1000000x128xf32, #tpu.memory_space<hbm>> -> memref<1000000x128xf32, #tpu.memory_space<hbm>>
    tpu.enqueue_indirect_dma source(%dma_start3A_27 : memref<1000000x128xf32, #tpu.memory_space<hbm>>) target(%arg7 : memref<400x128xf32, #tpu.memory_space<vmem>>) offsets(%dma_start3A_24 : memref<400xi32, #tpu.memory_space<vmem>>) semaphore(%arg10 : memref<!tpu.dma_semaphore, #tpu.memory_space<semaphore_mem>>)
    %scan3A = arith.constant 0 : i32
    %scan3A_28 = arith.constant 0 : i32
    %scan3A_29 = arith.constant 8 : i32
    %scan3A_30 = arith.addi %scan3A_28, %scan3A_29 : i32
    %scan3A_31 = arith.constant 1 : i32
    scf.for %scan3A_52 = %scan3A_28 to %scan3A_30 step %scan3A_31  : i32 {
      %mul3A_53 = arith.constant 2 : i32
      %mul3A_54 = arith.muli %mul3A_53, %scan3A_52 : i32
      %mul3A_55 = arith.constant 400 : i32
      %mul3A_56 = arith.muli %mul3A_54, %mul3A_55 : i32
      %add3A_57 = arith.addi %mul3A_2, %mul3A_56 : i32
      %add3A_58 = arith.constant 400 : i32
      %add3A_59 = arith.addi %add3A_57, %add3A_58 : i32
      %gt3A = arith.constant 0 : i32
      %gt3A_60 = arith.cmpi sgt, %scan3A_52, %gt3A : i32
      %convert_element_type3A = arith.extui %gt3A_60 : i1 to i32
      %cond3A = arith.constant 0 : i32
      %cond3A_61 = arith.cmpi ne, %convert_element_type3A, %cond3A : i32
      scf.if %cond3A_61 {
        %dma_wait3A_118 = arith.constant 0 : i32
        %dma_wait3A_119 = arith.constant 0 : i32
        %dma_wait3A_120 = tpu.memref_slice %arg8[%dma_wait3A_118, %dma_wait3A_119] : memref<400x128xf32, #tpu.memory_space<vmem>> -> memref<400x64xf32, #tpu.memory_space<vmem>>
        %dma_wait3A_121 = arith.constant 0 : i32
        %dma_wait3A_122 = tpu.memref_slice %arg5[%mul3A_2, %dma_wait3A_121] : memref<204800x64xf32, #tpu.memory_space<hbm>> -> memref<400x64xf32, #tpu.memory_space<hbm>>
        %dma_wait3A_123 = arith.constant 0 : i32
        %dma_wait3A_124 = tpu.memref_slice %arg5[%mul3A_2, %dma_wait3A_123] : memref<204800x64xf32, #tpu.memory_space<hbm>> -> memref<400x64xf32, #tpu.memory_space<hbm>>
        %dma_wait3A_125 = arith.constant 0 : i32
        %dma_wait3A_126 = arith.constant 0 : i32
        %dma_wait3A_127 = tpu.memref_slice %arg8[%dma_wait3A_125, %dma_wait3A_126] : memref<400x128xf32, #tpu.memory_space<vmem>> -> memref<400x64xf32, #tpu.memory_space<vmem>>
        tpu.wait_dma2 semaphore(%arg13 : memref<!tpu.dma_semaphore, #tpu.memory_space<semaphore_mem>>) src(%dma_wait3A_127 : memref<400x64xf32, #tpu.memory_space<vmem>>) dst(%dma_wait3A_124 : memref<400x64xf32, #tpu.memory_space<hbm>>)
      } else {
      }
      %run_scoped3A_62 = arith.constant 1 : i32
      "tpu.region"() ({
        %run_scoped3A_118 = tpu.sem_alloc : memref<!tpu.dma_semaphore, #tpu.memory_space<semaphore_mem>>
        %dma_start3A_119 = arith.constant 0 : i32
        %dma_start3A_120 = tpu.memref_slice %arg6[%run_scoped3A_62, %dma_start3A_119] : memref<2x400xi32, #tpu.memory_space<vmem>> -> memref<1x400xi32, #tpu.memory_space<vmem>>
        %dma_start3A_121 = tpu.memref_squeeze %dma_start3A_120 : memref<1x400xi32, #tpu.memory_space<vmem>> -> memref<400xi32, #tpu.memory_space<vmem>>
        %dma_start3A_122 = tpu.memref_slice %arg2[%add3A_59] : memref<204800xi32, #tpu.memory_space<hbm>> -> memref<400xi32, #tpu.memory_space<hbm>>
        %dma_start3A_123 = arith.constant 0 : i32
        %dma_start3A_124 = tpu.memref_slice %arg6[%run_scoped3A_62, %dma_start3A_123] : memref<2x400xi32, #tpu.memory_space<vmem>> -> memref<1x400xi32, #tpu.memory_space<vmem>>
        %dma_start3A_125 = tpu.memref_squeeze %dma_start3A_124 : memref<1x400xi32, #tpu.memory_space<vmem>> -> memref<400xi32, #tpu.memory_space<vmem>>
        %dma_start3A_126 = tpu.memref_slice %arg2[%add3A_59] : memref<204800xi32, #tpu.memory_space<hbm>> -> memref<400xi32, #tpu.memory_space<hbm>>
        tpu.enqueue_dma source(%dma_start3A_126 : memref<400xi32, #tpu.memory_space<hbm>>) target(%dma_start3A_125 : memref<400xi32, #tpu.memory_space<vmem>>) target_semaphore(%run_scoped3A_118 : memref<!tpu.dma_semaphore, #tpu.memory_space<semaphore_mem>>)
        %dma_wait3A_127 = arith.constant 0 : i32
        %dma_wait3A_128 = tpu.memref_slice %arg6[%run_scoped3A_62, %dma_wait3A_127] : memref<2x400xi32, #tpu.memory_space<vmem>> -> memref<1x400xi32, #tpu.memory_space<vmem>>
        %dma_wait3A_129 = tpu.memref_squeeze %dma_wait3A_128 : memref<1x400xi32, #tpu.memory_space<vmem>> -> memref<400xi32, #tpu.memory_space<vmem>>
        %dma_wait3A_130 = tpu.memref_slice %arg2[%add3A_59] : memref<204800xi32, #tpu.memory_space<hbm>> -> memref<400xi32, #tpu.memory_space<hbm>>
        %dma_wait3A_131 = arith.constant 0 : i32
        %dma_wait3A_132 = tpu.memref_slice %arg6[%run_scoped3A_62, %dma_wait3A_131] : memref<2x400xi32, #tpu.memory_space<vmem>> -> memref<1x400xi32, #tpu.memory_space<vmem>>
        %dma_wait3A_133 = tpu.memref_squeeze %dma_wait3A_132 : memref<1x400xi32, #tpu.memory_space<vmem>> -> memref<400xi32, #tpu.memory_space<vmem>>
        %dma_wait3A_134 = tpu.memref_slice %arg2[%add3A_59] : memref<204800xi32, #tpu.memory_space<hbm>> -> memref<400xi32, #tpu.memory_space<hbm>>
        tpu.wait_dma2 semaphore(%run_scoped3A_118 : memref<!tpu.dma_semaphore, #tpu.memory_space<semaphore_mem>>) src(%dma_wait3A_134 : memref<400xi32, #tpu.memory_space<hbm>>) dst(%dma_wait3A_133 : memref<400xi32, #tpu.memory_space<vmem>>)
        tpu.yield
      }) : () -> ()
      %dma_start3A_63 = arith.constant 1 : i32
      %dma_start3A_64 = arith.constant 0 : i32
      %dma_start3A_65 = tpu.memref_slice %arg6[%dma_start3A_63, %dma_start3A_64] : memref<2x400xi32, #tpu.memory_space<vmem>> -> memref<1x400xi32, #tpu.memory_space<vmem>>
      %dma_start3A_66 = tpu.memref_squeeze %dma_start3A_65 : memref<1x400xi32, #tpu.memory_space<vmem>> -> memref<400xi32, #tpu.memory_space<vmem>>
      %dma_start3A_67 = arith.constant 0 : i32
      %dma_start3A_68 = arith.constant 0 : i32
      %dma_start3A_69 = tpu.memref_slice %arg3[%dma_start3A_67, %dma_start3A_68] : memref<1000000x128xf32, #tpu.memory_space<hbm>> -> memref<1000000x128xf32, #tpu.memory_space<hbm>>
      tpu.enqueue_indirect_dma source(%dma_start3A_69 : memref<1000000x128xf32, #tpu.memory_space<hbm>>) target(%arg8 : memref<400x128xf32, #tpu.memory_space<vmem>>) offsets(%dma_start3A_66 : memref<400xi32, #tpu.memory_space<vmem>>) semaphore(%arg11 : memref<!tpu.dma_semaphore, #tpu.memory_space<semaphore_mem>>)
      %dma_wait3A_70 = arith.constant 0 : i32
      %dma_wait3A_71 = arith.constant 0 : i32
      %dma_wait3A_72 = tpu.memref_slice %arg3[%dma_wait3A_70, %dma_wait3A_71] : memref<1000000x128xf32, #tpu.memory_space<hbm>> -> memref<400x128xf32, #tpu.memory_space<hbm>>
      %dma_wait3A_73 = arith.constant 0 : i32
      %dma_wait3A_74 = arith.constant 0 : i32
      %dma_wait3A_75 = tpu.memref_slice %arg3[%dma_wait3A_73, %dma_wait3A_74] : memref<1000000x128xf32, #tpu.memory_space<hbm>> -> memref<400x128xf32, #tpu.memory_space<hbm>>
      tpu.wait_dma2 semaphore(%arg10 : memref<!tpu.dma_semaphore, #tpu.memory_space<semaphore_mem>>) src(%dma_wait3A_75 : memref<400x128xf32, #tpu.memory_space<hbm>>) dst(%arg7 : memref<400x128xf32, #tpu.memory_space<vmem>>)
      %scan3A_76 = arith.constant 0 : i32
      %scan3A_77 = arith.constant 0 : i32
      %scan3A_78 = arith.constant 400 : i32
      %scan3A_79 = arith.addi %scan3A_77, %scan3A_78 : i32
      %scan3A_80 = arith.constant 1 : i32
      scf.for %scan3A_118 = %scan3A_77 to %scan3A_79 step %scan3A_80  : i32 {
        %get3A_119 = arith.index_cast %scan3A_118 : i32 to index
        %get3A_120 = arith.constant 0 : index
        %get3A_121 = tpu.vector_load %arg7[%get3A_119, %get3A_120] {strides = array<i32>} : memref<400x128xf32, #tpu.memory_space<vmem>>, vector<1x16xf32>,
        %get3A_122 = vector.shape_cast %get3A_121 : vector<1x16xf32> to vector<16xf32>
        %mul3A_123 = arith.mulf %get3A_122, %get3A_6 : vector<16xf32>
        %add3A_124 = arith.addf %mul3A_123, %get3A_11 : vector<16xf32>
        %max3A = arith.constant -1.280000e+02 : f32
        %max3A_125 = vector.broadcast %max3A : f32 to vector<16xf32>
        %max3A_126 = arith.maximumf %add3A_124, %max3A_125 : vector<16xf32>
        %min3A = arith.constant 1.270000e+02 : f32
        %min3A_127 = vector.broadcast %min3A : f32 to vector<16xf32>
        %min3A_128 = arith.minimumf %max3A_126, %min3A_127 : vector<16xf32>
        %add3A_129 = arith.constant 0x4B400000 : f32
        %add3A_130 = vector.broadcast %add3A_129 : f32 to vector<16xf32>
        %add3A_131 = arith.addf %min3A_128, %add3A_130 : vector<16xf32>
        %sub3A = arith.constant 0x4B400000 : f32
        %sub3A_132 = vector.broadcast %sub3A : f32 to vector<16xf32>
        %sub3A_133 = arith.subf %add3A_131, %sub3A_132 : vector<16xf32>
        %mul3A_134 = arith.mulf %sub3A_133, %get3A_16 : vector<16xf32>
        %sub3A_135 = arith.subf %mul3A_134, %get3A_21 : vector<16xf32>
        %swap3A = arith.index_cast %scan3A_118 : i32 to index
        %swap3A_136 = arith.constant 0 : index
        %swap3A_137 = tpu.vector_load %arg7[%swap3A, %swap3A_136] {strides = array<i32>} : memref<400x128xf32, #tpu.memory_space<vmem>>, vector<1x16xf32>,
        %swap3A_138 = vector.shape_cast %swap3A_137 : vector<1x16xf32> to vector<16xf32>
        %swap3A_139 = vector.shape_cast %sub3A_135 : vector<16xf32> to vector<1x16xf32>
        tpu.vector_store %arg7[%swap3A, %swap3A_136], %swap3A_139 {strides = array<i32>} : memref<400x128xf32, #tpu.memory_space<vmem>>, vector<1x16xf32>,
        %get3A_140 = arith.index_cast %scan3A_118 : i32 to index
        %get3A_141 = arith.constant 16 : index
        %get3A_142 = tpu.vector_load %arg7[%get3A_140, %get3A_141] {strides = array<i32>} : memref<400x128xf32, #tpu.memory_space<vmem>>, vector<1x16xf32>,
        %get3A_143 = vector.shape_cast %get3A_142 : vector<1x16xf32> to vector<16xf32>
        %mul3A_144 = arith.mulf %get3A_143, %get3A_6 : vector<16xf32>
        %add3A_145 = arith.addf %mul3A_144, %get3A_11 : vector<16xf32>
        %max3A_146 = arith.constant -1.280000e+02 : f32
        %max3A_147 = vector.broadcast %max3A_146 : f32 to vector<16xf32>
        %max3A_148 = arith.maximumf %add3A_145, %max3A_147 : vector<16xf32>
        %min3A_149 = arith.constant 1.270000e+02 : f32
        %min3A_150 = vector.broadcast %min3A_149 : f32 to vector<16xf32>
        %min3A_151 = arith.minimumf %max3A_148, %min3A_150 : vector<16xf32>
        %add3A_152 = arith.constant 0x4B400000 : f32
        %add3A_153 = vector.broadcast %add3A_152 : f32 to vector<16xf32>
        %add3A_154 = arith.addf %min3A_151, %add3A_153 : vector<16xf32>
        %sub3A_155 = arith.constant 0x4B400000 : f32
        %sub3A_156 = vector.broadcast %sub3A_155 : f32 to vector<16xf32>
        %sub3A_157 = arith.subf %add3A_154, %sub3A_156 : vector<16xf32>
        %mul3A_158 = arith.mulf %sub3A_157, %get3A_16 : vector<16xf32>
        %sub3A_159 = arith.subf %mul3A_158, %get3A_21 : vector<16xf32>
        %swap3A_160 = arith.index_cast %scan3A_118 : i32 to index
        %swap3A_161 = arith.constant 16 : index
        %swap3A_162 = tpu.vector_load %arg7[%swap3A_160, %swap3A_161] {strides = array<i32>} : memref<400x128xf32, #tpu.memory_space<vmem>>, vector<1x16xf32>,
        %swap3A_163 = vector.shape_cast %swap3A_162 : vector<1x16xf32> to vector<16xf32>
        %swap3A_164 = vector.shape_cast %sub3A_159 : vector<16xf32> to vector<1x16xf32>
        tpu.vector_store %arg7[%swap3A_160, %swap3A_161], %swap3A_164 {strides = array<i32>} : memref<400x128xf32, #tpu.memory_space<vmem>>, vector<1x16xf32>,
        %get3A_165 = arith.index_cast %scan3A_118 : i32 to index
        %get3A_166 = arith.constant 32 : index
        %get3A_167 = tpu.vector_load %arg7[%get3A_165, %get3A_166] {strides = array<i32>} : memref<400x128xf32, #tpu.memory_space<vmem>>, vector<1x16xf32>,
        %get3A_168 = vector.shape_cast %get3A_167 : vector<1x16xf32> to vector<16xf32>
        %mul3A_169 = arith.mulf %get3A_168, %get3A_6 : vector<16xf32>
        %add3A_170 = arith.addf %mul3A_169, %get3A_11 : vector<16xf32>
        %max3A_171 = arith.constant -1.280000e+02 : f32
        %max3A_172 = vector.broadcast %max3A_171 : f32 to vector<16xf32>
        %max3A_173 = arith.maximumf %add3A_170, %max3A_172 : vector<16xf32>
        %min3A_174 = arith.constant 1.270000e+02 : f32
        %min3A_175 = vector.broadcast %min3A_174 : f32 to vector<16xf32>
        %min3A_176 = arith.minimumf %max3A_173, %min3A_175 : vector<16xf32>
        %add3A_177 = arith.constant 0x4B400000 : f32
        %add3A_178 = vector.broadcast %add3A_177 : f32 to vector<16xf32>
        %add3A_179 = arith.addf %min3A_176, %add3A_178 : vector<16xf32>
        %sub3A_180 = arith.constant 0x4B400000 : f32
        %sub3A_181 = vector.broadcast %sub3A_180 : f32 to vector<16xf32>
        %sub3A_182 = arith.subf %add3A_179, %sub3A_181 : vector<16xf32>
        %mul3A_183 = arith.mulf %sub3A_182, %get3A_16 : vector<16xf32>
        %sub3A_184 = arith.subf %mul3A_183, %get3A_21 : vector<16xf32>
        %swap3A_185 = arith.index_cast %scan3A_118 : i32 to index
        %swap3A_186 = arith.constant 32 : index
        %swap3A_187 = tpu.vector_load %arg7[%swap3A_185, %swap3A_186] {strides = array<i32>} : memref<400x128xf32, #tpu.memory_space<vmem>>, vector<1x16xf32>,
        %swap3A_188 = vector.shape_cast %swap3A_187 : vector<1x16xf32> to vector<16xf32>
        %swap3A_189 = vector.shape_cast %sub3A_184 : vector<16xf32> to vector<1x16xf32>
        tpu.vector_store %arg7[%swap3A_185, %swap3A_186], %swap3A_189 {strides = array<i32>} : memref<400x128xf32, #tpu.memory_space<vmem>>, vector<1x16xf32>,
        %get3A_190 = arith.index_cast %scan3A_118 : i32 to index
        %get3A_191 = arith.constant 48 : index
        %get3A_192 = tpu.vector_load %arg7[%get3A_190, %get3A_191] {strides = array<i32>} : memref<400x128xf32, #tpu.memory_space<vmem>>, vector<1x16xf32>,
        %get3A_193 = vector.shape_cast %get3A_192 : vector<1x16xf32> to vector<16xf32>
        %mul3A_194 = arith.mulf %get3A_193, %get3A_6 : vector<16xf32>
        %add3A_195 = arith.addf %mul3A_194, %get3A_11 : vector<16xf32>
        %max3A_196 = arith.constant -1.280000e+02 : f32
        %max3A_197 = vector.broadcast %max3A_196 : f32 to vector<16xf32>
        %max3A_198 = arith.maximumf %add3A_195, %max3A_197 : vector<16xf32>
        %min3A_199 = arith.constant 1.270000e+02 : f32
        %min3A_200 = vector.broadcast %min3A_199 : f32 to vector<16xf32>
        %min3A_201 = arith.minimumf %max3A_198, %min3A_200 : vector<16xf32>
        %add3A_202 = arith.constant 0x4B400000 : f32
        %add3A_203 = vector.broadcast %add3A_202 : f32 to vector<16xf32>
        %add3A_204 = arith.addf %min3A_201, %add3A_203 : vector<16xf32>
        %sub3A_205 = arith.constant 0x4B400000 : f32
        %sub3A_206 = vector.broadcast %sub3A_205 : f32 to vector<16xf32>
        %sub3A_207 = arith.subf %add3A_204, %sub3A_206 : vector<16xf32>
        %mul3A_208 = arith.mulf %sub3A_207, %get3A_16 : vector<16xf32>
        %sub3A_209 = arith.subf %mul3A_208, %get3A_21 : vector<16xf32>
        %swap3A_210 = arith.index_cast %scan3A_118 : i32 to index
        %swap3A_211 = arith.constant 48 : index
        %swap3A_212 = tpu.vector_load %arg7[%swap3A_210, %swap3A_211] {strides = array<i32>} : memref<400x128xf32, #tpu.memory_space<vmem>>, vector<1x16xf32>,
        %swap3A_213 = vector.shape_cast %swap3A_212 : vector<1x16xf32> to vector<16xf32>
        %swap3A_214 = vector.shape_cast %sub3A_209 : vector<16xf32> to vector<1x16xf32>
        tpu.vector_store %arg7[%swap3A_210, %swap3A_211], %swap3A_214 {strides = array<i32>} : memref<400x128xf32, #tpu.memory_space<vmem>>, vector<1x16xf32>,
      }
      %scan3A_81 = arith.constant 400 : i32
      %dma_start3A_82 = arith.constant 0 : i32
      %dma_start3A_83 = arith.constant 0 : i32
      %dma_start3A_84 = tpu.memref_slice %arg7[%dma_start3A_82, %dma_start3A_83] : memref<400x128xf32, #tpu.memory_space<vmem>> -> memref<400x64xf32, #tpu.memory_space<vmem>>
      %dma_start3A_85 = arith.constant 0 : i32
      %dma_start3A_86 = tpu.memref_slice %arg5[%add3A_57, %dma_start3A_85] : memref<204800x64xf32, #tpu.memory_space<hbm>> -> memref<400x64xf32, #tpu.memory_space<hbm>>
      %dma_start3A_87 = arith.constant 0 : i32
      %dma_start3A_88 = tpu.memref_slice %arg5[%add3A_57, %dma_start3A_87] : memref<204800x64xf32, #tpu.memory_space<hbm>> -> memref<400x64xf32, #tpu.memory_space<hbm>>
      %dma_start3A_89 = arith.constant 0 : i32
      %dma_start3A_90 = arith.constant 0 : i32
      %dma_start3A_91 = tpu.memref_slice %arg7[%dma_start3A_89, %dma_start3A_90] : memref<400x128xf32, #tpu.memory_space<vmem>> -> memref<400x64xf32, #tpu.memory_space<vmem>>
      tpu.enqueue_dma source(%dma_start3A_91 : memref<400x64xf32, #tpu.memory_space<vmem>>) target(%dma_start3A_88 : memref<400x64xf32, #tpu.memory_space<hbm>>) target_semaphore(%arg12 : memref<!tpu.dma_semaphore, #tpu.memory_space<semaphore_mem>>)
      %lt3A = arith.constant 7 : i32
      %lt3A_92 = arith.cmpi slt, %scan3A_52, %lt3A : i32
      %convert_element_type3A_93 = arith.extui %lt3A_92 : i1 to i32
      %cond3A_94 = arith.constant 0 : i32
      %cond3A_95 = arith.cmpi ne, %convert_element_type3A_93, %cond3A_94 : i32
      scf.if %cond3A_95 {
        %dma_wait3A_118 = arith.constant 0 : i32
        %dma_wait3A_119 = arith.constant 0 : i32
        %dma_wait3A_120 = tpu.memref_slice %arg7[%dma_wait3A_118, %dma_wait3A_119] : memref<400x128xf32, #tpu.memory_space<vmem>> -> memref<400x64xf32, #tpu.memory_space<vmem>>
        %dma_wait3A_121 = arith.constant 0 : i32
        %dma_wait3A_122 = tpu.memref_slice %arg5[%mul3A_2, %dma_wait3A_121] : memref<204800x64xf32, #tpu.memory_space<hbm>> -> memref<400x64xf32, #tpu.memory_space<hbm>>
        %dma_wait3A_123 = arith.constant 0 : i32
        %dma_wait3A_124 = tpu.memref_slice %arg5[%mul3A_2, %dma_wait3A_123] : memref<204800x64xf32, #tpu.memory_space<hbm>> -> memref<400x64xf32, #tpu.memory_space<hbm>>
        %dma_wait3A_125 = arith.constant 0 : i32
        %dma_wait3A_126 = arith.constant 0 : i32
        %dma_wait3A_127 = tpu.memref_slice %arg7[%dma_wait3A_125, %dma_wait3A_126] : memref<400x128xf32, #tpu.memory_space<vmem>> -> memref<400x64xf32, #tpu.memory_space<vmem>>
        tpu.wait_dma2 semaphore(%arg12 : memref<!tpu.dma_semaphore, #tpu.memory_space<semaphore_mem>>) src(%dma_wait3A_127 : memref<400x64xf32, #tpu.memory_space<vmem>>) dst(%dma_wait3A_124 : memref<400x64xf32, #tpu.memory_space<hbm>>)
        %add3A_128 = arith.constant 800 : i32
        %add3A_129 = arith.addi %add3A_57, %add3A_128 : i32
        %run_scoped3A_130 = arith.constant 0 : i32
        "tpu.region"() ({
          %run_scoped3A_138 = tpu.sem_alloc : memref<!tpu.dma_semaphore, #tpu.memory_space<semaphore_mem>>
          %dma_start3A_139 = arith.constant 0 : i32
          %dma_start3A_140 = tpu.memref_slice %arg6[%run_scoped3A_130, %dma_start3A_139] : memref<2x400xi32, #tpu.memory_space<vmem>> -> memref<1x400xi32, #tpu.memory_space<vmem>>
          %dma_start3A_141 = tpu.memref_squeeze %dma_start3A_140 : memref<1x400xi32, #tpu.memory_space<vmem>> -> memref<400xi32, #tpu.memory_space<vmem>>
          %dma_start3A_142 = tpu.memref_slice %arg2[%add3A_129] : memref<204800xi32, #tpu.memory_space<hbm>> -> memref<400xi32, #tpu.memory_space<hbm>>
          %dma_start3A_143 = arith.constant 0 : i32
          %dma_start3A_144 = tpu.memref_slice %arg6[%run_scoped3A_130, %dma_start3A_143] : memref<2x400xi32, #tpu.memory_space<vmem>> -> memref<1x400xi32, #tpu.memory_space<vmem>>
          %dma_start3A_145 = tpu.memref_squeeze %dma_start3A_144 : memref<1x400xi32, #tpu.memory_space<vmem>> -> memref<400xi32, #tpu.memory_space<vmem>>
          %dma_start3A_146 = tpu.memref_slice %arg2[%add3A_129] : memref<204800xi32, #tpu.memory_space<hbm>> -> memref<400xi32, #tpu.memory_space<hbm>>
          tpu.enqueue_dma source(%dma_start3A_146 : memref<400xi32, #tpu.memory_space<hbm>>) target(%dma_start3A_145 : memref<400xi32, #tpu.memory_space<vmem>>) target_semaphore(%run_scoped3A_138 : memref<!tpu.dma_semaphore, #tpu.memory_space<semaphore_mem>>)
          %dma_wait3A_147 = arith.constant 0 : i32
          %dma_wait3A_148 = tpu.memref_slice %arg6[%run_scoped3A_130, %dma_wait3A_147] : memref<2x400xi32, #tpu.memory_space<vmem>> -> memref<1x400xi32, #tpu.memory_space<vmem>>
          %dma_wait3A_149 = tpu.memref_squeeze %dma_wait3A_148 : memref<1x400xi32, #tpu.memory_space<vmem>> -> memref<400xi32, #tpu.memory_space<vmem>>
          %dma_wait3A_150 = tpu.memref_slice %arg2[%add3A_129] : memref<204800xi32, #tpu.memory_space<hbm>> -> memref<400xi32, #tpu.memory_space<hbm>>
          %dma_wait3A_151 = arith.constant 0 : i32
          %dma_wait3A_152 = tpu.memref_slice %arg6[%run_scoped3A_130, %dma_wait3A_151] : memref<2x400xi32, #tpu.memory_space<vmem>> -> memref<1x400xi32, #tpu.memory_space<vmem>>
          %dma_wait3A_153 = tpu.memref_squeeze %dma_wait3A_152 : memref<1x400xi32, #tpu.memory_space<vmem>> -> memref<400xi32, #tpu.memory_space<vmem>>
          %dma_wait3A_154 = tpu.memref_slice %arg2[%add3A_129] : memref<204800xi32, #tpu.memory_space<hbm>> -> memref<400xi32, #tpu.memory_space<hbm>>
          tpu.wait_dma2 semaphore(%run_scoped3A_138 : memref<!tpu.dma_semaphore, #tpu.memory_space<semaphore_mem>>) src(%dma_wait3A_154 : memref<400xi32, #tpu.memory_space<hbm>>) dst(%dma_wait3A_153 : memref<400xi32, #tpu.memory_space<vmem>>)
          tpu.yield
        }) : () -> ()
        %dma_start3A_131 = arith.constant 0 : i32
        %dma_start3A_132 = arith.constant 0 : i32
        %dma_start3A_133 = tpu.memref_slice %arg6[%dma_start3A_131, %dma_start3A_132] : memref<2x400xi32, #tpu.memory_space<vmem>> -> memref<1x400xi32, #tpu.memory_space<vmem>>
        %dma_start3A_134 = tpu.memref_squeeze %dma_start3A_133 : memref<1x400xi32, #tpu.memory_space<vmem>> -> memref<400xi32, #tpu.memory_space<vmem>>
        %dma_start3A_135 = arith.constant 0 : i32
        %dma_start3A_136 = arith.constant 0 : i32
        %dma_start3A_137 = tpu.memref_slice %arg3[%dma_start3A_135, %dma_start3A_136] : memref<1000000x128xf32, #tpu.memory_space<hbm>> -> memref<1000000x128xf32, #tpu.memory_space<hbm>>
        tpu.enqueue_indirect_dma source(%dma_start3A_137 : memref<1000000x128xf32, #tpu.memory_space<hbm>>) target(%arg7 : memref<400x128xf32, #tpu.memory_space<vmem>>) offsets(%dma_start3A_134 : memref<400xi32, #tpu.memory_space<vmem>>) semaphore(%arg10 : memref<!tpu.dma_semaphore, #tpu.memory_space<semaphore_mem>>)
      } else {
      }
      %dma_wait3A_96 = arith.constant 0 : i32
      %dma_wait3A_97 = arith.constant 0 : i32
      %dma_wait3A_98 = tpu.memref_slice %arg3[%dma_wait3A_96, %dma_wait3A_97] : memref<1000000x128xf32, #tpu.memory_space<hbm>> -> memref<400x128xf32, #tpu.memory_space<hbm>>
      %dma_wait3A_99 = arith.constant 0 : i32
      %dma_wait3A_100 = arith.constant 0 : i32
      %dma_wait3A_101 = tpu.memref_slice %arg3[%dma_wait3A_99, %dma_wait3A_100] : memref<1000000x128xf32, #tpu.memory_space<hbm>> -> memref<400x128xf32, #tpu.memory_space<hbm>>
      tpu.wait_dma2 semaphore(%arg11 : memref<!tpu.dma_semaphore, #tpu.memory_space<semaphore_mem>>) src(%dma_wait3A_101 : memref<400x128xf32, #tpu.memory_space<hbm>>) dst(%arg8 : memref<400x128xf32, #tpu.memory_space<vmem>>)
      %scan3A_102 = arith.constant 0 : i32
      %scan3A_103 = arith.constant 0 : i32
      %scan3A_104 = arith.constant 400 : i32
      %scan3A_105 = arith.addi %scan3A_103, %scan3A_104 : i32
      %scan3A_106 = arith.constant 1 : i32
      scf.for %scan3A_118 = %scan3A_103 to %scan3A_105 step %scan3A_106  : i32 {
        %get3A_119 = arith.index_cast %scan3A_118 : i32 to index
        %get3A_120 = arith.constant 0 : index
        %get3A_121 = tpu.vector_load %arg8[%get3A_119, %get3A_120] {strides = array<i32>} : memref<400x128xf32, #tpu.memory_space<vmem>>, vector<1x16xf32>,
        %get3A_122 = vector.shape_cast %get3A_121 : vector<1x16xf32> to vector<16xf32>
        %mul3A_123 = arith.mulf %get3A_122, %get3A_6 : vector<16xf32>
        %add3A_124 = arith.addf %mul3A_123, %get3A_11 : vector<16xf32>
        %max3A = arith.constant -1.280000e+02 : f32
        %max3A_125 = vector.broadcast %max3A : f32 to vector<16xf32>
        %max3A_126 = arith.maximumf %add3A_124, %max3A_125 : vector<16xf32>
        %min3A = arith.constant 1.270000e+02 : f32
        %min3A_127 = vector.broadcast %min3A : f32 to vector<16xf32>
        %min3A_128 = arith.minimumf %max3A_126, %min3A_127 : vector<16xf32>
        %add3A_129 = arith.constant 0x4B400000 : f32
        %add3A_130 = vector.broadcast %add3A_129 : f32 to vector<16xf32>
        %add3A_131 = arith.addf %min3A_128, %add3A_130 : vector<16xf32>
        %sub3A = arith.constant 0x4B400000 : f32
        %sub3A_132 = vector.broadcast %sub3A : f32 to vector<16xf32>
        %sub3A_133 = arith.subf %add3A_131, %sub3A_132 : vector<16xf32>
        %mul3A_134 = arith.mulf %sub3A_133, %get3A_16 : vector<16xf32>
        %sub3A_135 = arith.subf %mul3A_134, %get3A_21 : vector<16xf32>
        %swap3A = arith.index_cast %scan3A_118 : i32 to index
        %swap3A_136 = arith.constant 0 : index
        %swap3A_137 = tpu.vector_load %arg8[%swap3A, %swap3A_136] {strides = array<i32>} : memref<400x128xf32, #tpu.memory_space<vmem>>, vector<1x16xf32>,
        %swap3A_138 = vector.shape_cast %swap3A_137 : vector<1x16xf32> to vector<16xf32>
        %swap3A_139 = vector.shape_cast %sub3A_135 : vector<16xf32> to vector<1x16xf32>
        tpu.vector_store %arg8[%swap3A, %swap3A_136], %swap3A_139 {strides = array<i32>} : memref<400x128xf32, #tpu.memory_space<vmem>>, vector<1x16xf32>,
        %get3A_140 = arith.index_cast %scan3A_118 : i32 to index
        %get3A_141 = arith.constant 16 : index
        %get3A_142 = tpu.vector_load %arg8[%get3A_140, %get3A_141] {strides = array<i32>} : memref<400x128xf32, #tpu.memory_space<vmem>>, vector<1x16xf32>,
        %get3A_143 = vector.shape_cast %get3A_142 : vector<1x16xf32> to vector<16xf32>
        %mul3A_144 = arith.mulf %get3A_143, %get3A_6 : vector<16xf32>
        %add3A_145 = arith.addf %mul3A_144, %get3A_11 : vector<16xf32>
        %max3A_146 = arith.constant -1.280000e+02 : f32
        %max3A_147 = vector.broadcast %max3A_146 : f32 to vector<16xf32>
        %max3A_148 = arith.maximumf %add3A_145, %max3A_147 : vector<16xf32>
        %min3A_149 = arith.constant 1.270000e+02 : f32
        %min3A_150 = vector.broadcast %min3A_149 : f32 to vector<16xf32>
        %min3A_151 = arith.minimumf %max3A_148, %min3A_150 : vector<16xf32>
        %add3A_152 = arith.constant 0x4B400000 : f32
        %add3A_153 = vector.broadcast %add3A_152 : f32 to vector<16xf32>
        %add3A_154 = arith.addf %min3A_151, %add3A_153 : vector<16xf32>
        %sub3A_155 = arith.constant 0x4B400000 : f32
        %sub3A_156 = vector.broadcast %sub3A_155 : f32 to vector<16xf32>
        %sub3A_157 = arith.subf %add3A_154, %sub3A_156 : vector<16xf32>
        %mul3A_158 = arith.mulf %sub3A_157, %get3A_16 : vector<16xf32>
        %sub3A_159 = arith.subf %mul3A_158, %get3A_21 : vector<16xf32>
        %swap3A_160 = arith.index_cast %scan3A_118 : i32 to index
        %swap3A_161 = arith.constant 16 : index
        %swap3A_162 = tpu.vector_load %arg8[%swap3A_160, %swap3A_161] {strides = array<i32>} : memref<400x128xf32, #tpu.memory_space<vmem>>, vector<1x16xf32>,
        %swap3A_163 = vector.shape_cast %swap3A_162 : vector<1x16xf32> to vector<16xf32>
        %swap3A_164 = vector.shape_cast %sub3A_159 : vector<16xf32> to vector<1x16xf32>
        tpu.vector_store %arg8[%swap3A_160, %swap3A_161], %swap3A_164 {strides = array<i32>} : memref<400x128xf32, #tpu.memory_space<vmem>>, vector<1x16xf32>,
        %get3A_165 = arith.index_cast %scan3A_118 : i32 to index
        %get3A_166 = arith.constant 32 : index
        %get3A_167 = tpu.vector_load %arg8[%get3A_165, %get3A_166] {strides = array<i32>} : memref<400x128xf32, #tpu.memory_space<vmem>>, vector<1x16xf32>,
        %get3A_168 = vector.shape_cast %get3A_167 : vector<1x16xf32> to vector<16xf32>
        %mul3A_169 = arith.mulf %get3A_168, %get3A_6 : vector<16xf32>
        %add3A_170 = arith.addf %mul3A_169, %get3A_11 : vector<16xf32>
        %max3A_171 = arith.constant -1.280000e+02 : f32
        %max3A_172 = vector.broadcast %max3A_171 : f32 to vector<16xf32>
        %max3A_173 = arith.maximumf %add3A_170, %max3A_172 : vector<16xf32>
        %min3A_174 = arith.constant 1.270000e+02 : f32
        %min3A_175 = vector.broadcast %min3A_174 : f32 to vector<16xf32>
        %min3A_176 = arith.minimumf %max3A_173, %min3A_175 : vector<16xf32>
        %add3A_177 = arith.constant 0x4B400000 : f32
        %add3A_178 = vector.broadcast %add3A_177 : f32 to vector<16xf32>
        %add3A_179 = arith.addf %min3A_176, %add3A_178 : vector<16xf32>
        %sub3A_180 = arith.constant 0x4B400000 : f32
        %sub3A_181 = vector.broadcast %sub3A_180 : f32 to vector<16xf32>
        %sub3A_182 = arith.subf %add3A_179, %sub3A_181 : vector<16xf32>
        %mul3A_183 = arith.mulf %sub3A_182, %get3A_16 : vector<16xf32>
        %sub3A_184 = arith.subf %mul3A_183, %get3A_21 : vector<16xf32>
        %swap3A_185 = arith.index_cast %scan3A_118 : i32 to index
        %swap3A_186 = arith.constant 32 : index
        %swap3A_187 = tpu.vector_load %arg8[%swap3A_185, %swap3A_186] {strides = array<i32>} : memref<400x128xf32, #tpu.memory_space<vmem>>, vector<1x16xf32>,
        %swap3A_188 = vector.shape_cast %swap3A_187 : vector<1x16xf32> to vector<16xf32>
        %swap3A_189 = vector.shape_cast %sub3A_184 : vector<16xf32> to vector<1x16xf32>
        tpu.vector_store %arg8[%swap3A_185, %swap3A_186], %swap3A_189 {strides = array<i32>} : memref<400x128xf32, #tpu.memory_space<vmem>>, vector<1x16xf32>,
        %get3A_190 = arith.index_cast %scan3A_118 : i32 to index
        %get3A_191 = arith.constant 48 : index
        %get3A_192 = tpu.vector_load %arg8[%get3A_190, %get3A_191] {strides = array<i32>} : memref<400x128xf32, #tpu.memory_space<vmem>>, vector<1x16xf32>,
        %get3A_193 = vector.shape_cast %get3A_192 : vector<1x16xf32> to vector<16xf32>
        %mul3A_194 = arith.mulf %get3A_193, %get3A_6 : vector<16xf32>
        %add3A_195 = arith.addf %mul3A_194, %get3A_11 : vector<16xf32>
        %max3A_196 = arith.constant -1.280000e+02 : f32
        %max3A_197 = vector.broadcast %max3A_196 : f32 to vector<16xf32>
        %max3A_198 = arith.maximumf %add3A_195, %max3A_197 : vector<16xf32>
        %min3A_199 = arith.constant 1.270000e+02 : f32
        %min3A_200 = vector.broadcast %min3A_199 : f32 to vector<16xf32>
        %min3A_201 = arith.minimumf %max3A_198, %min3A_200 : vector<16xf32>
        %add3A_202 = arith.constant 0x4B400000 : f32
        %add3A_203 = vector.broadcast %add3A_202 : f32 to vector<16xf32>
        %add3A_204 = arith.addf %min3A_201, %add3A_203 : vector<16xf32>
        %sub3A_205 = arith.constant 0x4B400000 : f32
        %sub3A_206 = vector.broadcast %sub3A_205 : f32 to vector<16xf32>
        %sub3A_207 = arith.subf %add3A_204, %sub3A_206 : vector<16xf32>
        %mul3A_208 = arith.mulf %sub3A_207, %get3A_16 : vector<16xf32>
        %sub3A_209 = arith.subf %mul3A_208, %get3A_21 : vector<16xf32>
        %swap3A_210 = arith.index_cast %scan3A_118 : i32 to index
        %swap3A_211 = arith.constant 48 : index
        %swap3A_212 = tpu.vector_load %arg8[%swap3A_210, %swap3A_211] {strides = array<i32>} : memref<400x128xf32, #tpu.memory_space<vmem>>, vector<1x16xf32>,
        %swap3A_213 = vector.shape_cast %swap3A_212 : vector<1x16xf32> to vector<16xf32>
        %swap3A_214 = vector.shape_cast %sub3A_209 : vector<16xf32> to vector<1x16xf32>
        tpu.vector_store %arg8[%swap3A_210, %swap3A_211], %swap3A_214 {strides = array<i32>} : memref<400x128xf32, #tpu.memory_space<vmem>>, vector<1x16xf32>,
      }
      %scan3A_107 = arith.constant 400 : i32
      %dma_start3A_108 = arith.constant 0 : i32
      %dma_start3A_109 = arith.constant 0 : i32
      %dma_start3A_110 = tpu.memref_slice %arg8[%dma_start3A_108, %dma_start3A_109] : memref<400x128xf32, #tpu.memory_space<vmem>> -> memref<400x64xf32, #tpu.memory_space<vmem>>
      %dma_start3A_111 = arith.constant 0 : i32
      %dma_start3A_112 = tpu.memref_slice %arg5[%add3A_59, %dma_start3A_111] : memref<204800x64xf32, #tpu.memory_space<hbm>> -> memref<400x64xf32, #tpu.memory_space<hbm>>
      %dma_start3A_113 = arith.constant 0 : i32
      %dma_start3A_114 = tpu.memref_slice %arg5[%add3A_59, %dma_start3A_113] : memref<204800x64xf32, #tpu.memory_space<hbm>> -> memref<400x64xf32, #tpu.memory_space<hbm>>
      %dma_start3A_115 = arith.constant 0 : i32
      %dma_start3A_116 = arith.constant 0 : i32
      %dma_start3A_117 = tpu.memref_slice %arg8[%dma_start3A_115, %dma_start3A_116] : memref<400x128xf32, #tpu.memory_space<vmem>> -> memref<400x64xf32, #tpu.memory_space<vmem>>
      tpu.enqueue_dma source(%dma_start3A_117 : memref<400x64xf32, #tpu.memory_space<vmem>>) target(%dma_start3A_114 : memref<400x64xf32, #tpu.memory_space<hbm>>) target_semaphore(%arg13 : memref<!tpu.dma_semaphore, #tpu.memory_space<semaphore_mem>>)
    }
    %scan3A_32 = arith.constant 8 : i32
    %dma_wait3A = arith.constant 0 : i32
    %dma_wait3A_33 = arith.constant 0 : i32
    %dma_wait3A_34 = tpu.memref_slice %arg7[%dma_wait3A, %dma_wait3A_33] : memref<400x128xf32, #tpu.memory_space<vmem>> -> memref<400x64xf32, #tpu.memory_space<vmem>>
    %dma_wait3A_35 = arith.constant 0 : i32
    %dma_wait3A_36 = tpu.memref_slice %arg5[%mul3A_2, %dma_wait3A_35] : memref<204800x64xf32, #tpu.memory_space<hbm>> -> memref<400x64xf32, #tpu.memory_space<hbm>>
    %dma_wait3A_37 = arith.constant 0 : i32
    %dma_wait3A_38 = tpu.memref_slice %arg5[%mul3A_2, %dma_wait3A_37] : memref<204800x64xf32, #tpu.memory_space<hbm>> -> memref<400x64xf32, #tpu.memory_space<hbm>>
    %dma_wait3A_39 = arith.constant 0 : i32
    %dma_wait3A_40 = arith.constant 0 : i32
    %dma_wait3A_41 = tpu.memref_slice %arg7[%dma_wait3A_39, %dma_wait3A_40] : memref<400x128xf32, #tpu.memory_space<vmem>> -> memref<400x64xf32, #tpu.memory_space<vmem>>
    tpu.wait_dma2 semaphore(%arg12 : memref<!tpu.dma_semaphore, #tpu.memory_space<semaphore_mem>>) src(%dma_wait3A_41 : memref<400x64xf32, #tpu.memory_space<vmem>>) dst(%dma_wait3A_38 : memref<400x64xf32, #tpu.memory_space<hbm>>)
    %dma_wait3A_42 = arith.constant 0 : i32
    %dma_wait3A_43 = arith.constant 0 : i32
    %dma_wait3A_44 = tpu.memref_slice %arg8[%dma_wait3A_42, %dma_wait3A_43] : memref<400x128xf32, #tpu.memory_space<vmem>> -> memref<400x64xf32, #tpu.memory_space<vmem>>
    %dma_wait3A_45 = arith.constant 0 : i32
    %dma_wait3A_46 = tpu.memref_slice %arg5[%mul3A_2, %dma_wait3A_45] : memref<204800x64xf32, #tpu.memory_space<hbm>> -> memref<400x64xf32, #tpu.memory_space<hbm>>
    %dma_wait3A_47 = arith.constant 0 : i32
    %dma_wait3A_48 = tpu.memref_slice %arg5[%mul3A_2, %dma_wait3A_47] : memref<204800x64xf32, #tpu.memory_space<hbm>> -> memref<400x64xf32, #tpu.memory_space<hbm>>
    %dma_wait3A_49 = arith.constant 0 : i32
    %dma_wait3A_50 = arith.constant 0 : i32
    %dma_wait3A_51 = tpu.memref_slice %arg8[%dma_wait3A_49, %dma_wait3A_50] : memref<400x128xf32, #tpu.memory_space<vmem>> -> memref<400x64xf32, #tpu.memory_space<vmem>>
    tpu.wait_dma2 semaphore(%arg13 : memref<!tpu.dma_semaphore, #tpu.memory_space<semaphore_mem>>) src(%dma_wait3A_51 : memref<400x64xf32, #tpu.memory_space<vmem>>) dst(%dma_wait3A_48 : memref<400x64xf32, #tpu.memory_space<hbm>>)
    return
  }
}

#map = affine_map<(d0, d1) -> (0)>
#map1 = affine_map<(d0, d1) -> (0, 0)>
module attributes {stable_mosaic.version = 14 : i64} {
  func.func @gather_dequant(%arg0: i32, %arg1: i32, %arg2: memref<204800xi32, #tpu.memory_space<hbm>>, %arg3: memref<1000000x128xf32, #tpu.memory_space<hbm>>, %arg4: memref<4x16xf32, #tpu.memory_space<hbm>>, %arg5: memref<204800x64xf32, #tpu.memory_space<hbm>>, %arg6: memref<2x400xi32, #tpu.memory_space<vmem>>, %arg7: memref<400x128xf32, #tpu.memory_space<vmem>>, %arg8: memref<400x128xf32, #tpu.memory_space<vmem>>, %arg9: memref<4x16xf32, #tpu.memory_space<vmem>>, %arg10: memref<!tpu.dma_semaphore, #tpu.memory_space<semaphore_mem>>, %arg11: memref<!tpu.dma_semaphore, #tpu.memory_space<semaphore_mem>>, %arg12: memref<!tpu.dma_semaphore, #tpu.memory_space<semaphore_mem>>, %arg13: memref<!tpu.dma_semaphore, #tpu.memory_space<semaphore_mem>>) attributes {dimension_semantics = [#tpu.dimension_semantics<core_parallel>, #tpu.dimension_semantics<subcore_parallel>], iteration_bounds = array<i64: 2, 16>, scalar_prefetch = 0 : i64, scratch_operands = 8 : i64, tpu.core_type = #tpu.core_type<sc_vector_subcore>, window_params = [{transform_indices = #map}, {transform_indices = #map1}, {transform_indices = #map1}, {transform_indices = #map1}]} {
    %mul3A = arith.constant 2 : i32
    %mul3A_0 = arith.muli %arg1, %mul3A : i32
    %add3A = arith.addi %mul3A_0, %arg0 : i32
    %mul3A_1 = arith.constant 6400 : i32
    %mul3A_2 = arith.muli %add3A, %mul3A_1 : i32
    "tpu.region"() ({
      %run_scoped3A_52 = tpu.sem_alloc : memref<!tpu.dma_semaphore, #tpu.memory_space<semaphore_mem>>
      tpu.enqueue_dma source(%arg4 : memref<4x16xf32, #tpu.memory_space<hbm>>) target(%arg9 : memref<4x16xf32, #tpu.memory_space<vmem>>) target_semaphore(%run_scoped3A_52 : memref<!tpu.dma_semaphore, #tpu.memory_space<semaphore_mem>>)
      tpu.wait_dma2 semaphore(%run_scoped3A_52 : memref<!tpu.dma_semaphore, #tpu.memory_space<semaphore_mem>>) src(%arg4 : memref<4x16xf32, #tpu.memory_space<hbm>>) dst(%arg9 : memref<4x16xf32, #tpu.memory_space<vmem>>)
      tpu.yield
    }) : () -> ()
    %get3A = arith.constant 0 : i32
    %get3A_3 = arith.index_cast %get3A : i32 to index
    %get3A_4 = arith.constant 0 : index
    %get3A_5 = tpu.vector_load %arg9[%get3A_3, %get3A_4] {strides = array<i32>} : memref<4x16xf32, #tpu.memory_space<vmem>>, vector<1x16xf32>,
    %get3A_6 = vector.shape_cast %get3A_5 : vector<1x16xf32> to vector<16xf32>
    %get3A_7 = arith.constant 1 : i32
    %get3A_8 = arith.index_cast %get3A_7 : i32 to index
    %get3A_9 = arith.constant 0 : index
    %get3A_10 = tpu.vector_load %arg9[%get3A_8, %get3A_9] {strides = array<i32>} : memref<4x16xf32, #tpu.memory_space<vmem>>, vector<1x16xf32>,
    %get3A_11 = vector.shape_cast %get3A_10 : vector<1x16xf32> to vector<16xf32>
    %get3A_12 = arith.constant 2 : i32
    %get3A_13 = arith.index_cast %get3A_12 : i32 to index
    %get3A_14 = arith.constant 0 : index
    %get3A_15 = tpu.vector_load %arg9[%get3A_13, %get3A_14] {strides = array<i32>} : memref<4x16xf32, #tpu.memory_space<vmem>>, vector<1x16xf32>,
    %get3A_16 = vector.shape_cast %get3A_15 : vector<1x16xf32> to vector<16xf32>
    %get3A_17 = arith.constant 3 : i32
    %get3A_18 = arith.index_cast %get3A_17 : i32 to index
    %get3A_19 = arith.constant 0 : index
    %get3A_20 = tpu.vector_load %arg9[%get3A_18, %get3A_19] {strides = array<i32>} : memref<4x16xf32, #tpu.memory_space<vmem>>, vector<1x16xf32>,
    %get3A_21 = vector.shape_cast %get3A_20 : vector<1x16xf32> to vector<16xf32>
    %run_scoped3A = arith.constant 0 : i32
    "tpu.region"() ({
      %run_scoped3A_52 = tpu.sem_alloc : memref<!tpu.dma_semaphore, #tpu.memory_space<semaphore_mem>>
      %dma_start3A_53 = arith.constant 0 : i32
      %dma_start3A_54 = tpu.memref_slice %arg6[%run_scoped3A, %dma_start3A_53] : memref<2x400xi32, #tpu.memory_space<vmem>> -> memref<1x400xi32, #tpu.memory_space<vmem>>
      %dma_start3A_55 = tpu.memref_squeeze %dma_start3A_54 : memref<1x400xi32, #tpu.memory_space<vmem>> -> memref<400xi32, #tpu.memory_space<vmem>>
      %dma_start3A_56 = tpu.memref_slice %arg2[%mul3A_2] : memref<204800xi32, #tpu.memory_space<hbm>> -> memref<400xi32, #tpu.memory_space<hbm>>
      %dma_start3A_57 = arith.constant 0 : i32
      %dma_start3A_58 = tpu.memref_slice %arg6[%run_scoped3A, %dma_start3A_57] : memref<2x400xi32, #tpu.memory_space<vmem>> -> memref<1x400xi32, #tpu.memory_space<vmem>>
      %dma_start3A_59 = tpu.memref_squeeze %dma_start3A_58 : memref<1x400xi32, #tpu.memory_space<vmem>> -> memref<400xi32, #tpu.memory_space<vmem>>
      %dma_start3A_60 = tpu.memref_slice %arg2[%mul3A_2] : memref<204800xi32, #tpu.memory_space<hbm>> -> memref<400xi32, #tpu.memory_space<hbm>>
      tpu.enqueue_dma source(%dma_start3A_60 : memref<400xi32, #tpu.memory_space<hbm>>) target(%dma_start3A_59 : memref<400xi32, #tpu.memory_space<vmem>>) target_semaphore(%run_scoped3A_52 : memref<!tpu.dma_semaphore, #tpu.memory_space<semaphore_mem>>)
      %dma_wait3A_61 = arith.constant 0 : i32
      %dma_wait3A_62 = tpu.memref_slice %arg6[%run_scoped3A, %dma_wait3A_61] : memref<2x400xi32, #tpu.memory_space<vmem>> -> memref<1x400xi32, #tpu.memory_space<vmem>>
      %dma_wait3A_63 = tpu.memref_squeeze %dma_wait3A_62 : memref<1x400xi32, #tpu.memory_space<vmem>> -> memref<400xi32, #tpu.memory_space<vmem>>
      %dma_wait3A_64 = tpu.memref_slice %arg2[%mul3A_2] : memref<204800xi32, #tpu.memory_space<hbm>> -> memref<400xi32, #tpu.memory_space<hbm>>
      %dma_wait3A_65 = arith.constant 0 : i32
      %dma_wait3A_66 = tpu.memref_slice %arg6[%run_scoped3A, %dma_wait3A_65] : memref<2x400xi32, #tpu.memory_space<vmem>> -> memref<1x400xi32, #tpu.memory_space<vmem>>
      %dma_wait3A_67 = tpu.memref_squeeze %dma_wait3A_66 : memref<1x400xi32, #tpu.memory_space<vmem>> -> memref<400xi32, #tpu.memory_space<vmem>>
      %dma_wait3A_68 = tpu.memref_slice %arg2[%mul3A_2] : memref<204800xi32, #tpu.memory_space<hbm>> -> memref<400xi32, #tpu.memory_space<hbm>>
      tpu.wait_dma2 semaphore(%run_scoped3A_52 : memref<!tpu.dma_semaphore, #tpu.memory_space<semaphore_mem>>) src(%dma_wait3A_68 : memref<400xi32, #tpu.memory_space<hbm>>) dst(%dma_wait3A_67 : memref<400xi32, #tpu.memory_space<vmem>>)
      tpu.yield
    }) : () -> ()
    %dma_start3A = arith.constant 0 : i32
    %dma_start3A_22 = arith.constant 0 : i32
    %dma_start3A_23 = tpu.memref_slice %arg6[%dma_start3A, %dma_start3A_22] : memref<2x400xi32, #tpu.memory_space<vmem>> -> memref<1x400xi32, #tpu.memory_space<vmem>>
    %dma_start3A_24 = tpu.memref_squeeze %dma_start3A_23 : memref<1x400xi32, #tpu.memory_space<vmem>> -> memref<400xi32, #tpu.memory_space<vmem>>
    %dma_start3A_25 = arith.constant 0 : i32
    %dma_start3A_26 = arith.constant 0 : i32
    %dma_start3A_27 = tpu.memref_slice %arg3[%dma_start3A_25, %dma_start3A_26] : memref<1000000x128xf32, #tpu.memory_space<hbm>> -> memref<1000000x128xf32, #tpu.memory_space<hbm>>
    tpu.enqueue_indirect_dma source(%dma_start3A_27 : memref<1000000x128xf32, #tpu.memory_space<hbm>>) target(%arg7 : memref<400x128xf32, #tpu.memory_space<vmem>>) offsets(%dma_start3A_24 : memref<400xi32, #tpu.memory_space<vmem>>) semaphore(%arg10 : memref<!tpu.dma_semaphore, #tpu.memory_space<semaphore_mem>>)
    %scan3A = arith.constant 0 : i32
    %scan3A_28 = arith.constant 0 : i32
    %scan3A_29 = arith.constant 8 : i32
    %scan3A_30 = arith.addi %scan3A_28, %scan3A_29 : i32
    %scan3A_31 = arith.constant 1 : i32
    scf.for %scan3A_52 = %scan3A_28 to %scan3A_30 step %scan3A_31  : i32 {
      %mul3A_53 = arith.constant 2 : i32
      %mul3A_54 = arith.muli %mul3A_53, %scan3A_52 : i32
      %mul3A_55 = arith.constant 400 : i32
      %mul3A_56 = arith.muli %mul3A_54, %mul3A_55 : i32
      %add3A_57 = arith.addi %mul3A_2, %mul3A_56 : i32
      %add3A_58 = arith.constant 400 : i32
      %add3A_59 = arith.addi %add3A_57, %add3A_58 : i32
      %gt3A = arith.constant 0 : i32
      %gt3A_60 = arith.cmpi sgt, %scan3A_52, %gt3A : i32
      %convert_element_type3A = arith.extui %gt3A_60 : i1 to i32
      %cond3A = arith.constant 0 : i32
      %cond3A_61 = arith.cmpi ne, %convert_element_type3A, %cond3A : i32
      scf.if %cond3A_61 {
        %dma_wait3A_118 = arith.constant 0 : i32
        %dma_wait3A_119 = arith.constant 0 : i32
        %dma_wait3A_120 = tpu.memref_slice %arg8[%dma_wait3A_118, %dma_wait3A_119] : memref<400x128xf32, #tpu.memory_space<vmem>> -> memref<400x64xf32, #tpu.memory_space<vmem>>
        %dma_wait3A_121 = arith.constant 0 : i32
        %dma_wait3A_122 = tpu.memref_slice %arg5[%mul3A_2, %dma_wait3A_121] : memref<204800x64xf32, #tpu.memory_space<hbm>> -> memref<400x64xf32, #tpu.memory_space<hbm>>
        %dma_wait3A_123 = arith.constant 0 : i32
        %dma_wait3A_124 = tpu.memref_slice %arg5[%mul3A_2, %dma_wait3A_123] : memref<204800x64xf32, #tpu.memory_space<hbm>> -> memref<400x64xf32, #tpu.memory_space<hbm>>
        %dma_wait3A_125 = arith.constant 0 : i32
        %dma_wait3A_126 = arith.constant 0 : i32
        %dma_wait3A_127 = tpu.memref_slice %arg8[%dma_wait3A_125, %dma_wait3A_126] : memref<400x128xf32, #tpu.memory_space<vmem>> -> memref<400x64xf32, #tpu.memory_space<vmem>>
        tpu.wait_dma2 semaphore(%arg13 : memref<!tpu.dma_semaphore, #tpu.memory_space<semaphore_mem>>) src(%dma_wait3A_127 : memref<400x64xf32, #tpu.memory_space<vmem>>) dst(%dma_wait3A_124 : memref<400x64xf32, #tpu.memory_space<hbm>>)
      } else {
      }
      %run_scoped3A_62 = arith.constant 1 : i32
      "tpu.region"() ({
        %run_scoped3A_118 = tpu.sem_alloc : memref<!tpu.dma_semaphore, #tpu.memory_space<semaphore_mem>>
        %dma_start3A_119 = arith.constant 0 : i32
        %dma_start3A_120 = tpu.memref_slice %arg6[%run_scoped3A_62, %dma_start3A_119] : memref<2x400xi32, #tpu.memory_space<vmem>> -> memref<1x400xi32, #tpu.memory_space<vmem>>
        %dma_start3A_121 = tpu.memref_squeeze %dma_start3A_120 : memref<1x400xi32, #tpu.memory_space<vmem>> -> memref<400xi32, #tpu.memory_space<vmem>>
        %dma_start3A_122 = tpu.memref_slice %arg2[%add3A_59] : memref<204800xi32, #tpu.memory_space<hbm>> -> memref<400xi32, #tpu.memory_space<hbm>>
        %dma_start3A_123 = arith.constant 0 : i32
        %dma_start3A_124 = tpu.memref_slice %arg6[%run_scoped3A_62, %dma_start3A_123] : memref<2x400xi32, #tpu.memory_space<vmem>> -> memref<1x400xi32, #tpu.memory_space<vmem>>
        %dma_start3A_125 = tpu.memref_squeeze %dma_start3A_124 : memref<1x400xi32, #tpu.memory_space<vmem>> -> memref<400xi32, #tpu.memory_space<vmem>>
        %dma_start3A_126 = tpu.memref_slice %arg2[%add3A_59] : memref<204800xi32, #tpu.memory_space<hbm>> -> memref<400xi32, #tpu.memory_space<hbm>>
        tpu.enqueue_dma source(%dma_start3A_126 : memref<400xi32, #tpu.memory_space<hbm>>) target(%dma_start3A_125 : memref<400xi32, #tpu.memory_space<vmem>>) target_semaphore(%run_scoped3A_118 : memref<!tpu.dma_semaphore, #tpu.memory_space<semaphore_mem>>)
        %dma_wait3A_127 = arith.constant 0 : i32
        %dma_wait3A_128 = tpu.memref_slice %arg6[%run_scoped3A_62, %dma_wait3A_127] : memref<2x400xi32, #tpu.memory_space<vmem>> -> memref<1x400xi32, #tpu.memory_space<vmem>>
        %dma_wait3A_129 = tpu.memref_squeeze %dma_wait3A_128 : memref<1x400xi32, #tpu.memory_space<vmem>> -> memref<400xi32, #tpu.memory_space<vmem>>
        %dma_wait3A_130 = tpu.memref_slice %arg2[%add3A_59] : memref<204800xi32, #tpu.memory_space<hbm>> -> memref<400xi32, #tpu.memory_space<hbm>>
        %dma_wait3A_131 = arith.constant 0 : i32
        %dma_wait3A_132 = tpu.memref_slice %arg6[%run_scoped3A_62, %dma_wait3A_131] : memref<2x400xi32, #tpu.memory_space<vmem>> -> memref<1x400xi32, #tpu.memory_space<vmem>>
        %dma_wait3A_133 = tpu.memref_squeeze %dma_wait3A_132 : memref<1x400xi32, #tpu.memory_space<vmem>> -> memref<400xi32, #tpu.memory_space<vmem>>
        %dma_wait3A_134 = tpu.memref_slice %arg2[%add3A_59] : memref<204800xi32, #tpu.memory_space<hbm>> -> memref<400xi32, #tpu.memory_space<hbm>>
        tpu.wait_dma2 semaphore(%run_scoped3A_118 : memref<!tpu.dma_semaphore, #tpu.memory_space<semaphore_mem>>) src(%dma_wait3A_134 : memref<400xi32, #tpu.memory_space<hbm>>) dst(%dma_wait3A_133 : memref<400xi32, #tpu.memory_space<vmem>>)
        tpu.yield
      }) : () -> ()
      %dma_start3A_63 = arith.constant 1 : i32
      %dma_start3A_64 = arith.constant 0 : i32
      %dma_start3A_65 = tpu.memref_slice %arg6[%dma_start3A_63, %dma_start3A_64] : memref<2x400xi32, #tpu.memory_space<vmem>> -> memref<1x400xi32, #tpu.memory_space<vmem>>
      %dma_start3A_66 = tpu.memref_squeeze %dma_start3A_65 : memref<1x400xi32, #tpu.memory_space<vmem>> -> memref<400xi32, #tpu.memory_space<vmem>>
      %dma_start3A_67 = arith.constant 0 : i32
      %dma_start3A_68 = arith.constant 0 : i32
      %dma_start3A_69 = tpu.memref_slice %arg3[%dma_start3A_67, %dma_start3A_68] : memref<1000000x128xf32, #tpu.memory_space<hbm>> -> memref<1000000x128xf32, #tpu.memory_space<hbm>>
      tpu.enqueue_indirect_dma source(%dma_start3A_69 : memref<1000000x128xf32, #tpu.memory_space<hbm>>) target(%arg8 : memref<400x128xf32, #tpu.memory_space<vmem>>) offsets(%dma_start3A_66 : memref<400xi32, #tpu.memory_space<vmem>>) semaphore(%arg11 : memref<!tpu.dma_semaphore, #tpu.memory_space<semaphore_mem>>)
      %dma_wait3A_70 = arith.constant 0 : i32
      %dma_wait3A_71 = arith.constant 0 : i32
      %dma_wait3A_72 = tpu.memref_slice %arg3[%dma_wait3A_70, %dma_wait3A_71] : memref<1000000x128xf32, #tpu.memory_space<hbm>> -> memref<400x128xf32, #tpu.memory_space<hbm>>
      %dma_wait3A_73 = arith.constant 0 : i32
      %dma_wait3A_74 = arith.constant 0 : i32
      %dma_wait3A_75 = tpu.memref_slice %arg3[%dma_wait3A_73, %dma_wait3A_74] : memref<1000000x128xf32, #tpu.memory_space<hbm>> -> memref<400x128xf32, #tpu.memory_space<hbm>>
      tpu.wait_dma2 semaphore(%arg10 : memref<!tpu.dma_semaphore, #tpu.memory_space<semaphore_mem>>) src(%dma_wait3A_75 : memref<400x128xf32, #tpu.memory_space<hbm>>) dst(%arg7 : memref<400x128xf32, #tpu.memory_space<vmem>>)
      %scan3A_76 = arith.constant 0 : i32
      %scan3A_77 = arith.constant 0 : i32
      %scan3A_78 = arith.constant 400 : i32
      %scan3A_79 = arith.addi %scan3A_77, %scan3A_78 : i32
      %scan3A_80 = arith.constant 1 : i32
      scf.for %scan3A_118 = %scan3A_77 to %scan3A_79 step %scan3A_80  : i32 {
        %get3A_119 = arith.index_cast %scan3A_118 : i32 to index
        %get3A_120 = arith.constant 0 : index
        %get3A_121 = tpu.vector_load %arg7[%get3A_119, %get3A_120] {strides = array<i32>} : memref<400x128xf32, #tpu.memory_space<vmem>>, vector<1x16xf32>,
        %get3A_122 = vector.shape_cast %get3A_121 : vector<1x16xf32> to vector<16xf32>
        %mul3A_123 = arith.mulf %get3A_122, %get3A_6 : vector<16xf32>
        %add3A_124 = arith.addf %mul3A_123, %get3A_11 : vector<16xf32>
        %max3A = arith.constant -1.280000e+02 : f32
        %max3A_125 = vector.broadcast %max3A : f32 to vector<16xf32>
        %max3A_126 = arith.maximumf %add3A_124, %max3A_125 : vector<16xf32>
        %min3A = arith.constant 1.270000e+02 : f32
        %min3A_127 = vector.broadcast %min3A : f32 to vector<16xf32>
        %min3A_128 = arith.minimumf %max3A_126, %min3A_127 : vector<16xf32>
        %add3A_129 = arith.constant 0x4B400000 : f32
        %add3A_130 = vector.broadcast %add3A_129 : f32 to vector<16xf32>
        %add3A_131 = arith.addf %min3A_128, %add3A_130 : vector<16xf32>
        %sub3A = arith.constant 0x4B400000 : f32
        %sub3A_132 = vector.broadcast %sub3A : f32 to vector<16xf32>
        %sub3A_133 = arith.subf %add3A_131, %sub3A_132 : vector<16xf32>
        %mul3A_134 = arith.mulf %sub3A_133, %get3A_16 : vector<16xf32>
        %sub3A_135 = arith.subf %mul3A_134, %get3A_21 : vector<16xf32>
        %swap3A = arith.index_cast %scan3A_118 : i32 to index
        %swap3A_136 = arith.constant 0 : index
        %swap3A_137 = tpu.vector_load %arg7[%swap3A, %swap3A_136] {strides = array<i32>} : memref<400x128xf32, #tpu.memory_space<vmem>>, vector<1x16xf32>,
        %swap3A_138 = vector.shape_cast %swap3A_137 : vector<1x16xf32> to vector<16xf32>
        %swap3A_139 = vector.shape_cast %sub3A_135 : vector<16xf32> to vector<1x16xf32>
        tpu.vector_store %arg7[%swap3A, %swap3A_136], %swap3A_139 {strides = array<i32>} : memref<400x128xf32, #tpu.memory_space<vmem>>, vector<1x16xf32>,
        %get3A_140 = arith.index_cast %scan3A_118 : i32 to index
        %get3A_141 = arith.constant 16 : index
        %get3A_142 = tpu.vector_load %arg7[%get3A_140, %get3A_141] {strides = array<i32>} : memref<400x128xf32, #tpu.memory_space<vmem>>, vector<1x16xf32>,
        %get3A_143 = vector.shape_cast %get3A_142 : vector<1x16xf32> to vector<16xf32>
        %mul3A_144 = arith.mulf %get3A_143, %get3A_6 : vector<16xf32>
        %add3A_145 = arith.addf %mul3A_144, %get3A_11 : vector<16xf32>
        %max3A_146 = arith.constant -1.280000e+02 : f32
        %max3A_147 = vector.broadcast %max3A_146 : f32 to vector<16xf32>
        %max3A_148 = arith.maximumf %add3A_145, %max3A_147 : vector<16xf32>
        %min3A_149 = arith.constant 1.270000e+02 : f32
        %min3A_150 = vector.broadcast %min3A_149 : f32 to vector<16xf32>
        %min3A_151 = arith.minimumf %max3A_148, %min3A_150 : vector<16xf32>
        %add3A_152 = arith.constant 0x4B400000 : f32
        %add3A_153 = vector.broadcast %add3A_152 : f32 to vector<16xf32>
        %add3A_154 = arith.addf %min3A_151, %add3A_153 : vector<16xf32>
        %sub3A_155 = arith.constant 0x4B400000 : f32
        %sub3A_156 = vector.broadcast %sub3A_155 : f32 to vector<16xf32>
        %sub3A_157 = arith.subf %add3A_154, %sub3A_156 : vector<16xf32>
        %mul3A_158 = arith.mulf %sub3A_157, %get3A_16 : vector<16xf32>
        %sub3A_159 = arith.subf %mul3A_158, %get3A_21 : vector<16xf32>
        %swap3A_160 = arith.index_cast %scan3A_118 : i32 to index
        %swap3A_161 = arith.constant 16 : index
        %swap3A_162 = tpu.vector_load %arg7[%swap3A_160, %swap3A_161] {strides = array<i32>} : memref<400x128xf32, #tpu.memory_space<vmem>>, vector<1x16xf32>,
        %swap3A_163 = vector.shape_cast %swap3A_162 : vector<1x16xf32> to vector<16xf32>
        %swap3A_164 = vector.shape_cast %sub3A_159 : vector<16xf32> to vector<1x16xf32>
        tpu.vector_store %arg7[%swap3A_160, %swap3A_161], %swap3A_164 {strides = array<i32>} : memref<400x128xf32, #tpu.memory_space<vmem>>, vector<1x16xf32>,
        %get3A_165 = arith.index_cast %scan3A_118 : i32 to index
        %get3A_166 = arith.constant 32 : index
        %get3A_167 = tpu.vector_load %arg7[%get3A_165, %get3A_166] {strides = array<i32>} : memref<400x128xf32, #tpu.memory_space<vmem>>, vector<1x16xf32>,
        %get3A_168 = vector.shape_cast %get3A_167 : vector<1x16xf32> to vector<16xf32>
        %mul3A_169 = arith.mulf %get3A_168, %get3A_6 : vector<16xf32>
        %add3A_170 = arith.addf %mul3A_169, %get3A_11 : vector<16xf32>
        %max3A_171 = arith.constant -1.280000e+02 : f32
        %max3A_172 = vector.broadcast %max3A_171 : f32 to vector<16xf32>
        %max3A_173 = arith.maximumf %add3A_170, %max3A_172 : vector<16xf32>
        %min3A_174 = arith.constant 1.270000e+02 : f32
        %min3A_175 = vector.broadcast %min3A_174 : f32 to vector<16xf32>
        %min3A_176 = arith.minimumf %max3A_173, %min3A_175 : vector<16xf32>
        %add3A_177 = arith.constant 0x4B400000 : f32
        %add3A_178 = vector.broadcast %add3A_177 : f32 to vector<16xf32>
        %add3A_179 = arith.addf %min3A_176, %add3A_178 : vector<16xf32>
        %sub3A_180 = arith.constant 0x4B400000 : f32
        %sub3A_181 = vector.broadcast %sub3A_180 : f32 to vector<16xf32>
        %sub3A_182 = arith.subf %add3A_179, %sub3A_181 : vector<16xf32>
        %mul3A_183 = arith.mulf %sub3A_182, %get3A_16 : vector<16xf32>
        %sub3A_184 = arith.subf %mul3A_183, %get3A_21 : vector<16xf32>
        %swap3A_185 = arith.index_cast %scan3A_118 : i32 to index
        %swap3A_186 = arith.constant 32 : index
        %swap3A_187 = tpu.vector_load %arg7[%swap3A_185, %swap3A_186] {strides = array<i32>} : memref<400x128xf32, #tpu.memory_space<vmem>>, vector<1x16xf32>,
        %swap3A_188 = vector.shape_cast %swap3A_187 : vector<1x16xf32> to vector<16xf32>
        %swap3A_189 = vector.shape_cast %sub3A_184 : vector<16xf32> to vector<1x16xf32>
        tpu.vector_store %arg7[%swap3A_185, %swap3A_186], %swap3A_189 {strides = array<i32>} : memref<400x128xf32, #tpu.memory_space<vmem>>, vector<1x16xf32>,
        %get3A_190 = arith.index_cast %scan3A_118 : i32 to index
        %get3A_191 = arith.constant 48 : index
        %get3A_192 = tpu.vector_load %arg7[%get3A_190, %get3A_191] {strides = array<i32>} : memref<400x128xf32, #tpu.memory_space<vmem>>, vector<1x16xf32>,
        %get3A_193 = vector.shape_cast %get3A_192 : vector<1x16xf32> to vector<16xf32>
        %mul3A_194 = arith.mulf %get3A_193, %get3A_6 : vector<16xf32>
        %add3A_195 = arith.addf %mul3A_194, %get3A_11 : vector<16xf32>
        %max3A_196 = arith.constant -1.280000e+02 : f32
        %max3A_197 = vector.broadcast %max3A_196 : f32 to vector<16xf32>
        %max3A_198 = arith.maximumf %add3A_195, %max3A_197 : vector<16xf32>
        %min3A_199 = arith.constant 1.270000e+02 : f32
        %min3A_200 = vector.broadcast %min3A_199 : f32 to vector<16xf32>
        %min3A_201 = arith.minimumf %max3A_198, %min3A_200 : vector<16xf32>
        %add3A_202 = arith.constant 0x4B400000 : f32
        %add3A_203 = vector.broadcast %add3A_202 : f32 to vector<16xf32>
        %add3A_204 = arith.addf %min3A_201, %add3A_203 : vector<16xf32>
        %sub3A_205 = arith.constant 0x4B400000 : f32
        %sub3A_206 = vector.broadcast %sub3A_205 : f32 to vector<16xf32>
        %sub3A_207 = arith.subf %add3A_204, %sub3A_206 : vector<16xf32>
        %mul3A_208 = arith.mulf %sub3A_207, %get3A_16 : vector<16xf32>
        %sub3A_209 = arith.subf %mul3A_208, %get3A_21 : vector<16xf32>
        %swap3A_210 = arith.index_cast %scan3A_118 : i32 to index
        %swap3A_211 = arith.constant 48 : index
        %swap3A_212 = tpu.vector_load %arg7[%swap3A_210, %swap3A_211] {strides = array<i32>} : memref<400x128xf32, #tpu.memory_space<vmem>>, vector<1x16xf32>,
        %swap3A_213 = vector.shape_cast %swap3A_212 : vector<1x16xf32> to vector<16xf32>
        %swap3A_214 = vector.shape_cast %sub3A_209 : vector<16xf32> to vector<1x16xf32>
        tpu.vector_store %arg7[%swap3A_210, %swap3A_211], %swap3A_214 {strides = array<i32>} : memref<400x128xf32, #tpu.memory_space<vmem>>, vector<1x16xf32>,
      }
      %scan3A_81 = arith.constant 400 : i32
      %dma_start3A_82 = arith.constant 0 : i32
      %dma_start3A_83 = arith.constant 0 : i32
      %dma_start3A_84 = tpu.memref_slice %arg7[%dma_start3A_82, %dma_start3A_83] : memref<400x128xf32, #tpu.memory_space<vmem>> -> memref<400x64xf32, #tpu.memory_space<vmem>>
      %dma_start3A_85 = arith.constant 0 : i32
      %dma_start3A_86 = tpu.memref_slice %arg5[%add3A_57, %dma_start3A_85] : memref<204800x64xf32, #tpu.memory_space<hbm>> -> memref<400x64xf32, #tpu.memory_space<hbm>>
      %dma_start3A_87 = arith.constant 0 : i32
      %dma_start3A_88 = tpu.memref_slice %arg5[%add3A_57, %dma_start3A_87] : memref<204800x64xf32, #tpu.memory_space<hbm>> -> memref<400x64xf32, #tpu.memory_space<hbm>>
      %dma_start3A_89 = arith.constant 0 : i32
      %dma_start3A_90 = arith.constant 0 : i32
      %dma_start3A_91 = tpu.memref_slice %arg7[%dma_start3A_89, %dma_start3A_90] : memref<400x128xf32, #tpu.memory_space<vmem>> -> memref<400x64xf32, #tpu.memory_space<vmem>>
      tpu.enqueue_dma source(%dma_start3A_91 : memref<400x64xf32, #tpu.memory_space<vmem>>) target(%dma_start3A_88 : memref<400x64xf32, #tpu.memory_space<hbm>>) target_semaphore(%arg12 : memref<!tpu.dma_semaphore, #tpu.memory_space<semaphore_mem>>)
      %lt3A = arith.constant 7 : i32
      %lt3A_92 = arith.cmpi slt, %scan3A_52, %lt3A : i32
      %convert_element_type3A_93 = arith.extui %lt3A_92 : i1 to i32
      %cond3A_94 = arith.constant 0 : i32
      %cond3A_95 = arith.cmpi ne, %convert_element_type3A_93, %cond3A_94 : i32
      scf.if %cond3A_95 {
        %dma_wait3A_118 = arith.constant 0 : i32
        %dma_wait3A_119 = arith.constant 0 : i32
        %dma_wait3A_120 = tpu.memref_slice %arg7[%dma_wait3A_118, %dma_wait3A_119] : memref<400x128xf32, #tpu.memory_space<vmem>> -> memref<400x64xf32, #tpu.memory_space<vmem>>
        %dma_wait3A_121 = arith.constant 0 : i32
        %dma_wait3A_122 = tpu.memref_slice %arg5[%mul3A_2, %dma_wait3A_121] : memref<204800x64xf32, #tpu.memory_space<hbm>> -> memref<400x64xf32, #tpu.memory_space<hbm>>
        %dma_wait3A_123 = arith.constant 0 : i32
        %dma_wait3A_124 = tpu.memref_slice %arg5[%mul3A_2, %dma_wait3A_123] : memref<204800x64xf32, #tpu.memory_space<hbm>> -> memref<400x64xf32, #tpu.memory_space<hbm>>
        %dma_wait3A_125 = arith.constant 0 : i32
        %dma_wait3A_126 = arith.constant 0 : i32
        %dma_wait3A_127 = tpu.memref_slice %arg7[%dma_wait3A_125, %dma_wait3A_126] : memref<400x128xf32, #tpu.memory_space<vmem>> -> memref<400x64xf32, #tpu.memory_space<vmem>>
        tpu.wait_dma2 semaphore(%arg12 : memref<!tpu.dma_semaphore, #tpu.memory_space<semaphore_mem>>) src(%dma_wait3A_127 : memref<400x64xf32, #tpu.memory_space<vmem>>) dst(%dma_wait3A_124 : memref<400x64xf32, #tpu.memory_space<hbm>>)
        %add3A_128 = arith.constant 800 : i32
        %add3A_129 = arith.addi %add3A_57, %add3A_128 : i32
        %run_scoped3A_130 = arith.constant 0 : i32
        "tpu.region"() ({
          %run_scoped3A_138 = tpu.sem_alloc : memref<!tpu.dma_semaphore, #tpu.memory_space<semaphore_mem>>
          %dma_start3A_139 = arith.constant 0 : i32
          %dma_start3A_140 = tpu.memref_slice %arg6[%run_scoped3A_130, %dma_start3A_139] : memref<2x400xi32, #tpu.memory_space<vmem>> -> memref<1x400xi32, #tpu.memory_space<vmem>>
          %dma_start3A_141 = tpu.memref_squeeze %dma_start3A_140 : memref<1x400xi32, #tpu.memory_space<vmem>> -> memref<400xi32, #tpu.memory_space<vmem>>
          %dma_start3A_142 = tpu.memref_slice %arg2[%add3A_129] : memref<204800xi32, #tpu.memory_space<hbm>> -> memref<400xi32, #tpu.memory_space<hbm>>
          %dma_start3A_143 = arith.constant 0 : i32
          %dma_start3A_144 = tpu.memref_slice %arg6[%run_scoped3A_130, %dma_start3A_143] : memref<2x400xi32, #tpu.memory_space<vmem>> -> memref<1x400xi32, #tpu.memory_space<vmem>>
          %dma_start3A_145 = tpu.memref_squeeze %dma_start3A_144 : memref<1x400xi32, #tpu.memory_space<vmem>> -> memref<400xi32, #tpu.memory_space<vmem>>
          %dma_start3A_146 = tpu.memref_slice %arg2[%add3A_129] : memref<204800xi32, #tpu.memory_space<hbm>> -> memref<400xi32, #tpu.memory_space<hbm>>
          tpu.enqueue_dma source(%dma_start3A_146 : memref<400xi32, #tpu.memory_space<hbm>>) target(%dma_start3A_145 : memref<400xi32, #tpu.memory_space<vmem>>) target_semaphore(%run_scoped3A_138 : memref<!tpu.dma_semaphore, #tpu.memory_space<semaphore_mem>>)
          %dma_wait3A_147 = arith.constant 0 : i32
          %dma_wait3A_148 = tpu.memref_slice %arg6[%run_scoped3A_130, %dma_wait3A_147] : memref<2x400xi32, #tpu.memory_space<vmem>> -> memref<1x400xi32, #tpu.memory_space<vmem>>
          %dma_wait3A_149 = tpu.memref_squeeze %dma_wait3A_148 : memref<1x400xi32, #tpu.memory_space<vmem>> -> memref<400xi32, #tpu.memory_space<vmem>>
          %dma_wait3A_150 = tpu.memref_slice %arg2[%add3A_129] : memref<204800xi32, #tpu.memory_space<hbm>> -> memref<400xi32, #tpu.memory_space<hbm>>
          %dma_wait3A_151 = arith.constant 0 : i32
          %dma_wait3A_152 = tpu.memref_slice %arg6[%run_scoped3A_130, %dma_wait3A_151] : memref<2x400xi32, #tpu.memory_space<vmem>> -> memref<1x400xi32, #tpu.memory_space<vmem>>
          %dma_wait3A_153 = tpu.memref_squeeze %dma_wait3A_152 : memref<1x400xi32, #tpu.memory_space<vmem>> -> memref<400xi32, #tpu.memory_space<vmem>>
          %dma_wait3A_154 = tpu.memref_slice %arg2[%add3A_129] : memref<204800xi32, #tpu.memory_space<hbm>> -> memref<400xi32, #tpu.memory_space<hbm>>
          tpu.wait_dma2 semaphore(%run_scoped3A_138 : memref<!tpu.dma_semaphore, #tpu.memory_space<semaphore_mem>>) src(%dma_wait3A_154 : memref<400xi32, #tpu.memory_space<hbm>>) dst(%dma_wait3A_153 : memref<400xi32, #tpu.memory_space<vmem>>)
          tpu.yield
        }) : () -> ()
        %dma_start3A_131 = arith.constant 0 : i32
        %dma_start3A_132 = arith.constant 0 : i32
        %dma_start3A_133 = tpu.memref_slice %arg6[%dma_start3A_131, %dma_start3A_132] : memref<2x400xi32, #tpu.memory_space<vmem>> -> memref<1x400xi32, #tpu.memory_space<vmem>>
        %dma_start3A_134 = tpu.memref_squeeze %dma_start3A_133 : memref<1x400xi32, #tpu.memory_space<vmem>> -> memref<400xi32, #tpu.memory_space<vmem>>
        %dma_start3A_135 = arith.constant 0 : i32
        %dma_start3A_136 = arith.constant 0 : i32
        %dma_start3A_137 = tpu.memref_slice %arg3[%dma_start3A_135, %dma_start3A_136] : memref<1000000x128xf32, #tpu.memory_space<hbm>> -> memref<1000000x128xf32, #tpu.memory_space<hbm>>
        tpu.enqueue_indirect_dma source(%dma_start3A_137 : memref<1000000x128xf32, #tpu.memory_space<hbm>>) target(%arg7 : memref<400x128xf32, #tpu.memory_space<vmem>>) offsets(%dma_start3A_134 : memref<400xi32, #tpu.memory_space<vmem>>) semaphore(%arg10 : memref<!tpu.dma_semaphore, #tpu.memory_space<semaphore_mem>>)
      } else {
      }
      %dma_wait3A_96 = arith.constant 0 : i32
      %dma_wait3A_97 = arith.constant 0 : i32
      %dma_wait3A_98 = tpu.memref_slice %arg3[%dma_wait3A_96, %dma_wait3A_97] : memref<1000000x128xf32, #tpu.memory_space<hbm>> -> memref<400x128xf32, #tpu.memory_space<hbm>>
      %dma_wait3A_99 = arith.constant 0 : i32
      %dma_wait3A_100 = arith.constant 0 : i32
      %dma_wait3A_101 = tpu.memref_slice %arg3[%dma_wait3A_99, %dma_wait3A_100] : memref<1000000x128xf32, #tpu.memory_space<hbm>> -> memref<400x128xf32, #tpu.memory_space<hbm>>
      tpu.wait_dma2 semaphore(%arg11 : memref<!tpu.dma_semaphore, #tpu.memory_space<semaphore_mem>>) src(%dma_wait3A_101 : memref<400x128xf32, #tpu.memory_space<hbm>>) dst(%arg8 : memref<400x128xf32, #tpu.memory_space<vmem>>)
      %scan3A_102 = arith.constant 0 : i32
      %scan3A_103 = arith.constant 0 : i32
      %scan3A_104 = arith.constant 400 : i32
      %scan3A_105 = arith.addi %scan3A_103, %scan3A_104 : i32
      %scan3A_106 = arith.constant 1 : i32
      scf.for %scan3A_118 = %scan3A_103 to %scan3A_105 step %scan3A_106  : i32 {
        %get3A_119 = arith.index_cast %scan3A_118 : i32 to index
        %get3A_120 = arith.constant 0 : index
        %get3A_121 = tpu.vector_load %arg8[%get3A_119, %get3A_120] {strides = array<i32>} : memref<400x128xf32, #tpu.memory_space<vmem>>, vector<1x16xf32>,
        %get3A_122 = vector.shape_cast %get3A_121 : vector<1x16xf32> to vector<16xf32>
        %mul3A_123 = arith.mulf %get3A_122, %get3A_6 : vector<16xf32>
        %add3A_124 = arith.addf %mul3A_123, %get3A_11 : vector<16xf32>
        %max3A = arith.constant -1.280000e+02 : f32
        %max3A_125 = vector.broadcast %max3A : f32 to vector<16xf32>
        %max3A_126 = arith.maximumf %add3A_124, %max3A_125 : vector<16xf32>
        %min3A = arith.constant 1.270000e+02 : f32
        %min3A_127 = vector.broadcast %min3A : f32 to vector<16xf32>
        %min3A_128 = arith.minimumf %max3A_126, %min3A_127 : vector<16xf32>
        %add3A_129 = arith.constant 0x4B400000 : f32
        %add3A_130 = vector.broadcast %add3A_129 : f32 to vector<16xf32>
        %add3A_131 = arith.addf %min3A_128, %add3A_130 : vector<16xf32>
        %sub3A = arith.constant 0x4B400000 : f32
        %sub3A_132 = vector.broadcast %sub3A : f32 to vector<16xf32>
        %sub3A_133 = arith.subf %add3A_131, %sub3A_132 : vector<16xf32>
        %mul3A_134 = arith.mulf %sub3A_133, %get3A_16 : vector<16xf32>
        %sub3A_135 = arith.subf %mul3A_134, %get3A_21 : vector<16xf32>
        %swap3A = arith.index_cast %scan3A_118 : i32 to index
        %swap3A_136 = arith.constant 0 : index
        %swap3A_137 = tpu.vector_load %arg8[%swap3A, %swap3A_136] {strides = array<i32>} : memref<400x128xf32, #tpu.memory_space<vmem>>, vector<1x16xf32>,
        %swap3A_138 = vector.shape_cast %swap3A_137 : vector<1x16xf32> to vector<16xf32>
        %swap3A_139 = vector.shape_cast %sub3A_135 : vector<16xf32> to vector<1x16xf32>
        tpu.vector_store %arg8[%swap3A, %swap3A_136], %swap3A_139 {strides = array<i32>} : memref<400x128xf32, #tpu.memory_space<vmem>>, vector<1x16xf32>,
        %get3A_140 = arith.index_cast %scan3A_118 : i32 to index
        %get3A_141 = arith.constant 16 : index
        %get3A_142 = tpu.vector_load %arg8[%get3A_140, %get3A_141] {strides = array<i32>} : memref<400x128xf32, #tpu.memory_space<vmem>>, vector<1x16xf32>,
        %get3A_143 = vector.shape_cast %get3A_142 : vector<1x16xf32> to vector<16xf32>
        %mul3A_144 = arith.mulf %get3A_143, %get3A_6 : vector<16xf32>
        %add3A_145 = arith.addf %mul3A_144, %get3A_11 : vector<16xf32>
        %max3A_146 = arith.constant -1.280000e+02 : f32
        %max3A_147 = vector.broadcast %max3A_146 : f32 to vector<16xf32>
        %max3A_148 = arith.maximumf %add3A_145, %max3A_147 : vector<16xf32>
        %min3A_149 = arith.constant 1.270000e+02 : f32
        %min3A_150 = vector.broadcast %min3A_149 : f32 to vector<16xf32>
        %min3A_151 = arith.minimumf %max3A_148, %min3A_150 : vector<16xf32>
        %add3A_152 = arith.constant 0x4B400000 : f32
        %add3A_153 = vector.broadcast %add3A_152 : f32 to vector<16xf32>
        %add3A_154 = arith.addf %min3A_151, %add3A_153 : vector<16xf32>
        %sub3A_155 = arith.constant 0x4B400000 : f32
        %sub3A_156 = vector.broadcast %sub3A_155 : f32 to vector<16xf32>
        %sub3A_157 = arith.subf %add3A_154, %sub3A_156 : vector<16xf32>
        %mul3A_158 = arith.mulf %sub3A_157, %get3A_16 : vector<16xf32>
        %sub3A_159 = arith.subf %mul3A_158, %get3A_21 : vector<16xf32>
        %swap3A_160 = arith.index_cast %scan3A_118 : i32 to index
        %swap3A_161 = arith.constant 16 : index
        %swap3A_162 = tpu.vector_load %arg8[%swap3A_160, %swap3A_161] {strides = array<i32>} : memref<400x128xf32, #tpu.memory_space<vmem>>, vector<1x16xf32>,
        %swap3A_163 = vector.shape_cast %swap3A_162 : vector<1x16xf32> to vector<16xf32>
        %swap3A_164 = vector.shape_cast %sub3A_159 : vector<16xf32> to vector<1x16xf32>
        tpu.vector_store %arg8[%swap3A_160, %swap3A_161], %swap3A_164 {strides = array<i32>} : memref<400x128xf32, #tpu.memory_space<vmem>>, vector<1x16xf32>,
        %get3A_165 = arith.index_cast %scan3A_118 : i32 to index
        %get3A_166 = arith.constant 32 : index
        %get3A_167 = tpu.vector_load %arg8[%get3A_165, %get3A_166] {strides = array<i32>} : memref<400x128xf32, #tpu.memory_space<vmem>>, vector<1x16xf32>,
        %get3A_168 = vector.shape_cast %get3A_167 : vector<1x16xf32> to vector<16xf32>
        %mul3A_169 = arith.mulf %get3A_168, %get3A_6 : vector<16xf32>
        %add3A_170 = arith.addf %mul3A_169, %get3A_11 : vector<16xf32>
        %max3A_171 = arith.constant -1.280000e+02 : f32
        %max3A_172 = vector.broadcast %max3A_171 : f32 to vector<16xf32>
        %max3A_173 = arith.maximumf %add3A_170, %max3A_172 : vector<16xf32>
        %min3A_174 = arith.constant 1.270000e+02 : f32
        %min3A_175 = vector.broadcast %min3A_174 : f32 to vector<16xf32>
        %min3A_176 = arith.minimumf %max3A_173, %min3A_175 : vector<16xf32>
        %add3A_177 = arith.constant 0x4B400000 : f32
        %add3A_178 = vector.broadcast %add3A_177 : f32 to vector<16xf32>
        %add3A_179 = arith.addf %min3A_176, %add3A_178 : vector<16xf32>
        %sub3A_180 = arith.constant 0x4B400000 : f32
        %sub3A_181 = vector.broadcast %sub3A_180 : f32 to vector<16xf32>
        %sub3A_182 = arith.subf %add3A_179, %sub3A_181 : vector<16xf32>
        %mul3A_183 = arith.mulf %sub3A_182, %get3A_16 : vector<16xf32>
        %sub3A_184 = arith.subf %mul3A_183, %get3A_21 : vector<16xf32>
        %swap3A_185 = arith.index_cast %scan3A_118 : i32 to index
        %swap3A_186 = arith.constant 32 : index
        %swap3A_187 = tpu.vector_load %arg8[%swap3A_185, %swap3A_186] {strides = array<i32>} : memref<400x128xf32, #tpu.memory_space<vmem>>, vector<1x16xf32>,
        %swap3A_188 = vector.shape_cast %swap3A_187 : vector<1x16xf32> to vector<16xf32>
        %swap3A_189 = vector.shape_cast %sub3A_184 : vector<16xf32> to vector<1x16xf32>
        tpu.vector_store %arg8[%swap3A_185, %swap3A_186], %swap3A_189 {strides = array<i32>} : memref<400x128xf32, #tpu.memory_space<vmem>>, vector<1x16xf32>,
        %get3A_190 = arith.index_cast %scan3A_118 : i32 to index
        %get3A_191 = arith.constant 48 : index
        %get3A_192 = tpu.vector_load %arg8[%get3A_190, %get3A_191] {strides = array<i32>} : memref<400x128xf32, #tpu.memory_space<vmem>>, vector<1x16xf32>,
        %get3A_193 = vector.shape_cast %get3A_192 : vector<1x16xf32> to vector<16xf32>
        %mul3A_194 = arith.mulf %get3A_193, %get3A_6 : vector<16xf32>
        %add3A_195 = arith.addf %mul3A_194, %get3A_11 : vector<16xf32>
        %max3A_196 = arith.constant -1.280000e+02 : f32
        %max3A_197 = vector.broadcast %max3A_196 : f32 to vector<16xf32>
        %max3A_198 = arith.maximumf %add3A_195, %max3A_197 : vector<16xf32>
        %min3A_199 = arith.constant 1.270000e+02 : f32
        %min3A_200 = vector.broadcast %min3A_199 : f32 to vector<16xf32>
        %min3A_201 = arith.minimumf %max3A_198, %min3A_200 : vector<16xf32>
        %add3A_202 = arith.constant 0x4B400000 : f32
        %add3A_203 = vector.broadcast %add3A_202 : f32 to vector<16xf32>
        %add3A_204 = arith.addf %min3A_201, %add3A_203 : vector<16xf32>
        %sub3A_205 = arith.constant 0x4B400000 : f32
        %sub3A_206 = vector.broadcast %sub3A_205 : f32 to vector<16xf32>
        %sub3A_207 = arith.subf %add3A_204, %sub3A_206 : vector<16xf32>
        %mul3A_208 = arith.mulf %sub3A_207, %get3A_16 : vector<16xf32>
        %sub3A_209 = arith.subf %mul3A_208, %get3A_21 : vector<16xf32>
        %swap3A_210 = arith.index_cast %scan3A_118 : i32 to index
        %swap3A_211 = arith.constant 48 : index
        %swap3A_212 = tpu.vector_load %arg8[%swap3A_210, %swap3A_211] {strides = array<i32>} : memref<400x128xf32, #tpu.memory_space<vmem>>, vector<1x16xf32>,
        %swap3A_213 = vector.shape_cast %swap3A_212 : vector<1x16xf32> to vector<16xf32>
        %swap3A_214 = vector.shape_cast %sub3A_209 : vector<16xf32> to vector<1x16xf32>
        tpu.vector_store %arg8[%swap3A_210, %swap3A_211], %swap3A_214 {strides = array<i32>} : memref<400x128xf32, #tpu.memory_space<vmem>>, vector<1x16xf32>,
      }
      %scan3A_107 = arith.constant 400 : i32
      %dma_start3A_108 = arith.constant 0 : i32
      %dma_start3A_109 = arith.constant 0 : i32
      %dma_start3A_110 = tpu.memref_slice %arg8[%dma_start3A_108, %dma_start3A_109] : memref<400x128xf32, #tpu.memory_space<vmem>> -> memref<400x64xf32, #tpu.memory_space<vmem>>
      %dma_start3A_111 = arith.constant 0 : i32
      %dma_start3A_112 = tpu.memref_slice %arg5[%add3A_59, %dma_start3A_111] : memref<204800x64xf32, #tpu.memory_space<hbm>> -> memref<400x64xf32, #tpu.memory_space<hbm>>
      %dma_start3A_113 = arith.constant 0 : i32
      %dma_start3A_114 = tpu.memref_slice %arg5[%add3A_59, %dma_start3A_113] : memref<204800x64xf32, #tpu.memory_space<hbm>> -> memref<400x64xf32, #tpu.memory_space<hbm>>
      %dma_start3A_115 = arith.constant 0 : i32
      %dma_start3A_116 = arith.constant 0 : i32
      %dma_start3A_117 = tpu.memref_slice %arg8[%dma_start3A_115, %dma_start3A_116] : memref<400x128xf32, #tpu.memory_space<vmem>> -> memref<400x64xf32, #tpu.memory_space<vmem>>
      tpu.enqueue_dma source(%dma_start3A_117 : memref<400x64xf32, #tpu.memory_space<vmem>>) target(%dma_start3A_114 : memref<400x64xf32, #tpu.memory_space<hbm>>) target_semaphore(%arg13 : memref<!tpu.dma_semaphore, #tpu.memory_space<semaphore_mem>>)
    }
    %scan3A_32 = arith.constant 8 : i32
    %dma_wait3A = arith.constant 0 : i32
    %dma_wait3A_33 = arith.constant 0 : i32
    %dma_wait3A_34 = tpu.memref_slice %arg7[%dma_wait3A, %dma_wait3A_33] : memref<400x128xf32, #tpu.memory_space<vmem>> -> memref<400x64xf32, #tpu.memory_space<vmem>>
    %dma_wait3A_35 = arith.constant 0 : i32
    %dma_wait3A_36 = tpu.memref_slice %arg5[%mul3A_2, %dma_wait3A_35] : memref<204800x64xf32, #tpu.memory_space<hbm>> -> memref<400x64xf32, #tpu.memory_space<hbm>>
    %dma_wait3A_37 = arith.constant 0 : i32
    %dma_wait3A_38 = tpu.memref_slice %arg5[%mul3A_2, %dma_wait3A_37] : memref<204800x64xf32, #tpu.memory_space<hbm>> -> memref<400x64xf32, #tpu.memory_space<hbm>>
    %dma_wait3A_39 = arith.constant 0 : i32
    %dma_wait3A_40 = arith.constant 0 : i32
    %dma_wait3A_41 = tpu.memref_slice %arg7[%dma_wait3A_39, %dma_wait3A_40] : memref<400x128xf32, #tpu.memory_space<vmem>> -> memref<400x64xf32, #tpu.memory_space<vmem>>
    tpu.wait_dma2 semaphore(%arg12 : memref<!tpu.dma_semaphore, #tpu.memory_space<semaphore_mem>>) src(%dma_wait3A_41 : memref<400x64xf32, #tpu.memory_space<vmem>>) dst(%dma_wait3A_38 : memref<400x64xf32, #tpu.memory_space<hbm>>)
    %dma_wait3A_42 = arith.constant 0 : i32
    %dma_wait3A_43 = arith.constant 0 : i32
    %dma_wait3A_44 = tpu.memref_slice %arg8[%dma_wait3A_42, %dma_wait3A_43] : memref<400x128xf32, #tpu.memory_space<vmem>> -> memref<400x64xf32, #tpu.memory_space<vmem>>
    %dma_wait3A_45 = arith.constant 0 : i32
    %dma_wait3A_46 = tpu.memref_slice %arg5[%mul3A_2, %dma_wait3A_45] : memref<204800x64xf32, #tpu.memory_space<hbm>> -> memref<400x64xf32, #tpu.memory_space<hbm>>
    %dma_wait3A_47 = arith.constant 0 : i32
    %dma_wait3A_48 = tpu.memref_slice %arg5[%mul3A_2, %dma_wait3A_47] : memref<204800x64xf32, #tpu.memory_space<hbm>> -> memref<400x64xf32, #tpu.memory_space<hbm>>
    %dma_wait3A_49 = arith.constant 0 : i32
    %dma_wait3A_50 = arith.constant 0 : i32
    %dma_wait3A_51 = tpu.memref_slice %arg8[%dma_wait3A_49, %dma_wait3A_50] : memref<400x128xf32, #tpu.memory_space<vmem>> -> memref<400x64xf32, #tpu.memory_space<vmem>>
    tpu.wait_dma2 semaphore(%arg13 : memref<!tpu.dma_semaphore, #tpu.memory_space<semaphore_mem>>) src(%dma_wait3A_51 : memref<400x64xf32, #tpu.memory_space<vmem>>) dst(%dma_wait3A_48 : memref<400x64xf32, #tpu.memory_space<hbm>>)
    return
  }
}

#map = affine_map<(d0, d1) -> (0)>
#map1 = affine_map<(d0, d1) -> (0, 0)>
module attributes {stable_mosaic.version = 14 : i64} {
  func.func @gather_dequant(%arg0: i32, %arg1: i32, %arg2: memref<204800xi32, #tpu.memory_space<hbm>>, %arg3: memref<1000000x128xf32, #tpu.memory_space<hbm>>, %arg4: memref<4x16xf32, #tpu.memory_space<hbm>>, %arg5: memref<204800x64xf32, #tpu.memory_space<hbm>>, %arg6: memref<2x400xi32, #tpu.memory_space<vmem>>, %arg7: memref<400x128xf32, #tpu.memory_space<vmem>>, %arg8: memref<400x128xf32, #tpu.memory_space<vmem>>, %arg9: memref<4x16xf32, #tpu.memory_space<vmem>>, %arg10: memref<!tpu.dma_semaphore, #tpu.memory_space<semaphore_mem>>, %arg11: memref<!tpu.dma_semaphore, #tpu.memory_space<semaphore_mem>>, %arg12: memref<!tpu.dma_semaphore, #tpu.memory_space<semaphore_mem>>, %arg13: memref<!tpu.dma_semaphore, #tpu.memory_space<semaphore_mem>>) attributes {dimension_semantics = [#tpu.dimension_semantics<core_parallel>, #tpu.dimension_semantics<subcore_parallel>], iteration_bounds = array<i64: 2, 16>, scalar_prefetch = 0 : i64, scratch_operands = 8 : i64, tpu.core_type = #tpu.core_type<sc_vector_subcore>, window_params = [{transform_indices = #map}, {transform_indices = #map1}, {transform_indices = #map1}, {transform_indices = #map1}]} {
    %mul3A = arith.constant 2 : i32
    %mul3A_0 = arith.muli %arg1, %mul3A : i32
    %add3A = arith.addi %mul3A_0, %arg0 : i32
    %mul3A_1 = arith.constant 6400 : i32
    %mul3A_2 = arith.muli %add3A, %mul3A_1 : i32
    "tpu.region"() ({
      %run_scoped3A_52 = tpu.sem_alloc : memref<!tpu.dma_semaphore, #tpu.memory_space<semaphore_mem>>
      tpu.enqueue_dma source(%arg4 : memref<4x16xf32, #tpu.memory_space<hbm>>) target(%arg9 : memref<4x16xf32, #tpu.memory_space<vmem>>) target_semaphore(%run_scoped3A_52 : memref<!tpu.dma_semaphore, #tpu.memory_space<semaphore_mem>>)
      tpu.wait_dma2 semaphore(%run_scoped3A_52 : memref<!tpu.dma_semaphore, #tpu.memory_space<semaphore_mem>>) src(%arg4 : memref<4x16xf32, #tpu.memory_space<hbm>>) dst(%arg9 : memref<4x16xf32, #tpu.memory_space<vmem>>)
      tpu.yield
    }) : () -> ()
    %get3A = arith.constant 0 : i32
    %get3A_3 = arith.index_cast %get3A : i32 to index
    %get3A_4 = arith.constant 0 : index
    %get3A_5 = tpu.vector_load %arg9[%get3A_3, %get3A_4] {strides = array<i32>} : memref<4x16xf32, #tpu.memory_space<vmem>>, vector<1x16xf32>,
    %get3A_6 = vector.shape_cast %get3A_5 : vector<1x16xf32> to vector<16xf32>
    %get3A_7 = arith.constant 1 : i32
    %get3A_8 = arith.index_cast %get3A_7 : i32 to index
    %get3A_9 = arith.constant 0 : index
    %get3A_10 = tpu.vector_load %arg9[%get3A_8, %get3A_9] {strides = array<i32>} : memref<4x16xf32, #tpu.memory_space<vmem>>, vector<1x16xf32>,
    %get3A_11 = vector.shape_cast %get3A_10 : vector<1x16xf32> to vector<16xf32>
    %get3A_12 = arith.constant 2 : i32
    %get3A_13 = arith.index_cast %get3A_12 : i32 to index
    %get3A_14 = arith.constant 0 : index
    %get3A_15 = tpu.vector_load %arg9[%get3A_13, %get3A_14] {strides = array<i32>} : memref<4x16xf32, #tpu.memory_space<vmem>>, vector<1x16xf32>,
    %get3A_16 = vector.shape_cast %get3A_15 : vector<1x16xf32> to vector<16xf32>
    %get3A_17 = arith.constant 3 : i32
    %get3A_18 = arith.index_cast %get3A_17 : i32 to index
    %get3A_19 = arith.constant 0 : index
    %get3A_20 = tpu.vector_load %arg9[%get3A_18, %get3A_19] {strides = array<i32>} : memref<4x16xf32, #tpu.memory_space<vmem>>, vector<1x16xf32>,
    %get3A_21 = vector.shape_cast %get3A_20 : vector<1x16xf32> to vector<16xf32>
    %run_scoped3A = arith.constant 0 : i32
    "tpu.region"() ({
      %run_scoped3A_52 = tpu.sem_alloc : memref<!tpu.dma_semaphore, #tpu.memory_space<semaphore_mem>>
      %dma_start3A_53 = arith.constant 0 : i32
      %dma_start3A_54 = tpu.memref_slice %arg6[%run_scoped3A, %dma_start3A_53] : memref<2x400xi32, #tpu.memory_space<vmem>> -> memref<1x400xi32, #tpu.memory_space<vmem>>
      %dma_start3A_55 = tpu.memref_squeeze %dma_start3A_54 : memref<1x400xi32, #tpu.memory_space<vmem>> -> memref<400xi32, #tpu.memory_space<vmem>>
      %dma_start3A_56 = tpu.memref_slice %arg2[%mul3A_2] : memref<204800xi32, #tpu.memory_space<hbm>> -> memref<400xi32, #tpu.memory_space<hbm>>
      %dma_start3A_57 = arith.constant 0 : i32
      %dma_start3A_58 = tpu.memref_slice %arg6[%run_scoped3A, %dma_start3A_57] : memref<2x400xi32, #tpu.memory_space<vmem>> -> memref<1x400xi32, #tpu.memory_space<vmem>>
      %dma_start3A_59 = tpu.memref_squeeze %dma_start3A_58 : memref<1x400xi32, #tpu.memory_space<vmem>> -> memref<400xi32, #tpu.memory_space<vmem>>
      %dma_start3A_60 = tpu.memref_slice %arg2[%mul3A_2] : memref<204800xi32, #tpu.memory_space<hbm>> -> memref<400xi32, #tpu.memory_space<hbm>>
      tpu.enqueue_dma source(%dma_start3A_60 : memref<400xi32, #tpu.memory_space<hbm>>) target(%dma_start3A_59 : memref<400xi32, #tpu.memory_space<vmem>>) target_semaphore(%run_scoped3A_52 : memref<!tpu.dma_semaphore, #tpu.memory_space<semaphore_mem>>)
      %dma_wait3A_61 = arith.constant 0 : i32
      %dma_wait3A_62 = tpu.memref_slice %arg6[%run_scoped3A, %dma_wait3A_61] : memref<2x400xi32, #tpu.memory_space<vmem>> -> memref<1x400xi32, #tpu.memory_space<vmem>>
      %dma_wait3A_63 = tpu.memref_squeeze %dma_wait3A_62 : memref<1x400xi32, #tpu.memory_space<vmem>> -> memref<400xi32, #tpu.memory_space<vmem>>
      %dma_wait3A_64 = tpu.memref_slice %arg2[%mul3A_2] : memref<204800xi32, #tpu.memory_space<hbm>> -> memref<400xi32, #tpu.memory_space<hbm>>
      %dma_wait3A_65 = arith.constant 0 : i32
      %dma_wait3A_66 = tpu.memref_slice %arg6[%run_scoped3A, %dma_wait3A_65] : memref<2x400xi32, #tpu.memory_space<vmem>> -> memref<1x400xi32, #tpu.memory_space<vmem>>
      %dma_wait3A_67 = tpu.memref_squeeze %dma_wait3A_66 : memref<1x400xi32, #tpu.memory_space<vmem>> -> memref<400xi32, #tpu.memory_space<vmem>>
      %dma_wait3A_68 = tpu.memref_slice %arg2[%mul3A_2] : memref<204800xi32, #tpu.memory_space<hbm>> -> memref<400xi32, #tpu.memory_space<hbm>>
      tpu.wait_dma2 semaphore(%run_scoped3A_52 : memref<!tpu.dma_semaphore, #tpu.memory_space<semaphore_mem>>) src(%dma_wait3A_68 : memref<400xi32, #tpu.memory_space<hbm>>) dst(%dma_wait3A_67 : memref<400xi32, #tpu.memory_space<vmem>>)
      tpu.yield
    }) : () -> ()
    %dma_start3A = arith.constant 0 : i32
    %dma_start3A_22 = arith.constant 0 : i32
    %dma_start3A_23 = tpu.memref_slice %arg6[%dma_start3A, %dma_start3A_22] : memref<2x400xi32, #tpu.memory_space<vmem>> -> memref<1x400xi32, #tpu.memory_space<vmem>>
    %dma_start3A_24 = tpu.memref_squeeze %dma_start3A_23 : memref<1x400xi32, #tpu.memory_space<vmem>> -> memref<400xi32, #tpu.memory_space<vmem>>
    %dma_start3A_25 = arith.constant 0 : i32
    %dma_start3A_26 = arith.constant 0 : i32
    %dma_start3A_27 = tpu.memref_slice %arg3[%dma_start3A_25, %dma_start3A_26] : memref<1000000x128xf32, #tpu.memory_space<hbm>> -> memref<1000000x128xf32, #tpu.memory_space<hbm>>
    tpu.enqueue_indirect_dma source(%dma_start3A_27 : memref<1000000x128xf32, #tpu.memory_space<hbm>>) target(%arg7 : memref<400x128xf32, #tpu.memory_space<vmem>>) offsets(%dma_start3A_24 : memref<400xi32, #tpu.memory_space<vmem>>) semaphore(%arg10 : memref<!tpu.dma_semaphore, #tpu.memory_space<semaphore_mem>>)
    %scan3A = arith.constant 0 : i32
    %scan3A_28 = arith.constant 0 : i32
    %scan3A_29 = arith.constant 8 : i32
    %scan3A_30 = arith.addi %scan3A_28, %scan3A_29 : i32
    %scan3A_31 = arith.constant 1 : i32
    scf.for %scan3A_52 = %scan3A_28 to %scan3A_30 step %scan3A_31  : i32 {
      %mul3A_53 = arith.constant 2 : i32
      %mul3A_54 = arith.muli %mul3A_53, %scan3A_52 : i32
      %mul3A_55 = arith.constant 400 : i32
      %mul3A_56 = arith.muli %mul3A_54, %mul3A_55 : i32
      %add3A_57 = arith.addi %mul3A_2, %mul3A_56 : i32
      %add3A_58 = arith.constant 400 : i32
      %add3A_59 = arith.addi %add3A_57, %add3A_58 : i32
      %gt3A = arith.constant 0 : i32
      %gt3A_60 = arith.cmpi sgt, %scan3A_52, %gt3A : i32
      %convert_element_type3A = arith.extui %gt3A_60 : i1 to i32
      %cond3A = arith.constant 0 : i32
      %cond3A_61 = arith.cmpi ne, %convert_element_type3A, %cond3A : i32
      scf.if %cond3A_61 {
        %dma_wait3A_118 = arith.constant 0 : i32
        %dma_wait3A_119 = arith.constant 0 : i32
        %dma_wait3A_120 = tpu.memref_slice %arg8[%dma_wait3A_118, %dma_wait3A_119] : memref<400x128xf32, #tpu.memory_space<vmem>> -> memref<400x64xf32, #tpu.memory_space<vmem>>
        %dma_wait3A_121 = arith.constant 0 : i32
        %dma_wait3A_122 = tpu.memref_slice %arg5[%mul3A_2, %dma_wait3A_121] : memref<204800x64xf32, #tpu.memory_space<hbm>> -> memref<400x64xf32, #tpu.memory_space<hbm>>
        %dma_wait3A_123 = arith.constant 0 : i32
        %dma_wait3A_124 = tpu.memref_slice %arg5[%mul3A_2, %dma_wait3A_123] : memref<204800x64xf32, #tpu.memory_space<hbm>> -> memref<400x64xf32, #tpu.memory_space<hbm>>
        %dma_wait3A_125 = arith.constant 0 : i32
        %dma_wait3A_126 = arith.constant 0 : i32
        %dma_wait3A_127 = tpu.memref_slice %arg8[%dma_wait3A_125, %dma_wait3A_126] : memref<400x128xf32, #tpu.memory_space<vmem>> -> memref<400x64xf32, #tpu.memory_space<vmem>>
        tpu.wait_dma2 semaphore(%arg13 : memref<!tpu.dma_semaphore, #tpu.memory_space<semaphore_mem>>) src(%dma_wait3A_127 : memref<400x64xf32, #tpu.memory_space<vmem>>) dst(%dma_wait3A_124 : memref<400x64xf32, #tpu.memory_space<hbm>>)
      } else {
      }
      %run_scoped3A_62 = arith.constant 1 : i32
      "tpu.region"() ({
        %run_scoped3A_118 = tpu.sem_alloc : memref<!tpu.dma_semaphore, #tpu.memory_space<semaphore_mem>>
        %dma_start3A_119 = arith.constant 0 : i32
        %dma_start3A_120 = tpu.memref_slice %arg6[%run_scoped3A_62, %dma_start3A_119] : memref<2x400xi32, #tpu.memory_space<vmem>> -> memref<1x400xi32, #tpu.memory_space<vmem>>
        %dma_start3A_121 = tpu.memref_squeeze %dma_start3A_120 : memref<1x400xi32, #tpu.memory_space<vmem>> -> memref<400xi32, #tpu.memory_space<vmem>>
        %dma_start3A_122 = tpu.memref_slice %arg2[%add3A_59] : memref<204800xi32, #tpu.memory_space<hbm>> -> memref<400xi32, #tpu.memory_space<hbm>>
        %dma_start3A_123 = arith.constant 0 : i32
        %dma_start3A_124 = tpu.memref_slice %arg6[%run_scoped3A_62, %dma_start3A_123] : memref<2x400xi32, #tpu.memory_space<vmem>> -> memref<1x400xi32, #tpu.memory_space<vmem>>
        %dma_start3A_125 = tpu.memref_squeeze %dma_start3A_124 : memref<1x400xi32, #tpu.memory_space<vmem>> -> memref<400xi32, #tpu.memory_space<vmem>>
        %dma_start3A_126 = tpu.memref_slice %arg2[%add3A_59] : memref<204800xi32, #tpu.memory_space<hbm>> -> memref<400xi32, #tpu.memory_space<hbm>>
        tpu.enqueue_dma source(%dma_start3A_126 : memref<400xi32, #tpu.memory_space<hbm>>) target(%dma_start3A_125 : memref<400xi32, #tpu.memory_space<vmem>>) target_semaphore(%run_scoped3A_118 : memref<!tpu.dma_semaphore, #tpu.memory_space<semaphore_mem>>)
        %dma_wait3A_127 = arith.constant 0 : i32
        %dma_wait3A_128 = tpu.memref_slice %arg6[%run_scoped3A_62, %dma_wait3A_127] : memref<2x400xi32, #tpu.memory_space<vmem>> -> memref<1x400xi32, #tpu.memory_space<vmem>>
        %dma_wait3A_129 = tpu.memref_squeeze %dma_wait3A_128 : memref<1x400xi32, #tpu.memory_space<vmem>> -> memref<400xi32, #tpu.memory_space<vmem>>
        %dma_wait3A_130 = tpu.memref_slice %arg2[%add3A_59] : memref<204800xi32, #tpu.memory_space<hbm>> -> memref<400xi32, #tpu.memory_space<hbm>>
        %dma_wait3A_131 = arith.constant 0 : i32
        %dma_wait3A_132 = tpu.memref_slice %arg6[%run_scoped3A_62, %dma_wait3A_131] : memref<2x400xi32, #tpu.memory_space<vmem>> -> memref<1x400xi32, #tpu.memory_space<vmem>>
        %dma_wait3A_133 = tpu.memref_squeeze %dma_wait3A_132 : memref<1x400xi32, #tpu.memory_space<vmem>> -> memref<400xi32, #tpu.memory_space<vmem>>
        %dma_wait3A_134 = tpu.memref_slice %arg2[%add3A_59] : memref<204800xi32, #tpu.memory_space<hbm>> -> memref<400xi32, #tpu.memory_space<hbm>>
        tpu.wait_dma2 semaphore(%run_scoped3A_118 : memref<!tpu.dma_semaphore, #tpu.memory_space<semaphore_mem>>) src(%dma_wait3A_134 : memref<400xi32, #tpu.memory_space<hbm>>) dst(%dma_wait3A_133 : memref<400xi32, #tpu.memory_space<vmem>>)
        tpu.yield
      }) : () -> ()
      %dma_start3A_63 = arith.constant 1 : i32
      %dma_start3A_64 = arith.constant 0 : i32
      %dma_start3A_65 = tpu.memref_slice %arg6[%dma_start3A_63, %dma_start3A_64] : memref<2x400xi32, #tpu.memory_space<vmem>> -> memref<1x400xi32, #tpu.memory_space<vmem>>
      %dma_start3A_66 = tpu.memref_squeeze %dma_start3A_65 : memref<1x400xi32, #tpu.memory_space<vmem>> -> memref<400xi32, #tpu.memory_space<vmem>>
      %dma_start3A_67 = arith.constant 0 : i32
      %dma_start3A_68 = arith.constant 0 : i32
      %dma_start3A_69 = tpu.memref_slice %arg3[%dma_start3A_67, %dma_start3A_68] : memref<1000000x128xf32, #tpu.memory_space<hbm>> -> memref<1000000x128xf32, #tpu.memory_space<hbm>>
      tpu.enqueue_indirect_dma source(%dma_start3A_69 : memref<1000000x128xf32, #tpu.memory_space<hbm>>) target(%arg8 : memref<400x128xf32, #tpu.memory_space<vmem>>) offsets(%dma_start3A_66 : memref<400xi32, #tpu.memory_space<vmem>>) semaphore(%arg11 : memref<!tpu.dma_semaphore, #tpu.memory_space<semaphore_mem>>)
      %dma_wait3A_70 = arith.constant 0 : i32
      %dma_wait3A_71 = arith.constant 0 : i32
      %dma_wait3A_72 = tpu.memref_slice %arg3[%dma_wait3A_70, %dma_wait3A_71] : memref<1000000x128xf32, #tpu.memory_space<hbm>> -> memref<400x128xf32, #tpu.memory_space<hbm>>
      %dma_wait3A_73 = arith.constant 0 : i32
      %dma_wait3A_74 = arith.constant 0 : i32
      %dma_wait3A_75 = tpu.memref_slice %arg3[%dma_wait3A_73, %dma_wait3A_74] : memref<1000000x128xf32, #tpu.memory_space<hbm>> -> memref<400x128xf32, #tpu.memory_space<hbm>>
      tpu.wait_dma2 semaphore(%arg10 : memref<!tpu.dma_semaphore, #tpu.memory_space<semaphore_mem>>) src(%dma_wait3A_75 : memref<400x128xf32, #tpu.memory_space<hbm>>) dst(%arg7 : memref<400x128xf32, #tpu.memory_space<vmem>>)
      %scan3A_76 = arith.constant 0 : i32
      %scan3A_77 = arith.constant 0 : i32
      %scan3A_78 = arith.constant 400 : i32
      %scan3A_79 = arith.addi %scan3A_77, %scan3A_78 : i32
      %scan3A_80 = arith.constant 1 : i32
      scf.for %scan3A_118 = %scan3A_77 to %scan3A_79 step %scan3A_80  : i32 {
        %get3A_119 = arith.index_cast %scan3A_118 : i32 to index
        %get3A_120 = arith.constant 0 : index
        %get3A_121 = tpu.vector_load %arg7[%get3A_119, %get3A_120] {strides = array<i32>} : memref<400x128xf32, #tpu.memory_space<vmem>>, vector<1x16xf32>,
        %get3A_122 = vector.shape_cast %get3A_121 : vector<1x16xf32> to vector<16xf32>
        %mul3A_123 = arith.mulf %get3A_122, %get3A_6 : vector<16xf32>
        %add3A_124 = arith.addf %mul3A_123, %get3A_11 : vector<16xf32>
        %max3A = arith.constant -1.280000e+02 : f32
        %max3A_125 = vector.broadcast %max3A : f32 to vector<16xf32>
        %max3A_126 = arith.maximumf %add3A_124, %max3A_125 : vector<16xf32>
        %min3A = arith.constant 1.270000e+02 : f32
        %min3A_127 = vector.broadcast %min3A : f32 to vector<16xf32>
        %min3A_128 = arith.minimumf %max3A_126, %min3A_127 : vector<16xf32>
        %add3A_129 = arith.constant 0x4B400000 : f32
        %add3A_130 = vector.broadcast %add3A_129 : f32 to vector<16xf32>
        %add3A_131 = arith.addf %min3A_128, %add3A_130 : vector<16xf32>
        %sub3A = arith.constant 0x4B400000 : f32
        %sub3A_132 = vector.broadcast %sub3A : f32 to vector<16xf32>
        %sub3A_133 = arith.subf %add3A_131, %sub3A_132 : vector<16xf32>
        %mul3A_134 = arith.mulf %sub3A_133, %get3A_16 : vector<16xf32>
        %sub3A_135 = arith.subf %mul3A_134, %get3A_21 : vector<16xf32>
        %swap3A = arith.index_cast %scan3A_118 : i32 to index
        %swap3A_136 = arith.constant 0 : index
        %swap3A_137 = tpu.vector_load %arg7[%swap3A, %swap3A_136] {strides = array<i32>} : memref<400x128xf32, #tpu.memory_space<vmem>>, vector<1x16xf32>,
        %swap3A_138 = vector.shape_cast %swap3A_137 : vector<1x16xf32> to vector<16xf32>
        %swap3A_139 = vector.shape_cast %sub3A_135 : vector<16xf32> to vector<1x16xf32>
        tpu.vector_store %arg7[%swap3A, %swap3A_136], %swap3A_139 {strides = array<i32>} : memref<400x128xf32, #tpu.memory_space<vmem>>, vector<1x16xf32>,
        %get3A_140 = arith.index_cast %scan3A_118 : i32 to index
        %get3A_141 = arith.constant 16 : index
        %get3A_142 = tpu.vector_load %arg7[%get3A_140, %get3A_141] {strides = array<i32>} : memref<400x128xf32, #tpu.memory_space<vmem>>, vector<1x16xf32>,
        %get3A_143 = vector.shape_cast %get3A_142 : vector<1x16xf32> to vector<16xf32>
        %mul3A_144 = arith.mulf %get3A_143, %get3A_6 : vector<16xf32>
        %add3A_145 = arith.addf %mul3A_144, %get3A_11 : vector<16xf32>
        %max3A_146 = arith.constant -1.280000e+02 : f32
        %max3A_147 = vector.broadcast %max3A_146 : f32 to vector<16xf32>
        %max3A_148 = arith.maximumf %add3A_145, %max3A_147 : vector<16xf32>
        %min3A_149 = arith.constant 1.270000e+02 : f32
        %min3A_150 = vector.broadcast %min3A_149 : f32 to vector<16xf32>
        %min3A_151 = arith.minimumf %max3A_148, %min3A_150 : vector<16xf32>
        %add3A_152 = arith.constant 0x4B400000 : f32
        %add3A_153 = vector.broadcast %add3A_152 : f32 to vector<16xf32>
        %add3A_154 = arith.addf %min3A_151, %add3A_153 : vector<16xf32>
        %sub3A_155 = arith.constant 0x4B400000 : f32
        %sub3A_156 = vector.broadcast %sub3A_155 : f32 to vector<16xf32>
        %sub3A_157 = arith.subf %add3A_154, %sub3A_156 : vector<16xf32>
        %mul3A_158 = arith.mulf %sub3A_157, %get3A_16 : vector<16xf32>
        %sub3A_159 = arith.subf %mul3A_158, %get3A_21 : vector<16xf32>
        %swap3A_160 = arith.index_cast %scan3A_118 : i32 to index
        %swap3A_161 = arith.constant 16 : index
        %swap3A_162 = tpu.vector_load %arg7[%swap3A_160, %swap3A_161] {strides = array<i32>} : memref<400x128xf32, #tpu.memory_space<vmem>>, vector<1x16xf32>,
        %swap3A_163 = vector.shape_cast %swap3A_162 : vector<1x16xf32> to vector<16xf32>
        %swap3A_164 = vector.shape_cast %sub3A_159 : vector<16xf32> to vector<1x16xf32>
        tpu.vector_store %arg7[%swap3A_160, %swap3A_161], %swap3A_164 {strides = array<i32>} : memref<400x128xf32, #tpu.memory_space<vmem>>, vector<1x16xf32>,
        %get3A_165 = arith.index_cast %scan3A_118 : i32 to index
        %get3A_166 = arith.constant 32 : index
        %get3A_167 = tpu.vector_load %arg7[%get3A_165, %get3A_166] {strides = array<i32>} : memref<400x128xf32, #tpu.memory_space<vmem>>, vector<1x16xf32>,
        %get3A_168 = vector.shape_cast %get3A_167 : vector<1x16xf32> to vector<16xf32>
        %mul3A_169 = arith.mulf %get3A_168, %get3A_6 : vector<16xf32>
        %add3A_170 = arith.addf %mul3A_169, %get3A_11 : vector<16xf32>
        %max3A_171 = arith.constant -1.280000e+02 : f32
        %max3A_172 = vector.broadcast %max3A_171 : f32 to vector<16xf32>
        %max3A_173 = arith.maximumf %add3A_170, %max3A_172 : vector<16xf32>
        %min3A_174 = arith.constant 1.270000e+02 : f32
        %min3A_175 = vector.broadcast %min3A_174 : f32 to vector<16xf32>
        %min3A_176 = arith.minimumf %max3A_173, %min3A_175 : vector<16xf32>
        %add3A_177 = arith.constant 0x4B400000 : f32
        %add3A_178 = vector.broadcast %add3A_177 : f32 to vector<16xf32>
        %add3A_179 = arith.addf %min3A_176, %add3A_178 : vector<16xf32>
        %sub3A_180 = arith.constant 0x4B400000 : f32
        %sub3A_181 = vector.broadcast %sub3A_180 : f32 to vector<16xf32>
        %sub3A_182 = arith.subf %add3A_179, %sub3A_181 : vector<16xf32>
        %mul3A_183 = arith.mulf %sub3A_182, %get3A_16 : vector<16xf32>
        %sub3A_184 = arith.subf %mul3A_183, %get3A_21 : vector<16xf32>
        %swap3A_185 = arith.index_cast %scan3A_118 : i32 to index
        %swap3A_186 = arith.constant 32 : index
        %swap3A_187 = tpu.vector_load %arg7[%swap3A_185, %swap3A_186] {strides = array<i32>} : memref<400x128xf32, #tpu.memory_space<vmem>>, vector<1x16xf32>,
        %swap3A_188 = vector.shape_cast %swap3A_187 : vector<1x16xf32> to vector<16xf32>
        %swap3A_189 = vector.shape_cast %sub3A_184 : vector<16xf32> to vector<1x16xf32>
        tpu.vector_store %arg7[%swap3A_185, %swap3A_186], %swap3A_189 {strides = array<i32>} : memref<400x128xf32, #tpu.memory_space<vmem>>, vector<1x16xf32>,
        %get3A_190 = arith.index_cast %scan3A_118 : i32 to index
        %get3A_191 = arith.constant 48 : index
        %get3A_192 = tpu.vector_load %arg7[%get3A_190, %get3A_191] {strides = array<i32>} : memref<400x128xf32, #tpu.memory_space<vmem>>, vector<1x16xf32>,
        %get3A_193 = vector.shape_cast %get3A_192 : vector<1x16xf32> to vector<16xf32>
        %mul3A_194 = arith.mulf %get3A_193, %get3A_6 : vector<16xf32>
        %add3A_195 = arith.addf %mul3A_194, %get3A_11 : vector<16xf32>
        %max3A_196 = arith.constant -1.280000e+02 : f32
        %max3A_197 = vector.broadcast %max3A_196 : f32 to vector<16xf32>
        %max3A_198 = arith.maximumf %add3A_195, %max3A_197 : vector<16xf32>
        %min3A_199 = arith.constant 1.270000e+02 : f32
        %min3A_200 = vector.broadcast %min3A_199 : f32 to vector<16xf32>
        %min3A_201 = arith.minimumf %max3A_198, %min3A_200 : vector<16xf32>
        %add3A_202 = arith.constant 0x4B400000 : f32
        %add3A_203 = vector.broadcast %add3A_202 : f32 to vector<16xf32>
        %add3A_204 = arith.addf %min3A_201, %add3A_203 : vector<16xf32>
        %sub3A_205 = arith.constant 0x4B400000 : f32
        %sub3A_206 = vector.broadcast %sub3A_205 : f32 to vector<16xf32>
        %sub3A_207 = arith.subf %add3A_204, %sub3A_206 : vector<16xf32>
        %mul3A_208 = arith.mulf %sub3A_207, %get3A_16 : vector<16xf32>
        %sub3A_209 = arith.subf %mul3A_208, %get3A_21 : vector<16xf32>
        %swap3A_210 = arith.index_cast %scan3A_118 : i32 to index
        %swap3A_211 = arith.constant 48 : index
        %swap3A_212 = tpu.vector_load %arg7[%swap3A_210, %swap3A_211] {strides = array<i32>} : memref<400x128xf32, #tpu.memory_space<vmem>>, vector<1x16xf32>,
        %swap3A_213 = vector.shape_cast %swap3A_212 : vector<1x16xf32> to vector<16xf32>
        %swap3A_214 = vector.shape_cast %sub3A_209 : vector<16xf32> to vector<1x16xf32>
        tpu.vector_store %arg7[%swap3A_210, %swap3A_211], %swap3A_214 {strides = array<i32>} : memref<400x128xf32, #tpu.memory_space<vmem>>, vector<1x16xf32>,
      }
      %scan3A_81 = arith.constant 400 : i32
      %dma_start3A_82 = arith.constant 0 : i32
      %dma_start3A_83 = arith.constant 0 : i32
      %dma_start3A_84 = tpu.memref_slice %arg7[%dma_start3A_82, %dma_start3A_83] : memref<400x128xf32, #tpu.memory_space<vmem>> -> memref<400x64xf32, #tpu.memory_space<vmem>>
      %dma_start3A_85 = arith.constant 0 : i32
      %dma_start3A_86 = tpu.memref_slice %arg5[%add3A_57, %dma_start3A_85] : memref<204800x64xf32, #tpu.memory_space<hbm>> -> memref<400x64xf32, #tpu.memory_space<hbm>>
      %dma_start3A_87 = arith.constant 0 : i32
      %dma_start3A_88 = tpu.memref_slice %arg5[%add3A_57, %dma_start3A_87] : memref<204800x64xf32, #tpu.memory_space<hbm>> -> memref<400x64xf32, #tpu.memory_space<hbm>>
      %dma_start3A_89 = arith.constant 0 : i32
      %dma_start3A_90 = arith.constant 0 : i32
      %dma_start3A_91 = tpu.memref_slice %arg7[%dma_start3A_89, %dma_start3A_90] : memref<400x128xf32, #tpu.memory_space<vmem>> -> memref<400x64xf32, #tpu.memory_space<vmem>>
      tpu.enqueue_dma source(%dma_start3A_91 : memref<400x64xf32, #tpu.memory_space<vmem>>) target(%dma_start3A_88 : memref<400x64xf32, #tpu.memory_space<hbm>>) target_semaphore(%arg12 : memref<!tpu.dma_semaphore, #tpu.memory_space<semaphore_mem>>)
      %lt3A = arith.constant 7 : i32
      %lt3A_92 = arith.cmpi slt, %scan3A_52, %lt3A : i32
      %convert_element_type3A_93 = arith.extui %lt3A_92 : i1 to i32
      %cond3A_94 = arith.constant 0 : i32
      %cond3A_95 = arith.cmpi ne, %convert_element_type3A_93, %cond3A_94 : i32
      scf.if %cond3A_95 {
        %dma_wait3A_118 = arith.constant 0 : i32
        %dma_wait3A_119 = arith.constant 0 : i32
        %dma_wait3A_120 = tpu.memref_slice %arg7[%dma_wait3A_118, %dma_wait3A_119] : memref<400x128xf32, #tpu.memory_space<vmem>> -> memref<400x64xf32, #tpu.memory_space<vmem>>
        %dma_wait3A_121 = arith.constant 0 : i32
        %dma_wait3A_122 = tpu.memref_slice %arg5[%mul3A_2, %dma_wait3A_121] : memref<204800x64xf32, #tpu.memory_space<hbm>> -> memref<400x64xf32, #tpu.memory_space<hbm>>
        %dma_wait3A_123 = arith.constant 0 : i32
        %dma_wait3A_124 = tpu.memref_slice %arg5[%mul3A_2, %dma_wait3A_123] : memref<204800x64xf32, #tpu.memory_space<hbm>> -> memref<400x64xf32, #tpu.memory_space<hbm>>
        %dma_wait3A_125 = arith.constant 0 : i32
        %dma_wait3A_126 = arith.constant 0 : i32
        %dma_wait3A_127 = tpu.memref_slice %arg7[%dma_wait3A_125, %dma_wait3A_126] : memref<400x128xf32, #tpu.memory_space<vmem>> -> memref<400x64xf32, #tpu.memory_space<vmem>>
        tpu.wait_dma2 semaphore(%arg12 : memref<!tpu.dma_semaphore, #tpu.memory_space<semaphore_mem>>) src(%dma_wait3A_127 : memref<400x64xf32, #tpu.memory_space<vmem>>) dst(%dma_wait3A_124 : memref<400x64xf32, #tpu.memory_space<hbm>>)
        %add3A_128 = arith.constant 800 : i32
        %add3A_129 = arith.addi %add3A_57, %add3A_128 : i32
        %run_scoped3A_130 = arith.constant 0 : i32
        "tpu.region"() ({
          %run_scoped3A_138 = tpu.sem_alloc : memref<!tpu.dma_semaphore, #tpu.memory_space<semaphore_mem>>
          %dma_start3A_139 = arith.constant 0 : i32
          %dma_start3A_140 = tpu.memref_slice %arg6[%run_scoped3A_130, %dma_start3A_139] : memref<2x400xi32, #tpu.memory_space<vmem>> -> memref<1x400xi32, #tpu.memory_space<vmem>>
          %dma_start3A_141 = tpu.memref_squeeze %dma_start3A_140 : memref<1x400xi32, #tpu.memory_space<vmem>> -> memref<400xi32, #tpu.memory_space<vmem>>
          %dma_start3A_142 = tpu.memref_slice %arg2[%add3A_129] : memref<204800xi32, #tpu.memory_space<hbm>> -> memref<400xi32, #tpu.memory_space<hbm>>
          %dma_start3A_143 = arith.constant 0 : i32
          %dma_start3A_144 = tpu.memref_slice %arg6[%run_scoped3A_130, %dma_start3A_143] : memref<2x400xi32, #tpu.memory_space<vmem>> -> memref<1x400xi32, #tpu.memory_space<vmem>>
          %dma_start3A_145 = tpu.memref_squeeze %dma_start3A_144 : memref<1x400xi32, #tpu.memory_space<vmem>> -> memref<400xi32, #tpu.memory_space<vmem>>
          %dma_start3A_146 = tpu.memref_slice %arg2[%add3A_129] : memref<204800xi32, #tpu.memory_space<hbm>> -> memref<400xi32, #tpu.memory_space<hbm>>
          tpu.enqueue_dma source(%dma_start3A_146 : memref<400xi32, #tpu.memory_space<hbm>>) target(%dma_start3A_145 : memref<400xi32, #tpu.memory_space<vmem>>) target_semaphore(%run_scoped3A_138 : memref<!tpu.dma_semaphore, #tpu.memory_space<semaphore_mem>>)
          %dma_wait3A_147 = arith.constant 0 : i32
          %dma_wait3A_148 = tpu.memref_slice %arg6[%run_scoped3A_130, %dma_wait3A_147] : memref<2x400xi32, #tpu.memory_space<vmem>> -> memref<1x400xi32, #tpu.memory_space<vmem>>
          %dma_wait3A_149 = tpu.memref_squeeze %dma_wait3A_148 : memref<1x400xi32, #tpu.memory_space<vmem>> -> memref<400xi32, #tpu.memory_space<vmem>>
          %dma_wait3A_150 = tpu.memref_slice %arg2[%add3A_129] : memref<204800xi32, #tpu.memory_space<hbm>> -> memref<400xi32, #tpu.memory_space<hbm>>
          %dma_wait3A_151 = arith.constant 0 : i32
          %dma_wait3A_152 = tpu.memref_slice %arg6[%run_scoped3A_130, %dma_wait3A_151] : memref<2x400xi32, #tpu.memory_space<vmem>> -> memref<1x400xi32, #tpu.memory_space<vmem>>
          %dma_wait3A_153 = tpu.memref_squeeze %dma_wait3A_152 : memref<1x400xi32, #tpu.memory_space<vmem>> -> memref<400xi32, #tpu.memory_space<vmem>>
          %dma_wait3A_154 = tpu.memref_slice %arg2[%add3A_129] : memref<204800xi32, #tpu.memory_space<hbm>> -> memref<400xi32, #tpu.memory_space<hbm>>
          tpu.wait_dma2 semaphore(%run_scoped3A_138 : memref<!tpu.dma_semaphore, #tpu.memory_space<semaphore_mem>>) src(%dma_wait3A_154 : memref<400xi32, #tpu.memory_space<hbm>>) dst(%dma_wait3A_153 : memref<400xi32, #tpu.memory_space<vmem>>)
          tpu.yield
        }) : () -> ()
        %dma_start3A_131 = arith.constant 0 : i32
        %dma_start3A_132 = arith.constant 0 : i32
        %dma_start3A_133 = tpu.memref_slice %arg6[%dma_start3A_131, %dma_start3A_132] : memref<2x400xi32, #tpu.memory_space<vmem>> -> memref<1x400xi32, #tpu.memory_space<vmem>>
        %dma_start3A_134 = tpu.memref_squeeze %dma_start3A_133 : memref<1x400xi32, #tpu.memory_space<vmem>> -> memref<400xi32, #tpu.memory_space<vmem>>
        %dma_start3A_135 = arith.constant 0 : i32
        %dma_start3A_136 = arith.constant 0 : i32
        %dma_start3A_137 = tpu.memref_slice %arg3[%dma_start3A_135, %dma_start3A_136] : memref<1000000x128xf32, #tpu.memory_space<hbm>> -> memref<1000000x128xf32, #tpu.memory_space<hbm>>
        tpu.enqueue_indirect_dma source(%dma_start3A_137 : memref<1000000x128xf32, #tpu.memory_space<hbm>>) target(%arg7 : memref<400x128xf32, #tpu.memory_space<vmem>>) offsets(%dma_start3A_134 : memref<400xi32, #tpu.memory_space<vmem>>) semaphore(%arg10 : memref<!tpu.dma_semaphore, #tpu.memory_space<semaphore_mem>>)
      } else {
      }
      %dma_wait3A_96 = arith.constant 0 : i32
      %dma_wait3A_97 = arith.constant 0 : i32
      %dma_wait3A_98 = tpu.memref_slice %arg3[%dma_wait3A_96, %dma_wait3A_97] : memref<1000000x128xf32, #tpu.memory_space<hbm>> -> memref<400x128xf32, #tpu.memory_space<hbm>>
      %dma_wait3A_99 = arith.constant 0 : i32
      %dma_wait3A_100 = arith.constant 0 : i32
      %dma_wait3A_101 = tpu.memref_slice %arg3[%dma_wait3A_99, %dma_wait3A_100] : memref<1000000x128xf32, #tpu.memory_space<hbm>> -> memref<400x128xf32, #tpu.memory_space<hbm>>
      tpu.wait_dma2 semaphore(%arg11 : memref<!tpu.dma_semaphore, #tpu.memory_space<semaphore_mem>>) src(%dma_wait3A_101 : memref<400x128xf32, #tpu.memory_space<hbm>>) dst(%arg8 : memref<400x128xf32, #tpu.memory_space<vmem>>)
      %scan3A_102 = arith.constant 0 : i32
      %scan3A_103 = arith.constant 0 : i32
      %scan3A_104 = arith.constant 400 : i32
      %scan3A_105 = arith.addi %scan3A_103, %scan3A_104 : i32
      %scan3A_106 = arith.constant 1 : i32
      scf.for %scan3A_118 = %scan3A_103 to %scan3A_105 step %scan3A_106  : i32 {
        %get3A_119 = arith.index_cast %scan3A_118 : i32 to index
        %get3A_120 = arith.constant 0 : index
        %get3A_121 = tpu.vector_load %arg8[%get3A_119, %get3A_120] {strides = array<i32>} : memref<400x128xf32, #tpu.memory_space<vmem>>, vector<1x16xf32>,
        %get3A_122 = vector.shape_cast %get3A_121 : vector<1x16xf32> to vector<16xf32>
        %mul3A_123 = arith.mulf %get3A_122, %get3A_6 : vector<16xf32>
        %add3A_124 = arith.addf %mul3A_123, %get3A_11 : vector<16xf32>
        %max3A = arith.constant -1.280000e+02 : f32
        %max3A_125 = vector.broadcast %max3A : f32 to vector<16xf32>
        %max3A_126 = arith.maximumf %add3A_124, %max3A_125 : vector<16xf32>
        %min3A = arith.constant 1.270000e+02 : f32
        %min3A_127 = vector.broadcast %min3A : f32 to vector<16xf32>
        %min3A_128 = arith.minimumf %max3A_126, %min3A_127 : vector<16xf32>
        %add3A_129 = arith.constant 0x4B400000 : f32
        %add3A_130 = vector.broadcast %add3A_129 : f32 to vector<16xf32>
        %add3A_131 = arith.addf %min3A_128, %add3A_130 : vector<16xf32>
        %sub3A = arith.constant 0x4B400000 : f32
        %sub3A_132 = vector.broadcast %sub3A : f32 to vector<16xf32>
        %sub3A_133 = arith.subf %add3A_131, %sub3A_132 : vector<16xf32>
        %mul3A_134 = arith.mulf %sub3A_133, %get3A_16 : vector<16xf32>
        %sub3A_135 = arith.subf %mul3A_134, %get3A_21 : vector<16xf32>
        %swap3A = arith.index_cast %scan3A_118 : i32 to index
        %swap3A_136 = arith.constant 0 : index
        %swap3A_137 = tpu.vector_load %arg8[%swap3A, %swap3A_136] {strides = array<i32>} : memref<400x128xf32, #tpu.memory_space<vmem>>, vector<1x16xf32>,
        %swap3A_138 = vector.shape_cast %swap3A_137 : vector<1x16xf32> to vector<16xf32>
        %swap3A_139 = vector.shape_cast %sub3A_135 : vector<16xf32> to vector<1x16xf32>
        tpu.vector_store %arg8[%swap3A, %swap3A_136], %swap3A_139 {strides = array<i32>} : memref<400x128xf32, #tpu.memory_space<vmem>>, vector<1x16xf32>,
        %get3A_140 = arith.index_cast %scan3A_118 : i32 to index
        %get3A_141 = arith.constant 16 : index
        %get3A_142 = tpu.vector_load %arg8[%get3A_140, %get3A_141] {strides = array<i32>} : memref<400x128xf32, #tpu.memory_space<vmem>>, vector<1x16xf32>,
        %get3A_143 = vector.shape_cast %get3A_142 : vector<1x16xf32> to vector<16xf32>
        %mul3A_144 = arith.mulf %get3A_143, %get3A_6 : vector<16xf32>
        %add3A_145 = arith.addf %mul3A_144, %get3A_11 : vector<16xf32>
        %max3A_146 = arith.constant -1.280000e+02 : f32
        %max3A_147 = vector.broadcast %max3A_146 : f32 to vector<16xf32>
        %max3A_148 = arith.maximumf %add3A_145, %max3A_147 : vector<16xf32>
        %min3A_149 = arith.constant 1.270000e+02 : f32
        %min3A_150 = vector.broadcast %min3A_149 : f32 to vector<16xf32>
        %min3A_151 = arith.minimumf %max3A_148, %min3A_150 : vector<16xf32>
        %add3A_152 = arith.constant 0x4B400000 : f32
        %add3A_153 = vector.broadcast %add3A_152 : f32 to vector<16xf32>
        %add3A_154 = arith.addf %min3A_151, %add3A_153 : vector<16xf32>
        %sub3A_155 = arith.constant 0x4B400000 : f32
        %sub3A_156 = vector.broadcast %sub3A_155 : f32 to vector<16xf32>
        %sub3A_157 = arith.subf %add3A_154, %sub3A_156 : vector<16xf32>
        %mul3A_158 = arith.mulf %sub3A_157, %get3A_16 : vector<16xf32>
        %sub3A_159 = arith.subf %mul3A_158, %get3A_21 : vector<16xf32>
        %swap3A_160 = arith.index_cast %scan3A_118 : i32 to index
        %swap3A_161 = arith.constant 16 : index
        %swap3A_162 = tpu.vector_load %arg8[%swap3A_160, %swap3A_161] {strides = array<i32>} : memref<400x128xf32, #tpu.memory_space<vmem>>, vector<1x16xf32>,
        %swap3A_163 = vector.shape_cast %swap3A_162 : vector<1x16xf32> to vector<16xf32>
        %swap3A_164 = vector.shape_cast %sub3A_159 : vector<16xf32> to vector<1x16xf32>
        tpu.vector_store %arg8[%swap3A_160, %swap3A_161], %swap3A_164 {strides = array<i32>} : memref<400x128xf32, #tpu.memory_space<vmem>>, vector<1x16xf32>,
        %get3A_165 = arith.index_cast %scan3A_118 : i32 to index
        %get3A_166 = arith.constant 32 : index
        %get3A_167 = tpu.vector_load %arg8[%get3A_165, %get3A_166] {strides = array<i32>} : memref<400x128xf32, #tpu.memory_space<vmem>>, vector<1x16xf32>,
        %get3A_168 = vector.shape_cast %get3A_167 : vector<1x16xf32> to vector<16xf32>
        %mul3A_169 = arith.mulf %get3A_168, %get3A_6 : vector<16xf32>
        %add3A_170 = arith.addf %mul3A_169, %get3A_11 : vector<16xf32>
        %max3A_171 = arith.constant -1.280000e+02 : f32
        %max3A_172 = vector.broadcast %max3A_171 : f32 to vector<16xf32>
        %max3A_173 = arith.maximumf %add3A_170, %max3A_172 : vector<16xf32>
        %min3A_174 = arith.constant 1.270000e+02 : f32
        %min3A_175 = vector.broadcast %min3A_174 : f32 to vector<16xf32>
        %min3A_176 = arith.minimumf %max3A_173, %min3A_175 : vector<16xf32>
        %add3A_177 = arith.constant 0x4B400000 : f32
        %add3A_178 = vector.broadcast %add3A_177 : f32 to vector<16xf32>
        %add3A_179 = arith.addf %min3A_176, %add3A_178 : vector<16xf32>
        %sub3A_180 = arith.constant 0x4B400000 : f32
        %sub3A_181 = vector.broadcast %sub3A_180 : f32 to vector<16xf32>
        %sub3A_182 = arith.subf %add3A_179, %sub3A_181 : vector<16xf32>
        %mul3A_183 = arith.mulf %sub3A_182, %get3A_16 : vector<16xf32>
        %sub3A_184 = arith.subf %mul3A_183, %get3A_21 : vector<16xf32>
        %swap3A_185 = arith.index_cast %scan3A_118 : i32 to index
        %swap3A_186 = arith.constant 32 : index
        %swap3A_187 = tpu.vector_load %arg8[%swap3A_185, %swap3A_186] {strides = array<i32>} : memref<400x128xf32, #tpu.memory_space<vmem>>, vector<1x16xf32>,
        %swap3A_188 = vector.shape_cast %swap3A_187 : vector<1x16xf32> to vector<16xf32>
        %swap3A_189 = vector.shape_cast %sub3A_184 : vector<16xf32> to vector<1x16xf32>
        tpu.vector_store %arg8[%swap3A_185, %swap3A_186], %swap3A_189 {strides = array<i32>} : memref<400x128xf32, #tpu.memory_space<vmem>>, vector<1x16xf32>,
        %get3A_190 = arith.index_cast %scan3A_118 : i32 to index
        %get3A_191 = arith.constant 48 : index
        %get3A_192 = tpu.vector_load %arg8[%get3A_190, %get3A_191] {strides = array<i32>} : memref<400x128xf32, #tpu.memory_space<vmem>>, vector<1x16xf32>,
        %get3A_193 = vector.shape_cast %get3A_192 : vector<1x16xf32> to vector<16xf32>
        %mul3A_194 = arith.mulf %get3A_193, %get3A_6 : vector<16xf32>
        %add3A_195 = arith.addf %mul3A_194, %get3A_11 : vector<16xf32>
        %max3A_196 = arith.constant -1.280000e+02 : f32
        %max3A_197 = vector.broadcast %max3A_196 : f32 to vector<16xf32>
        %max3A_198 = arith.maximumf %add3A_195, %max3A_197 : vector<16xf32>
        %min3A_199 = arith.constant 1.270000e+02 : f32
        %min3A_200 = vector.broadcast %min3A_199 : f32 to vector<16xf32>
        %min3A_201 = arith.minimumf %max3A_198, %min3A_200 : vector<16xf32>
        %add3A_202 = arith.constant 0x4B400000 : f32
        %add3A_203 = vector.broadcast %add3A_202 : f32 to vector<16xf32>
        %add3A_204 = arith.addf %min3A_201, %add3A_203 : vector<16xf32>
        %sub3A_205 = arith.constant 0x4B400000 : f32
        %sub3A_206 = vector.broadcast %sub3A_205 : f32 to vector<16xf32>
        %sub3A_207 = arith.subf %add3A_204, %sub3A_206 : vector<16xf32>
        %mul3A_208 = arith.mulf %sub3A_207, %get3A_16 : vector<16xf32>
        %sub3A_209 = arith.subf %mul3A_208, %get3A_21 : vector<16xf32>
        %swap3A_210 = arith.index_cast %scan3A_118 : i32 to index
        %swap3A_211 = arith.constant 48 : index
        %swap3A_212 = tpu.vector_load %arg8[%swap3A_210, %swap3A_211] {strides = array<i32>} : memref<400x128xf32, #tpu.memory_space<vmem>>, vector<1x16xf32>,
        %swap3A_213 = vector.shape_cast %swap3A_212 : vector<1x16xf32> to vector<16xf32>
        %swap3A_214 = vector.shape_cast %sub3A_209 : vector<16xf32> to vector<1x16xf32>
        tpu.vector_store %arg8[%swap3A_210, %swap3A_211], %swap3A_214 {strides = array<i32>} : memref<400x128xf32, #tpu.memory_space<vmem>>, vector<1x16xf32>,
      }
      %scan3A_107 = arith.constant 400 : i32
      %dma_start3A_108 = arith.constant 0 : i32
      %dma_start3A_109 = arith.constant 0 : i32
      %dma_start3A_110 = tpu.memref_slice %arg8[%dma_start3A_108, %dma_start3A_109] : memref<400x128xf32, #tpu.memory_space<vmem>> -> memref<400x64xf32, #tpu.memory_space<vmem>>
      %dma_start3A_111 = arith.constant 0 : i32
      %dma_start3A_112 = tpu.memref_slice %arg5[%add3A_59, %dma_start3A_111] : memref<204800x64xf32, #tpu.memory_space<hbm>> -> memref<400x64xf32, #tpu.memory_space<hbm>>
      %dma_start3A_113 = arith.constant 0 : i32
      %dma_start3A_114 = tpu.memref_slice %arg5[%add3A_59, %dma_start3A_113] : memref<204800x64xf32, #tpu.memory_space<hbm>> -> memref<400x64xf32, #tpu.memory_space<hbm>>
      %dma_start3A_115 = arith.constant 0 : i32
      %dma_start3A_116 = arith.constant 0 : i32
      %dma_start3A_117 = tpu.memref_slice %arg8[%dma_start3A_115, %dma_start3A_116] : memref<400x128xf32, #tpu.memory_space<vmem>> -> memref<400x64xf32, #tpu.memory_space<vmem>>
      tpu.enqueue_dma source(%dma_start3A_117 : memref<400x64xf32, #tpu.memory_space<vmem>>) target(%dma_start3A_114 : memref<400x64xf32, #tpu.memory_space<hbm>>) target_semaphore(%arg13 : memref<!tpu.dma_semaphore, #tpu.memory_space<semaphore_mem>>)
    }
    %scan3A_32 = arith.constant 8 : i32
    %dma_wait3A = arith.constant 0 : i32
    %dma_wait3A_33 = arith.constant 0 : i32
    %dma_wait3A_34 = tpu.memref_slice %arg7[%dma_wait3A, %dma_wait3A_33] : memref<400x128xf32, #tpu.memory_space<vmem>> -> memref<400x64xf32, #tpu.memory_space<vmem>>
    %dma_wait3A_35 = arith.constant 0 : i32
    %dma_wait3A_36 = tpu.memref_slice %arg5[%mul3A_2, %dma_wait3A_35] : memref<204800x64xf32, #tpu.memory_space<hbm>> -> memref<400x64xf32, #tpu.memory_space<hbm>>
    %dma_wait3A_37 = arith.constant 0 : i32
    %dma_wait3A_38 = tpu.memref_slice %arg5[%mul3A_2, %dma_wait3A_37] : memref<204800x64xf32, #tpu.memory_space<hbm>> -> memref<400x64xf32, #tpu.memory_space<hbm>>
    %dma_wait3A_39 = arith.constant 0 : i32
    %dma_wait3A_40 = arith.constant 0 : i32
    %dma_wait3A_41 = tpu.memref_slice %arg7[%dma_wait3A_39, %dma_wait3A_40] : memref<400x128xf32, #tpu.memory_space<vmem>> -> memref<400x64xf32, #tpu.memory_space<vmem>>
    tpu.wait_dma2 semaphore(%arg12 : memref<!tpu.dma_semaphore, #tpu.memory_space<semaphore_mem>>) src(%dma_wait3A_41 : memref<400x64xf32, #tpu.memory_space<vmem>>) dst(%dma_wait3A_38 : memref<400x64xf32, #tpu.memory_space<hbm>>)
    %dma_wait3A_42 = arith.constant 0 : i32
    %dma_wait3A_43 = arith.constant 0 : i32
    %dma_wait3A_44 = tpu.memref_slice %arg8[%dma_wait3A_42, %dma_wait3A_43] : memref<400x128xf32, #tpu.memory_space<vmem>> -> memref<400x64xf32, #tpu.memory_space<vmem>>
    %dma_wait3A_45 = arith.constant 0 : i32
    %dma_wait3A_46 = tpu.memref_slice %arg5[%mul3A_2, %dma_wait3A_45] : memref<204800x64xf32, #tpu.memory_space<hbm>> -> memref<400x64xf32, #tpu.memory_space<hbm>>
    %dma_wait3A_47 = arith.constant 0 : i32
    %dma_wait3A_48 = tpu.memref_slice %arg5[%mul3A_2, %dma_wait3A_47] : memref<204800x64xf32, #tpu.memory_space<hbm>> -> memref<400x64xf32, #tpu.memory_space<hbm>>
    %dma_wait3A_49 = arith.constant 0 : i32
    %dma_wait3A_50 = arith.constant 0 : i32
    %dma_wait3A_51 = tpu.memref_slice %arg8[%dma_wait3A_49, %dma_wait3A_50] : memref<400x128xf32, #tpu.memory_space<vmem>> -> memref<400x64xf32, #tpu.memory_space<vmem>>
    tpu.wait_dma2 semaphore(%arg13 : memref<!tpu.dma_semaphore, #tpu.memory_space<semaphore_mem>>) src(%dma_wait3A_51 : memref<400x64xf32, #tpu.memory_space<vmem>>) dst(%dma_wait3A_48 : memref<400x64xf32, #tpu.memory_space<hbm>>)
    return
  }
}

module attributes {stable_mosaic.version = 14 : i64} {
  func.func @_repack_body(%arg0: i32, %arg1: memref<64x1000000xf32, #tpu.memory_space<any>>, %arg2: memref<64x1600xf32, #tpu.memory_space<any>>, %arg3: memref<1000000x128xf32, #tpu.memory_space<any>>, %arg4: memref<2xf32, #tpu.memory_space<smem>>, %arg5: memref<2x64x24960xf32, #tpu.memory_space<vmem>>, %arg6: memref<2x24960x128xf32, #tpu.memory_space<vmem>>, %arg7: memref<64x1600xf32, #tpu.memory_space<vmem>>, %arg8: memref<2xf32, #tpu.memory_space<smem>>, %arg9: memref<2x!tpu.dma_semaphore, #tpu.memory_space<semaphore_mem>>, %arg10: memref<2x!tpu.dma_semaphore, #tpu.memory_space<semaphore_mem>>, %arg11: memref<!tpu.dma_semaphore, #tpu.memory_space<semaphore_mem>>) attributes {dimension_semantics = [#tpu.dimension_semantics<arbitrary>], iteration_bounds = array<i64: 41>, scalar_prefetch = 0 : i64, scratch_operands = 7 : i64, tpu.core_type = #tpu.core_type<tc>, window_params = [{}, {}, {}, {transform_indices = @transform_3, window_bounds = array<i64: 2>}]} {
    %jit3A = arith.constant 2 : i32
    %eq3A = arith.constant 0 : i32
    %eq3A_0 = arith.cmpi eq, %jit3A, %eq3A : i32
    %jit3A_1 = arith.constant 1 : i32
    %select_n3A = arith.select %eq3A_0, %jit3A_1, %jit3A : i32
    %rem3A = arith.remsi %arg0, %select_n3A : i32
    %ne3A = arith.constant 0 : i32
    %ne3A_2 = arith.cmpi ne, %rem3A, %ne3A : i32
    %lt3A = arith.constant 0 : i32
    %lt3A_3 = arith.cmpi slt, %rem3A, %lt3A : i32
    %lt3A_4 = arith.constant 0 : i32
    %lt3A_5 = arith.cmpi slt, %select_n3A, %lt3A_4 : i32
    %ne3A_6 = arith.xori %lt3A_3, %lt3A_5 : i1
    %and3A = arith.andi %ne3A_6, %ne3A_2 : i1
    %add3A = arith.addi %rem3A, %select_n3A : i32
    %select_n3A_7 = arith.select %and3A, %add3A, %rem3A : i32
    %eq3A_8 = arith.constant 0 : i32
    %eq3A_9 = arith.cmpi eq, %arg0, %eq3A_8 : i32
    %convert_element_type3A = arith.extui %eq3A_9 : i1 to i32
    %cond3A = arith.constant 0 : i32
    %cond3A_10 = arith.cmpi ne, %convert_element_type3A, %cond3A : i32
    scf.if %cond3A_10 {
      %dma_start3A = arith.constant 0 : i32
      %dma_start3A_28 = arith.constant 0 : i32
      %dma_start3A_29 = tpu.memref_slice %arg9[%dma_start3A_28] : memref<2x!tpu.dma_semaphore, #tpu.memory_space<semaphore_mem>> -> memref<1x!tpu.dma_semaphore, #tpu.memory_space<semaphore_mem>>
      %dma_start3A_30 = tpu.memref_squeeze %dma_start3A_29 : memref<1x!tpu.dma_semaphore, #tpu.memory_space<semaphore_mem>> -> memref<!tpu.dma_semaphore, #tpu.memory_space<semaphore_mem>>
      %dma_start3A_31 = arith.constant 0 : i32
      %dma_start3A_32 = arith.constant 0 : i32
      %dma_start3A_33 = tpu.memref_slice %arg5[%dma_start3A, %dma_start3A_31, %dma_start3A_32] : memref<2x64x24960xf32, #tpu.memory_space<vmem>> -> memref<1x64x24960xf32, #tpu.memory_space<vmem>>
      %dma_start3A_34 = tpu.memref_squeeze %dma_start3A_33 : memref<1x64x24960xf32, #tpu.memory_space<vmem>> -> memref<64x24960xf32, #tpu.memory_space<vmem>>
      %dma_start3A_35 = arith.constant 0 : i32
      %dma_start3A_36 = arith.constant 0 : i32
      %dma_start3A_37 = tpu.memref_slice %arg1[%dma_start3A_35, %dma_start3A_36] : memref<64x1000000xf32, #tpu.memory_space<any>> -> memref<64x24960xf32, #tpu.memory_space<any>>
      tpu.enqueue_dma source(%dma_start3A_37 : memref<64x24960xf32, #tpu.memory_space<any>>) target(%dma_start3A_34 : memref<64x24960xf32, #tpu.memory_space<vmem>>) target_semaphore(%dma_start3A_30 : memref<!tpu.dma_semaphore, #tpu.memory_space<semaphore_mem>>)
    } else {
    }
    %add3A_11 = arith.constant 1 : i32
    %add3A_12 = arith.addi %arg0, %add3A_11 : i32
    %lt3A_13 = arith.constant 40 : i32
    %lt3A_14 = arith.cmpi slt, %add3A_12, %lt3A_13 : i32
    %convert_element_type3A_15 = arith.extui %lt3A_14 : i1 to i32
    %cond3A_16 = arith.constant 0 : i32
    %cond3A_17 = arith.cmpi ne, %convert_element_type3A_15, %cond3A_16 : i32
    scf.if %cond3A_17 {
      %add3A_28 = arith.constant 1 : i32
      %add3A_29 = arith.addi %arg0, %add3A_28 : i32
      %mul3A = arith.constant 24960 : i32
      %mul3A_30 = arith.muli %add3A_29, %mul3A : i32
      %add3A_31 = arith.constant 1 : i32
      %add3A_32 = arith.addi %arg0, %add3A_31 : i32
      %jit3A_33 = arith.constant 2 : i32
      %eq3A_34 = arith.constant 0 : i32
      %eq3A_35 = arith.cmpi eq, %jit3A_33, %eq3A_34 : i32
      %jit3A_36 = arith.constant 1 : i32
      %select_n3A_37 = arith.select %eq3A_35, %jit3A_36, %jit3A_33 : i32
      %rem3A_38 = arith.remsi %add3A_32, %select_n3A_37 : i32
      %ne3A_39 = arith.constant 0 : i32
      %ne3A_40 = arith.cmpi ne, %rem3A_38, %ne3A_39 : i32
      %lt3A_41 = arith.constant 0 : i32
      %lt3A_42 = arith.cmpi slt, %rem3A_38, %lt3A_41 : i32
      %lt3A_43 = arith.constant 0 : i32
      %lt3A_44 = arith.cmpi slt, %select_n3A_37, %lt3A_43 : i32
      %ne3A_45 = arith.xori %lt3A_42, %lt3A_44 : i1
      %and3A_46 = arith.andi %ne3A_45, %ne3A_40 : i1
      %add3A_47 = arith.addi %rem3A_38, %select_n3A_37 : i32
      %select_n3A_48 = arith.select %and3A_46, %add3A_47, %rem3A_38 : i32
      %add3A_49 = arith.constant 1 : i32
      %add3A_50 = arith.addi %arg0, %add3A_49 : i32
      %jit3A_51 = arith.constant 2 : i32
      %eq3A_52 = arith.constant 0 : i32
      %eq3A_53 = arith.cmpi eq, %jit3A_51, %eq3A_52 : i32
      %jit3A_54 = arith.constant 1 : i32
      %select_n3A_55 = arith.select %eq3A_53, %jit3A_54, %jit3A_51 : i32
      %rem3A_56 = arith.remsi %add3A_50, %select_n3A_55 : i32
      %ne3A_57 = arith.constant 0 : i32
      %ne3A_58 = arith.cmpi ne, %rem3A_56, %ne3A_57 : i32
      %lt3A_59 = arith.constant 0 : i32
      %lt3A_60 = arith.cmpi slt, %rem3A_56, %lt3A_59 : i32
      %lt3A_61 = arith.constant 0 : i32
      %lt3A_62 = arith.cmpi slt, %select_n3A_55, %lt3A_61 : i32
      %ne3A_63 = arith.xori %lt3A_60, %lt3A_62 : i1
      %and3A_64 = arith.andi %ne3A_63, %ne3A_58 : i1
      %add3A_65 = arith.addi %rem3A_56, %select_n3A_55 : i32
      %select_n3A_66 = arith.select %and3A_64, %add3A_65, %rem3A_56 : i32
      %dma_start3A = tpu.memref_slice %arg9[%select_n3A_66] : memref<2x!tpu.dma_semaphore, #tpu.memory_space<semaphore_mem>> -> memref<1x!tpu.dma_semaphore, #tpu.memory_space<semaphore_mem>>
      %dma_start3A_67 = tpu.memref_squeeze %dma_start3A : memref<1x!tpu.dma_semaphore, #tpu.memory_space<semaphore_mem>> -> memref<!tpu.dma_semaphore, #tpu.memory_space<semaphore_mem>>
      %dma_start3A_68 = arith.constant 0 : i32
      %dma_start3A_69 = arith.constant 0 : i32
      %dma_start3A_70 = tpu.memref_slice %arg5[%select_n3A_48, %dma_start3A_68, %dma_start3A_69] : memref<2x64x24960xf32, #tpu.memory_space<vmem>> -> memref<1x64x24960xf32, #tpu.memory_space<vmem>>
      %dma_start3A_71 = tpu.memref_squeeze %dma_start3A_70 : memref<1x64x24960xf32, #tpu.memory_space<vmem>> -> memref<64x24960xf32, #tpu.memory_space<vmem>>
      %dma_start3A_72 = arith.constant 0 : i32
      %dma_start3A_73 = tpu.memref_slice %arg1[%dma_start3A_72, %mul3A_30] : memref<64x1000000xf32, #tpu.memory_space<any>> -> memref<64x24960xf32, #tpu.memory_space<any>>
      tpu.enqueue_dma source(%dma_start3A_73 : memref<64x24960xf32, #tpu.memory_space<any>>) target(%dma_start3A_71 : memref<64x24960xf32, #tpu.memory_space<vmem>>) target_semaphore(%dma_start3A_67 : memref<!tpu.dma_semaphore, #tpu.memory_space<semaphore_mem>>)
    } else {
    }
    %lt3A_18 = arith.constant 40 : i32
    %lt3A_19 = arith.cmpi slt, %arg0, %lt3A_18 : i32
    %convert_element_type3A_20 = arith.extui %lt3A_19 : i1 to i32
    %cond3A_21 = arith.constant 0 : i32
    %cond3A_22 = arith.cmpi ne, %convert_element_type3A_20, %cond3A_21 : i32
    scf.if %cond3A_22 {
      %mul3A = arith.constant 24960 : i32
      %mul3A_28 = arith.muli %arg0, %mul3A : i32
      %dma_wait3A = tpu.memref_slice %arg9[%select_n3A_7] : memref<2x!tpu.dma_semaphore, #tpu.memory_space<semaphore_mem>> -> memref<1x!tpu.dma_semaphore, #tpu.memory_space<semaphore_mem>>
      %dma_wait3A_29 = tpu.memref_squeeze %dma_wait3A : memref<1x!tpu.dma_semaphore, #tpu.memory_space<semaphore_mem>> -> memref<!tpu.dma_semaphore, #tpu.memory_space<semaphore_mem>>
      %dma_wait3A_30 = arith.constant 0 : i32
      %dma_wait3A_31 = arith.constant 0 : i32
      %dma_wait3A_32 = tpu.memref_slice %arg5[%select_n3A_7, %dma_wait3A_30, %dma_wait3A_31] : memref<2x64x24960xf32, #tpu.memory_space<vmem>> -> memref<1x64x24960xf32, #tpu.memory_space<vmem>>
      %dma_wait3A_33 = tpu.memref_squeeze %dma_wait3A_32 : memref<1x64x24960xf32, #tpu.memory_space<vmem>> -> memref<64x24960xf32, #tpu.memory_space<vmem>>
      %dma_wait3A_34 = arith.constant 0 : i32
      %dma_wait3A_35 = tpu.memref_slice %arg1[%dma_wait3A_34, %mul3A_28] : memref<64x1000000xf32, #tpu.memory_space<any>> -> memref<64x24960xf32, #tpu.memory_space<any>>
      tpu.wait_dma2 semaphore(%dma_wait3A_29 : memref<!tpu.dma_semaphore, #tpu.memory_space<semaphore_mem>>) src(%dma_wait3A_35 : memref<64x24960xf32, #tpu.memory_space<any>>) dst(%dma_wait3A_33 : memref<64x24960xf32, #tpu.memory_space<vmem>>)
      %get3A = arith.index_cast %select_n3A_7 : i32 to index
      %get3A_36 = arith.constant 0 : index
      %get3A_37 = arith.constant 0 : index
      %get3A_38 = vector.load %arg5[%get3A, %get3A_36, %get3A_37] : memref<2x64x24960xf32, #tpu.memory_space<vmem>>, vector<1x64x24960xf32>
      %get3A_39 = vector.shape_cast %get3A_38 : vector<1x64x24960xf32> to vector<64x24960xf32>
      %reduce_min3A = vector.shape_cast %get3A_39 : vector<64x24960xf32> to vector<1x64x24960xf32>
      %reduce_min3A_40 = arith.constant dense<0x7F800000> : vector<1xf32>
      %reduce_min3A_41 = vector.multi_reduction <minimumf>, %reduce_min3A, %reduce_min3A_40 [1, 2] : vector<1x64x24960xf32> to vector<1xf32>
      %reduce_min3A_42 = vector.shape_cast %reduce_min3A_41 : vector<1xf32> to vector<1x1x1xf32>
      %reduce_min3A_43 = vector.extract %reduce_min3A_42[0, 0, 0] : f32 from vector<1x1x1xf32>
      %reduce_max3A = vector.shape_cast %get3A_39 : vector<64x24960xf32> to vector<1x64x24960xf32>
      %reduce_max3A_44 = arith.constant dense<0xFF800000> : vector<1xf32>
      %reduce_max3A_45 = vector.multi_reduction <maximumf>, %reduce_max3A, %reduce_max3A_44 [1, 2] : vector<1x64x24960xf32> to vector<1xf32>
      %reduce_max3A_46 = vector.shape_cast %reduce_max3A_45 : vector<1xf32> to vector<1x1x1xf32>
      %reduce_max3A_47 = vector.extract %reduce_max3A_46[0, 0, 0] : f32 from vector<1x1x1xf32>
      %eq3A_48 = arith.constant 0 : i32
      %eq3A_49 = arith.cmpi eq, %arg0, %eq3A_48 : i32
      %convert_element_type3A_50 = arith.extui %eq3A_49 : i1 to i32
      %cond3A_51 = arith.constant 0 : i32
      %cond3A_52 = arith.cmpi ne, %convert_element_type3A_50, %cond3A_51 : i32
      scf.if %cond3A_52 {
        %swap3A_75 = arith.constant 0 : index
        %swap3A_76 = memref.load %arg8[%swap3A_75] : memref<2xf32, #tpu.memory_space<smem>>
        memref.store %reduce_min3A_43, %arg8[%swap3A_75] : memref<2xf32, #tpu.memory_space<smem>>
        %swap3A_77 = arith.constant 1 : index
        %swap3A_78 = memref.load %arg8[%swap3A_77] : memref<2xf32, #tpu.memory_space<smem>>
        memref.store %reduce_max3A_47, %arg8[%swap3A_77] : memref<2xf32, #tpu.memory_space<smem>>
      } else {
      }
      %gt3A = arith.constant 0 : i32
      %gt3A_53 = arith.cmpi sgt, %arg0, %gt3A : i32
      %convert_element_type3A_54 = arith.extui %gt3A_53 : i1 to i32
      %cond3A_55 = arith.constant 0 : i32
      %cond3A_56 = arith.cmpi ne, %convert_element_type3A_54, %cond3A_55 : i32
      scf.if %cond3A_56 {
        %get3A_75 = arith.constant 0 : index
        %get3A_76 = memref.load %arg8[%get3A_75] : memref<2xf32, #tpu.memory_space<smem>>
        %min3A = arith.minimumf %get3A_76, %reduce_min3A_43 : f32
        %swap3A_77 = arith.constant 0 : index
        %swap3A_78 = memref.load %arg8[%swap3A_77] : memref<2xf32, #tpu.memory_space<smem>>
        memref.store %min3A, %arg8[%swap3A_77] : memref<2xf32, #tpu.memory_space<smem>>
        %get3A_79 = arith.constant 1 : index
        %get3A_80 = memref.load %arg8[%get3A_79] : memref<2xf32, #tpu.memory_space<smem>>
        %max3A = arith.maximumf %get3A_80, %reduce_max3A_47 : f32
        %swap3A_81 = arith.constant 1 : index
        %swap3A_82 = memref.load %arg8[%swap3A_81] : memref<2xf32, #tpu.memory_space<smem>>
        memref.store %max3A, %arg8[%swap3A_81] : memref<2xf32, #tpu.memory_space<smem>>
      } else {
      }
      %ge3A = arith.constant 2 : i32
      %ge3A_57 = arith.cmpi sge, %arg0, %ge3A : i32
      %convert_element_type3A_58 = arith.extui %ge3A_57 : i1 to i32
      %cond3A_59 = arith.constant 0 : i32
      %cond3A_60 = arith.cmpi ne, %convert_element_type3A_58, %cond3A_59 : i32
      scf.if %cond3A_60 {
        %sub3A = arith.constant 2 : i32
        %sub3A_75 = arith.subi %arg0, %sub3A : i32
        %mul3A_76 = arith.constant 24960 : i32
        %mul3A_77 = arith.muli %sub3A_75, %mul3A_76 : i32
        %dma_wait3A_78 = tpu.memref_slice %arg10[%select_n3A_7] : memref<2x!tpu.dma_semaphore, #tpu.memory_space<semaphore_mem>> -> memref<1x!tpu.dma_semaphore, #tpu.memory_space<semaphore_mem>>
        %dma_wait3A_79 = tpu.memref_squeeze %dma_wait3A_78 : memref<1x!tpu.dma_semaphore, #tpu.memory_space<semaphore_mem>> -> memref<!tpu.dma_semaphore, #tpu.memory_space<semaphore_mem>>
        %dma_wait3A_80 = arith.constant 0 : i32
        %dma_wait3A_81 = tpu.memref_slice %arg3[%mul3A_77, %dma_wait3A_80] : memref<1000000x128xf32, #tpu.memory_space<any>> -> memref<24960x128xf32, #tpu.memory_space<any>>
        %dma_wait3A_82 = arith.constant 0 : i32
        %dma_wait3A_83 = arith.constant 0 : i32
        %dma_wait3A_84 = tpu.memref_slice %arg6[%select_n3A_7, %dma_wait3A_82, %dma_wait3A_83] : memref<2x24960x128xf32, #tpu.memory_space<vmem>> -> memref<1x24960x128xf32, #tpu.memory_space<vmem>>
        %dma_wait3A_85 = tpu.memref_squeeze %dma_wait3A_84 : memref<1x24960x128xf32, #tpu.memory_space<vmem>> -> memref<24960x128xf32, #tpu.memory_space<vmem>>
        tpu.wait_dma2 semaphore(%dma_wait3A_79 : memref<!tpu.dma_semaphore, #tpu.memory_space<semaphore_mem>>) src(%dma_wait3A_85 : memref<24960x128xf32, #tpu.memory_space<vmem>>) dst(%dma_wait3A_81 : memref<24960x128xf32, #tpu.memory_space<any>>)
      } else {
      }
      %transpose3A = tpu.transpose %get3A_39, [1, 0] : vector<64x24960xf32> -> vector<24960x64xf32>
      %swap3A = arith.index_cast %select_n3A_7 : i32 to index
      %swap3A_61 = arith.constant 0 : index
      %swap3A_62 = arith.constant 0 : index
      %swap3A_63 = vector.load %arg6[%swap3A, %swap3A_61, %swap3A_62] : memref<2x24960x128xf32, #tpu.memory_space<vmem>>, vector<1x24960x64xf32>
      %swap3A_64 = vector.shape_cast %swap3A_63 : vector<1x24960x64xf32> to vector<24960x64xf32>
      %swap3A_65 = vector.shape_cast %transpose3A : vector<24960x64xf32> to vector<1x24960x64xf32>
      tpu.vector_store %arg6[%swap3A, %swap3A_61, %swap3A_62], %swap3A_65 {strides = array<i32>} : memref<2x24960x128xf32, #tpu.memory_space<vmem>>, vector<1x24960x64xf32>,
      %mul3A_66 = arith.constant 24960 : i32
      %mul3A_67 = arith.muli %arg0, %mul3A_66 : i32
      %dma_start3A = tpu.memref_slice %arg10[%select_n3A_7] : memref<2x!tpu.dma_semaphore, #tpu.memory_space<semaphore_mem>> -> memref<1x!tpu.dma_semaphore, #tpu.memory_space<semaphore_mem>>
      %dma_start3A_68 = tpu.memref_squeeze %dma_start3A : memref<1x!tpu.dma_semaphore, #tpu.memory_space<semaphore_mem>> -> memref<!tpu.dma_semaphore, #tpu.memory_space<semaphore_mem>>
      %dma_start3A_69 = arith.constant 0 : i32
      %dma_start3A_70 = tpu.memref_slice %arg3[%mul3A_67, %dma_start3A_69] : memref<1000000x128xf32, #tpu.memory_space<any>> -> memref<24960x128xf32, #tpu.memory_space<any>>
      %dma_start3A_71 = arith.constant 0 : i32
      %dma_start3A_72 = arith.constant 0 : i32
      %dma_start3A_73 = tpu.memref_slice %arg6[%select_n3A_7, %dma_start3A_71, %dma_start3A_72] : memref<2x24960x128xf32, #tpu.memory_space<vmem>> -> memref<1x24960x128xf32, #tpu.memory_space<vmem>>
      %dma_start3A_74 = tpu.memref_squeeze %dma_start3A_73 : memref<1x24960x128xf32, #tpu.memory_space<vmem>> -> memref<24960x128xf32, #tpu.memory_space<vmem>>
      tpu.enqueue_dma source(%dma_start3A_74 : memref<24960x128xf32, #tpu.memory_space<vmem>>) target(%dma_start3A_70 : memref<24960x128xf32, #tpu.memory_space<any>>) target_semaphore(%dma_start3A_68 : memref<!tpu.dma_semaphore, #tpu.memory_space<semaphore_mem>>)
    } else {
    }
    %eq3A_23 = arith.constant 40 : i32
    %eq3A_24 = arith.cmpi eq, %arg0, %eq3A_23 : i32
    %convert_element_type3A_25 = arith.extui %eq3A_24 : i1 to i32
    %cond3A_26 = arith.constant 0 : i32
    %cond3A_27 = arith.cmpi ne, %convert_element_type3A_25, %cond3A_26 : i32
    scf.if %cond3A_27 {
      tpu.enqueue_dma source(%arg2 : memref<64x1600xf32, #tpu.memory_space<any>>) target(%arg7 : memref<64x1600xf32, #tpu.memory_space<vmem>>) target_semaphore(%arg11 : memref<!tpu.dma_semaphore, #tpu.memory_space<semaphore_mem>>)
      tpu.wait_dma2 semaphore(%arg11 : memref<!tpu.dma_semaphore, #tpu.memory_space<semaphore_mem>>) src(%arg2 : memref<64x1600xf32, #tpu.memory_space<any>>) dst(%arg7 : memref<64x1600xf32, #tpu.memory_space<vmem>>)
      %get3A = arith.constant 0 : index
      %get3A_28 = arith.constant 0 : index
      %get3A_29 = vector.load %arg7[%get3A, %get3A_28] : memref<64x1600xf32, #tpu.memory_space<vmem>>, vector<64x1600xf32>
      %get3A_30 = arith.constant 0 : index
      %get3A_31 = memref.load %arg8[%get3A_30] : memref<2xf32, #tpu.memory_space<smem>>
      %reduce_min3A = vector.shape_cast %get3A_29 : vector<64x1600xf32> to vector<1x64x1600xf32>
      %reduce_min3A_32 = arith.constant dense<0x7F800000> : vector<1xf32>
      %reduce_min3A_33 = vector.multi_reduction <minimumf>, %reduce_min3A, %reduce_min3A_32 [1, 2] : vector<1x64x1600xf32> to vector<1xf32>
      %reduce_min3A_34 = vector.shape_cast %reduce_min3A_33 : vector<1xf32> to vector<1x1x1xf32>
      %reduce_min3A_35 = vector.extract %reduce_min3A_34[0, 0, 0] : f32 from vector<1x1x1xf32>
      %min3A = arith.minimumf %get3A_31, %reduce_min3A_35 : f32
      %swap3A = arith.constant 0 : index
      %swap3A_36 = memref.load %arg8[%swap3A] : memref<2xf32, #tpu.memory_space<smem>>
      memref.store %min3A, %arg8[%swap3A] : memref<2xf32, #tpu.memory_space<smem>>
      %get3A_37 = arith.constant 1 : index
      %get3A_38 = memref.load %arg8[%get3A_37] : memref<2xf32, #tpu.memory_space<smem>>
      %reduce_max3A = vector.shape_cast %get3A_29 : vector<64x1600xf32> to vector<1x64x1600xf32>
      %reduce_max3A_39 = arith.constant dense<0xFF800000> : vector<1xf32>
      %reduce_max3A_40 = vector.multi_reduction <maximumf>, %reduce_max3A, %reduce_max3A_39 [1, 2] : vector<1x64x1600xf32> to vector<1xf32>
      %reduce_max3A_41 = vector.shape_cast %reduce_max3A_40 : vector<1xf32> to vector<1x1x1xf32>
      %reduce_max3A_42 = vector.extract %reduce_max3A_41[0, 0, 0] : f32 from vector<1x1x1xf32>
      %max3A = arith.maximumf %get3A_38, %reduce_max3A_42 : f32
      %swap3A_43 = arith.constant 1 : index
      %swap3A_44 = memref.load %arg8[%swap3A_43] : memref<2xf32, #tpu.memory_space<smem>>
      memref.store %max3A, %arg8[%swap3A_43] : memref<2xf32, #tpu.memory_space<smem>>
      %dma_wait3A = arith.constant 0 : i32
      %dma_wait3A_45 = arith.constant 0 : i32
      %dma_wait3A_46 = tpu.memref_slice %arg10[%dma_wait3A_45] : memref<2x!tpu.dma_semaphore, #tpu.memory_space<semaphore_mem>> -> memref<1x!tpu.dma_semaphore, #tpu.memory_space<semaphore_mem>>
      %dma_wait3A_47 = tpu.memref_squeeze %dma_wait3A_46 : memref<1x!tpu.dma_semaphore, #tpu.memory_space<semaphore_mem>> -> memref<!tpu.dma_semaphore, #tpu.memory_space<semaphore_mem>>
      %dma_wait3A_48 = arith.constant 948480 : i32
      %dma_wait3A_49 = arith.constant 0 : i32
      %dma_wait3A_50 = tpu.memref_slice %arg3[%dma_wait3A_48, %dma_wait3A_49] : memref<1000000x128xf32, #tpu.memory_space<any>> -> memref<24960x128xf32, #tpu.memory_space<any>>
      %dma_wait3A_51 = arith.constant 0 : i32
      %dma_wait3A_52 = arith.constant 0 : i32
      %dma_wait3A_53 = tpu.memref_slice %arg6[%dma_wait3A, %dma_wait3A_51, %dma_wait3A_52] : memref<2x24960x128xf32, #tpu.memory_space<vmem>> -> memref<1x24960x128xf32, #tpu.memory_space<vmem>>
      %dma_wait3A_54 = tpu.memref_squeeze %dma_wait3A_53 : memref<1x24960x128xf32, #tpu.memory_space<vmem>> -> memref<24960x128xf32, #tpu.memory_space<vmem>>
      tpu.wait_dma2 semaphore(%dma_wait3A_47 : memref<!tpu.dma_semaphore, #tpu.memory_space<semaphore_mem>>) src(%dma_wait3A_54 : memref<24960x128xf32, #tpu.memory_space<vmem>>) dst(%dma_wait3A_50 : memref<24960x128xf32, #tpu.memory_space<any>>)
      %transpose3A = tpu.transpose %get3A_29, [1, 0] : vector<64x1600xf32> -> vector<1600x64xf32>
      %swap3A_55 = arith.constant 0 : index
      %swap3A_56 = arith.constant 0 : index
      %swap3A_57 = arith.constant 0 : index
      %swap3A_58 = vector.load %arg6[%swap3A_55, %swap3A_56, %swap3A_57] : memref<2x24960x128xf32, #tpu.memory_space<vmem>>, vector<1x1600x64xf32>
      %swap3A_59 = vector.shape_cast %swap3A_58 : vector<1x1600x64xf32> to vector<1600x64xf32>
      %swap3A_60 = vector.shape_cast %transpose3A : vector<1600x64xf32> to vector<1x1600x64xf32>
      tpu.vector_store %arg6[%swap3A_55, %swap3A_56, %swap3A_57], %swap3A_60 {strides = array<i32>} : memref<2x24960x128xf32, #tpu.memory_space<vmem>>, vector<1x1600x64xf32>,
      %dma_start3A = arith.constant 0 : i32
      %dma_start3A_61 = arith.constant 0 : i32
      %dma_start3A_62 = tpu.memref_slice %arg10[%dma_start3A_61] : memref<2x!tpu.dma_semaphore, #tpu.memory_space<semaphore_mem>> -> memref<1x!tpu.dma_semaphore, #tpu.memory_space<semaphore_mem>>
      %dma_start3A_63 = tpu.memref_squeeze %dma_start3A_62 : memref<1x!tpu.dma_semaphore, #tpu.memory_space<semaphore_mem>> -> memref<!tpu.dma_semaphore, #tpu.memory_space<semaphore_mem>>
      %dma_start3A_64 = arith.constant 998400 : i32
      %dma_start3A_65 = arith.constant 0 : i32
      %dma_start3A_66 = tpu.memref_slice %arg3[%dma_start3A_64, %dma_start3A_65] : memref<1000000x128xf32, #tpu.memory_space<any>> -> memref<1600x128xf32, #tpu.memory_space<any>>
      %dma_start3A_67 = arith.constant 0 : i32
      %dma_start3A_68 = arith.constant 0 : i32
      %dma_start3A_69 = tpu.memref_slice %arg6[%dma_start3A, %dma_start3A_67, %dma_start3A_68] : memref<2x24960x128xf32, #tpu.memory_space<vmem>> -> memref<1x1600x128xf32, #tpu.memory_space<vmem>>
      %dma_start3A_70 = tpu.memref_squeeze %dma_start3A_69 : memref<1x1600x128xf32, #tpu.memory_space<vmem>> -> memref<1600x128xf32, #tpu.memory_space<vmem>>
      tpu.enqueue_dma source(%dma_start3A_70 : memref<1600x128xf32, #tpu.memory_space<vmem>>) target(%dma_start3A_66 : memref<1600x128xf32, #tpu.memory_space<any>>) target_semaphore(%dma_start3A_63 : memref<!tpu.dma_semaphore, #tpu.memory_space<semaphore_mem>>)
      %dma_wait3A_71 = arith.constant 1 : i32
      %dma_wait3A_72 = arith.constant 1 : i32
      %dma_wait3A_73 = tpu.memref_slice %arg10[%dma_wait3A_72] : memref<2x!tpu.dma_semaphore, #tpu.memory_space<semaphore_mem>> -> memref<1x!tpu.dma_semaphore, #tpu.memory_space<semaphore_mem>>
      %dma_wait3A_74 = tpu.memref_squeeze %dma_wait3A_73 : memref<1x!tpu.dma_semaphore, #tpu.memory_space<semaphore_mem>> -> memref<!tpu.dma_semaphore, #tpu.memory_space<semaphore_mem>>
      %dma_wait3A_75 = arith.constant 973440 : i32
      %dma_wait3A_76 = arith.constant 0 : i32
      %dma_wait3A_77 = tpu.memref_slice %arg3[%dma_wait3A_75, %dma_wait3A_76] : memref<1000000x128xf32, #tpu.memory_space<any>> -> memref<24960x128xf32, #tpu.memory_space<any>>
      %dma_wait3A_78 = arith.constant 0 : i32
      %dma_wait3A_79 = arith.constant 0 : i32
      %dma_wait3A_80 = tpu.memref_slice %arg6[%dma_wait3A_71, %dma_wait3A_78, %dma_wait3A_79] : memref<2x24960x128xf32, #tpu.memory_space<vmem>> -> memref<1x24960x128xf32, #tpu.memory_space<vmem>>
      %dma_wait3A_81 = tpu.memref_squeeze %dma_wait3A_80 : memref<1x24960x128xf32, #tpu.memory_space<vmem>> -> memref<24960x128xf32, #tpu.memory_space<vmem>>
      tpu.wait_dma2 semaphore(%dma_wait3A_74 : memref<!tpu.dma_semaphore, #tpu.memory_space<semaphore_mem>>) src(%dma_wait3A_81 : memref<24960x128xf32, #tpu.memory_space<vmem>>) dst(%dma_wait3A_77 : memref<24960x128xf32, #tpu.memory_space<any>>)
      %dma_wait3A_82 = arith.constant 0 : i32
      %dma_wait3A_83 = arith.constant 0 : i32
      %dma_wait3A_84 = tpu.memref_slice %arg10[%dma_wait3A_83] : memref<2x!tpu.dma_semaphore, #tpu.memory_space<semaphore_mem>> -> memref<1x!tpu.dma_semaphore, #tpu.memory_space<semaphore_mem>>
      %dma_wait3A_85 = tpu.memref_squeeze %dma_wait3A_84 : memref<1x!tpu.dma_semaphore, #tpu.memory_space<semaphore_mem>> -> memref<!tpu.dma_semaphore, #tpu.memory_space<semaphore_mem>>
      %dma_wait3A_86 = arith.constant 998400 : i32
      %dma_wait3A_87 = arith.constant 0 : i32
      %dma_wait3A_88 = tpu.memref_slice %arg3[%dma_wait3A_86, %dma_wait3A_87] : memref<1000000x128xf32, #tpu.memory_space<any>> -> memref<1600x128xf32, #tpu.memory_space<any>>
      %dma_wait3A_89 = arith.constant 0 : i32
      %dma_wait3A_90 = arith.constant 0 : i32
      %dma_wait3A_91 = tpu.memref_slice %arg6[%dma_wait3A_82, %dma_wait3A_89, %dma_wait3A_90] : memref<2x24960x128xf32, #tpu.memory_space<vmem>> -> memref<1x1600x128xf32, #tpu.memory_space<vmem>>
      %dma_wait3A_92 = tpu.memref_squeeze %dma_wait3A_91 : memref<1x1600x128xf32, #tpu.memory_space<vmem>> -> memref<1600x128xf32, #tpu.memory_space<vmem>>
      tpu.wait_dma2 semaphore(%dma_wait3A_85 : memref<!tpu.dma_semaphore, #tpu.memory_space<semaphore_mem>>) src(%dma_wait3A_92 : memref<1600x128xf32, #tpu.memory_space<vmem>>) dst(%dma_wait3A_88 : memref<1600x128xf32, #tpu.memory_space<any>>)
      %get3A_93 = arith.constant 0 : index
      %get3A_94 = memref.load %arg8[%get3A_93] : memref<2xf32, #tpu.memory_space<smem>>
      %swap3A_95 = arith.constant 0 : index
      %swap3A_96 = memref.load %arg4[%swap3A_95] : memref<2xf32, #tpu.memory_space<smem>>
      memref.store %get3A_94, %arg4[%swap3A_95] : memref<2xf32, #tpu.memory_space<smem>>
      %get3A_97 = arith.constant 1 : index
      %get3A_98 = memref.load %arg8[%get3A_97] : memref<2xf32, #tpu.memory_space<smem>>
      %swap3A_99 = arith.constant 1 : index
      %swap3A_100 = memref.load %arg4[%swap3A_99] : memref<2xf32, #tpu.memory_space<smem>>
      memref.store %get3A_98, %arg4[%swap3A_99] : memref<2xf32, #tpu.memory_space<smem>>
    } else {
    }
    return
  }
  func.func @transform_3(%arg0: i32) -> i32 {
    %c0_i32 = arith.constant 0 : i32
    %c0_i32_0 = arith.constant 0 : i32
    return %c0_i32 : i32
  }
}

</mosaic_0001>

<sc_bundles>
// kernel: kernel.10.cloned.1.call-start
scs
__scs_entry_jumppad:
0x0: {  	(pc) =	sbr.rel $0x88, $3  }
0x1: {  	(tag) =	ssettag $0x0;
	lr =	simm.s32 $0x1  }
0x2: {  	[smem:$0x3F9F] =	sst lr;
	_ =	strace $0xD0000000  }
0x3: {  	_ = 	snop  }
0x4: {  	_ = 	snop  }
0x5: {  	_ = 	snop  }
0x6: {  	_ = 	snop  }
0x7: {  	_ = 	snop  }
__scs_overlays_trampoline_lowered:
0x8: {  	[smem:$0x3FAE] =	sst s0  }
0x9: {  	[smem:$0x3FAF] =	sst s1  }
0xa: {  	[smem:$0x3FB0] =	sst s2  }
0xb: {  	[smem:$0x3FB1] =	sst s3  }
0xc: {  	[smem:$0x3FB2] =	sst s4  }
0xd: {  	[smem:$0x3FB3] =	sst s5  }
0xe: {  	[smem:$0x3FB4] =	sst s6  }
0xf: {  	[smem:$0x3FB5] =	sst s7  }
0x10: {  	[smem:$0x3FB6] =	sst s8  }
0x11: {  	[smem:$0x3FB7] =	sst s9;
	s0 =	simm.s32 @!p0 $0x0  }
0x12: {  	s1 =	sld [smem:$0x3F9D];
	s0 =	simm.s32 @p0 $0x1  }
0x13: {  	[smem:$0x3FB8] =	sst s0;
	s0 =	simm.s32 @!p1 $0x0  }
0x14: {  	s2 =	sld [smem:$0x3F9C];
	s0 =	simm.s32 @p1 $0x1  }
0x15: {  	[smem:$0x3FB9] =	sst s0;
	s0 =	simm.s32 @!p2 $0x0  }
0x16: {  	s3 =	sld [smem:$0x3FDB];
	s0 =	simm.s32 @p2 $0x1  }
0x17: {  	s4 =	simm.s32 $0x1BF5;
	[smem:$0x3FBB] =	sst s0  }
0x18: {  	s0 =	sld [smem:$0x3F9E];
	_ =	swait.ge [sflag:s4], $0x0  }
0x19: {  	s7 =	sld [smem:$0x3F9F]  }
0x1a: {  	s8 =	sadd.s32 $0xFFFFE003, lr  }
0x1b: {  	s9 =	sadd.s32 $0xFFFFFEF7, lr;
	s5 =	simm.s32 $0xFFFFFFFF;
	p2 =	slt.u32 s8, $0xFFFFF086  }
0x1c: {  	p1 =	slt.u32 s9, $0xF7A;
	s5 =	simm.s32 @!p2 $0x0  }
0x1d: {  	s5 =	simm.s32 @p1 $0x1;
	p0 =	seq.s32 s7, s2  }
0x1e: {  	s7 =	smul.u32 @!p0 $0xF7A, s2;
	p2 =	seq.s32 @!p0 s5, $0x0  }
0x1f: {  	s9 =	smul.u32 $0xF7A, s1;
	s8 =	simm.s32 @!p0 $0x1BF5;
	p2 =	por !p2, p0  }
0x20: {  	[sflag:s8] =	ssyncset.s32 @!p0 $0xFFFFF086;
	s6 =	sadd.s32 @!p0 s3, s7;
	s7 =	simm.s32 @!p0 $0x108  }
0x21: {  	s3 =	sadd.s32 s3, s9;
	s6 =	sadd.s32 @!p0 $0x88, s6;
	s7 =	simm.s32 @p2 $0x1082  }
0x22: {  	[simem:s7], [sflag:s8] =	dma.local @!p0 [hbm:s6], $0xF7A  }
0x23: {  	s9 =	sor.u32 $0xD0000000, s2;
	s6 =	simm.s32 $0x108;
	_ =	swait.ge @!p0 [sflag:s8], $0x0  }
0x24: {  	s3 =	sadd.s32 $0x88, s3;
	s6 =	simm.s32 @!p1 $0x1082;
	[sflag:s4] =	ssyncset.s32 $0xFFFFF086  }
0x25: {  	[simem:s6], [sflag:s4] =	dma.local [hbm:s3], $0xF7A  }
0x26: {  	[smem:$0x3F9F] =	sst s1;
	(tag) =	ssettag s2;
	_ =	strace s9  }
0x27: {  	s1 =	sld [smem:$0x3FAF]  }
0x28: {  	s2 =	sld [smem:$0x3FB0]  }
0x29: {  	s4 =	sld [smem:$0x3FB2]  }
0x2a: {  	p0 =	seq.s32 s5, $0x0;
	s5 =	sld [smem:$0x3FB3]  }
0x2b: {  	s6 =	sld [smem:$0x3FB4]  }
0x2c: {  	s7 =	sld [smem:$0x3FB5]  }
0x2d: {  	s3 =	simm.s32 $0x108;
	s8 =	sld [smem:$0x3FB6]  }
0x2e: {  	s3 =	simm.s32 @!p0 $0x1082;
	s9 =	sld [smem:$0x3FB7]  }
0x2f: {  	lr =	sadd.s32 s0, s3;
	s0 =	sld [smem:$0x3FAE]  }
0x30: {  	s3 =	sld [smem:$0x3FB1]  }
0x31: {  	[smem:$0x3FBA] =	sst s10  }
0x32: {  	s10 =	sld [smem:$0x3FB8];
	_ =	sdelay $0x3  }
0x33: {  	p0 =	seq.s32 s10, $0x1;
	s10 =	sld [smem:$0x3FBA];
	_ =	sdelay $0x3  }
0x34: {  	[smem:$0x3FBA] =	sst s10  }
0x35: {  	s10 =	sld [smem:$0x3FB9];
	_ =	sdelay $0x3  }
0x36: {  	p1 =	seq.s32 s10, $0x1;
	s10 =	sld [smem:$0x3FBA];
	_ =	sdelay $0x3  }
0x37: {  	[smem:$0x3FBA] =	sst s10  }
0x38: {  	s10 =	sld [smem:$0x3FBB]  }
0x39: {  	_ = 	snop;
	(pc) =	sbr.ind lr, $3  }
0x3a: {  	_ = 	snop  }
0x3b: {  	_ = 	snop  }
0x3c: {  	p2 =	seq.s32 s10, $0x1;
	s10 =	sld [smem:$0x3FBA]  }
0x3d: {  	_ =	shalt  }
0x3e: {  	_ =	shalt  }
0x3f: {  	_ =	shalt  }
0x40: {  	_ =	shalt  }
0x41: {  	_ =	shalt  }
0x42: {  	_ =	shalt  }
0x43: {  	_ =	shalt  }
0x44: {  	_ =	shalt  }
0x45: {  	_ =	shalt  }
0x46: {  	_ =	shalt  }
0x47: {  	_ =	shalt  }
0x48: {  	_ =	shalt  }
0x49: {  	_ =	shalt  }
0x4a: {  	_ =	shalt  }
0x4b: {  	_ =	shalt  }
0x4c: {  	_ =	shalt  }
0x4d: {  	_ =	shalt  }
0x4e: {  	_ =	shalt  }
0x4f: {  	_ =	shalt  }
0x50: {  	_ =	shalt  }
0x51: {  	_ =	shalt  }
0x52: {  	_ =	shalt  }
0x53: {  	_ =	shalt  }
0x54: {  	_ =	shalt  }
0x55: {  	_ =	shalt  }
0x56: {  	_ =	shalt  }
0x57: {  	_ =	shalt  }
0x58: {  	_ =	shalt  }
0x59: {  	_ =	shalt  }
0x5a: {  	_ =	shalt  }
0x5b: {  	_ =	shalt  }
0x5c: {  	_ =	shalt  }
0x5d: {  	_ =	shalt  }
0x5e: {  	_ =	shalt  }
0x5f: {  	_ =	shalt  }
0x60: {  	_ =	shalt  }
0x61: {  	_ =	shalt  }
0x62: {  	_ =	shalt  }
0x63: {  	_ =	shalt  }
0x64: {  	_ =	shalt  }
0x65: {  	_ =	shalt  }
0x66: {  	_ =	shalt  }
0x67: {  	_ =	shalt  }
0x68: {  	_ =	shalt  }
0x69: {  	_ =	shalt  }
0x6a: {  	_ =	shalt  }
0x6b: {  	_ =	shalt  }
0x6c: {  	_ =	shalt  }
0x6d: {  	_ =	shalt  }
0x6e: {  	_ =	shalt  }
0x6f: {  	_ =	shalt  }
0x70: {  	_ =	shalt  }
0x71: {  	_ =	shalt  }
0x72: {  	_ =	shalt  }
0x73: {  	_ =	shalt  }
0x74: {  	_ =	shalt  }
0x75: {  	_ =	shalt  }
0x76: {  	_ =	shalt  }
0x77: {  	_ =	shalt  }
0x78: {  	_ =	shalt  }
0x79: {  	_ =	shalt  }
0x7a: {  	_ =	shalt  }
0x7b: {  	_ =	shalt  }
0x7c: {  	_ =	shalt  }
0x7d: {  	_ =	shalt  }
0x7e: {  	_ =	shalt  }
0x7f: {  	_ =	shalt  }
0x80: {  	_ =	shalt  }
0x81: {  	_ =	shalt  }
0x82: {  	_ =	shalt  }
0x83: {  	_ =	shalt  }
0x84: {  	_ =	shalt  }
0x85: {  	_ =	shalt  }
0x86: {  	_ =	shalt  }
0x87: {  	_ =	shalt  }
.Lfunc_end0:
.L_simem_size_0:
called_computation.5_lowered:
.L_overlay_start_0:
0x88: {  	s2 =	sld [smem:$0x3FD9]  }
0x89: {  	s3 =	sld [smem:$0x3FFE];
	_ =	sdelay $0x1  }
0x8a: {  	s1 =	srdreg.scid  }
0x8b: {  	s0 =	sand.u32 $0x1, s1  }
0x8c: {  	s17 =	sshll.u32 s0, $0xA;
	s2 =	sadd.s32 s3, s2  }
0x8d: {  	s2 =	sadd.s32 s2, s17  }
0x8e: {  	[smem:$0x3FC6] =	sst s2  }
0x8f: {  	_ = 	snop  }
0x90: {  	(tm) =	ssettm $0x1  }
0x91: {  	s18 =	sld [smem:$0x3FFB];
	_ =	sdelay $0x3  }
0x92: {  	_ =	strace s18  }
0x93: {  	s2 =	sld [smem:$0x3FFC];
	_ =	sdelay $0x3  }
0x94: {  	_ =	strace s2  }
0x95: {  	s2 =	sld [smem:$0x3FFD];
	_ =	sdelay $0x3  }
0x96: {  	_ =	strace s2  }
0x97: {  	_ =	strace $0x8FFFFFFF  }
0x98: {  	s19 =	sld [smem:$0x3FDB];
	_ =	sdelay $0x1  }
0x99: {  	s20 =	simm.s32 $_scs_section_size  }
0x9a: {  	s4 =	simm.s32 $_size__tile_overlayer_lowered;
	s5 =	simm.s32 $_tile_overlayer_lowered  }
0x9b: {  	s6 =	simm.s32 $0x1BFF;
	s21 =	sshll.u32 s5, $0x1;
	s3 =	sadd.s32 s20, s19  }
0x9c: {  	s22 =	simm.s32 $0x0;
	s4 =	sshll.u32 s4, $0x1;
	s5 =	sadd.s32 s21, s3  }
0x9d: {  	[timem:s22], [sflag:s6] =	dma.local [hbm:s5], s4  }
0x9e: {  	_ =	swait.ge [sflag:s6], s4  }
0x9f: {  	s4 =	ssub.s32 $0x0, s4;
	[sflag:s6] =	ssyncset.done $0x0  }
0xa0: {  	[sflag:s6] =	ssyncadd.s32 s4;
	_ =	sdelay $0x1  }
0xa1: {  	s23 =	simm.s32 $0x1B8B  }
0xa2: {  	_ =	swait.ge [sflag:s23], $0x1  }
0xa3: {  	[sflag:s23] =	ssyncset.done $0x0  }
0xa4: {  	[sflag:s23] =	ssyncadd.s32 $0xFFFFFFFF  }
0xa5: {  	s4 =	sld [smem:$0x0]  }
0xa6: {  	s5 =	sand.u32 $0xFFFFFFFE, s1  }
0xa7: {  	p0 =	sne.s32 s1, s5  }
0xa8: {  	s5 =	sshll.u32 @p0 s5, $0xE  }
0xa9: {  	s5 =	sadd.s32 @p0 $0x11B8D, s5;
	s6 =	sshll.u32 @p0 s4, $0x11  }
0xaa: {  	s5 =	sor.u32 @p0 s6, s5  }
0xab: {  	[sflag:s5] =	ssyncadd.remote.s32 @p0 $0x1;
	_ =	sdelay $0x1  }
0xac: {  	s5 =	simm.s32 @p0 $0x1B8D  }
0xad: {  	_ =	swait.eq @p0 [sflag:s5], $0x1  }
0xae: {  	[sflag:s5] =	ssyncadd.s32 @p0 $0xFFFFFFFF  }
0xaf: {  	s6 =	sshll.u32 @!p0 s1, $0xE  }
0xb0: {  	s6 =	sor.u32 @!p0 $0x4000, s6;
	s5 =	simm.s32 @!p0 $0x1B8D  }
0xb1: {  	s4 =	sshll.u32 @!p0 s4, $0x11;
	s6 =	sadd.s32 @!p0 $0x11B8D, s6;
	_ =	swait.eq @!p0 [sflag:s5], $0x1  }
0xb2: {  	s4 =	sor.u32 @!p0 s4, s6;
	[sflag:s5] =	ssyncadd.s32 @!p0 $0xFFFFFFFF  }
0xb3: {  	s25 =	simm.s32 $0x1B8E;
	s24 =	sld [smem:$0x3FFE];
	[sflag:s4] =	ssyncadd.remote.s32 @!p0 $0x1  }
0xb4: {  	s26 =	simm.s32 $execute0_lowered;
	[smem:$0x3FD2] =	sst s25  }
0xb5: {  	s5 =	sshll.u32 s26, $0x1;
	_ =	strace $0x80000049;
	[dreg:$0x1] =	wrdreg $0xFFFFFFFF  }
0xb6: {  	s28 =	simm.s32 $_size_execute0_lowered;
	s3 =	sadd.s32 s3, s5;
	[dreg:$0x0] =	wrdreg $0x0  }
0xb7: {  	s5 =	sshll.u32 s28, $0x1;
	[dreg:$0x2] =	wrdreg s3  }
0xb8: {  	[dreg:$0x3] =	wrdreg s5  }
0xb9: {  	[dreg:$0x4] =	wrdreg $0xC0  }
0xba: {  	_ =	task [dreg:s22], $0x5FFFF  }
0xbb: {  	[dreg:$0x1] =	wrdreg $0xFFFFFFFF  }
0xbc: {  	[dreg:$0x0] =	wrdreg $0x60  }
0xbd: {  	[dreg:$0x2] =	wrdreg s24  }
0xbe: {  	[dreg:$0x3] =	wrdreg $0xB  }
0xbf: {  	_ =	task.clear_ibuf [dreg:s22], $0x4FFFF;
	_ =	strace $0x90000049  }
0xc0: {  	s29 =	simm.s32 $0xB;
	_ =	strace $0x8000004B  }
0xc1: {  	_ =	swait.ge [sflag:s29], $0x1  }
0xc2: {  	[sflag:s29] =	ssyncadd.s32 $0xFFFFFFFF  }
0xc3: {  	_ =	strace $0x9000004B  }
0xc4: {  	_ =	sfence  }
0xc5: {  	s30 =	sld [smem:$0x0];
	_ =	sdelay $0x2  }
0xc6: {  	s31 =	sshll.u32 s1, $0xD;
	s1 =	sshrl.u32 s1, $0x2  }
0xc7: {  	s4 =	sand.u32 $0x4000, s31;
	s1 =	sadd.s32 s1, s30  }
0xc8: {  	s0 =	sor.u32 s4, s0;
	s1 =	sshll.u32 s1, $0x11  }
0xc9: {  	s0 =	sor.u32 s1, s0  }
0xca: {  	s0 =	sadd.s32 $0x8F2B, s0  }
0xcb: {  	[sflag:s0] =	ssyncadd.remote.s32 $0x1  }
0xcc: {  	_ =	sfence.sel $0xFFFF  }
0xcd: {  	[dreg:$0x0] =	wrdreg $0xFFFFFFFF;
	(pc) =	sbr.abs _section_cstart, $3  }
0xce: {  	[dreg:$0x1] =	wrdreg $0xFFFFFFFF  }
0xcf: {  	_ =	task.clear_ibuf [dreg:s22], $0x2FFFF;
	_ =	strace $0x9FFFFFFF  }
0xd0: {  	(tm) =	ssettm $0x7FFFFFFF  }
0xd1: {  	_ =	shalt  }
tec
execute0_lowered:
.L_overlay_start_1:
0x0: {  	(tag) =	ssettag $0x1  }
0x1: {  	s7 =	rddreg [dreg:$0x0]  }
0x2: {  	s0 =	rddreg [dreg:$0x1];
	s2 =	simm.s32 $0x0;
	s3 =	srdreg.scid  }
0x3: {  	s1 =	stileid.u32;
	s10 =	simm.s32 $0x19320;
	s11 =	simm.s32 $0x5  }
0x4: {  	s12 =	simm.s32 $0x190;
	s13 =	simm.s32 $0x320;
	s14 =	simm.s32 $0xCB20  }
0x5: {  	s15 =	simm.s32 $0x1;
	s16 =	simm.s32 $0x2;
	s17 =	simm.s32 $0x3  }
0x6: {  	s18 =	simm.s32 $0x4;
	s4 =	sand.u32 $0x1, s3;
	s30 =	sshll.u32 s1, $0x1  }
0x7: {  	s19 =	simm.s32 $0x0;
	[smem:$0x7FF] =	sst s2;
	s5 =	sor.u32 s4, s30  }
0x8: {  	s3 =	sadd.s32 $0x10DB200, s7;
	s8 =	ssub.s32 $0x2, s4;
	s4 =	smul.u32 $0x1900, s5  }
0x9: {  	s6 =	sadd.s32 $0x8C00, s7;
	_ =	strace $0x8000004A;
	s9 =	sshrl.u32 s8, $0x1  }
0xa: {  	s5 =	sadd.s32 $0x8E00, s7;
	s9 =	ssub.s32 s8, s9;
	s31 =	sshrl.u32 s4, $0x3  }
0xb: {  	s7 =	sadd.s32 $0x10EDE00, s7;
	s9 =	smax.u32 s9, $0x1;
	s8 =	sadd.s32 s3, s31  }
.LBB2_1:
0xc: {  	[tilespmem:s10], [sflag:$0x5] =	stream.linear.gather [hbm4b:s6+s2], $0x40, $0x38;
	[tilespmem:$0x19360] =	vst v63  }
0xd: {  	_ =	swait.ge [sflag:s11], $0x40  }
0xe: {  	[sflag:s11] =	ssyncset.done $0x0  }
0xf: {  	[sflag:s11] =	ssyncadd.s32 $0xFFFFFFC0  }
0x10: {  	v0 =	vld [tilespmem:$0x19320]  }
0x11: {  	v1 =	vld [tilespmem:$0x19330]  }
0x12: {  	v2 =	vld [tilespmem:$0x19340]  }
0x13: {  	v3 =	vld [tilespmem:$0x19350];
	[tilespmem:s2], [sflag:$0x5] =	stream.linear.gather [hbm4b:s8+s2], $0x190, $0x38  }
0x14: {  	_ =	swait.ge [sflag:s11], $0x190  }
0x15: {  	[sflag:s11] =	ssyncset.done $0x0  }
0x16: {  	s20 =	simm.s32 $0x0;
	[sflag:s11] =	ssyncadd.s32 $0xFFFFFE70  }
0x17: {  	[tilespmem:s13], [sflag:$0x1] =	stream.indirect.gather [hbm4b:s5+s12], $0x80, s2, s12, $0xb8;
	[tilespmem:$0x19360] =	vst v63  }
.LBB2_2:
0x18: {  	s21 =	smul.u32 $0x320, s20  }
0x19: {  	p0 =	seq.s32 s20, $0x0  }
0x1a: {  	s23 =	simm.s32 @!p0 $0x4;
	s22 =	sadd.s32 s4, s21  }
0x1b: {  	_ =	swait.ge @!p0 [sflag:s23], $0x6400;
	s21 =	sadd.s32 $0x190, s22  }
0x1c: {  	[sflag:s23] =	ssyncset.done @!p0 $0x0;
	s24 =	sshrl.u32 s21, $0x3  }
0x1d: {  	s31 =	simm.s32 $0x0;
	[sflag:s23] =	ssyncadd.s32 @!p0 $0xFFFF9C00;
	s30 =	sadd.s32 s3, s24  }
0x1e: {  	[tilespmem:s12], [sflag:$0x5] =	stream.linear.gather [hbm4b:s30+s31], $0x190, $0x38;
	[tilespmem:$0x19360] =	vst v63  }
0x1f: {  	_ =	swait.ge [sflag:s11], $0x190  }
0x20: {  	[sflag:s11] =	ssyncset.done $0x0  }
0x21: {  	[sflag:s11] =	ssyncadd.s32 $0xFFFFFE70  }
0x22: {  	[tilespmem:s14], [sflag:$0x2] =	stream.indirect.gather [hbm4b:s5+s12], $0x80, s12, s12, $0xb8;
	[tilespmem:$0x19360] =	vst v63  }
0x23: {  	_ =	swait.ge [sflag:s15], $0xC800  }
0x24: {  	[sflag:s15] =	ssyncset.done $0x0  }
0x25: {  	s23 =	simm.s32 $0x0;
	[sflag:s15] =	ssyncadd.s32 $0xFFFF3800  }
0x26: {  	v4 =	vld [tilespmem:s23+$0x320]  }
0x27: {  	v6 =	vld [tilespmem:s23+$0x330]  }
0x28: {  	s24 =	simm.s32 $0x200;
	v5 =	vld [tilespmem:s23+$0x340]  }
.LBB2_3:
0x29: {  	p0 =	sne.s32 s24, $0x31E00;
	v7 =	vld [tilespmem:s23+$0x350];
	_ =	sdelay $0x1  }
0x2a: {  	v4 =	vmul.f32 v4, v0  }
0x2b: {  	v6 =	vmul.f32 v6, v0  }
0x2c: {  	v4 =	vadd.f32 v4, v1;
	v5 =	vmul.f32 v5, v0  }
0x2d: {  	v6 =	vadd.f32 v6, v1;
	v7 =	vmul.f32 v7, v0  }
0x2e: {  	v4 =	vmax.f32 v4, $-1.280000000e+02;
	v5 =	vadd.f32 v5, v1  }
0x2f: {  	v4 =	vmin.f32 v4, $1.270000000e+02;
	v6 =	vmax.f32 v6, $-1.280000000e+02;
	v7 =	vadd.f32 v7, v1  }
0x30: {  	v4 =	vadd.f32 $1.258291200e+07, v4;
	v6 =	vmin.f32 v6, $1.270000000e+02;
	v5 =	vmax.f32 v5, $-1.280000000e+02  }
0x31: {  	v6 =	vadd.f32 $1.258291200e+07, v6;
	v5 =	vmin.f32 v5, $1.270000000e+02;
	v7 =	vmax.f32 v7, $-1.280000000e+02  }
0x32: {  	v4 =	vadd.f32 $-1.258291200e+07, v4;
	v5 =	vadd.f32 $1.258291200e+07, v5;
	v7 =	vmin.f32 v7, $1.270000000e+02  }
0x33: {  	v6 =	vadd.f32 $-1.258291200e+07, v6;
	v7 =	vadd.f32 $1.258291200e+07, v7  }
0x34: {  	v4 =	vmul.f32 v4, v2;
	v5 =	vadd.f32 $-1.258291200e+07, v5  }
0x35: {  	v6 =	vmul.f32 v6, v2;
	v7 =	vadd.f32 $-1.258291200e+07, v7  }
0x36: {  	v4 =	vsub.f32 v4, v3;
	v5 =	vmul.f32 v5, v2  }
.Ltmp0:
0x37: {  	v6 =	vsub.f32 v6, v3;
	v7 =	vmul.f32 v7, v2;
	(pc) =	sbr.rel @p0 .LBB2_3-.Ltmp0, $4  }
0x38: {  	s25 =	sshra.s32 s24, $0x2;
	[tilespmem:s23+$0x320] =	vst v4;
	v5 =	vsub.f32 v5, v3  }
0x39: {  	v4 =	vld [tilespmem:s25+$0x320];
	[tilespmem:s23+$0x330] =	vst v6;
	v7 =	vsub.f32 v7, v3  }
0x3a: {  	v6 =	vld [tilespmem:s25+$0x330];
	[tilespmem:s23+$0x340] =	vst v5  }
0x3b: {  	s24 =	sadd.s32 $0x200, s24;
	v5 =	vld [tilespmem:s25+$0x340];
	[tilespmem:s23+$0x350] =	vst v7;
	s23 =	smov.u32 s25  }
0x3c: {  	v7 =	vld [tilespmem:s23+$0x350];
	_ =	sdelay $0x1  }
0x3d: {  	v4 =	vmul.f32 v4, v0  }
0x3e: {  	v6 =	vmul.f32 v6, v0  }
0x3f: {  	v4 =	vadd.f32 v4, v1;
	v5 =	vmul.f32 v5, v0  }
0x40: {  	v6 =	vadd.f32 v6, v1;
	v7 =	vmul.f32 v7, v0  }
0x41: {  	v4 =	vmax.f32 v4, $-1.280000000e+02;
	v5 =	vadd.f32 v5, v1  }
0x42: {  	v4 =	vmin.f32 v4, $1.270000000e+02;
	v6 =	vmax.f32 v6, $-1.280000000e+02;
	v7 =	vadd.f32 v7, v1  }
0x43: {  	v4 =	vadd.f32 $1.258291200e+07, v4;
	v6 =	vmin.f32 v6, $1.270000000e+02;
	v5 =	vmax.f32 v5, $-1.280000000e+02  }
0x44: {  	v6 =	vadd.f32 $1.258291200e+07, v6;
	v5 =	vmin.f32 v5, $1.270000000e+02;
	v7 =	vmax.f32 v7, $-1.280000000e+02  }
0x45: {  	v4 =	vadd.f32 $-1.258291200e+07, v4;
	v5 =	vadd.f32 $1.258291200e+07, v5;
	v7 =	vmin.f32 v7, $1.270000000e+02  }
0x46: {  	v6 =	vadd.f32 $-1.258291200e+07, v6;
	v7 =	vadd.f32 $1.258291200e+07, v7  }
0x47: {  	v4 =	vmul.f32 v4, v2;
	v5 =	vadd.f32 $-1.258291200e+07, v5  }
0x48: {  	v6 =	vmul.f32 v6, v2;
	v7 =	vadd.f32 $-1.258291200e+07, v7  }
0x49: {  	v4 =	vsub.f32 v4, v3;
	v5 =	vmul.f32 v5, v2  }
0x4a: {  	v6 =	vsub.f32 v6, v3;
	v7 =	vmul.f32 v7, v2  }
0x4b: {  	[tilespmem:s23+$0x320] =	vst v4;
	v4 =	vsub.f32 v5, v3  }
0x4c: {  	s24 =	sshll.u32 s22, $0x3;
	[tilespmem:s23+$0x330] =	vst v6;
	v5 =	vsub.f32 v7, v3  }
0x4d: {  	s25 =	simm.s32 $0x320;
	s24 =	sadd.s32 s7, s24;
	[tilespmem:s23+$0x340] =	vst v4  }
0x4e: {  	s26 =	simm.s32 $0x3A0;
	s28 =	sadd.s32 $0x0, s24;
	[tilespmem:s23+$0x350] =	vst v5;
	s23 =	simm.s32 $0x8  }
.LBB2_5:
0x4f: {  	[hbm4b:s28+s2] =	stream.linear.scatter [tilespmem:s25], [sflag:$0x3], $0x40, $0x38;
	[tilespmem:$0x19360] =	vst v63  }
0x50: {  	s28 =	smov.u32 s23;
	s25 =	smov.u32 s26;
	p0 =	sne.s32 s23, $0xC78  }
.Ltmp1:
0x51: {  	s23 =	sadd.s32 $0x8, s23;
	(pc) =	sbr.rel @p0 .LBB2_5-.Ltmp1, $2  }
0x52: {  	_ =	sdelay $0x2  }
0x53: {  	s26 =	sadd.s32 $0x80, s26;
	s28 =	sadd.s32 s28, s24  }
0x54: {  	[hbm4b:s28+s2] =	stream.linear.scatter [tilespmem:s25], [sflag:$0x3], $0x40, $0x38;
	[tilespmem:$0x19360] =	vst v63  }
0x55: {  	p0 =	seq.s32 s20, $0x7  }
0x56: {  	s23 =	simm.s32 @!p0 $0x3  }
0x57: {  	s22 =	sshrl.u32 @!p0 s22, $0x3;
	_ =	swait.ge @!p0 [sflag:s23], $0x6400  }
0x58: {  	s22 =	sadd.s32 @!p0 s3, s22;
	[sflag:s23] =	ssyncset.done @!p0 $0x0  }
0x59: {  	s22 =	sadd.s32 @!p0 $0x64, s22;
	[sflag:s23] =	ssyncadd.s32 @!p0 $0xFFFF9C00;
	s23 =	simm.s32 @!p0 $0x0  }
0x5a: {  	[tilespmem:s23], [sflag:$0x5] =	stream.linear.gather @!p0 [hbm4b:s22+s23], $0x190, $0x38;
	[tilespmem:$0x19360] =	vst v63  }
0x5b: {  	s22 =	simm.s32 @!p0 $0x5  }
0x5c: {  	_ =	swait.ge @!p0 [sflag:s22], $0x190  }
0x5d: {  	[sflag:s22] =	ssyncset.done @!p0 $0x0  }
0x5e: {  	s24 =	simm.s32 @!p0 $0x320;
	[sflag:s22] =	ssyncadd.s32 @!p0 $0xFFFFFE70;
	s22 =	simm.s32 @!p0 $0x190  }
0x5f: {  	[tilespmem:s24], [sflag:$0x1] =	stream.indirect.gather @!p0 [hbm4b:s5+s22], $0x80, s23, s22, $0xb8;
	[tilespmem:$0x19360] =	vst v63  }
0x60: {  	_ =	swait.ge [sflag:s16], $0xC800  }
0x61: {  	[sflag:s16] =	ssyncset.done $0x0  }
0x62: {  	s22 =	simm.s32 $0x0;
	[sflag:s16] =	ssyncadd.s32 $0xFFFF3800  }
0x63: {  	v4 =	vld [tilespmem:s22+$0xCB20]  }
0x64: {  	v6 =	vld [tilespmem:s22+$0xCB30]  }
0x65: {  	s23 =	simm.s32 $0x200;
	v5 =	vld [tilespmem:s22+$0xCB40]  }
.LBB2_7:
0x66: {  	p0 =	sne.s32 s23, $0x31E00;
	v7 =	vld [tilespmem:s22+$0xCB50];
	_ =	sdelay $0x1  }
0x67: {  	v4 =	vmul.f32 v4, v0  }
0x68: {  	v6 =	vmul.f32 v6, v0  }
0x69: {  	v4 =	vadd.f32 v4, v1;
	v5 =	vmul.f32 v5, v0  }
0x6a: {  	v6 =	vadd.f32 v6, v1;
	v7 =	vmul.f32 v7, v0  }
0x6b: {  	v4 =	vmax.f32 v4, $-1.280000000e+02;
	v5 =	vadd.f32 v5, v1  }
0x6c: {  	v4 =	vmin.f32 v4, $1.270000000e+02;
	v6 =	vmax.f32 v6, $-1.280000000e+02;
	v7 =	vadd.f32 v7, v1  }
0x6d: {  	v4 =	vadd.f32 $1.258291200e+07, v4;
	v6 =	vmin.f32 v6, $1.270000000e+02;
	v5 =	vmax.f32 v5, $-1.280000000e+02  }
0x6e: {  	v6 =	vadd.f32 $1.258291200e+07, v6;
	v5 =	vmin.f32 v5, $1.270000000e+02;
	v7 =	vmax.f32 v7, $-1.280000000e+02  }
0x6f: {  	v4 =	vadd.f32 $-1.258291200e+07, v4;
	v5 =	vadd.f32 $1.258291200e+07, v5;
	v7 =	vmin.f32 v7, $1.270000000e+02  }
0x70: {  	v6 =	vadd.f32 $-1.258291200e+07, v6;
	v7 =	vadd.f32 $1.258291200e+07, v7  }
0x71: {  	v4 =	vmul.f32 v4, v2;
	v5 =	vadd.f32 $-1.258291200e+07, v5  }
0x72: {  	v6 =	vmul.f32 v6, v2;
	v7 =	vadd.f32 $-1.258291200e+07, v7  }
0x73: {  	v4 =	vsub.f32 v4, v3;
	v5 =	vmul.f32 v5, v2  }
.Ltmp2:
0x74: {  	v6 =	vsub.f32 v6, v3;
	v7 =	vmul.f32 v7, v2;
	(pc) =	sbr.rel @p0 .LBB2_7-.Ltmp2, $4  }
0x75: {  	s24 =	sshra.s32 s23, $0x2;
	[tilespmem:s22+$0xCB20] =	vst v4;
	v5 =	vsub.f32 v5, v3  }
0x76: {  	v4 =	vld [tilespmem:s24+$0xCB20];
	[tilespmem:s22+$0xCB30] =	vst v6;
	v7 =	vsub.f32 v7, v3  }
0x77: {  	v6 =	vld [tilespmem:s24+$0xCB30];
	[tilespmem:s22+$0xCB40] =	vst v5  }
0x78: {  	s23 =	sadd.s32 $0x200, s23;
	v5 =	vld [tilespmem:s24+$0xCB40];
	[tilespmem:s22+$0xCB50] =	vst v7;
	s22 =	smov.u32 s24  }
0x79: {  	v7 =	vld [tilespmem:s22+$0xCB50];
	_ =	sdelay $0x1  }
0x7a: {  	v4 =	vmul.f32 v4, v0  }
0x7b: {  	v6 =	vmul.f32 v6, v0  }
0x7c: {  	v4 =	vadd.f32 v4, v1;
	v5 =	vmul.f32 v5, v0  }
0x7d: {  	v6 =	vadd.f32 v6, v1;
	v7 =	vmul.f32 v7, v0  }
0x7e: {  	v4 =	vmax.f32 v4, $-1.280000000e+02;
	v5 =	vadd.f32 v5, v1  }
0x7f: {  	v4 =	vmin.f32 v4, $1.270000000e+02;
	v6 =	vmax.f32 v6, $-1.280000000e+02;
	v7 =	vadd.f32 v7, v1  }
0x80: {  	v4 =	vadd.f32 $1.258291200e+07, v4;
	v6 =	vmin.f32 v6, $1.270000000e+02;
	v5 =	vmax.f32 v5, $-1.280000000e+02  }
0x81: {  	v6 =	vadd.f32 $1.258291200e+07, v6;
	v5 =	vmin.f32 v5, $1.270000000e+02;
	v7 =	vmax.f32 v7, $-1.280000000e+02  }
0x82: {  	v4 =	vadd.f32 $-1.258291200e+07, v4;
	v5 =	vadd.f32 $1.258291200e+07, v5;
	v7 =	vmin.f32 v7, $1.270000000e+02  }
0x83: {  	v6 =	vadd.f32 $-1.258291200e+07, v6;
	v7 =	vadd.f32 $1.258291200e+07, v7  }
0x84: {  	v4 =	vmul.f32 v4, v2;
	v5 =	vadd.f32 $-1.258291200e+07, v5  }
0x85: {  	v6 =	vmul.f32 v6, v2;
	v7 =	vadd.f32 $-1.258291200e+07, v7  }
0x86: {  	v4 =	vsub.f32 v4, v3;
	v5 =	vmul.f32 v5, v2  }
0x87: {  	v6 =	vsub.f32 v6, v3;
	v7 =	vmul.f32 v7, v2  }
0x88: {  	s21 =	sshll.u32 s21, $0x3;
	[tilespmem:s22+$0xCB20] =	vst v4;
	v4 =	vsub.f32 v5, v3  }
0x89: {  	s21 =	sand.u32 $0x1FFFFF80, s21;
	[tilespmem:s22+$0xCB30] =	vst v6;
	v5 =	vsub.f32 v7, v3  }
0x8a: {  	s23 =	simm.s32 $0xCB20;
	s21 =	sadd.s32 s7, s21;
	[tilespmem:s22+$0xCB40] =	vst v4  }
0x8b: {  	s24 =	simm.s32 $0xCBA0;
	s25 =	sadd.s32 $0x0, s21;
	[tilespmem:s22+$0xCB50] =	vst v5;
	s22 =	simm.s32 $0x8  }
.LBB2_9:
0x8c: {  	[hbm4b:s25+s2] =	stream.linear.scatter [tilespmem:s23], [sflag:$0x4], $0x40, $0x38;
	[tilespmem:$0x19360] =	vst v63  }
0x8d: {  	s25 =	smov.u32 s22;
	s23 =	smov.u32 s24;
	p0 =	sne.s32 s22, $0xC78  }
.Ltmp3:
0x8e: {  	s22 =	sadd.s32 $0x8, s22;
	(pc) =	sbr.rel @p0 .LBB2_9-.Ltmp3, $2  }
0x8f: {  	_ =	sdelay $0x2  }
0x90: {  	s24 =	sadd.s32 $0x80, s24;
	s25 =	sadd.s32 s25, s21  }
0x91: {  	s20 =	sadd.s32 $0x1, s20  }
0x92: {  	p0 =	sne.s32 s20, $0x8  }
.Ltmp4:
0x93: {  	_ = 	snop;
	(pc) =	sbr.rel @p0 .LBB2_2-.Ltmp4, $2  }
0x94: {  	_ =	sdelay $0x2  }
0x95: {  	[hbm4b:s25+s2] =	stream.linear.scatter [tilespmem:s23], [sflag:$0x4], $0x40, $0x38;
	[tilespmem:$0x19360] =	vst v63  }
0x96: {  	s19 =	sadd.s32 $0x1, s19  }
0x97: {  	_ =	swait.ge [sflag:s17], $0x6400;
	p0 =	sne.s32 s19, s9  }
.Ltmp5:
0x98: {  	[sflag:s17] =	ssyncset.done $0x0;
	(pc) =	sbr.rel @p0 .LBB2_1-.Ltmp5, $4  }
0x99: {  	[sflag:s17] =	ssyncadd.s32 $0xFFFF9C00  }
0x9a: {  	_ =	swait.ge [sflag:s18], $0x6400  }
0x9b: {  	[sflag:s18] =	ssyncset.done $0x0  }
0x9c: {  	[sflag:s18] =	ssyncadd.s32 $0xFFFF9C00  }
0x9d: {  	_ =	sfence.sel $0x180000  }
0x9e: {  	[bflag:$0x0] =	sbarrier.arrive $0xFFFF  }
0x9f: {  	p0 =	sne.s32 s1, $0x0;
	_ =	strace $0x9000004A  }
0xa0: {  	s0 =	sadd.s32 @!p0 $0x100000, s0;
	[bflag:$0x2] =	sbarrier.arrive $0xFFFF  }
0xa1: {  	[sflag:s0] =	ssyncadd.tile.s32 @!p0 $0x1;
	_ =	shalt  }
.Lfunc_end2:
_tile_overlayer_lowered:
.L_overlay_start_2:
0xa2: {  	(tag) =	ssettag $0x2  }
0xa3: {  	s0 =	rddreg [dreg:$0x0];
	s2 =	stileid.u32  }
0xa4: {  	s1 =	rddreg [dreg:$0x1];
	p0 =	sne.s32 s2, $0x0  }
0xa5: {  	s3 =	rddreg [dreg:$0x2];
	[bflag:$0x3] =	sbarrier.arrive $0xFFFF;
	s2 =	simm.s32 @!p0 $0x1C05  }
0xa6: {  	[timem:s3], [sflag:s2] =	dma.local @!p0 [hbm:s0], s1  }
0xa7: {  	s0 =	simm.s32 @!p0 $0x5  }
0xa8: {  	_ =	swait.ge @!p0 [sflag:s0], s1  }
0xa9: {  	s1 =	ssub.s32 @!p0 $0x0, s1;
	[sflag:s0] =	ssyncset.done @!p0 $0x0  }
0xaa: {  	[sflag:s0] =	ssyncadd.s32 @!p0 s1  }
0xab: {  	[bflag:$0x3] =	sbarrier.arrive $0xFFFF  }
0xac: {  	_ =	shalt  }

// kernel: kernel.13.cloned.1.call-start
scs
__scs_entry_jumppad:
0x0: {  	(pc) =	sbr.rel $0x88, $3  }
0x1: {  	(tag) =	ssettag $0x0;
	lr =	simm.s32 $0x1  }
0x2: {  	[smem:$0x3F9F] =	sst lr;
	_ =	strace $0xD0000000  }
0x3: {  	_ = 	snop  }
0x4: {  	_ = 	snop  }
0x5: {  	_ = 	snop  }
0x6: {  	_ = 	snop  }
0x7: {  	_ = 	snop  }
__scs_overlays_trampoline_lowered:
0x8: {  	[smem:$0x3FAE] =	sst s0  }
0x9: {  	[smem:$0x3FAF] =	sst s1  }
0xa: {  	[smem:$0x3FB0] =	sst s2  }
0xb: {  	[smem:$0x3FB1] =	sst s3  }
0xc: {  	[smem:$0x3FB2] =	sst s4  }
0xd: {  	[smem:$0x3FB3] =	sst s5  }
0xe: {  	[smem:$0x3FB4] =	sst s6  }
0xf: {  	[smem:$0x3FB5] =	sst s7  }
0x10: {  	[smem:$0x3FB6] =	sst s8  }
0x11: {  	[smem:$0x3FB7] =	sst s9;
	s0 =	simm.s32 @!p0 $0x0  }
0x12: {  	s1 =	sld [smem:$0x3F9D];
	s0 =	simm.s32 @p0 $0x1  }
0x13: {  	[smem:$0x3FB8] =	sst s0;
	s0 =	simm.s32 @!p1 $0x0  }
0x14: {  	s2 =	sld [smem:$0x3F9C];
	s0 =	simm.s32 @p1 $0x1  }
0x15: {  	[smem:$0x3FB9] =	sst s0;
	s0 =	simm.s32 @!p2 $0x0  }
0x16: {  	s3 =	sld [smem:$0x3FDB];
	s0 =	simm.s32 @p2 $0x1  }
0x17: {  	s4 =	simm.s32 $0x1BF5;
	[smem:$0x3FBB] =	sst s0  }
0x18: {  	s0 =	sld [smem:$0x3F9E];
	_ =	swait.ge [sflag:s4], $0x0  }
0x19: {  	s7 =	sld [smem:$0x3F9F]  }
0x1a: {  	s8 =	sadd.s32 $0xFFFFE003, lr  }
0x1b: {  	s9 =	sadd.s32 $0xFFFFFEF7, lr;
	s5 =	simm.s32 $0xFFFFFFFF;
	p2 =	slt.u32 s8, $0xFFFFF086  }
0x1c: {  	p1 =	slt.u32 s9, $0xF7A;
	s5 =	simm.s32 @!p2 $0x0  }
0x1d: {  	s5 =	simm.s32 @p1 $0x1;
	p0 =	seq.s32 s7, s2  }
0x1e: {  	s7 =	smul.u32 @!p0 $0xF7A, s2;
	p2 =	seq.s32 @!p0 s5, $0x0  }
0x1f: {  	s9 =	smul.u32 $0xF7A, s1;
	s8 =	simm.s32 @!p0 $0x1BF5;
	p2 =	por !p2, p0  }
0x20: {  	[sflag:s8] =	ssyncset.s32 @!p0 $0xFFFFF086;
	s6 =	sadd.s32 @!p0 s3, s7;
	s7 =	simm.s32 @!p0 $0x108  }
0x21: {  	s3 =	sadd.s32 s3, s9;
	s6 =	sadd.s32 @!p0 $0x88, s6;
	s7 =	simm.s32 @p2 $0x1082  }
0x22: {  	[simem:s7], [sflag:s8] =	dma.local @!p0 [hbm:s6], $0xF7A  }
0x23: {  	s9 =	sor.u32 $0xD0000000, s2;
	s6 =	simm.s32 $0x108;
	_ =	swait.ge @!p0 [sflag:s8], $0x0  }
0x24: {  	s3 =	sadd.s32 $0x88, s3;
	s6 =	simm.s32 @!p1 $0x1082;
	[sflag:s4] =	ssyncset.s32 $0xFFFFF086  }
0x25: {  	[simem:s6], [sflag:s4] =	dma.local [hbm:s3], $0xF7A  }
0x26: {  	[smem:$0x3F9F] =	sst s1;
	(tag) =	ssettag s2;
	_ =	strace s9  }
0x27: {  	s1 =	sld [smem:$0x3FAF]  }
0x28: {  	s2 =	sld [smem:$0x3FB0]  }
0x29: {  	s4 =	sld [smem:$0x3FB2]  }
0x2a: {  	p0 =	seq.s32 s5, $0x0;
	s5 =	sld [smem:$0x3FB3]  }
0x2b: {  	s6 =	sld [smem:$0x3FB4]  }
0x2c: {  	s7 =	sld [smem:$0x3FB5]  }
0x2d: {  	s3 =	simm.s32 $0x108;
	s8 =	sld [smem:$0x3FB6]  }
0x2e: {  	s3 =	simm.s32 @!p0 $0x1082;
	s9 =	sld [smem:$0x3FB7]  }
0x2f: {  	lr =	sadd.s32 s0, s3;
	s0 =	sld [smem:$0x3FAE]  }
0x30: {  	s3 =	sld [smem:$0x3FB1]  }
0x31: {  	[smem:$0x3FBA] =	sst s10  }
0x32: {  	s10 =	sld [smem:$0x3FB8];
	_ =	sdelay $0x3  }
0x33: {  	p0 =	seq.s32 s10, $0x1;
	s10 =	sld [smem:$0x3FBA];
	_ =	sdelay $0x3  }
0x34: {  	[smem:$0x3FBA] =	sst s10  }
0x35: {  	s10 =	sld [smem:$0x3FB9];
	_ =	sdelay $0x3  }
0x36: {  	p1 =	seq.s32 s10, $0x1;
	s10 =	sld [smem:$0x3FBA];
	_ =	sdelay $0x3  }
0x37: {  	[smem:$0x3FBA] =	sst s10  }
0x38: {  	s10 =	sld [smem:$0x3FBB]  }
0x39: {  	_ = 	snop;
	(pc) =	sbr.ind lr, $3  }
0x3a: {  	_ = 	snop  }
0x3b: {  	_ = 	snop  }
0x3c: {  	p2 =	seq.s32 s10, $0x1;
	s10 =	sld [smem:$0x3FBA]  }
0x3d: {  	_ =	shalt  }
0x3e: {  	_ =	shalt  }
0x3f: {  	_ =	shalt  }
0x40: {  	_ =	shalt  }
0x41: {  	_ =	shalt  }
0x42: {  	_ =	shalt  }
0x43: {  	_ =	shalt  }
0x44: {  	_ =	shalt  }
0x45: {  	_ =	shalt  }
0x46: {  	_ =	shalt  }
0x47: {  	_ =	shalt  }
0x48: {  	_ =	shalt  }
0x49: {  	_ =	shalt  }
0x4a: {  	_ =	shalt  }
0x4b: {  	_ =	shalt  }
0x4c: {  	_ =	shalt  }
0x4d: {  	_ =	shalt  }
0x4e: {  	_ =	shalt  }
0x4f: {  	_ =	shalt  }
0x50: {  	_ =	shalt  }
0x51: {  	_ =	shalt  }
0x52: {  	_ =	shalt  }
0x53: {  	_ =	shalt  }
0x54: {  	_ =	shalt  }
0x55: {  	_ =	shalt  }
0x56: {  	_ =	shalt  }
0x57: {  	_ =	shalt  }
0x58: {  	_ =	shalt  }
0x59: {  	_ =	shalt  }
0x5a: {  	_ =	shalt  }
0x5b: {  	_ =	shalt  }
0x5c: {  	_ =	shalt  }
0x5d: {  	_ =	shalt  }
0x5e: {  	_ =	shalt  }
0x5f: {  	_ =	shalt  }
0x60: {  	_ =	shalt  }
0x61: {  	_ =	shalt  }
0x62: {  	_ =	shalt  }
0x63: {  	_ =	shalt  }
0x64: {  	_ =	shalt  }
0x65: {  	_ =	shalt  }
0x66: {  	_ =	shalt  }
0x67: {  	_ =	shalt  }
0x68: {  	_ =	shalt  }
0x69: {  	_ =	shalt  }
0x6a: {  	_ =	shalt  }
0x6b: {  	_ =	shalt  }
0x6c: {  	_ =	shalt  }
0x6d: {  	_ =	shalt  }
0x6e: {  	_ =	shalt  }
0x6f: {  	_ =	shalt  }
0x70: {  	_ =	shalt  }
0x71: {  	_ =	shalt  }
0x72: {  	_ =	shalt  }
0x73: {  	_ =	shalt  }
0x74: {  	_ =	shalt  }
0x75: {  	_ =	shalt  }
0x76: {  	_ =	shalt  }
0x77: {  	_ =	shalt  }
0x78: {  	_ =	shalt  }
0x79: {  	_ =	shalt  }
0x7a: {  	_ =	shalt  }
0x7b: {  	_ =	shalt  }
0x7c: {  	_ =	shalt  }
0x7d: {  	_ =	shalt  }
0x7e: {  	_ =	shalt  }
0x7f: {  	_ =	shalt  }
0x80: {  	_ =	shalt  }
0x81: {  	_ =	shalt  }
0x82: {  	_ =	shalt  }
0x83: {  	_ =	shalt  }
0x84: {  	_ =	shalt  }
0x85: {  	_ =	shalt  }
0x86: {  	_ =	shalt  }
0x87: {  	_ =	shalt  }
.Lfunc_end0:
.L_simem_size_0:
called_computation.6_lowered:
.L_overlay_start_0:
0x88: {  	s2 =	sld [smem:$0x3FD9]  }
0x89: {  	s3 =	sld [smem:$0x3FFE];
	_ =	sdelay $0x1  }
0x8a: {  	s1 =	srdreg.scid  }
0x8b: {  	s0 =	sand.u32 $0x1, s1  }
0x8c: {  	s17 =	sshll.u32 s0, $0xA;
	s2 =	sadd.s32 s3, s2  }
0x8d: {  	s2 =	sadd.s32 s2, s17  }
0x8e: {  	[smem:$0x3FC6] =	sst s2  }
0x8f: {  	_ = 	snop  }
0x90: {  	s18 =	sld [smem:$0x3FD0];
	(tm) =	ssettm $0x1  }
0x91: {  	s19 =	sld [smem:$0x3FFB];
	_ =	sdelay $0x3  }
0x92: {  	_ =	strace s19  }
0x93: {  	s2 =	sld [smem:$0x3FFC];
	_ =	sdelay $0x3  }
0x94: {  	_ =	strace s2  }
0x95: {  	s2 =	sld [smem:$0x3FFD];
	_ =	sdelay $0x3  }
0x96: {  	_ =	strace s2  }
0x97: {  	_ =	strace $0x8FFFFFFF  }
0x98: {  	s20 =	sld [smem:$0x3FDB];
	_ =	sdelay $0x1  }
0x99: {  	s4 =	simm.s32 $_scs_section_size  }
0x9a: {  	s5 =	simm.s32 $_size__tile_overlayer_lowered;
	s6 =	simm.s32 $_tile_overlayer_lowered  }
0x9b: {  	s7 =	simm.s32 $0x1BFF;
	s21 =	sshll.u32 s6, $0x1;
	s4 =	sadd.s32 s4, s20  }
0x9c: {  	s22 =	simm.s32 $0x0;
	s5 =	sshll.u32 s5, $0x1;
	s6 =	sadd.s32 s21, s4  }
0x9d: {  	[timem:s22], [sflag:s7] =	dma.local [hbm:s6], s5  }
0x9e: {  	_ =	swait.ge [sflag:s7], s5  }
0x9f: {  	s5 =	ssub.s32 $0x0, s5;
	[sflag:s7] =	ssyncset.done $0x0  }
0xa0: {  	[sflag:s7] =	ssyncadd.s32 s5;
	_ =	sdelay $0x1  }
0xa1: {  	s23 =	simm.s32 $0x1B8B  }
0xa2: {  	_ =	swait.ge [sflag:s23], $0x1  }
0xa3: {  	[sflag:s23] =	ssyncset.done $0x0  }
0xa4: {  	[sflag:s23] =	ssyncadd.s32 $0xFFFFFFFF  }
0xa5: {  	s5 =	sld [smem:$0x0]  }
0xa6: {  	s6 =	sand.u32 $0xFFFFFFFE, s1  }
0xa7: {  	p0 =	sne.s32 s1, s6  }
0xa8: {  	s6 =	sshll.u32 @p0 s6, $0xE  }
0xa9: {  	s6 =	sadd.s32 @p0 $0x11B8D, s6;
	s7 =	sshll.u32 @p0 s5, $0x11  }
0xaa: {  	s6 =	sor.u32 @p0 s7, s6  }
0xab: {  	[sflag:s6] =	ssyncadd.remote.s32 @p0 $0x1;
	_ =	sdelay $0x1  }
0xac: {  	s6 =	simm.s32 @p0 $0x1B8D  }
0xad: {  	_ =	swait.eq @p0 [sflag:s6], $0x1  }
0xae: {  	[sflag:s6] =	ssyncadd.s32 @p0 $0xFFFFFFFF  }
0xaf: {  	s7 =	sshll.u32 @!p0 s1, $0xE  }
0xb0: {  	s7 =	sor.u32 @!p0 $0x4000, s7;
	s6 =	simm.s32 @!p0 $0x1B8D  }
0xb1: {  	s5 =	sshll.u32 @!p0 s5, $0x11;
	s7 =	sadd.s32 @!p0 $0x11B8D, s7;
	_ =	swait.eq @!p0 [sflag:s6], $0x1  }
0xb2: {  	s5 =	sor.u32 @!p0 s5, s7;
	[sflag:s6] =	ssyncadd.s32 @!p0 $0xFFFFFFFF  }
0xb3: {  	s25 =	simm.s32 $0x1B8E;
	s24 =	sld [smem:$0x3FFE];
	[sflag:s5] =	ssyncadd.remote.s32 @!p0 $0x1  }
0xb4: {  	s26 =	simm.s32 $execute0_lowered;
	[smem:$0x3FD2] =	sst s25  }
0xb5: {  	s6 =	sshll.u32 s26, $0x1;
	_ =	strace $0x8000004C;
	[dreg:$0x1] =	wrdreg $0xFFFFFFFF  }
0xb6: {  	s28 =	simm.s32 $_size_execute0_lowered;
	s4 =	sadd.s32 s4, s6;
	[dreg:$0x0] =	wrdreg $0x0  }
0xb7: {  	s6 =	sshll.u32 s28, $0x1;
	[dreg:$0x2] =	wrdreg s4  }
0xb8: {  	[dreg:$0x3] =	wrdreg s6  }
0xb9: {  	[dreg:$0x4] =	wrdreg $0xC0  }
0xba: {  	_ =	task [dreg:s22], $0x5FFFF  }
0xbb: {  	[dreg:$0x1] =	wrdreg $0xFFFFFFFF  }
0xbc: {  	[dreg:$0x0] =	wrdreg $0x60  }
0xbd: {  	[dreg:$0x2] =	wrdreg s24  }
0xbe: {  	[dreg:$0x3] =	wrdreg s18  }
0xbf: {  	[dreg:$0x4] =	wrdreg $0xC  }
0xc0: {  	_ =	task.clear_ibuf [dreg:s22], $0x5FFFF;
	_ =	strace $0x9000004C  }
0xc1: {  	s29 =	simm.s32 $0xC;
	_ =	strace $0x8000004E  }
0xc2: {  	_ =	swait.ge [sflag:s29], $0x1  }
0xc3: {  	[sflag:s29] =	ssyncadd.s32 $0xFFFFFFFF  }
0xc4: {  	_ =	strace $0x9000004E  }
0xc5: {  	_ =	sfence  }
0xc6: {  	s30 =	sld [smem:$0x0];
	_ =	sdelay $0x2  }
0xc7: {  	s31 =	sshll.u32 s1, $0xD;
	s1 =	sshrl.u32 s1, $0x2  }
0xc8: {  	s4 =	sand.u32 $0x4000, s31;
	s1 =	sadd.s32 s1, s30  }
0xc9: {  	s0 =	sor.u32 s4, s0;
	s1 =	sshll.u32 s1, $0x11  }
0xca: {  	s0 =	sor.u32 s1, s0  }
0xcb: {  	s0 =	sadd.s32 $0x8F2B, s0  }
0xcc: {  	[sflag:s0] =	ssyncadd.remote.s32 $0x1  }
0xcd: {  	_ =	sfence.sel $0xFFFF  }
0xce: {  	[dreg:$0x0] =	wrdreg $0xFFFFFFFF;
	(pc) =	sbr.abs _section_cstart, $3  }
0xcf: {  	[dreg:$0x1] =	wrdreg $0xFFFFFFFF  }
0xd0: {  	_ =	task.clear_ibuf [dreg:s22], $0x2FFFF;
	_ =	strace $0x9FFFFFFF  }
0xd1: {  	(tm) =	ssettm $0x7FFFFFFF  }
tec
execute0_lowered:
.L_overlay_start_1:
0x0: {  	(tag) =	ssettag $0x1  }
0x1: {  	s7 =	rddreg [dreg:$0x0]  }
0x2: {  	s2 =	rddreg [dreg:$0x1]  }
0x3: {  	s0 =	rddreg [dreg:$0x2];
	s4 =	srdreg.scid  }
0x4: {  	s1 =	stileid.u32;
	s3 =	simm.s32 $0x0;
	s10 =	simm.s32 $0x19320  }
0x5: {  	s11 =	simm.s32 $0x5;
	s12 =	simm.s32 $0x190;
	s13 =	simm.s32 $0x320  }
0x6: {  	s14 =	simm.s32 $0xCB20;
	s15 =	simm.s32 $0x1;
	s16 =	simm.s32 $0x2  }
0x7: {  	s17 =	simm.s32 $0x3;
	s4 =	sand.u32 $0x1, s4;
	s5 =	sshll.u32 s1, $0x1  }
0x8: {  	s18 =	simm.s32 $0x4;
	s19 =	simm.s32 $0x0;
	s5 =	sor.u32 s4, s5  }
0x9: {  	[smem:$0x7FF] =	sst s3;
	s8 =	ssub.s32 $0x2, s4;
	s4 =	smul.u32 $0x1900, s5  }
0xa: {  	s6 =	sadd.s32 $0x8E00, s7;
	_ =	strace $0x8000004D;
	s9 =	sshrl.u32 s8, $0x1  }
0xb: {  	s5 =	sadd.s32 $0x10E1600, s7;
	s9 =	ssub.s32 s8, s9;
	s31 =	sshrl.u32 s4, $0x3  }
0xc: {  	s7 =	sadd.s32 $0x8C00, s7;
	s9 =	smax.u32 s9, $0x1;
	s8 =	sadd.s32 s5, s31  }
.LBB2_1:
0xd: {  	[tilespmem:s10], [sflag:$0x5] =	stream.linear.gather [hbm4b:s7+s3], $0x40, $0x38;
	[tilespmem:$0x19360] =	vst v63  }
0xe: {  	_ =	swait.ge [sflag:s11], $0x40  }
0xf: {  	[sflag:s11] =	ssyncset.done $0x0  }
0x10: {  	[sflag:s11] =	ssyncadd.s32 $0xFFFFFFC0  }
0x11: {  	v0 =	vld [tilespmem:$0x19320]  }
0x12: {  	v1 =	vld [tilespmem:$0x19330]  }
0x13: {  	v2 =	vld [tilespmem:$0x19340]  }
0x14: {  	v3 =	vld [tilespmem:$0x19350];
	[tilespmem:s3], [sflag:$0x5] =	stream.linear.gather [hbm4b:s8+s3], $0x190, $0x38  }
0x15: {  	_ =	swait.ge [sflag:s11], $0x190  }
0x16: {  	[sflag:s11] =	ssyncset.done $0x0  }
0x17: {  	s20 =	simm.s32 $0x0;
	[sflag:s11] =	ssyncadd.s32 $0xFFFFFE70  }
0x18: {  	[tilespmem:s13], [sflag:$0x1] =	stream.indirect.gather [hbm4b:s6+s12], $0x80, s3, s12, $0xb8;
	[tilespmem:$0x19360] =	vst v63  }
.LBB2_2:
0x19: {  	s21 =	smul.u32 $0x320, s20  }
0x1a: {  	p0 =	seq.s32 s20, $0x0  }
0x1b: {  	s23 =	simm.s32 @!p0 $0x4;
	s22 =	sadd.s32 s4, s21  }
0x1c: {  	_ =	swait.ge @!p0 [sflag:s23], $0x6400;
	s21 =	sadd.s32 $0x190, s22  }
0x1d: {  	[sflag:s23] =	ssyncset.done @!p0 $0x0;
	s24 =	sshrl.u32 s21, $0x3  }
0x1e: {  	s31 =	simm.s32 $0x0;
	[sflag:s23] =	ssyncadd.s32 @!p0 $0xFFFF9C00;
	s30 =	sadd.s32 s5, s24  }
0x1f: {  	[tilespmem:s12], [sflag:$0x5] =	stream.linear.gather [hbm4b:s30+s31], $0x190, $0x38;
	[tilespmem:$0x19360] =	vst v63  }
0x20: {  	_ =	swait.ge [sflag:s11], $0x190  }
0x21: {  	[sflag:s11] =	ssyncset.done $0x0  }
0x22: {  	[sflag:s11] =	ssyncadd.s32 $0xFFFFFE70  }
0x23: {  	[tilespmem:s14], [sflag:$0x2] =	stream.indirect.gather [hbm4b:s6+s12], $0x80, s12, s12, $0xb8;
	[tilespmem:$0x19360] =	vst v63  }
0x24: {  	_ =	swait.ge [sflag:s15], $0xC800  }
0x25: {  	[sflag:s15] =	ssyncset.done $0x0  }
0x26: {  	s23 =	simm.s32 $0x0;
	[sflag:s15] =	ssyncadd.s32 $0xFFFF3800  }
0x27: {  	v4 =	vld [tilespmem:s23+$0x320]  }
0x28: {  	v6 =	vld [tilespmem:s23+$0x330]  }
0x29: {  	s24 =	simm.s32 $0x200;
	v5 =	vld [tilespmem:s23+$0x340]  }
.LBB2_3:
0x2a: {  	p0 =	sne.s32 s24, $0x31E00;
	v7 =	vld [tilespmem:s23+$0x350];
	_ =	sdelay $0x1  }
0x2b: {  	v4 =	vmul.f32 v4, v0  }
0x2c: {  	v6 =	vmul.f32 v6, v0  }
0x2d: {  	v4 =	vadd.f32 v4, v1;
	v5 =	vmul.f32 v5, v0  }
0x2e: {  	v6 =	vadd.f32 v6, v1;
	v7 =	vmul.f32 v7, v0  }
0x2f: {  	v4 =	vmax.f32 v4, $-1.280000000e+02;
	v5 =	vadd.f32 v5, v1  }
0x30: {  	v4 =	vmin.f32 v4, $1.270000000e+02;
	v6 =	vmax.f32 v6, $-1.280000000e+02;
	v7 =	vadd.f32 v7, v1  }
0x31: {  	v4 =	vadd.f32 $1.258291200e+07, v4;
	v6 =	vmin.f32 v6, $1.270000000e+02;
	v5 =	vmax.f32 v5, $-1.280000000e+02  }
0x32: {  	v6 =	vadd.f32 $1.258291200e+07, v6;
	v5 =	vmin.f32 v5, $1.270000000e+02;
	v7 =	vmax.f32 v7, $-1.280000000e+02  }
0x33: {  	v4 =	vadd.f32 $-1.258291200e+07, v4;
	v5 =	vadd.f32 $1.258291200e+07, v5;
	v7 =	vmin.f32 v7, $1.270000000e+02  }
0x34: {  	v6 =	vadd.f32 $-1.258291200e+07, v6;
	v7 =	vadd.f32 $1.258291200e+07, v7  }
0x35: {  	v4 =	vmul.f32 v4, v2;
	v5 =	vadd.f32 $-1.258291200e+07, v5  }
0x36: {  	v6 =	vmul.f32 v6, v2;
	v7 =	vadd.f32 $-1.258291200e+07, v7  }
0x37: {  	v4 =	vsub.f32 v4, v3;
	v5 =	vmul.f32 v5, v2  }
.Ltmp0:
0x38: {  	v6 =	vsub.f32 v6, v3;
	v7 =	vmul.f32 v7, v2;
	(pc) =	sbr.rel @p0 .LBB2_3-.Ltmp0, $4  }
0x39: {  	s25 =	sshra.s32 s24, $0x2;
	[tilespmem:s23+$0x320] =	vst v4;
	v5 =	vsub.f32 v5, v3  }
0x3a: {  	v4 =	vld [tilespmem:s25+$0x320];
	[tilespmem:s23+$0x330] =	vst v6;
	v7 =	vsub.f32 v7, v3  }
0x3b: {  	v6 =	vld [tilespmem:s25+$0x330];
	[tilespmem:s23+$0x340] =	vst v5  }
0x3c: {  	s24 =	sadd.s32 $0x200, s24;
	v5 =	vld [tilespmem:s25+$0x340];
	[tilespmem:s23+$0x350] =	vst v7;
	s23 =	smov.u32 s25  }
0x3d: {  	v7 =	vld [tilespmem:s23+$0x350];
	_ =	sdelay $0x1  }
0x3e: {  	v4 =	vmul.f32 v4, v0  }
0x3f: {  	v6 =	vmul.f32 v6, v0  }
0x40: {  	v4 =	vadd.f32 v4, v1;
	v5 =	vmul.f32 v5, v0  }
0x41: {  	v6 =	vadd.f32 v6, v1;
	v7 =	vmul.f32 v7, v0  }
0x42: {  	v4 =	vmax.f32 v4, $-1.280000000e+02;
	v5 =	vadd.f32 v5, v1  }
0x43: {  	v4 =	vmin.f32 v4, $1.270000000e+02;
	v6 =	vmax.f32 v6, $-1.280000000e+02;
	v7 =	vadd.f32 v7, v1  }
0x44: {  	v4 =	vadd.f32 $1.258291200e+07, v4;
	v6 =	vmin.f32 v6, $1.270000000e+02;
	v5 =	vmax.f32 v5, $-1.280000000e+02  }
0x45: {  	v6 =	vadd.f32 $1.258291200e+07, v6;
	v5 =	vmin.f32 v5, $1.270000000e+02;
	v7 =	vmax.f32 v7, $-1.280000000e+02  }
0x46: {  	v4 =	vadd.f32 $-1.258291200e+07, v4;
	v5 =	vadd.f32 $1.258291200e+07, v5;
	v7 =	vmin.f32 v7, $1.270000000e+02  }
0x47: {  	v6 =	vadd.f32 $-1.258291200e+07, v6;
	v7 =	vadd.f32 $1.258291200e+07, v7  }
0x48: {  	v4 =	vmul.f32 v4, v2;
	v5 =	vadd.f32 $-1.258291200e+07, v5  }
0x49: {  	v6 =	vmul.f32 v6, v2;
	v7 =	vadd.f32 $-1.258291200e+07, v7  }
0x4a: {  	v4 =	vsub.f32 v4, v3;
	v5 =	vmul.f32 v5, v2  }
0x4b: {  	v6 =	vsub.f32 v6, v3;
	v7 =	vmul.f32 v7, v2  }
0x4c: {  	[tilespmem:s23+$0x320] =	vst v4;
	v4 =	vsub.f32 v5, v3  }
0x4d: {  	s24 =	sshll.u32 s22, $0x3;
	[tilespmem:s23+$0x330] =	vst v6;
	v5 =	vsub.f32 v7, v3  }
0x4e: {  	s25 =	simm.s32 $0x320;
	s24 =	sadd.s32 s2, s24;
	[tilespmem:s23+$0x340] =	vst v4  }
0x4f: {  	s26 =	simm.s32 $0x3A0;
	s28 =	sadd.s32 $0x0, s24;
	[tilespmem:s23+$0x350] =	vst v5;
	s23 =	simm.s32 $0x8  }
.LBB2_5:
0x50: {  	[hbm4b:s28+s3] =	stream.linear.scatter [tilespmem:s25], [sflag:$0x3], $0x40, $0x38;
	[tilespmem:$0x19360] =	vst v63  }
0x51: {  	s28 =	smov.u32 s23;
	s25 =	smov.u32 s26;
	p0 =	sne.s32 s23, $0xC78  }
.Ltmp1:
0x52: {  	s23 =	sadd.s32 $0x8, s23;
	(pc) =	sbr.rel @p0 .LBB2_5-.Ltmp1, $2  }
0x53: {  	_ =	sdelay $0x2  }
0x54: {  	s26 =	sadd.s32 $0x80, s26;
	s28 =	sadd.s32 s28, s24  }
0x55: {  	[hbm4b:s28+s3] =	stream.linear.scatter [tilespmem:s25], [sflag:$0x3], $0x40, $0x38;
	[tilespmem:$0x19360] =	vst v63  }
0x56: {  	p0 =	seq.s32 s20, $0x7  }
0x57: {  	s23 =	simm.s32 @!p0 $0x3  }
0x58: {  	s22 =	sshrl.u32 @!p0 s22, $0x3;
	_ =	swait.ge @!p0 [sflag:s23], $0x6400  }
0x59: {  	s22 =	sadd.s32 @!p0 s5, s22;
	[sflag:s23] =	ssyncset.done @!p0 $0x0  }
0x5a: {  	s22 =	sadd.s32 @!p0 $0x64, s22;
	[sflag:s23] =	ssyncadd.s32 @!p0 $0xFFFF9C00;
	s23 =	simm.s32 @!p0 $0x0  }
0x5b: {  	[tilespmem:s23], [sflag:$0x5] =	stream.linear.gather @!p0 [hbm4b:s22+s23], $0x190, $0x38;
	[tilespmem:$0x19360] =	vst v63  }
0x5c: {  	s22 =	simm.s32 @!p0 $0x5  }
0x5d: {  	_ =	swait.ge @!p0 [sflag:s22], $0x190  }
0x5e: {  	[sflag:s22] =	ssyncset.done @!p0 $0x0  }
0x5f: {  	s24 =	simm.s32 @!p0 $0x320;
	[sflag:s22] =	ssyncadd.s32 @!p0 $0xFFFFFE70;
	s22 =	simm.s32 @!p0 $0x190  }
0x60: {  	[tilespmem:s24], [sflag:$0x1] =	stream.indirect.gather @!p0 [hbm4b:s6+s22], $0x80, s23, s22, $0xb8;
	[tilespmem:$0x19360] =	vst v63  }
0x61: {  	_ =	swait.ge [sflag:s16], $0xC800  }
0x62: {  	[sflag:s16] =	ssyncset.done $0x0  }
0x63: {  	s22 =	simm.s32 $0x0;
	[sflag:s16] =	ssyncadd.s32 $0xFFFF3800  }
0x64: {  	v4 =	vld [tilespmem:s22+$0xCB20]  }
0x65: {  	v6 =	vld [tilespmem:s22+$0xCB30]  }
0x66: {  	s23 =	simm.s32 $0x200;
	v5 =	vld [tilespmem:s22+$0xCB40]  }
.LBB2_7:
0x67: {  	p0 =	sne.s32 s23, $0x31E00;
	v7 =	vld [tilespmem:s22+$0xCB50];
	_ =	sdelay $0x1  }
0x68: {  	v4 =	vmul.f32 v4, v0  }
0x69: {  	v6 =	vmul.f32 v6, v0  }
0x6a: {  	v4 =	vadd.f32 v4, v1;
	v5 =	vmul.f32 v5, v0  }
0x6b: {  	v6 =	vadd.f32 v6, v1;
	v7 =	vmul.f32 v7, v0  }
0x6c: {  	v4 =	vmax.f32 v4, $-1.280000000e+02;
	v5 =	vadd.f32 v5, v1  }
0x6d: {  	v4 =	vmin.f32 v4, $1.270000000e+02;
	v6 =	vmax.f32 v6, $-1.280000000e+02;
	v7 =	vadd.f32 v7, v1  }
0x6e: {  	v4 =	vadd.f32 $1.258291200e+07, v4;
	v6 =	vmin.f32 v6, $1.270000000e+02;
	v5 =	vmax.f32 v5, $-1.280000000e+02  }
0x6f: {  	v6 =	vadd.f32 $1.258291200e+07, v6;
	v5 =	vmin.f32 v5, $1.270000000e+02;
	v7 =	vmax.f32 v7, $-1.280000000e+02  }
0x70: {  	v4 =	vadd.f32 $-1.258291200e+07, v4;
	v5 =	vadd.f32 $1.258291200e+07, v5;
	v7 =	vmin.f32 v7, $1.270000000e+02  }
0x71: {  	v6 =	vadd.f32 $-1.258291200e+07, v6;
	v7 =	vadd.f32 $1.258291200e+07, v7  }
0x72: {  	v4 =	vmul.f32 v4, v2;
	v5 =	vadd.f32 $-1.258291200e+07, v5  }
0x73: {  	v6 =	vmul.f32 v6, v2;
	v7 =	vadd.f32 $-1.258291200e+07, v7  }
0x74: {  	v4 =	vsub.f32 v4, v3;
	v5 =	vmul.f32 v5, v2  }
.Ltmp2:
0x75: {  	v6 =	vsub.f32 v6, v3;
	v7 =	vmul.f32 v7, v2;
	(pc) =	sbr.rel @p0 .LBB2_7-.Ltmp2, $4  }
0x76: {  	s24 =	sshra.s32 s23, $0x2;
	[tilespmem:s22+$0xCB20] =	vst v4;
	v5 =	vsub.f32 v5, v3  }
0x77: {  	v4 =	vld [tilespmem:s24+$0xCB20];
	[tilespmem:s22+$0xCB30] =	vst v6;
	v7 =	vsub.f32 v7, v3  }
0x78: {  	v6 =	vld [tilespmem:s24+$0xCB30];
	[tilespmem:s22+$0xCB40] =	vst v5  }
0x79: {  	s23 =	sadd.s32 $0x200, s23;
	v5 =	vld [tilespmem:s24+$0xCB40];
	[tilespmem:s22+$0xCB50] =	vst v7;
	s22 =	smov.u32 s24  }
0x7a: {  	v7 =	vld [tilespmem:s22+$0xCB50];
	_ =	sdelay $0x1  }
0x7b: {  	v4 =	vmul.f32 v4, v0  }
0x7c: {  	v6 =	vmul.f32 v6, v0  }
0x7d: {  	v4 =	vadd.f32 v4, v1;
	v5 =	vmul.f32 v5, v0  }
0x7e: {  	v6 =	vadd.f32 v6, v1;
	v7 =	vmul.f32 v7, v0  }
0x7f: {  	v4 =	vmax.f32 v4, $-1.280000000e+02;
	v5 =	vadd.f32 v5, v1  }
0x80: {  	v4 =	vmin.f32 v4, $1.270000000e+02;
	v6 =	vmax.f32 v6, $-1.280000000e+02;
	v7 =	vadd.f32 v7, v1  }
0x81: {  	v4 =	vadd.f32 $1.258291200e+07, v4;
	v6 =	vmin.f32 v6, $1.270000000e+02;
	v5 =	vmax.f32 v5, $-1.280000000e+02  }
0x82: {  	v6 =	vadd.f32 $1.258291200e+07, v6;
	v5 =	vmin.f32 v5, $1.270000000e+02;
	v7 =	vmax.f32 v7, $-1.280000000e+02  }
0x83: {  	v4 =	vadd.f32 $-1.258291200e+07, v4;
	v5 =	vadd.f32 $1.258291200e+07, v5;
	v7 =	vmin.f32 v7, $1.270000000e+02  }
0x84: {  	v6 =	vadd.f32 $-1.258291200e+07, v6;
	v7 =	vadd.f32 $1.258291200e+07, v7  }
0x85: {  	v4 =	vmul.f32 v4, v2;
	v5 =	vadd.f32 $-1.258291200e+07, v5  }
0x86: {  	v6 =	vmul.f32 v6, v2;
	v7 =	vadd.f32 $-1.258291200e+07, v7  }
0x87: {  	v4 =	vsub.f32 v4, v3;
	v5 =	vmul.f32 v5, v2  }
0x88: {  	v6 =	vsub.f32 v6, v3;
	v7 =	vmul.f32 v7, v2  }
0x89: {  	s21 =	sshll.u32 s21, $0x3;
	[tilespmem:s22+$0xCB20] =	vst v4;
	v4 =	vsub.f32 v5, v3  }
0x8a: {  	s21 =	sand.u32 $0x1FFFFF80, s21;
	[tilespmem:s22+$0xCB30] =	vst v6;
	v5 =	vsub.f32 v7, v3  }
0x8b: {  	s23 =	simm.s32 $0xCB20;
	s21 =	sadd.s32 s2, s21;
	[tilespmem:s22+$0xCB40] =	vst v4  }
0x8c: {  	s24 =	simm.s32 $0xCBA0;
	s25 =	sadd.s32 $0x0, s21;
	[tilespmem:s22+$0xCB50] =	vst v5;
	s22 =	simm.s32 $0x8  }
.LBB2_9:
0x8d: {  	[hbm4b:s25+s3] =	stream.linear.scatter [tilespmem:s23], [sflag:$0x4], $0x40, $0x38;
	[tilespmem:$0x19360] =	vst v63  }
0x8e: {  	s25 =	smov.u32 s22;
	s23 =	smov.u32 s24;
	p0 =	sne.s32 s22, $0xC78  }
.Ltmp3:
0x8f: {  	s22 =	sadd.s32 $0x8, s22;
	(pc) =	sbr.rel @p0 .LBB2_9-.Ltmp3, $2  }
0x90: {  	_ =	sdelay $0x2  }
0x91: {  	s24 =	sadd.s32 $0x80, s24;
	s25 =	sadd.s32 s25, s21  }
0x92: {  	s20 =	sadd.s32 $0x1, s20  }
0x93: {  	p0 =	sne.s32 s20, $0x8  }
.Ltmp4:
0x94: {  	_ = 	snop;
	(pc) =	sbr.rel @p0 .LBB2_2-.Ltmp4, $2  }
0x95: {  	_ =	sdelay $0x2  }
0x96: {  	[hbm4b:s25+s3] =	stream.linear.scatter [tilespmem:s23], [sflag:$0x4], $0x40, $0x38;
	[tilespmem:$0x19360] =	vst v63  }
0x97: {  	s19 =	sadd.s32 $0x1, s19  }
0x98: {  	_ =	swait.ge [sflag:s17], $0x6400;
	p0 =	sne.s32 s19, s9  }
.Ltmp5:
0x99: {  	[sflag:s17] =	ssyncset.done $0x0;
	(pc) =	sbr.rel @p0 .LBB2_1-.Ltmp5, $4  }
0x9a: {  	[sflag:s17] =	ssyncadd.s32 $0xFFFF9C00  }
0x9b: {  	_ =	swait.ge [sflag:s18], $0x6400  }
0x9c: {  	[sflag:s18] =	ssyncset.done $0x0  }
0x9d: {  	[sflag:s18] =	ssyncadd.s32 $0xFFFF9C00  }
0x9e: {  	_ =	sfence.sel $0x180000  }
0x9f: {  	[bflag:$0x0] =	sbarrier.arrive $0xFFFF  }
0xa0: {  	p0 =	sne.s32 s1, $0x0;
	_ =	strace $0x9000004D  }
0xa1: {  	s0 =	sadd.s32 @!p0 $0x100000, s0;
	[bflag:$0x2] =	sbarrier.arrive $0xFFFF  }
0xa2: {  	[sflag:s0] =	ssyncadd.tile.s32 @!p0 $0x1;
	_ =	shalt  }
.Lfunc_end2:
_tile_overlayer_lowered:
.L_overlay_start_2:
0xa3: {  	(tag) =	ssettag $0x2  }
0xa4: {  	s0 =	rddreg [dreg:$0x0];
	s2 =	stileid.u32  }
0xa5: {  	s1 =	rddreg [dreg:$0x1];
	p0 =	sne.s32 s2, $0x0  }
0xa6: {  	s3 =	rddreg [dreg:$0x2];
	[bflag:$0x3] =	sbarrier.arrive $0xFFFF;
	s2 =	simm.s32 @!p0 $0x1C05  }
0xa7: {  	[timem:s3], [sflag:s2] =	dma.local @!p0 [hbm:s0], s1  }
0xa8: {  	s0 =	simm.s32 @!p0 $0x5  }
0xa9: {  	_ =	swait.ge @!p0 [sflag:s0], s1  }
0xaa: {  	s1 =	ssub.s32 @!p0 $0x0, s1;
	[sflag:s0] =	ssyncset.done @!p0 $0x0  }
0xab: {  	[sflag:s0] =	ssyncadd.s32 @!p0 s1  }
0xac: {  	[bflag:$0x3] =	sbarrier.arrive $0xFFFF  }
0xad: {  	_ =	shalt  }

// kernel: kernel.16.cloned.1.call-start
scs
__scs_entry_jumppad:
0x0: {  	(pc) =	sbr.rel $0x88, $3  }
0x1: {  	(tag) =	ssettag $0x0;
	lr =	simm.s32 $0x1  }
0x2: {  	[smem:$0x3F9F] =	sst lr;
	_ =	strace $0xD0000000  }
0x3: {  	_ = 	snop  }
0x4: {  	_ = 	snop  }
0x5: {  	_ = 	snop  }
0x6: {  	_ = 	snop  }
0x7: {  	_ = 	snop  }
__scs_overlays_trampoline_lowered:
0x8: {  	[smem:$0x3FAE] =	sst s0  }
0x9: {  	[smem:$0x3FAF] =	sst s1  }
0xa: {  	[smem:$0x3FB0] =	sst s2  }
0xb: {  	[smem:$0x3FB1] =	sst s3  }
0xc: {  	[smem:$0x3FB2] =	sst s4  }
0xd: {  	[smem:$0x3FB3] =	sst s5  }
0xe: {  	[smem:$0x3FB4] =	sst s6  }
0xf: {  	[smem:$0x3FB5] =	sst s7  }
0x10: {  	[smem:$0x3FB6] =	sst s8  }
0x11: {  	[smem:$0x3FB7] =	sst s9;
	s0 =	simm.s32 @!p0 $0x0  }
0x12: {  	s1 =	sld [smem:$0x3F9D];
	s0 =	simm.s32 @p0 $0x1  }
0x13: {  	[smem:$0x3FB8] =	sst s0;
	s0 =	simm.s32 @!p1 $0x0  }
0x14: {  	s2 =	sld [smem:$0x3F9C];
	s0 =	simm.s32 @p1 $0x1  }
0x15: {  	[smem:$0x3FB9] =	sst s0;
	s0 =	simm.s32 @!p2 $0x0  }
0x16: {  	s3 =	sld [smem:$0x3FDB];
	s0 =	simm.s32 @p2 $0x1  }
0x17: {  	s4 =	simm.s32 $0x1BF5;
	[smem:$0x3FBB] =	sst s0  }
0x18: {  	s0 =	sld [smem:$0x3F9E];
	_ =	swait.ge [sflag:s4], $0x0  }
0x19: {  	s7 =	sld [smem:$0x3F9F]  }
0x1a: {  	s8 =	sadd.s32 $0xFFFFE003, lr  }
0x1b: {  	s9 =	sadd.s32 $0xFFFFFEF7, lr;
	s5 =	simm.s32 $0xFFFFFFFF;
	p2 =	slt.u32 s8, $0xFFFFF086  }
0x1c: {  	p1 =	slt.u32 s9, $0xF7A;
	s5 =	simm.s32 @!p2 $0x0  }
0x1d: {  	s5 =	simm.s32 @p1 $0x1;
	p0 =	seq.s32 s7, s2  }
0x1e: {  	s7 =	smul.u32 @!p0 $0xF7A, s2;
	p2 =	seq.s32 @!p0 s5, $0x0  }
0x1f: {  	s9 =	smul.u32 $0xF7A, s1;
	s8 =	simm.s32 @!p0 $0x1BF5;
	p2 =	por !p2, p0  }
0x20: {  	[sflag:s8] =	ssyncset.s32 @!p0 $0xFFFFF086;
	s6 =	sadd.s32 @!p0 s3, s7;
	s7 =	simm.s32 @!p0 $0x108  }
0x21: {  	s3 =	sadd.s32 s3, s9;
	s6 =	sadd.s32 @!p0 $0x88, s6;
	s7 =	simm.s32 @p2 $0x1082  }
0x22: {  	[simem:s7], [sflag:s8] =	dma.local @!p0 [hbm:s6], $0xF7A  }
0x23: {  	s9 =	sor.u32 $0xD0000000, s2;
	s6 =	simm.s32 $0x108;
	_ =	swait.ge @!p0 [sflag:s8], $0x0  }
0x24: {  	s3 =	sadd.s32 $0x88, s3;
	s6 =	simm.s32 @!p1 $0x1082;
	[sflag:s4] =	ssyncset.s32 $0xFFFFF086  }
0x25: {  	[simem:s6], [sflag:s4] =	dma.local [hbm:s3], $0xF7A  }
0x26: {  	[smem:$0x3F9F] =	sst s1;
	(tag) =	ssettag s2;
	_ =	strace s9  }
0x27: {  	s1 =	sld [smem:$0x3FAF]  }
0x28: {  	s2 =	sld [smem:$0x3FB0]  }
0x29: {  	s4 =	sld [smem:$0x3FB2]  }
0x2a: {  	p0 =	seq.s32 s5, $0x0;
	s5 =	sld [smem:$0x3FB3]  }
0x2b: {  	s6 =	sld [smem:$0x3FB4]  }
0x2c: {  	s7 =	sld [smem:$0x3FB5]  }
0x2d: {  	s3 =	simm.s32 $0x108;
	s8 =	sld [smem:$0x3FB6]  }
0x2e: {  	s3 =	simm.s32 @!p0 $0x1082;
	s9 =	sld [smem:$0x3FB7]  }
0x2f: {  	lr =	sadd.s32 s0, s3;
	s0 =	sld [smem:$0x3FAE]  }
0x30: {  	s3 =	sld [smem:$0x3FB1]  }
0x31: {  	[smem:$0x3FBA] =	sst s10  }
0x32: {  	s10 =	sld [smem:$0x3FB8];
	_ =	sdelay $0x3  }
0x33: {  	p0 =	seq.s32 s10, $0x1;
	s10 =	sld [smem:$0x3FBA];
	_ =	sdelay $0x3  }
0x34: {  	[smem:$0x3FBA] =	sst s10  }
0x35: {  	s10 =	sld [smem:$0x3FB9];
	_ =	sdelay $0x3  }
0x36: {  	p1 =	seq.s32 s10, $0x1;
	s10 =	sld [smem:$0x3FBA];
	_ =	sdelay $0x3  }
0x37: {  	[smem:$0x3FBA] =	sst s10  }
0x38: {  	s10 =	sld [smem:$0x3FBB]  }
0x39: {  	_ = 	snop;
	(pc) =	sbr.ind lr, $3  }
0x3a: {  	_ = 	snop  }
0x3b: {  	_ = 	snop  }
0x3c: {  	p2 =	seq.s32 s10, $0x1;
	s10 =	sld [smem:$0x3FBA]  }
0x3d: {  	_ =	shalt  }
0x3e: {  	_ =	shalt  }
0x3f: {  	_ =	shalt  }
0x40: {  	_ =	shalt  }
0x41: {  	_ =	shalt  }
0x42: {  	_ =	shalt  }
0x43: {  	_ =	shalt  }
0x44: {  	_ =	shalt  }
0x45: {  	_ =	shalt  }
0x46: {  	_ =	shalt  }
0x47: {  	_ =	shalt  }
0x48: {  	_ =	shalt  }
0x49: {  	_ =	shalt  }
0x4a: {  	_ =	shalt  }
0x4b: {  	_ =	shalt  }
0x4c: {  	_ =	shalt  }
0x4d: {  	_ =	shalt  }
0x4e: {  	_ =	shalt  }
0x4f: {  	_ =	shalt  }
0x50: {  	_ =	shalt  }
0x51: {  	_ =	shalt  }
0x52: {  	_ =	shalt  }
0x53: {  	_ =	shalt  }
0x54: {  	_ =	shalt  }
0x55: {  	_ =	shalt  }
0x56: {  	_ =	shalt  }
0x57: {  	_ =	shalt  }
0x58: {  	_ =	shalt  }
0x59: {  	_ =	shalt  }
0x5a: {  	_ =	shalt  }
0x5b: {  	_ =	shalt  }
0x5c: {  	_ =	shalt  }
0x5d: {  	_ =	shalt  }
0x5e: {  	_ =	shalt  }
0x5f: {  	_ =	shalt  }
0x60: {  	_ =	shalt  }
0x61: {  	_ =	shalt  }
0x62: {  	_ =	shalt  }
0x63: {  	_ =	shalt  }
0x64: {  	_ =	shalt  }
0x65: {  	_ =	shalt  }
0x66: {  	_ =	shalt  }
0x67: {  	_ =	shalt  }
0x68: {  	_ =	shalt  }
0x69: {  	_ =	shalt  }
0x6a: {  	_ =	shalt  }
0x6b: {  	_ =	shalt  }
0x6c: {  	_ =	shalt  }
0x6d: {  	_ =	shalt  }
0x6e: {  	_ =	shalt  }
0x6f: {  	_ =	shalt  }
0x70: {  	_ =	shalt  }
0x71: {  	_ =	shalt  }
0x72: {  	_ =	shalt  }
0x73: {  	_ =	shalt  }
0x74: {  	_ =	shalt  }
0x75: {  	_ =	shalt  }
0x76: {  	_ =	shalt  }
0x77: {  	_ =	shalt  }
0x78: {  	_ =	shalt  }
0x79: {  	_ =	shalt  }
0x7a: {  	_ =	shalt  }
0x7b: {  	_ =	shalt  }
0x7c: {  	_ =	shalt  }
0x7d: {  	_ =	shalt  }
0x7e: {  	_ =	shalt  }
0x7f: {  	_ =	shalt  }
0x80: {  	_ =	shalt  }
0x81: {  	_ =	shalt  }
0x82: {  	_ =	shalt  }
0x83: {  	_ =	shalt  }
0x84: {  	_ =	shalt  }
0x85: {  	_ =	shalt  }
0x86: {  	_ =	shalt  }
0x87: {  	_ =	shalt  }
.Lfunc_end0:
.L_simem_size_0:
called_computation.7_lowered:
.L_overlay_start_0:
0x88: {  	s2 =	sld [smem:$0x3FD9]  }
0x89: {  	s3 =	sld [smem:$0x3FFE];
	_ =	sdelay $0x1  }
0x8a: {  	s1 =	srdreg.scid  }
0x8b: {  	s0 =	sand.u32 $0x1, s1  }
0x8c: {  	s17 =	sshll.u32 s0, $0xA;
	s2 =	sadd.s32 s3, s2  }
0x8d: {  	s2 =	sadd.s32 s2, s17  }
0x8e: {  	[smem:$0x3FC6] =	sst s2  }
0x8f: {  	_ = 	snop  }
0x90: {  	(tm) =	ssettm $0x1  }
0x91: {  	s18 =	sld [smem:$0x3FFB];
	_ =	sdelay $0x3  }
0x92: {  	_ =	strace s18  }
0x93: {  	s2 =	sld [smem:$0x3FFC];
	_ =	sdelay $0x3  }
0x94: {  	_ =	strace s2  }
0x95: {  	s2 =	sld [smem:$0x3FFD];
	_ =	sdelay $0x3  }
0x96: {  	_ =	strace s2  }
0x97: {  	_ =	strace $0x8FFFFFFF  }
0x98: {  	s19 =	sld [smem:$0x3FDB];
	_ =	sdelay $0x1  }
0x99: {  	s20 =	simm.s32 $_scs_section_size  }
0x9a: {  	s4 =	simm.s32 $_size__tile_overlayer_lowered;
	s5 =	simm.s32 $_tile_overlayer_lowered  }
0x9b: {  	s6 =	simm.s32 $0x1BFF;
	s21 =	sshll.u32 s5, $0x1;
	s3 =	sadd.s32 s20, s19  }
0x9c: {  	s22 =	simm.s32 $0x0;
	s4 =	sshll.u32 s4, $0x1;
	s5 =	sadd.s32 s21, s3  }
0x9d: {  	[timem:s22], [sflag:s6] =	dma.local [hbm:s5], s4  }
0x9e: {  	_ =	swait.ge [sflag:s6], s4  }
0x9f: {  	s4 =	ssub.s32 $0x0, s4;
	[sflag:s6] =	ssyncset.done $0x0  }
0xa0: {  	[sflag:s6] =	ssyncadd.s32 s4;
	_ =	sdelay $0x1  }
0xa1: {  	s23 =	simm.s32 $0x1B8B  }
0xa2: {  	_ =	swait.ge [sflag:s23], $0x1  }
0xa3: {  	[sflag:s23] =	ssyncset.done $0x0  }
0xa4: {  	[sflag:s23] =	ssyncadd.s32 $0xFFFFFFFF  }
0xa5: {  	s4 =	sld [smem:$0x0]  }
0xa6: {  	s5 =	sand.u32 $0xFFFFFFFE, s1  }
0xa7: {  	p0 =	sne.s32 s1, s5  }
0xa8: {  	s5 =	sshll.u32 @p0 s5, $0xE  }
0xa9: {  	s5 =	sadd.s32 @p0 $0x11B8D, s5;
	s6 =	sshll.u32 @p0 s4, $0x11  }
0xaa: {  	s5 =	sor.u32 @p0 s6, s5  }
0xab: {  	[sflag:s5] =	ssyncadd.remote.s32 @p0 $0x1;
	_ =	sdelay $0x1  }
0xac: {  	s5 =	simm.s32 @p0 $0x1B8D  }
0xad: {  	_ =	swait.eq @p0 [sflag:s5], $0x1  }
0xae: {  	[sflag:s5] =	ssyncadd.s32 @p0 $0xFFFFFFFF  }
0xaf: {  	s6 =	sshll.u32 @!p0 s1, $0xE  }
0xb0: {  	s6 =	sor.u32 @!p0 $0x4000, s6;
	s5 =	simm.s32 @!p0 $0x1B8D  }
0xb1: {  	s4 =	sshll.u32 @!p0 s4, $0x11;
	s6 =	sadd.s32 @!p0 $0x11B8D, s6;
	_ =	swait.eq @!p0 [sflag:s5], $0x1  }
0xb2: {  	s4 =	sor.u32 @!p0 s4, s6;
	[sflag:s5] =	ssyncadd.s32 @!p0 $0xFFFFFFFF  }
0xb3: {  	s25 =	simm.s32 $0x1B8E;
	s24 =	sld [smem:$0x3FFE];
	[sflag:s4] =	ssyncadd.remote.s32 @!p0 $0x1  }
0xb4: {  	s26 =	simm.s32 $execute0_lowered;
	[smem:$0x3FD2] =	sst s25  }
0xb5: {  	s5 =	sshll.u32 s26, $0x1;
	_ =	strace $0x8000004F;
	[dreg:$0x1] =	wrdreg $0xFFFFFFFF  }
0xb6: {  	s28 =	simm.s32 $_size_execute0_lowered;
	s3 =	sadd.s32 s3, s5;
	[dreg:$0x0] =	wrdreg $0x0  }
0xb7: {  	s5 =	sshll.u32 s28, $0x1;
	[dreg:$0x2] =	wrdreg s3  }
0xb8: {  	[dreg:$0x3] =	wrdreg s5  }
0xb9: {  	[dreg:$0x4] =	wrdreg $0xC0  }
0xba: {  	_ =	task [dreg:s22], $0x5FFFF  }
0xbb: {  	[dreg:$0x1] =	wrdreg $0xFFFFFFFF  }
0xbc: {  	[dreg:$0x0] =	wrdreg $0x60  }
0xbd: {  	[dreg:$0x2] =	wrdreg s24  }
0xbe: {  	[dreg:$0x3] =	wrdreg $0xA  }
0xbf: {  	_ =	task.clear_ibuf [dreg:s22], $0x4FFFF;
	_ =	strace $0x9000004F  }
0xc0: {  	s29 =	simm.s32 $0xA;
	_ =	strace $0x80000051  }
0xc1: {  	_ =	swait.ge [sflag:s29], $0x1  }
0xc2: {  	[sflag:s29] =	ssyncadd.s32 $0xFFFFFFFF  }
0xc3: {  	_ =	strace $0x90000051  }
0xc4: {  	_ =	sfence  }
0xc5: {  	s30 =	sld [smem:$0x0];
	_ =	sdelay $0x2  }
0xc6: {  	s31 =	sshll.u32 s1, $0xD;
	s1 =	sshrl.u32 s1, $0x2  }
0xc7: {  	s4 =	sand.u32 $0x4000, s31;
	s1 =	sadd.s32 s1, s30  }
0xc8: {  	s0 =	sor.u32 s4, s0;
	s1 =	sshll.u32 s1, $0x11  }
0xc9: {  	s0 =	sor.u32 s1, s0  }
0xca: {  	s0 =	sadd.s32 $0x8F2B, s0  }
0xcb: {  	[sflag:s0] =	ssyncadd.remote.s32 $0x1  }
0xcc: {  	_ =	sfence.sel $0xFFFF  }
0xcd: {  	[dreg:$0x0] =	wrdreg $0xFFFFFFFF;
	(pc) =	sbr.abs _section_cstart, $3  }
0xce: {  	[dreg:$0x1] =	wrdreg $0xFFFFFFFF  }
0xcf: {  	_ =	task.clear_ibuf [dreg:s22], $0x2FFFF;
	_ =	strace $0x9FFFFFFF  }
0xd0: {  	(tm) =	ssettm $0x7FFFFFFF  }
0xd1: {  	_ =	shalt  }
tec
execute0_lowered:
.L_overlay_start_1:
0x0: {  	(tag) =	ssettag $0x1  }
0x1: {  	s7 =	rddreg [dreg:$0x0]  }
0x2: {  	s0 =	rddreg [dreg:$0x1];
	s2 =	simm.s32 $0x0;
	s3 =	srdreg.scid  }
0x3: {  	s1 =	stileid.u32;
	s10 =	simm.s32 $0x19320;
	s11 =	simm.s32 $0x5  }
0x4: {  	s12 =	simm.s32 $0x190;
	s13 =	simm.s32 $0x320;
	s14 =	simm.s32 $0xCB20  }
0x5: {  	s15 =	simm.s32 $0x1;
	s16 =	simm.s32 $0x2;
	s17 =	simm.s32 $0x3  }
0x6: {  	s18 =	simm.s32 $0x4;
	s4 =	sand.u32 $0x1, s3;
	s30 =	sshll.u32 s1, $0x1  }
0x7: {  	s19 =	simm.s32 $0x0;
	[smem:$0x7FF] =	sst s2;
	s5 =	sor.u32 s4, s30  }
0x8: {  	s3 =	sadd.s32 $0x10E7A00, s7;
	s8 =	ssub.s32 $0x2, s4;
	s4 =	smul.u32 $0x1900, s5  }
0x9: {  	s6 =	sadd.s32 $0x8C00, s7;
	_ =	strace $0x80000050;
	s9 =	sshrl.u32 s8, $0x1  }
0xa: {  	s5 =	sadd.s32 $0x8E00, s7;
	s9 =	ssub.s32 s8, s9;
	s31 =	sshrl.u32 s4, $0x3  }
0xb: {  	s7 =	sadd.s32 $0x127DE00, s7;
	s9 =	smax.u32 s9, $0x1;
	s8 =	sadd.s32 s3, s31  }
.LBB2_1:
0xc: {  	[tilespmem:s10], [sflag:$0x5] =	stream.linear.gather [hbm4b:s6+s2], $0x40, $0x38;
	[tilespmem:$0x19360] =	vst v63  }
0xd: {  	_ =	swait.ge [sflag:s11], $0x40  }
0xe: {  	[sflag:s11] =	ssyncset.done $0x0  }
0xf: {  	[sflag:s11] =	ssyncadd.s32 $0xFFFFFFC0  }
0x10: {  	v0 =	vld [tilespmem:$0x19320]  }
0x11: {  	v1 =	vld [tilespmem:$0x19330]  }
0x12: {  	v2 =	vld [tilespmem:$0x19340]  }
0x13: {  	v3 =	vld [tilespmem:$0x19350];
	[tilespmem:s2], [sflag:$0x5] =	stream.linear.gather [hbm4b:s8+s2], $0x190, $0x38  }
0x14: {  	_ =	swait.ge [sflag:s11], $0x190  }
0x15: {  	[sflag:s11] =	ssyncset.done $0x0  }
0x16: {  	s20 =	simm.s32 $0x0;
	[sflag:s11] =	ssyncadd.s32 $0xFFFFFE70  }
0x17: {  	[tilespmem:s13], [sflag:$0x1] =	stream.indirect.gather [hbm4b:s5+s12], $0x80, s2, s12, $0xb8;
	[tilespmem:$0x19360] =	vst v63  }
.LBB2_2:
0x18: {  	s21 =	smul.u32 $0x320, s20  }
0x19: {  	p0 =	seq.s32 s20, $0x0  }
0x1a: {  	s23 =	simm.s32 @!p0 $0x4;
	s22 =	sadd.s32 s4, s21  }
0x1b: {  	_ =	swait.ge @!p0 [sflag:s23], $0x6400;
	s21 =	sadd.s32 $0x190, s22  }
0x1c: {  	[sflag:s23] =	ssyncset.done @!p0 $0x0;
	s24 =	sshrl.u32 s21, $0x3  }
0x1d: {  	s31 =	simm.s32 $0x0;
	[sflag:s23] =	ssyncadd.s32 @!p0 $0xFFFF9C00;
	s30 =	sadd.s32 s3, s24  }
0x1e: {  	[tilespmem:s12], [sflag:$0x5] =	stream.linear.gather [hbm4b:s30+s31], $0x190, $0x38;
	[tilespmem:$0x19360] =	vst v63  }
0x1f: {  	_ =	swait.ge [sflag:s11], $0x190  }
0x20: {  	[sflag:s11] =	ssyncset.done $0x0  }
0x21: {  	[sflag:s11] =	ssyncadd.s32 $0xFFFFFE70  }
0x22: {  	[tilespmem:s14], [sflag:$0x2] =	stream.indirect.gather [hbm4b:s5+s12], $0x80, s12, s12, $0xb8;
	[tilespmem:$0x19360] =	vst v63  }
0x23: {  	_ =	swait.ge [sflag:s15], $0xC800  }
0x24: {  	[sflag:s15] =	ssyncset.done $0x0  }
0x25: {  	s23 =	simm.s32 $0x0;
	[sflag:s15] =	ssyncadd.s32 $0xFFFF3800  }
0x26: {  	v4 =	vld [tilespmem:s23+$0x320]  }
0x27: {  	v6 =	vld [tilespmem:s23+$0x330]  }
0x28: {  	s24 =	simm.s32 $0x200;
	v5 =	vld [tilespmem:s23+$0x340]  }
.LBB2_3:
0x29: {  	p0 =	sne.s32 s24, $0x31E00;
	v7 =	vld [tilespmem:s23+$0x350];
	_ =	sdelay $0x1  }
0x2a: {  	v4 =	vmul.f32 v4, v0  }
0x2b: {  	v6 =	vmul.f32 v6, v0  }
0x2c: {  	v4 =	vadd.f32 v4, v1;
	v5 =	vmul.f32 v5, v0  }
0x2d: {  	v6 =	vadd.f32 v6, v1;
	v7 =	vmul.f32 v7, v0  }
0x2e: {  	v4 =	vmax.f32 v4, $-1.280000000e+02;
	v5 =	vadd.f32 v5, v1  }
0x2f: {  	v4 =	vmin.f32 v4, $1.270000000e+02;
	v6 =	vmax.f32 v6, $-1.280000000e+02;
	v7 =	vadd.f32 v7, v1  }
0x30: {  	v4 =	vadd.f32 $1.258291200e+07, v4;
	v6 =	vmin.f32 v6, $1.270000000e+02;
	v5 =	vmax.f32 v5, $-1.280000000e+02  }
0x31: {  	v6 =	vadd.f32 $1.258291200e+07, v6;
	v5 =	vmin.f32 v5, $1.270000000e+02;
	v7 =	vmax.f32 v7, $-1.280000000e+02  }
0x32: {  	v4 =	vadd.f32 $-1.258291200e+07, v4;
	v5 =	vadd.f32 $1.258291200e+07, v5;
	v7 =	vmin.f32 v7, $1.270000000e+02  }
0x33: {  	v6 =	vadd.f32 $-1.258291200e+07, v6;
	v7 =	vadd.f32 $1.258291200e+07, v7  }
0x34: {  	v4 =	vmul.f32 v4, v2;
	v5 =	vadd.f32 $-1.258291200e+07, v5  }
0x35: {  	v6 =	vmul.f32 v6, v2;
	v7 =	vadd.f32 $-1.258291200e+07, v7  }
0x36: {  	v4 =	vsub.f32 v4, v3;
	v5 =	vmul.f32 v5, v2  }
.Ltmp0:
0x37: {  	v6 =	vsub.f32 v6, v3;
	v7 =	vmul.f32 v7, v2;
	(pc) =	sbr.rel @p0 .LBB2_3-.Ltmp0, $4  }
0x38: {  	s25 =	sshra.s32 s24, $0x2;
	[tilespmem:s23+$0x320] =	vst v4;
	v5 =	vsub.f32 v5, v3  }
0x39: {  	v4 =	vld [tilespmem:s25+$0x320];
	[tilespmem:s23+$0x330] =	vst v6;
	v7 =	vsub.f32 v7, v3  }
0x3a: {  	v6 =	vld [tilespmem:s25+$0x330];
	[tilespmem:s23+$0x340] =	vst v5  }
0x3b: {  	s24 =	sadd.s32 $0x200, s24;
	v5 =	vld [tilespmem:s25+$0x340];
	[tilespmem:s23+$0x350] =	vst v7;
	s23 =	smov.u32 s25  }
0x3c: {  	v7 =	vld [tilespmem:s23+$0x350];
	_ =	sdelay $0x1  }
0x3d: {  	v4 =	vmul.f32 v4, v0  }
0x3e: {  	v6 =	vmul.f32 v6, v0  }
0x3f: {  	v4 =	vadd.f32 v4, v1;
	v5 =	vmul.f32 v5, v0  }
0x40: {  	v6 =	vadd.f32 v6, v1;
	v7 =	vmul.f32 v7, v0  }
0x41: {  	v4 =	vmax.f32 v4, $-1.280000000e+02;
	v5 =	vadd.f32 v5, v1  }
0x42: {  	v4 =	vmin.f32 v4, $1.270000000e+02;
	v6 =	vmax.f32 v6, $-1.280000000e+02;
	v7 =	vadd.f32 v7, v1  }
0x43: {  	v4 =	vadd.f32 $1.258291200e+07, v4;
	v6 =	vmin.f32 v6, $1.270000000e+02;
	v5 =	vmax.f32 v5, $-1.280000000e+02  }
0x44: {  	v6 =	vadd.f32 $1.258291200e+07, v6;
	v5 =	vmin.f32 v5, $1.270000000e+02;
	v7 =	vmax.f32 v7, $-1.280000000e+02  }
0x45: {  	v4 =	vadd.f32 $-1.258291200e+07, v4;
	v5 =	vadd.f32 $1.258291200e+07, v5;
	v7 =	vmin.f32 v7, $1.270000000e+02  }
0x46: {  	v6 =	vadd.f32 $-1.258291200e+07, v6;
	v7 =	vadd.f32 $1.258291200e+07, v7  }
0x47: {  	v4 =	vmul.f32 v4, v2;
	v5 =	vadd.f32 $-1.258291200e+07, v5  }
0x48: {  	v6 =	vmul.f32 v6, v2;
	v7 =	vadd.f32 $-1.258291200e+07, v7  }
0x49: {  	v4 =	vsub.f32 v4, v3;
	v5 =	vmul.f32 v5, v2  }
0x4a: {  	v6 =	vsub.f32 v6, v3;
	v7 =	vmul.f32 v7, v2  }
0x4b: {  	[tilespmem:s23+$0x320] =	vst v4;
	v4 =	vsub.f32 v5, v3  }
0x4c: {  	s24 =	sshll.u32 s22, $0x3;
	[tilespmem:s23+$0x330] =	vst v6;
	v5 =	vsub.f32 v7, v3  }
0x4d: {  	s25 =	simm.s32 $0x320;
	s24 =	sadd.s32 s7, s24;
	[tilespmem:s23+$0x340] =	vst v4  }
0x4e: {  	s26 =	simm.s32 $0x3A0;
	s28 =	sadd.s32 $0x0, s24;
	[tilespmem:s23+$0x350] =	vst v5;
	s23 =	simm.s32 $0x8  }
.LBB2_5:
0x4f: {  	[hbm4b:s28+s2] =	stream.linear.scatter [tilespmem:s25], [sflag:$0x3], $0x40, $0x38;
	[tilespmem:$0x19360] =	vst v63  }
0x50: {  	s28 =	smov.u32 s23;
	s25 =	smov.u32 s26;
	p0 =	sne.s32 s23, $0xC78  }
.Ltmp1:
0x51: {  	s23 =	sadd.s32 $0x8, s23;
	(pc) =	sbr.rel @p0 .LBB2_5-.Ltmp1, $2  }
0x52: {  	_ =	sdelay $0x2  }
0x53: {  	s26 =	sadd.s32 $0x80, s26;
	s28 =	sadd.s32 s28, s24  }
0x54: {  	[hbm4b:s28+s2] =	stream.linear.scatter [tilespmem:s25], [sflag:$0x3], $0x40, $0x38;
	[tilespmem:$0x19360] =	vst v63  }
0x55: {  	p0 =	seq.s32 s20, $0x7  }
0x56: {  	s23 =	simm.s32 @!p0 $0x3  }
0x57: {  	s22 =	sshrl.u32 @!p0 s22, $0x3;
	_ =	swait.ge @!p0 [sflag:s23], $0x6400  }
0x58: {  	s22 =	sadd.s32 @!p0 s3, s22;
	[sflag:s23] =	ssyncset.done @!p0 $0x0  }
0x59: {  	s22 =	sadd.s32 @!p0 $0x64, s22;
	[sflag:s23] =	ssyncadd.s32 @!p0 $0xFFFF9C00;
	s23 =	simm.s32 @!p0 $0x0  }
0x5a: {  	[tilespmem:s23], [sflag:$0x5] =	stream.linear.gather @!p0 [hbm4b:s22+s23], $0x190, $0x38;
	[tilespmem:$0x19360] =	vst v63  }
0x5b: {  	s22 =	simm.s32 @!p0 $0x5  }
0x5c: {  	_ =	swait.ge @!p0 [sflag:s22], $0x190  }
0x5d: {  	[sflag:s22] =	ssyncset.done @!p0 $0x0  }
0x5e: {  	s24 =	simm.s32 @!p0 $0x320;
	[sflag:s22] =	ssyncadd.s32 @!p0 $0xFFFFFE70;
	s22 =	simm.s32 @!p0 $0x190  }
0x5f: {  	[tilespmem:s24], [sflag:$0x1] =	stream.indirect.gather @!p0 [hbm4b:s5+s22], $0x80, s23, s22, $0xb8;
	[tilespmem:$0x19360] =	vst v63  }
0x60: {  	_ =	swait.ge [sflag:s16], $0xC800  }
0x61: {  	[sflag:s16] =	ssyncset.done $0x0  }
0x62: {  	s22 =	simm.s32 $0x0;
	[sflag:s16] =	ssyncadd.s32 $0xFFFF3800  }
0x63: {  	v4 =	vld [tilespmem:s22+$0xCB20]  }
0x64: {  	v6 =	vld [tilespmem:s22+$0xCB30]  }
0x65: {  	s23 =	simm.s32 $0x200;
	v5 =	vld [tilespmem:s22+$0xCB40]  }
.LBB2_7:
0x66: {  	p0 =	sne.s32 s23, $0x31E00;
	v7 =	vld [tilespmem:s22+$0xCB50];
	_ =	sdelay $0x1  }
0x67: {  	v4 =	vmul.f32 v4, v0  }
0x68: {  	v6 =	vmul.f32 v6, v0  }
0x69: {  	v4 =	vadd.f32 v4, v1;
	v5 =	vmul.f32 v5, v0  }
0x6a: {  	v6 =	vadd.f32 v6, v1;
	v7 =	vmul.f32 v7, v0  }
0x6b: {  	v4 =	vmax.f32 v4, $-1.280000000e+02;
	v5 =	vadd.f32 v5, v1  }
0x6c: {  	v4 =	vmin.f32 v4, $1.270000000e+02;
	v6 =	vmax.f32 v6, $-1.280000000e+02;
	v7 =	vadd.f32 v7, v1  }
0x6d: {  	v4 =	vadd.f32 $1.258291200e+07, v4;
	v6 =	vmin.f32 v6, $1.270000000e+02;
	v5 =	vmax.f32 v5, $-1.280000000e+02  }
0x6e: {  	v6 =	vadd.f32 $1.258291200e+07, v6;
	v5 =	vmin.f32 v5, $1.270000000e+02;
	v7 =	vmax.f32 v7, $-1.280000000e+02  }
0x6f: {  	v4 =	vadd.f32 $-1.258291200e+07, v4;
	v5 =	vadd.f32 $1.258291200e+07, v5;
	v7 =	vmin.f32 v7, $1.270000000e+02  }
0x70: {  	v6 =	vadd.f32 $-1.258291200e+07, v6;
	v7 =	vadd.f32 $1.258291200e+07, v7  }
0x71: {  	v4 =	vmul.f32 v4, v2;
	v5 =	vadd.f32 $-1.258291200e+07, v5  }
0x72: {  	v6 =	vmul.f32 v6, v2;
	v7 =	vadd.f32 $-1.258291200e+07, v7  }
0x73: {  	v4 =	vsub.f32 v4, v3;
	v5 =	vmul.f32 v5, v2  }
.Ltmp2:
0x74: {  	v6 =	vsub.f32 v6, v3;
	v7 =	vmul.f32 v7, v2;
	(pc) =	sbr.rel @p0 .LBB2_7-.Ltmp2, $4  }
0x75: {  	s24 =	sshra.s32 s23, $0x2;
	[tilespmem:s22+$0xCB20] =	vst v4;
	v5 =	vsub.f32 v5, v3  }
0x76: {  	v4 =	vld [tilespmem:s24+$0xCB20];
	[tilespmem:s22+$0xCB30] =	vst v6;
	v7 =	vsub.f32 v7, v3  }
0x77: {  	v6 =	vld [tilespmem:s24+$0xCB30];
	[tilespmem:s22+$0xCB40] =	vst v5  }
0x78: {  	s23 =	sadd.s32 $0x200, s23;
	v5 =	vld [tilespmem:s24+$0xCB40];
	[tilespmem:s22+$0xCB50] =	vst v7;
	s22 =	smov.u32 s24  }
0x79: {  	v7 =	vld [tilespmem:s22+$0xCB50];
	_ =	sdelay $0x1  }
0x7a: {  	v4 =	vmul.f32 v4, v0  }
0x7b: {  	v6 =	vmul.f32 v6, v0  }
0x7c: {  	v4 =	vadd.f32 v4, v1;
	v5 =	vmul.f32 v5, v0  }
0x7d: {  	v6 =	vadd.f32 v6, v1;
	v7 =	vmul.f32 v7, v0  }
0x7e: {  	v4 =	vmax.f32 v4, $-1.280000000e+02;
	v5 =	vadd.f32 v5, v1  }
0x7f: {  	v4 =	vmin.f32 v4, $1.270000000e+02;
	v6 =	vmax.f32 v6, $-1.280000000e+02;
	v7 =	vadd.f32 v7, v1  }
0x80: {  	v4 =	vadd.f32 $1.258291200e+07, v4;
	v6 =	vmin.f32 v6, $1.270000000e+02;
	v5 =	vmax.f32 v5, $-1.280000000e+02  }
0x81: {  	v6 =	vadd.f32 $1.258291200e+07, v6;
	v5 =	vmin.f32 v5, $1.270000000e+02;
	v7 =	vmax.f32 v7, $-1.280000000e+02  }
0x82: {  	v4 =	vadd.f32 $-1.258291200e+07, v4;
	v5 =	vadd.f32 $1.258291200e+07, v5;
	v7 =	vmin.f32 v7, $1.270000000e+02  }
0x83: {  	v6 =	vadd.f32 $-1.258291200e+07, v6;
	v7 =	vadd.f32 $1.258291200e+07, v7  }
0x84: {  	v4 =	vmul.f32 v4, v2;
	v5 =	vadd.f32 $-1.258291200e+07, v5  }
0x85: {  	v6 =	vmul.f32 v6, v2;
	v7 =	vadd.f32 $-1.258291200e+07, v7  }
0x86: {  	v4 =	vsub.f32 v4, v3;
	v5 =	vmul.f32 v5, v2  }
0x87: {  	v6 =	vsub.f32 v6, v3;
	v7 =	vmul.f32 v7, v2  }
0x88: {  	s21 =	sshll.u32 s21, $0x3;
	[tilespmem:s22+$0xCB20] =	vst v4;
	v4 =	vsub.f32 v5, v3  }
0x89: {  	s21 =	sand.u32 $0x1FFFFF80, s21;
	[tilespmem:s22+$0xCB30] =	vst v6;
	v5 =	vsub.f32 v7, v3  }
0x8a: {  	s23 =	simm.s32 $0xCB20;
	s21 =	sadd.s32 s7, s21;
	[tilespmem:s22+$0xCB40] =	vst v4  }
0x8b: {  	s24 =	simm.s32 $0xCBA0;
	s25 =	sadd.s32 $0x0, s21;
	[tilespmem:s22+$0xCB50] =	vst v5;
	s22 =	simm.s32 $0x8  }
.LBB2_9:
0x8c: {  	[hbm4b:s25+s2] =	stream.linear.scatter [tilespmem:s23], [sflag:$0x4], $0x40, $0x38;
	[tilespmem:$0x19360] =	vst v63  }
0x8d: {  	s25 =	smov.u32 s22;
	s23 =	smov.u32 s24;
	p0 =	sne.s32 s22, $0xC78  }
.Ltmp3:
0x8e: {  	s22 =	sadd.s32 $0x8, s22;
	(pc) =	sbr.rel @p0 .LBB2_9-.Ltmp3, $2  }
0x8f: {  	_ =	sdelay $0x2  }
0x90: {  	s24 =	sadd.s32 $0x80, s24;
	s25 =	sadd.s32 s25, s21  }
0x91: {  	s20 =	sadd.s32 $0x1, s20  }
0x92: {  	p0 =	sne.s32 s20, $0x8  }
.Ltmp4:
0x93: {  	_ = 	snop;
	(pc) =	sbr.rel @p0 .LBB2_2-.Ltmp4, $2  }
0x94: {  	_ =	sdelay $0x2  }
0x95: {  	[hbm4b:s25+s2] =	stream.linear.scatter [tilespmem:s23], [sflag:$0x4], $0x40, $0x38;
	[tilespmem:$0x19360] =	vst v63  }
0x96: {  	s19 =	sadd.s32 $0x1, s19  }
0x97: {  	_ =	swait.ge [sflag:s17], $0x6400;
	p0 =	sne.s32 s19, s9  }
.Ltmp5:
0x98: {  	[sflag:s17] =	ssyncset.done $0x0;
	(pc) =	sbr.rel @p0 .LBB2_1-.Ltmp5, $4  }
0x99: {  	[sflag:s17] =	ssyncadd.s32 $0xFFFF9C00  }
0x9a: {  	_ =	swait.ge [sflag:s18], $0x6400  }
0x9b: {  	[sflag:s18] =	ssyncset.done $0x0  }
0x9c: {  	[sflag:s18] =	ssyncadd.s32 $0xFFFF9C00  }
0x9d: {  	_ =	sfence.sel $0x180000  }
0x9e: {  	[bflag:$0x0] =	sbarrier.arrive $0xFFFF  }
0x9f: {  	p0 =	sne.s32 s1, $0x0;
	_ =	strace $0x90000050  }
0xa0: {  	s0 =	sadd.s32 @!p0 $0x100000, s0;
	[bflag:$0x2] =	sbarrier.arrive $0xFFFF  }
0xa1: {  	[sflag:s0] =	ssyncadd.tile.s32 @!p0 $0x1;
	_ =	shalt  }
.Lfunc_end2:
_tile_overlayer_lowered:
.L_overlay_start_2:
0xa2: {  	(tag) =	ssettag $0x2  }
0xa3: {  	s0 =	rddreg [dreg:$0x0];
	s2 =	stileid.u32  }
0xa4: {  	s1 =	rddreg [dreg:$0x1];
	p0 =	sne.s32 s2, $0x0  }
0xa5: {  	s3 =	rddreg [dreg:$0x2];
	[bflag:$0x3] =	sbarrier.arrive $0xFFFF;
	s2 =	simm.s32 @!p0 $0x1C05  }
0xa6: {  	[timem:s3], [sflag:s2] =	dma.local @!p0 [hbm:s0], s1  }
0xa7: {  	s0 =	simm.s32 @!p0 $0x5  }
0xa8: {  	_ =	swait.ge @!p0 [sflag:s0], s1  }
0xa9: {  	s1 =	ssub.s32 @!p0 $0x0, s1;
	[sflag:s0] =	ssyncset.done @!p0 $0x0  }
0xaa: {  	[sflag:s0] =	ssyncadd.s32 @!p0 s1  }
0xab: {  	[bflag:$0x3] =	sbarrier.arrive $0xFFFF  }
0xac: {  	_ =	shalt  }

// kernel: kernel.7.cloned.1.call-start
scs
__scs_entry_jumppad:
0x0: {  	(pc) =	sbr.rel $0x88, $3  }
0x1: {  	(tag) =	ssettag $0x0;
	lr =	simm.s32 $0x1  }
0x2: {  	[smem:$0x3F9F] =	sst lr;
	_ =	strace $0xD0000000  }
0x3: {  	_ = 	snop  }
0x4: {  	_ = 	snop  }
0x5: {  	_ = 	snop  }
0x6: {  	_ = 	snop  }
0x7: {  	_ = 	snop  }
__scs_overlays_trampoline_lowered:
0x8: {  	[smem:$0x3FAE] =	sst s0  }
0x9: {  	[smem:$0x3FAF] =	sst s1  }
0xa: {  	[smem:$0x3FB0] =	sst s2  }
0xb: {  	[smem:$0x3FB1] =	sst s3  }
0xc: {  	[smem:$0x3FB2] =	sst s4  }
0xd: {  	[smem:$0x3FB3] =	sst s5  }
0xe: {  	[smem:$0x3FB4] =	sst s6  }
0xf: {  	[smem:$0x3FB5] =	sst s7  }
0x10: {  	[smem:$0x3FB6] =	sst s8  }
0x11: {  	[smem:$0x3FB7] =	sst s9;
	s0 =	simm.s32 @!p0 $0x0  }
0x12: {  	s1 =	sld [smem:$0x3F9D];
	s0 =	simm.s32 @p0 $0x1  }
0x13: {  	[smem:$0x3FB8] =	sst s0;
	s0 =	simm.s32 @!p1 $0x0  }
0x14: {  	s2 =	sld [smem:$0x3F9C];
	s0 =	simm.s32 @p1 $0x1  }
0x15: {  	[smem:$0x3FB9] =	sst s0;
	s0 =	simm.s32 @!p2 $0x0  }
0x16: {  	s3 =	sld [smem:$0x3FDB];
	s0 =	simm.s32 @p2 $0x1  }
0x17: {  	s4 =	simm.s32 $0x1BF5;
	[smem:$0x3FBB] =	sst s0  }
0x18: {  	s0 =	sld [smem:$0x3F9E];
	_ =	swait.ge [sflag:s4], $0x0  }
0x19: {  	s7 =	sld [smem:$0x3F9F]  }
0x1a: {  	s8 =	sadd.s32 $0xFFFFE003, lr  }
0x1b: {  	s9 =	sadd.s32 $0xFFFFFEF7, lr;
	s5 =	simm.s32 $0xFFFFFFFF;
	p2 =	slt.u32 s8, $0xFFFFF086  }
0x1c: {  	p1 =	slt.u32 s9, $0xF7A;
	s5 =	simm.s32 @!p2 $0x0  }
0x1d: {  	s5 =	simm.s32 @p1 $0x1;
	p0 =	seq.s32 s7, s2  }
0x1e: {  	s7 =	smul.u32 @!p0 $0xF7A, s2;
	p2 =	seq.s32 @!p0 s5, $0x0  }
0x1f: {  	s9 =	smul.u32 $0xF7A, s1;
	s8 =	simm.s32 @!p0 $0x1BF5;
	p2 =	por !p2, p0  }
0x20: {  	[sflag:s8] =	ssyncset.s32 @!p0 $0xFFFFF086;
	s6 =	sadd.s32 @!p0 s3, s7;
	s7 =	simm.s32 @!p0 $0x108  }
0x21: {  	s3 =	sadd.s32 s3, s9;
	s6 =	sadd.s32 @!p0 $0x88, s6;
	s7 =	simm.s32 @p2 $0x1082  }
0x22: {  	[simem:s7], [sflag:s8] =	dma.local @!p0 [hbm:s6], $0xF7A  }
0x23: {  	s9 =	sor.u32 $0xD0000000, s2;
	s6 =	simm.s32 $0x108;
	_ =	swait.ge @!p0 [sflag:s8], $0x0  }
0x24: {  	s3 =	sadd.s32 $0x88, s3;
	s6 =	simm.s32 @!p1 $0x1082;
	[sflag:s4] =	ssyncset.s32 $0xFFFFF086  }
0x25: {  	[simem:s6], [sflag:s4] =	dma.local [hbm:s3], $0xF7A  }
0x26: {  	[smem:$0x3F9F] =	sst s1;
	(tag) =	ssettag s2;
	_ =	strace s9  }
0x27: {  	s1 =	sld [smem:$0x3FAF]  }
0x28: {  	s2 =	sld [smem:$0x3FB0]  }
0x29: {  	s4 =	sld [smem:$0x3FB2]  }
0x2a: {  	p0 =	seq.s32 s5, $0x0;
	s5 =	sld [smem:$0x3FB3]  }
0x2b: {  	s6 =	sld [smem:$0x3FB4]  }
0x2c: {  	s7 =	sld [smem:$0x3FB5]  }
0x2d: {  	s3 =	simm.s32 $0x108;
	s8 =	sld [smem:$0x3FB6]  }
0x2e: {  	s3 =	simm.s32 @!p0 $0x1082;
	s9 =	sld [smem:$0x3FB7]  }
0x2f: {  	lr =	sadd.s32 s0, s3;
	s0 =	sld [smem:$0x3FAE]  }
0x30: {  	s3 =	sld [smem:$0x3FB1]  }
0x31: {  	[smem:$0x3FBA] =	sst s10  }
0x32: {  	s10 =	sld [smem:$0x3FB8];
	_ =	sdelay $0x3  }
0x33: {  	p0 =	seq.s32 s10, $0x1;
	s10 =	sld [smem:$0x3FBA];
	_ =	sdelay $0x3  }
0x34: {  	[smem:$0x3FBA] =	sst s10  }
0x35: {  	s10 =	sld [smem:$0x3FB9];
	_ =	sdelay $0x3  }
0x36: {  	p1 =	seq.s32 s10, $0x1;
	s10 =	sld [smem:$0x3FBA];
	_ =	sdelay $0x3  }
0x37: {  	[smem:$0x3FBA] =	sst s10  }
0x38: {  	s10 =	sld [smem:$0x3FBB]  }
0x39: {  	_ = 	snop;
	(pc) =	sbr.ind lr, $3  }
0x3a: {  	_ = 	snop  }
0x3b: {  	_ = 	snop  }
0x3c: {  	p2 =	seq.s32 s10, $0x1;
	s10 =	sld [smem:$0x3FBA]  }
0x3d: {  	_ =	shalt  }
0x3e: {  	_ =	shalt  }
0x3f: {  	_ =	shalt  }
0x40: {  	_ =	shalt  }
0x41: {  	_ =	shalt  }
0x42: {  	_ =	shalt  }
0x43: {  	_ =	shalt  }
0x44: {  	_ =	shalt  }
0x45: {  	_ =	shalt  }
0x46: {  	_ =	shalt  }
0x47: {  	_ =	shalt  }
0x48: {  	_ =	shalt  }
0x49: {  	_ =	shalt  }
0x4a: {  	_ =	shalt  }
0x4b: {  	_ =	shalt  }
0x4c: {  	_ =	shalt  }
0x4d: {  	_ =	shalt  }
0x4e: {  	_ =	shalt  }
0x4f: {  	_ =	shalt  }
0x50: {  	_ =	shalt  }
0x51: {  	_ =	shalt  }
0x52: {  	_ =	shalt  }
0x53: {  	_ =	shalt  }
0x54: {  	_ =	shalt  }
0x55: {  	_ =	shalt  }
0x56: {  	_ =	shalt  }
0x57: {  	_ =	shalt  }
0x58: {  	_ =	shalt  }
0x59: {  	_ =	shalt  }
0x5a: {  	_ =	shalt  }
0x5b: {  	_ =	shalt  }
0x5c: {  	_ =	shalt  }
0x5d: {  	_ =	shalt  }
0x5e: {  	_ =	shalt  }
0x5f: {  	_ =	shalt  }
0x60: {  	_ =	shalt  }
0x61: {  	_ =	shalt  }
0x62: {  	_ =	shalt  }
0x63: {  	_ =	shalt  }
0x64: {  	_ =	shalt  }
0x65: {  	_ =	shalt  }
0x66: {  	_ =	shalt  }
0x67: {  	_ =	shalt  }
0x68: {  	_ =	shalt  }
0x69: {  	_ =	shalt  }
0x6a: {  	_ =	shalt  }
0x6b: {  	_ =	shalt  }
0x6c: {  	_ =	shalt  }
0x6d: {  	_ =	shalt  }
0x6e: {  	_ =	shalt  }
0x6f: {  	_ =	shalt  }
0x70: {  	_ =	shalt  }
0x71: {  	_ =	shalt  }
0x72: {  	_ =	shalt  }
0x73: {  	_ =	shalt  }
0x74: {  	_ =	shalt  }
0x75: {  	_ =	shalt  }
0x76: {  	_ =	shalt  }
0x77: {  	_ =	shalt  }
0x78: {  	_ =	shalt  }
0x79: {  	_ =	shalt  }
0x7a: {  	_ =	shalt  }
0x7b: {  	_ =	shalt  }
0x7c: {  	_ =	shalt  }
0x7d: {  	_ =	shalt  }
0x7e: {  	_ =	shalt  }
0x7f: {  	_ =	shalt  }
0x80: {  	_ =	shalt  }
0x81: {  	_ =	shalt  }
0x82: {  	_ =	shalt  }
0x83: {  	_ =	shalt  }
0x84: {  	_ =	shalt  }
0x85: {  	_ =	shalt  }
0x86: {  	_ =	shalt  }
0x87: {  	_ =	shalt  }
.Lfunc_end0:
.L_simem_size_0:
called_computation.4_lowered:
.L_overlay_start_0:
0x88: {  	s2 =	sld [smem:$0x3FD9]  }
0x89: {  	s3 =	sld [smem:$0x3FFE];
	_ =	sdelay $0x1  }
0x8a: {  	s1 =	srdreg.scid  }
0x8b: {  	s0 =	sand.u32 $0x1, s1  }
0x8c: {  	s16 =	sshll.u32 s0, $0xA;
	s2 =	sadd.s32 s3, s2  }
0x8d: {  	s2 =	sadd.s32 s2, s16  }
0x8e: {  	[smem:$0x3FC6] =	sst s2  }
0x8f: {  	_ = 	snop  }
0x90: {  	(tm) =	ssettm $0x1  }
0x91: {  	s17 =	sld [smem:$0x3FFB];
	_ =	sdelay $0x3  }
0x92: {  	_ =	strace s17  }
0x93: {  	s2 =	sld [smem:$0x3FFC];
	_ =	sdelay $0x3  }
0x94: {  	_ =	strace s2  }
0x95: {  	s2 =	sld [smem:$0x3FFD];
	_ =	sdelay $0x3  }
0x96: {  	_ =	strace s2  }
0x97: {  	_ =	strace $0x8FFFFFFF  }
0x98: {  	s18 =	sld [smem:$0x3FDB];
	_ =	sdelay $0x1  }
0x99: {  	s19 =	simm.s32 $_scs_section_size  }
0x9a: {  	s4 =	simm.s32 $_size__tile_overlayer_lowered;
	s5 =	simm.s32 $_tile_overlayer_lowered  }
0x9b: {  	s22 =	simm.s32 $0x1BFF;
	s21 =	sshll.u32 s5, $0x1;
	s2 =	sadd.s32 s19, s18  }
0x9c: {  	s6 =	simm.s32 $0x0;
	s20 =	sshll.u32 s4, $0x1;
	s4 =	sadd.s32 s21, s2  }
0x9d: {  	[timem:s6], [sflag:s22] =	dma.local [hbm:s4], s20  }
0x9e: {  	_ =	swait.ge [sflag:s22], s20  }
0x9f: {  	s3 =	ssub.s32 $0x0, s20;
	[sflag:s22] =	ssyncset.done $0x0  }
0xa0: {  	[sflag:s22] =	ssyncadd.s32 s3;
	_ =	sdelay $0x1  }
0xa1: {  	s23 =	simm.s32 $0x1B8B  }
0xa2: {  	_ =	swait.ge [sflag:s23], $0x1  }
0xa3: {  	[sflag:s23] =	ssyncset.done $0x0  }
0xa4: {  	s25 =	simm.s32 $0x1B8E;
	s24 =	sld [smem:$0x3FFE];
	[sflag:s23] =	ssyncadd.s32 $0xFFFFFFFF  }
0xa5: {  	s26 =	simm.s32 $execute0_lowered;
	[smem:$0x3FD2] =	sst s25  }
0xa6: {  	s4 =	sshll.u32 s26, $0x1;
	_ =	strace $0x80000046;
	[dreg:$0x1] =	wrdreg $0xFFFFFFFF  }
0xa7: {  	s28 =	simm.s32 $_size_execute0_lowered;
	s2 =	sadd.s32 s2, s4;
	[dreg:$0x0] =	wrdreg $0x0  }
0xa8: {  	s4 =	sshll.u32 s28, $0x1;
	[dreg:$0x2] =	wrdreg s2  }
0xa9: {  	[dreg:$0x3] =	wrdreg s4  }
0xaa: {  	[dreg:$0x4] =	wrdreg $0xC0  }
0xab: {  	_ =	task [dreg:s6], $0x5FFFF  }
0xac: {  	[dreg:$0x1] =	wrdreg $0xFFFFFFFF  }
0xad: {  	[dreg:$0x0] =	wrdreg $0x60  }
0xae: {  	[dreg:$0x2] =	wrdreg s24  }
0xaf: {  	[dreg:$0x3] =	wrdreg $0x9  }
0xb0: {  	_ =	task.clear_ibuf [dreg:s6], $0x4FFFF;
	_ =	strace $0x90000046  }
0xb1: {  	s29 =	simm.s32 $0x9;
	_ =	strace $0x80000048  }
0xb2: {  	_ =	swait.ge [sflag:s29], $0x1  }
0xb3: {  	[sflag:s29] =	ssyncadd.s32 $0xFFFFFFFF  }
0xb4: {  	_ =	strace $0x90000048  }
0xb5: {  	_ =	sfence  }
0xb6: {  	s30 =	sld [smem:$0x0];
	_ =	sdelay $0x2  }
0xb7: {  	s31 =	sshll.u32 s1, $0xD;
	s1 =	sshrl.u32 s1, $0x2  }
0xb8: {  	s3 =	sand.u32 $0x4000, s31;
	s1 =	sadd.s32 s1, s30  }
0xb9: {  	s0 =	sor.u32 s3, s0;
	s1 =	sshll.u32 s1, $0x11  }
0xba: {  	s0 =	sor.u32 s1, s0  }
0xbb: {  	s0 =	sadd.s32 $0x8F2B, s0  }
0xbc: {  	[sflag:s0] =	ssyncadd.remote.s32 $0x1  }
0xbd: {  	_ =	sfence.sel $0xFFFF  }
0xbe: {  	[dreg:$0x0] =	wrdreg $0xFFFFFFFF;
	(pc) =	sbr.abs _section_cstart, $3  }
0xbf: {  	[dreg:$0x1] =	wrdreg $0xFFFFFFFF  }
0xc0: {  	_ =	task.clear_ibuf [dreg:s6], $0x2FFFF;
	_ =	strace $0x9FFFFFFF  }
0xc1: {  	(tm) =	ssettm $0x7FFFFFFF  }
tec
execute0_lowered:
.L_overlay_start_1:
0x0: {  	(tag) =	ssettag $0x1  }
0x1: {  	s7 =	rddreg [dreg:$0x0]  }
0x2: {  	s0 =	rddreg [dreg:$0x1];
	s2 =	simm.s32 $0x0;
	s3 =	srdreg.scid  }
0x3: {  	s1 =	stileid.u32;
	s10 =	simm.s32 $0x19320;
	s11 =	simm.s32 $0x5  }
0x4: {  	s12 =	simm.s32 $0x190;
	s13 =	simm.s32 $0x320;
	s14 =	simm.s32 $0xCB20  }
0x5: {  	s15 =	simm.s32 $0x1;
	s16 =	simm.s32 $0x2;
	s17 =	simm.s32 $0x3  }
0x6: {  	s18 =	simm.s32 $0x4;
	s4 =	sand.u32 $0x1, s3;
	s30 =	sshll.u32 s1, $0x1  }
0x7: {  	s19 =	simm.s32 $0x0;
	[smem:$0x7FF] =	sst s2;
	s5 =	sor.u32 s4, s30  }
0x8: {  	s3 =	sadd.s32 $0x2800, s7;
	s8 =	ssub.s32 $0x2, s4;
	s4 =	smul.u32 $0x1900, s5  }
0x9: {  	s6 =	sadd.s32 $0x8C00, s7;
	_ =	strace $0x80000047;
	s9 =	sshrl.u32 s8, $0x1  }
0xa: {  	s5 =	sadd.s32 $0x8E00, s7;
	s9 =	ssub.s32 s8, s9;
	s31 =	sshrl.u32 s4, $0x3  }
0xb: {  	s7 =	sadd.s32 $0xF4B200, s7;
	s9 =	smax.u32 s9, $0x1;
	s8 =	sadd.s32 s3, s31  }
.LBB2_1:
0xc: {  	[tilespmem:s10], [sflag:$0x5] =	stream.linear.gather [hbm4b:s6+s2], $0x40, $0x38;
	[tilespmem:$0x19360] =	vst v63  }
0xd: {  	_ =	swait.ge [sflag:s11], $0x40  }
0xe: {  	[sflag:s11] =	ssyncset.done $0x0  }
0xf: {  	[sflag:s11] =	ssyncadd.s32 $0xFFFFFFC0  }
0x10: {  	v0 =	vld [tilespmem:$0x19320]  }
0x11: {  	v1 =	vld [tilespmem:$0x19330]  }
0x12: {  	v2 =	vld [tilespmem:$0x19340]  }
0x13: {  	v3 =	vld [tilespmem:$0x19350];
	[tilespmem:s2], [sflag:$0x5] =	stream.linear.gather [hbm4b:s8+s2], $0x190, $0x38  }
0x14: {  	_ =	swait.ge [sflag:s11], $0x190  }
0x15: {  	[sflag:s11] =	ssyncset.done $0x0  }
0x16: {  	s20 =	simm.s32 $0x0;
	[sflag:s11] =	ssyncadd.s32 $0xFFFFFE70  }
0x17: {  	[tilespmem:s13], [sflag:$0x1] =	stream.indirect.gather [hbm4b:s5+s12], $0x80, s2, s12, $0xb8;
	[tilespmem:$0x19360] =	vst v63  }
.LBB2_2:
0x18: {  	s21 =	smul.u32 $0x320, s20  }
0x19: {  	p0 =	seq.s32 s20, $0x0  }
0x1a: {  	s23 =	simm.s32 @!p0 $0x4;
	s22 =	sadd.s32 s4, s21  }
0x1b: {  	_ =	swait.ge @!p0 [sflag:s23], $0x6400;
	s21 =	sadd.s32 $0x190, s22  }
0x1c: {  	[sflag:s23] =	ssyncset.done @!p0 $0x0;
	s24 =	sshrl.u32 s21, $0x3  }
0x1d: {  	s31 =	simm.s32 $0x0;
	[sflag:s23] =	ssyncadd.s32 @!p0 $0xFFFF9C00;
	s30 =	sadd.s32 s3, s24  }
0x1e: {  	[tilespmem:s12], [sflag:$0x5] =	stream.linear.gather [hbm4b:s30+s31], $0x190, $0x38;
	[tilespmem:$0x19360] =	vst v63  }
0x1f: {  	_ =	swait.ge [sflag:s11], $0x190  }
0x20: {  	[sflag:s11] =	ssyncset.done $0x0  }
0x21: {  	[sflag:s11] =	ssyncadd.s32 $0xFFFFFE70  }
0x22: {  	[tilespmem:s14], [sflag:$0x2] =	stream.indirect.gather [hbm4b:s5+s12], $0x80, s12, s12, $0xb8;
	[tilespmem:$0x19360] =	vst v63  }
0x23: {  	_ =	swait.ge [sflag:s15], $0xC800  }
0x24: {  	[sflag:s15] =	ssyncset.done $0x0  }
0x25: {  	s23 =	simm.s32 $0x0;
	[sflag:s15] =	ssyncadd.s32 $0xFFFF3800  }
0x26: {  	v4 =	vld [tilespmem:s23+$0x320]  }
0x27: {  	v6 =	vld [tilespmem:s23+$0x330]  }
0x28: {  	s24 =	simm.s32 $0x200;
	v5 =	vld [tilespmem:s23+$0x340]  }
.LBB2_3:
0x29: {  	p0 =	sne.s32 s24, $0x31E00;
	v7 =	vld [tilespmem:s23+$0x350];
	_ =	sdelay $0x1  }
0x2a: {  	v4 =	vmul.f32 v4, v0  }
0x2b: {  	v6 =	vmul.f32 v6, v0  }
0x2c: {  	v4 =	vadd.f32 v4, v1;
	v5 =	vmul.f32 v5, v0  }
0x2d: {  	v6 =	vadd.f32 v6, v1;
	v7 =	vmul.f32 v7, v0  }
0x2e: {  	v4 =	vmax.f32 v4, $-1.280000000e+02;
	v5 =	vadd.f32 v5, v1  }
0x2f: {  	v4 =	vmin.f32 v4, $1.270000000e+02;
	v6 =	vmax.f32 v6, $-1.280000000e+02;
	v7 =	vadd.f32 v7, v1  }
0x30: {  	v4 =	vadd.f32 $1.258291200e+07, v4;
	v6 =	vmin.f32 v6, $1.270000000e+02;
	v5 =	vmax.f32 v5, $-1.280000000e+02  }
0x31: {  	v6 =	vadd.f32 $1.258291200e+07, v6;
	v5 =	vmin.f32 v5, $1.270000000e+02;
	v7 =	vmax.f32 v7, $-1.280000000e+02  }
0x32: {  	v4 =	vadd.f32 $-1.258291200e+07, v4;
	v5 =	vadd.f32 $1.258291200e+07, v5;
	v7 =	vmin.f32 v7, $1.270000000e+02  }
0x33: {  	v6 =	vadd.f32 $-1.258291200e+07, v6;
	v7 =	vadd.f32 $1.258291200e+07, v7  }
0x34: {  	v4 =	vmul.f32 v4, v2;
	v5 =	vadd.f32 $-1.258291200e+07, v5  }
0x35: {  	v6 =	vmul.f32 v6, v2;
	v7 =	vadd.f32 $-1.258291200e+07, v7  }
0x36: {  	v4 =	vsub.f32 v4, v3;
	v5 =	vmul.f32 v5, v2  }
.Ltmp0:
0x37: {  	v6 =	vsub.f32 v6, v3;
	v7 =	vmul.f32 v7, v2;
	(pc) =	sbr.rel @p0 .LBB2_3-.Ltmp0, $4  }
0x38: {  	s25 =	sshra.s32 s24, $0x2;
	[tilespmem:s23+$0x320] =	vst v4;
	v5 =	vsub.f32 v5, v3  }
0x39: {  	v4 =	vld [tilespmem:s25+$0x320];
	[tilespmem:s23+$0x330] =	vst v6;
	v7 =	vsub.f32 v7, v3  }
0x3a: {  	v6 =	vld [tilespmem:s25+$0x330];
	[tilespmem:s23+$0x340] =	vst v5  }
0x3b: {  	s24 =	sadd.s32 $0x200, s24;
	v5 =	vld [tilespmem:s25+$0x340];
	[tilespmem:s23+$0x350] =	vst v7;
	s23 =	smov.u32 s25  }
0x3c: {  	v7 =	vld [tilespmem:s23+$0x350];
	_ =	sdelay $0x1  }
0x3d: {  	v4 =	vmul.f32 v4, v0  }
0x3e: {  	v6 =	vmul.f32 v6, v0  }
0x3f: {  	v4 =	vadd.f32 v4, v1;
	v5 =	vmul.f32 v5, v0  }
0x40: {  	v6 =	vadd.f32 v6, v1;
	v7 =	vmul.f32 v7, v0  }
0x41: {  	v4 =	vmax.f32 v4, $-1.280000000e+02;
	v5 =	vadd.f32 v5, v1  }
0x42: {  	v4 =	vmin.f32 v4, $1.270000000e+02;
	v6 =	vmax.f32 v6, $-1.280000000e+02;
	v7 =	vadd.f32 v7, v1  }
0x43: {  	v4 =	vadd.f32 $1.258291200e+07, v4;
	v6 =	vmin.f32 v6, $1.270000000e+02;
	v5 =	vmax.f32 v5, $-1.280000000e+02  }
0x44: {  	v6 =	vadd.f32 $1.258291200e+07, v6;
	v5 =	vmin.f32 v5, $1.270000000e+02;
	v7 =	vmax.f32 v7, $-1.280000000e+02  }
0x45: {  	v4 =	vadd.f32 $-1.258291200e+07, v4;
	v5 =	vadd.f32 $1.258291200e+07, v5;
	v7 =	vmin.f32 v7, $1.270000000e+02  }
0x46: {  	v6 =	vadd.f32 $-1.258291200e+07, v6;
	v7 =	vadd.f32 $1.258291200e+07, v7  }
0x47: {  	v4 =	vmul.f32 v4, v2;
	v5 =	vadd.f32 $-1.258291200e+07, v5  }
0x48: {  	v6 =	vmul.f32 v6, v2;
	v7 =	vadd.f32 $-1.258291200e+07, v7  }
0x49: {  	v4 =	vsub.f32 v4, v3;
	v5 =	vmul.f32 v5, v2  }
0x4a: {  	v6 =	vsub.f32 v6, v3;
	v7 =	vmul.f32 v7, v2  }
0x4b: {  	[tilespmem:s23+$0x320] =	vst v4;
	v4 =	vsub.f32 v5, v3  }
0x4c: {  	s24 =	sshll.u32 s22, $0x3;
	[tilespmem:s23+$0x330] =	vst v6;
	v5 =	vsub.f32 v7, v3  }
0x4d: {  	s25 =	simm.s32 $0x320;
	s24 =	sadd.s32 s7, s24;
	[tilespmem:s23+$0x340] =	vst v4  }
0x4e: {  	s26 =	simm.s32 $0x3A0;
	s28 =	sadd.s32 $0x0, s24;
	[tilespmem:s23+$0x350] =	vst v5;
	s23 =	simm.s32 $0x8  }
.LBB2_5:
0x4f: {  	[hbm4b:s28+s2] =	stream.linear.scatter [tilespmem:s25], [sflag:$0x3], $0x40, $0x38;
	[tilespmem:$0x19360] =	vst v63  }
0x50: {  	s28 =	smov.u32 s23;
	s25 =	smov.u32 s26;
	p0 =	sne.s32 s23, $0xC78  }
.Ltmp1:
0x51: {  	s23 =	sadd.s32 $0x8, s23;
	(pc) =	sbr.rel @p0 .LBB2_5-.Ltmp1, $2  }
0x52: {  	_ =	sdelay $0x2  }
0x53: {  	s26 =	sadd.s32 $0x80, s26;
	s28 =	sadd.s32 s28, s24  }
0x54: {  	[hbm4b:s28+s2] =	stream.linear.scatter [tilespmem:s25], [sflag:$0x3], $0x40, $0x38;
	[tilespmem:$0x19360] =	vst v63  }
0x55: {  	p0 =	seq.s32 s20, $0x7  }
0x56: {  	s23 =	simm.s32 @!p0 $0x3  }
0x57: {  	s22 =	sshrl.u32 @!p0 s22, $0x3;
	_ =	swait.ge @!p0 [sflag:s23], $0x6400  }
0x58: {  	s22 =	sadd.s32 @!p0 s3, s22;
	[sflag:s23] =	ssyncset.done @!p0 $0x0  }
0x59: {  	s22 =	sadd.s32 @!p0 $0x64, s22;
	[sflag:s23] =	ssyncadd.s32 @!p0 $0xFFFF9C00;
	s23 =	simm.s32 @!p0 $0x0  }
0x5a: {  	[tilespmem:s23], [sflag:$0x5] =	stream.linear.gather @!p0 [hbm4b:s22+s23], $0x190, $0x38;
	[tilespmem:$0x19360] =	vst v63  }
0x5b: {  	s22 =	simm.s32 @!p0 $0x5  }
0x5c: {  	_ =	swait.ge @!p0 [sflag:s22], $0x190  }
0x5d: {  	[sflag:s22] =	ssyncset.done @!p0 $0x0  }
0x5e: {  	s24 =	simm.s32 @!p0 $0x320;
	[sflag:s22] =	ssyncadd.s32 @!p0 $0xFFFFFE70;
	s22 =	simm.s32 @!p0 $0x190  }
0x5f: {  	[tilespmem:s24], [sflag:$0x1] =	stream.indirect.gather @!p0 [hbm4b:s5+s22], $0x80, s23, s22, $0xb8;
	[tilespmem:$0x19360] =	vst v63  }
0x60: {  	_ =	swait.ge [sflag:s16], $0xC800  }
0x61: {  	[sflag:s16] =	ssyncset.done $0x0  }
0x62: {  	s22 =	simm.s32 $0x0;
	[sflag:s16] =	ssyncadd.s32 $0xFFFF3800  }
0x63: {  	v4 =	vld [tilespmem:s22+$0xCB20]  }
0x64: {  	v6 =	vld [tilespmem:s22+$0xCB30]  }
0x65: {  	s23 =	simm.s32 $0x200;
	v5 =	vld [tilespmem:s22+$0xCB40]  }
.LBB2_7:
0x66: {  	p0 =	sne.s32 s23, $0x31E00;
	v7 =	vld [tilespmem:s22+$0xCB50];
	_ =	sdelay $0x1  }
0x67: {  	v4 =	vmul.f32 v4, v0  }
0x68: {  	v6 =	vmul.f32 v6, v0  }
0x69: {  	v4 =	vadd.f32 v4, v1;
	v5 =	vmul.f32 v5, v0  }
0x6a: {  	v6 =	vadd.f32 v6, v1;
	v7 =	vmul.f32 v7, v0  }
0x6b: {  	v4 =	vmax.f32 v4, $-1.280000000e+02;
	v5 =	vadd.f32 v5, v1  }
0x6c: {  	v4 =	vmin.f32 v4, $1.270000000e+02;
	v6 =	vmax.f32 v6, $-1.280000000e+02;
	v7 =	vadd.f32 v7, v1  }
0x6d: {  	v4 =	vadd.f32 $1.258291200e+07, v4;
	v6 =	vmin.f32 v6, $1.270000000e+02;
	v5 =	vmax.f32 v5, $-1.280000000e+02  }
0x6e: {  	v6 =	vadd.f32 $1.258291200e+07, v6;
	v5 =	vmin.f32 v5, $1.270000000e+02;
	v7 =	vmax.f32 v7, $-1.280000000e+02  }
0x6f: {  	v4 =	vadd.f32 $-1.258291200e+07, v4;
	v5 =	vadd.f32 $1.258291200e+07, v5;
	v7 =	vmin.f32 v7, $1.270000000e+02  }
0x70: {  	v6 =	vadd.f32 $-1.258291200e+07, v6;
	v7 =	vadd.f32 $1.258291200e+07, v7  }
0x71: {  	v4 =	vmul.f32 v4, v2;
	v5 =	vadd.f32 $-1.258291200e+07, v5  }
0x72: {  	v6 =	vmul.f32 v6, v2;
	v7 =	vadd.f32 $-1.258291200e+07, v7  }
0x73: {  	v4 =	vsub.f32 v4, v3;
	v5 =	vmul.f32 v5, v2  }
.Ltmp2:
0x74: {  	v6 =	vsub.f32 v6, v3;
	v7 =	vmul.f32 v7, v2;
	(pc) =	sbr.rel @p0 .LBB2_7-.Ltmp2, $4  }
0x75: {  	s24 =	sshra.s32 s23, $0x2;
	[tilespmem:s22+$0xCB20] =	vst v4;
	v5 =	vsub.f32 v5, v3  }
0x76: {  	v4 =	vld [tilespmem:s24+$0xCB20];
	[tilespmem:s22+$0xCB30] =	vst v6;
	v7 =	vsub.f32 v7, v3  }
0x77: {  	v6 =	vld [tilespmem:s24+$0xCB30];
	[tilespmem:s22+$0xCB40] =	vst v5  }
0x78: {  	s23 =	sadd.s32 $0x200, s23;
	v5 =	vld [tilespmem:s24+$0xCB40];
	[tilespmem:s22+$0xCB50] =	vst v7;
	s22 =	smov.u32 s24  }
0x79: {  	v7 =	vld [tilespmem:s22+$0xCB50];
	_ =	sdelay $0x1  }
0x7a: {  	v4 =	vmul.f32 v4, v0  }
0x7b: {  	v6 =	vmul.f32 v6, v0  }
0x7c: {  	v4 =	vadd.f32 v4, v1;
	v5 =	vmul.f32 v5, v0  }
0x7d: {  	v6 =	vadd.f32 v6, v1;
	v7 =	vmul.f32 v7, v0  }
0x7e: {  	v4 =	vmax.f32 v4, $-1.280000000e+02;
	v5 =	vadd.f32 v5, v1  }
0x7f: {  	v4 =	vmin.f32 v4, $1.270000000e+02;
	v6 =	vmax.f32 v6, $-1.280000000e+02;
	v7 =	vadd.f32 v7, v1  }
0x80: {  	v4 =	vadd.f32 $1.258291200e+07, v4;
	v6 =	vmin.f32 v6, $1.270000000e+02;
	v5 =	vmax.f32 v5, $-1.280000000e+02  }
0x81: {  	v6 =	vadd.f32 $1.258291200e+07, v6;
	v5 =	vmin.f32 v5, $1.270000000e+02;
	v7 =	vmax.f32 v7, $-1.280000000e+02  }
0x82: {  	v4 =	vadd.f32 $-1.258291200e+07, v4;
	v5 =	vadd.f32 $1.258291200e+07, v5;
	v7 =	vmin.f32 v7, $1.270000000e+02  }
0x83: {  	v6 =	vadd.f32 $-1.258291200e+07, v6;
	v7 =	vadd.f32 $1.258291200e+07, v7  }
0x84: {  	v4 =	vmul.f32 v4, v2;
	v5 =	vadd.f32 $-1.258291200e+07, v5  }
0x85: {  	v6 =	vmul.f32 v6, v2;
	v7 =	vadd.f32 $-1.258291200e+07, v7  }
0x86: {  	v4 =	vsub.f32 v4, v3;
	v5 =	vmul.f32 v5, v2  }
0x87: {  	v6 =	vsub.f32 v6, v3;
	v7 =	vmul.f32 v7, v2  }
0x88: {  	s21 =	sshll.u32 s21, $0x3;
	[tilespmem:s22+$0xCB20] =	vst v4;
	v4 =	vsub.f32 v5, v3  }
0x89: {  	s21 =	sand.u32 $0x1FFFFF80, s21;
	[tilespmem:s22+$0xCB30] =	vst v6;
	v5 =	vsub.f32 v7, v3  }
0x8a: {  	s23 =	simm.s32 $0xCB20;
	s21 =	sadd.s32 s7, s21;
	[tilespmem:s22+$0xCB40] =	vst v4  }
0x8b: {  	s24 =	simm.s32 $0xCBA0;
	s25 =	sadd.s32 $0x0, s21;
	[tilespmem:s22+$0xCB50] =	vst v5;
	s22 =	simm.s32 $0x8  }
.LBB2_9:
0x8c: {  	[hbm4b:s25+s2] =	stream.linear.scatter [tilespmem:s23], [sflag:$0x4], $0x40, $0x38;
	[tilespmem:$0x19360] =	vst v63  }
0x8d: {  	s25 =	smov.u32 s22;
	s23 =	smov.u32 s24;
	p0 =	sne.s32 s22, $0xC78  }
.Ltmp3:
0x8e: {  	s22 =	sadd.s32 $0x8, s22;
	(pc) =	sbr.rel @p0 .LBB2_9-.Ltmp3, $2  }
0x8f: {  	_ =	sdelay $0x2  }
0x90: {  	s24 =	sadd.s32 $0x80, s24;
	s25 =	sadd.s32 s25, s21  }
0x91: {  	s20 =	sadd.s32 $0x1, s20  }
0x92: {  	p0 =	sne.s32 s20, $0x8  }
.Ltmp4:
0x93: {  	_ = 	snop;
	(pc) =	sbr.rel @p0 .LBB2_2-.Ltmp4, $2  }
0x94: {  	_ =	sdelay $0x2  }
0x95: {  	[hbm4b:s25+s2] =	stream.linear.scatter [tilespmem:s23], [sflag:$0x4], $0x40, $0x38;
	[tilespmem:$0x19360] =	vst v63  }
0x96: {  	s19 =	sadd.s32 $0x1, s19  }
0x97: {  	_ =	swait.ge [sflag:s17], $0x6400;
	p0 =	sne.s32 s19, s9  }
.Ltmp5:
0x98: {  	[sflag:s17] =	ssyncset.done $0x0;
	(pc) =	sbr.rel @p0 .LBB2_1-.Ltmp5, $4  }
0x99: {  	[sflag:s17] =	ssyncadd.s32 $0xFFFF9C00  }
0x9a: {  	_ =	swait.ge [sflag:s18], $0x6400  }
0x9b: {  	[sflag:s18] =	ssyncset.done $0x0  }
0x9c: {  	[sflag:s18] =	ssyncadd.s32 $0xFFFF9C00  }
0x9d: {  	_ =	sfence.sel $0x180000  }
0x9e: {  	[bflag:$0x0] =	sbarrier.arrive $0xFFFF  }
0x9f: {  	p0 =	sne.s32 s1, $0x0;
	_ =	strace $0x90000047  }
0xa0: {  	s0 =	sadd.s32 @!p0 $0x100000, s0;
	[bflag:$0x2] =	sbarrier.arrive $0xFFFF  }
0xa1: {  	[sflag:s0] =	ssyncadd.tile.s32 @!p0 $0x1;
	_ =	shalt  }
.Lfunc_end2:
_tile_overlayer_lowered:
.L_overlay_start_2:
0xa2: {  	(tag) =	ssettag $0x2  }
0xa3: {  	s0 =	rddreg [dreg:$0x0];
	s2 =	stileid.u32  }
0xa4: {  	s1 =	rddreg [dreg:$0x1];
	p0 =	sne.s32 s2, $0x0  }
0xa5: {  	s3 =	rddreg [dreg:$0x2];
	[bflag:$0x3] =	sbarrier.arrive $0xFFFF;
	s2 =	simm.s32 @!p0 $0x1C05  }
0xa6: {  	[timem:s3], [sflag:s2] =	dma.local @!p0 [hbm:s0], s1  }
0xa7: {  	s0 =	simm.s32 @!p0 $0x5  }
0xa8: {  	_ =	swait.ge @!p0 [sflag:s0], s1  }
0xa9: {  	s1 =	ssub.s32 @!p0 $0x0, s1;
	[sflag:s0] =	ssyncset.done @!p0 $0x0  }
0xaa: {  	[sflag:s0] =	ssyncadd.s32 @!p0 s1  }
0xab: {  	[bflag:$0x3] =	sbarrier.arrive $0xFFFF  }
0xac: {  	_ =	shalt  }

// kernel: sparse-core-data-format-call.1.cloned.1.call-start
scs
called_computation.1_lowered:
.L_overlay_start_0:
0x0: {  	s2 =	sld [smem:$0x3FD9]  }
0x1: {  	s3 =	sld [smem:$0x3FFE];
	_ =	sdelay $0x1  }
0x2: {  	s1 =	srdreg.scid  }
0x3: {  	s0 =	sand.u32 $0x1, s1  }
0x4: {  	s18 =	sshll.u32 s0, $0xA;
	s2 =	sadd.s32 s3, s2  }
0x5: {  	s2 =	sadd.s32 s2, s18  }
0x6: {  	[smem:$0x3FC6] =	sst s2  }
0x7: {  	_ = 	snop  }
0x8: {  	(tm) =	ssettm $0x1  }
0x9: {  	s19 =	sld [smem:$0x3FFB];
	_ =	sdelay $0x3  }
0xa: {  	_ =	strace s19  }
0xb: {  	s2 =	sld [smem:$0x3FFC];
	_ =	sdelay $0x3  }
0xc: {  	_ =	strace s2  }
0xd: {  	s2 =	sld [smem:$0x3FFD];
	_ =	sdelay $0x3  }
0xe: {  	_ =	strace s2  }
0xf: {  	_ =	strace $0x8FFFFFFF  }
0x10: {  	s20 =	sld [smem:$0x3FDB];
	_ =	sdelay $0x1  }
0x11: {  	s21 =	simm.s32 $_scs_section_size  }
0x12: {  	s4 =	simm.s32 $_size__tile_overlayer_lowered;
	s5 =	simm.s32 $_tile_overlayer_lowered  }
0x13: {  	s6 =	simm.s32 $0x1BFF;
	s22 =	sshll.u32 s5, $0x1;
	s3 =	sadd.s32 s21, s20  }
0x14: {  	s23 =	simm.s32 $0x0;
	s4 =	sshll.u32 s4, $0x1;
	s5 =	sadd.s32 s22, s3  }
0x15: {  	[timem:s23], [sflag:s6] =	dma.local [hbm:s5], s4  }
0x16: {  	_ =	swait.ge [sflag:s6], s4  }
0x17: {  	s4 =	ssub.s32 $0x0, s4;
	[sflag:s6] =	ssyncset.done $0x0  }
0x18: {  	[sflag:s6] =	ssyncadd.s32 s4;
	_ =	sdelay $0x1  }
0x19: {  	s24 =	simm.s32 $0x1B8B  }
0x1a: {  	_ =	swait.ge [sflag:s24], $0x1  }
0x1b: {  	[sflag:s24] =	ssyncset.done $0x0  }
0x1c: {  	[sflag:s24] =	ssyncadd.s32 $0xFFFFFFFF  }
0x1d: {  	s4 =	sld [smem:$0x0]  }
0x1e: {  	s5 =	sand.u32 $0xFFFFFFFE, s1  }
0x1f: {  	p0 =	sne.s32 s1, s5  }
0x20: {  	s5 =	sshll.u32 @p0 s5, $0xE  }
0x21: {  	s5 =	sadd.s32 @p0 $0x11B8D, s5;
	s6 =	sshll.u32 @p0 s4, $0x11  }
0x22: {  	s5 =	sor.u32 @p0 s6, s5  }
0x23: {  	[sflag:s5] =	ssyncadd.remote.s32 @p0 $0x1;
	_ =	sdelay $0x1  }
0x24: {  	s5 =	simm.s32 @p0 $0x1B8D  }
0x25: {  	_ =	swait.eq @p0 [sflag:s5], $0x1  }
0x26: {  	[sflag:s5] =	ssyncadd.s32 @p0 $0xFFFFFFFF  }
0x27: {  	s6 =	sshll.u32 @!p0 s1, $0xE  }
0x28: {  	s6 =	sor.u32 @!p0 $0x4000, s6;
	s5 =	simm.s32 @!p0 $0x1B8D  }
0x29: {  	s4 =	sshll.u32 @!p0 s4, $0x11;
	s6 =	sadd.s32 @!p0 $0x11B8D, s6;
	_ =	swait.eq @!p0 [sflag:s5], $0x1  }
0x2a: {  	s4 =	sor.u32 @!p0 s4, s6;
	[sflag:s5] =	ssyncadd.s32 @!p0 $0xFFFFFFFF  }
0x2b: {  	s26 =	simm.s32 $0x1B8E;
	s25 =	sld [smem:$0x3FFE];
	[sflag:s4] =	ssyncadd.remote.s32 @!p0 $0x1  }
0x2c: {  	s27 =	simm.s32 $execute0_lowered;
	[smem:$0x3FD2] =	sst s26  }
0x2d: {  	s5 =	sshll.u32 s27, $0x1;
	_ =	strace $0x80000055;
	[dreg:$0x1] =	wrdreg $0xFFFFFFFF  }
0x2e: {  	s28 =	simm.s32 $_size_execute0_lowered;
	s3 =	sadd.s32 s3, s5;
	[dreg:$0x0] =	wrdreg $0x0  }
0x2f: {  	s5 =	sshll.u32 s28, $0x1;
	[dreg:$0x2] =	wrdreg s3  }
0x30: {  	[dreg:$0x3] =	wrdreg s5  }
0x31: {  	[dreg:$0x4] =	wrdreg $0xC0  }
0x32: {  	_ =	task [dreg:s23], $0x5FFFF  }
0x33: {  	[dreg:$0x1] =	wrdreg $0xFFFFFFFF  }
0x34: {  	[dreg:$0x0] =	wrdreg $0x60  }
0x35: {  	[dreg:$0x2] =	wrdreg s25  }
0x36: {  	[dreg:$0x3] =	wrdreg $0xB  }
0x37: {  	_ =	task.clear_ibuf [dreg:s23], $0x4FFFF;
	_ =	strace $0x90000055  }
0x38: {  	s29 =	simm.s32 $0xB;
	_ =	strace $0x80000057  }
0x39: {  	_ =	swait.ge [sflag:s29], $0x1  }
0x3a: {  	[sflag:s29] =	ssyncadd.s32 $0xFFFFFFFF  }
0x3b: {  	_ =	strace $0x90000057  }
0x3c: {  	_ =	sfence  }
0x3d: {  	s30 =	sld [smem:$0x0];
	_ =	sdelay $0x2  }
0x3e: {  	s31 =	sshll.u32 s1, $0xD;
	s1 =	sshrl.u32 s1, $0x2  }
0x3f: {  	s4 =	sand.u32 $0x4000, s31;
	s1 =	sadd.s32 s1, s30  }
0x40: {  	s0 =	sor.u32 s4, s0;
	s1 =	sshll.u32 s1, $0x11  }
0x41: {  	s0 =	sor.u32 s1, s0  }
0x42: {  	s0 =	sadd.s32 $0x8F2B, s0  }
0x43: {  	[sflag:s0] =	ssyncadd.remote.s32 $0x1  }
0x44: {  	_ =	sfence.sel $0xFFFF  }
0x45: {  	[dreg:$0x0] =	wrdreg $0xFFFFFFFF;
	(pc) =	sbr.abs _section_cstart, $3  }
0x46: {  	[dreg:$0x1] =	wrdreg $0xFFFFFFFF  }
0x47: {  	_ =	task.clear_ibuf [dreg:s23], $0x2FFFF;
	_ =	strace $0x9FFFFFFF  }
0x48: {  	(tm) =	ssettm $0x7FFFFFFF  }
0x49: {  	_ =	shalt  }
tec
execute0_lowered:
.L_overlay_start_1:
0x0: {  	(tag) =	ssettag $0x1  }
0x1: {  	s0 =	srdreg.scid  }
0x2: {  	s1 =	sshll.u32 s0, $0x4  }
0x3: {  	s0 =	stileid.u32;
	s1 =	sand.u32 $0x10, s1  }
0x4: {  	s1 =	sor.u32 s0, s1  }
0x5: {  	s6 =	rddreg [dreg:$0x0];
	s7 =	simm.s32 $0x2;
	s2 =	sshll.u32 s1, $0x7  }
0x6: {  	s12 =	simm.s32 $0x0;
	s8 =	simm.s32 $0x8000;
	s1 =	ssub.s32 $0x1000, s2  }
0x7: {  	s13 =	simm.s32 $0x0;
	s9 =	simm.s32 $0x0;
	s3 =	sand.u32 $0xF80, s1  }
0x8: {  	s11 =	simm.s32 $0x0;
	p0 =	sne.s32 s3, $0x0;
	s3 =	simm.s32 $0x1  }
.Ltmp0:
0x9: {  	s4 =	sshrl.u32 s1, $0xC;
	s3 =	simm.s32 @!p0 $0x0;
	(pc) =	sbr.rel .LBB1_1-.Ltmp0, $4  }
0xa: {  	s5 =	sadd.s32 $0x178DE00, s6;
	s1 =	rddreg [dreg:$0x1];
	s4 =	sadd.s32 s3, s4  }
0xb: {  	_ =	strace $0x80000056;
	s3 =	simm.s32 $0x1;
	s4 =	smul.u32 $0x32, s4  }
0xc: {  	s6 =	sadd.s32 $0x10EDE00, s6;
	s10 =	smov.u32 s2;
	[sflag:s3] =	ssyncpa.u1 $0x0  }
0xd: {  	p0 =	por $0x0, $0x0;
	[sflag:s7] =	ssyncpa.u1 $0x0;
	s7 =	sor.u32 $0x1, s4  }
.LBB1_4:
0xe: {  	s16 =	sshll.u32 s13, $0x3;
	s17 =	sand.u32 $0x78, s13  }
0xf: {  	s30 =	sand.u32 $0x7E00, s13;
	s12 =	sshll.u32 s12, $0xF;
	s16 =	sand.u32 $0xC00, s16  }
0x10: {  	[tilespmem:s15+$0x810 ss:$0x81] =	vst.msk $0xffff, v2;
	s31 =	sand.u32 $0x7, s13;
	s16 =	sor.u32 s17, s16;
	s17 =	sadd.s32 s6, s30  }
0x11: {  	[tilespmem:s15+$0x1020 ss:$0x81] =	vst.msk $0xffff, v0;
	s13 =	sshll.u32 s31, $0x12;
	s12 =	sadd.s32 s12, s17;
	s16 =	sshrl.u32 s16, $0x3  }
0x12: {  	[tilespmem:s15+$0x0 ss:$0x81] =	vst.msk $0xffff, v1;
	s13 =	sor.u32 $0x400, s13;
	s12 =	sadd.s32 s16, s12  }
0x13: {  	[hbm4b:s12+s13] =	stream.strided.scatter [tilespmem:s14], [sflag:$0x2], $0x2000, s8, s13, $0x20;
	[tilespmem:$0x8080] =	vst v63  }
.LBB1_5:
0x14: {  	s14 =	sadd.s32 $0x1, s9  }
0x15: {  	s12 =	sadd.s32 $0x1000, s10;
	s16 =	smov.u32 s10;
	p2 =	sgt.s32 s14, $0x31  }
0x16: {  	s16 =	smov.u32 @p2 s12  }
0x17: {  	s14 =	simm.s32 @p2 $0x0;
	p2 =	sgt.s32 s16, $0xFFF  }
0x18: {  	s16 =	smov.u32 @p2 s2;
	p2 =	sne.s32 s11, s7  }
.Ltmp1:
0x19: {  	p1 =	slt.u32 s11, $0x2;
	(pc) =	sbr.rel @!p2 .LBB1_6-.Ltmp1, $4  }
0x1a: {  	s15 =	simm.s32 @!p1 $0x2  }
0x1b: {  	s13 =	smov.u32 s10;
	p0 =	por !p0, !p0;
	_ =	swait.ge @!p1 [sflag:s15], $0x2000  }
0x1c: {  	s12 =	smov.u32 s9;
	[sflag:s15] =	ssyncset.done @!p1 $0x0;
	s9 =	smov.u32 s14  }
0x1d: {  	s11 =	sadd.s32 $0x1, s11;
	[sflag:s15] =	ssyncadd.s32 @!p1 $0xFFFFE000;
	s10 =	smov.u32 s16  }
.LBB1_1:
0x1e: {  	p1 =	sge.u32 s11, s4  }
0x1f: {  	s14 =	sand.u32 @!p1 $0x1FFFFFF, s9  }
0x20: {  	s15 =	smulhi.u32 @!p1 $0x4924925, s14;
	_ =	sdelay $0x1  }
0x21: {  	s15 =	smul.u32 @!p1 $0x38, s15  }
0x22: {  	s16 =	sxor.u32 @!p1 $0xFFFFFFFF, s11;
	s17 =	smul.u32 @!p1 $0x380, s10  }
0x23: {  	s31 =	sadd.s32 $0xFFFFFFFF, s11;
	s16 =	sshll.u32 @!p1 s16, $0xD;
	s14 =	ssub.s32 @!p1 s14, s15  }
0x24: {  	s15 =	sand.u32 @!p1 $0x2000, s16;
	s16 =	sadd.s32 @!p1 s5, s17;
	s14 =	sshll.u32 @!p1 s14, $0x4  }
0x25: {  	s17 =	simm.s32 @!p1 $0x1C00;
	s14 =	sadd.s32 @!p1 s14, s16;
	s16 =	simm.s32 @!p1 $0x40  }
0x26: {  	[tilespmem:s15], [sflag:$0x1] =	stream.strided.gather @!p1 [hbm4b:s14+s16], $0x2000, s17, s16, $0x38;
	[tilespmem:$0x8080] =	vst v63  }
0x27: {  	p1 =	sge.u32 s31, s4  }
.Ltmp2:
0x28: {  	_ = 	snop;
	(pc) =	sbr.rel @p1 .LBB1_5-.Ltmp2, $1  }
0x29: {  	_ =	sdelay $0x3  }
0x2a: {  	s14 =	simm.s32 $0x1  }
0x2b: {  	_ =	swait.ge [sflag:s3], $0x2000;
	s14 =	simm.s32 @!p0 $0x0  }
0x2c: {  	[sflag:s3] =	ssyncset.done $0x0;
	s15 =	sshll.u32 s14, $0xD  }
0x2d: {  	[sflag:s3] =	ssyncadd.s32 $0xFFFFE000;
	s18 =	sor.u32 $0x20, s15  }
0x2e: {  	s14 =	smul.u32 $0x8100, s14;
	v3 =	vld [tilespmem:s18+$0x10]  }
0x2f: {  	s30 =	sand.u32 $0x1, s11;
	v2 =	vld [tilespmem:s18+$0xFFFFFFF0]  }
0x30: {  	s15 =	smul.u32 $0x8100, s30;
	s14 =	sshrl.u32 s14, $0x2;
	v0 =	vld [tilespmem:s18+$0x0]  }
0x31: {  	v1 =	vld [tilespmem:s18+$0xFFFFFFE0];
	s16 =	sor.u32 $0x4000, s14  }
0x32: {  	s31 =	sshrl.u32 s15, $0x2;
	s15 =	sadd.s32 $0x0, s16  }
0x33: {  	s17 =	simm.s32 $0x4;
	s18 =	sadd.s32 $0x40, s18;
	s14 =	sor.u32 $0x4000, s31;
	[tilespmem:s15+$0x1830 ss:$0x81] =	vst.msk $0xffff, v3  }
.LBB1_3:
0x34: {  	v3 =	vld [tilespmem:s18+$0x10];
	p1 =	sne.s32 s17, $0x1FC;
	[tilespmem:s15+$0x810 ss:$0x81] =	vst.msk $0xffff, v2;
	s19 =	smov.u32 s17;
	s17 =	sadd.s32 $0x4, s17  }
.Ltmp3:
0x35: {  	v2 =	vld [tilespmem:s18+$0xFFFFFFF0];
	[tilespmem:s15+$0x1020 ss:$0x81] =	vst.msk $0xffff, v0;
	(pc) =	sbr.rel @p1 .LBB1_3-.Ltmp3, $4  }
0x36: {  	v0 =	vld [tilespmem:s18+$0x0];
	[tilespmem:s15+$0x0 ss:$0x81] =	vst.msk $0xffff, v1  }
0x37: {  	s15 =	sshra.s32 s19, $0x2;
	v1 =	vld [tilespmem:s18+$0xFFFFFFE0]  }
0x38: {  	s15 =	sadd.s32 s15, s16  }
0x39: {  	s18 =	sadd.s32 $0x40, s18;
	[tilespmem:s15+$0x1830 ss:$0x81] =	vst.msk $0xffff, v3  }
.Ltmp4:
0x3a: {  	_ = 	snop;
	(pc) =	sbr.rel .LBB1_4-.Ltmp4, $1  }
0x3b: {  	_ =	sdelay $0x3  }
.LBB1_6:
0x3c: {  	_ =	sfence.sel $0x180000  }
0x3d: {  	s2 =	simm.s32 $0x1;
	[bflag:$0x0] =	sbarrier.arrive $0xFFFF  }
0x3e: {  	s31 =	simm.s32 $0x2;
	[sflag:s2] =	ssyncpa.u1 $0x1  }
0x3f: {  	[sflag:s31] =	ssyncpa.u1 $0x1  }
0x40: {  	p0 =	sne.s32 s0, $0x0;
	_ =	strace $0x90000056  }
0x41: {  	s0 =	sadd.s32 @!p0 $0x100000, s1;
	[bflag:$0x2] =	sbarrier.arrive $0xFFFF  }
0x42: {  	[sflag:s0] =	ssyncadd.tile.s32 @!p0 $0x1;
	_ =	shalt  }
.Lfunc_end1:
_tile_overlayer_lowered:
.L_overlay_start_2:
0x43: {  	(tag) =	ssettag $0x2  }
0x44: {  	s0 =	rddreg [dreg:$0x0];
	s2 =	stileid.u32  }
0x45: {  	s1 =	rddreg [dreg:$0x1];
	p0 =	sne.s32 s2, $0x0  }
0x46: {  	s3 =	rddreg [dreg:$0x2];
	[bflag:$0x3] =	sbarrier.arrive $0xFFFF;
	s2 =	simm.s32 @!p0 $0x1C01  }
0x47: {  	[timem:s3], [sflag:s2] =	dma.local @!p0 [hbm:s0], s1  }
0x48: {  	s0 =	simm.s32 @!p0 $0x1  }
0x49: {  	_ =	swait.ge @!p0 [sflag:s0], s1  }
0x4a: {  	s1 =	ssub.s32 @!p0 $0x0, s1;
	[sflag:s0] =	ssyncset.done @!p0 $0x0  }
0x4b: {  	[sflag:s0] =	ssyncadd.s32 @!p0 s1  }
0x4c: {  	[bflag:$0x3] =	sbarrier.arrive $0xFFFF  }
0x4d: {  	_ =	shalt  }

// kernel: sparse-core-data-format-call.2.cloned.1.call-start
scs
called_computation.2_lowered:
.L_overlay_start_0:
0x0: {  	s2 =	sld [smem:$0x3FD9]  }
0x1: {  	s3 =	sld [smem:$0x3FFE];
	_ =	sdelay $0x1  }
0x2: {  	s1 =	srdreg.scid  }
0x3: {  	s0 =	sand.u32 $0x1, s1  }
0x4: {  	s18 =	sshll.u32 s0, $0xA;
	s2 =	sadd.s32 s3, s2  }
0x5: {  	s2 =	sadd.s32 s2, s18  }
0x6: {  	[smem:$0x3FC6] =	sst s2  }
0x7: {  	_ = 	snop  }
0x8: {  	(tm) =	ssettm $0x1  }
0x9: {  	s19 =	sld [smem:$0x3FFB];
	_ =	sdelay $0x3  }
0xa: {  	_ =	strace s19  }
0xb: {  	s2 =	sld [smem:$0x3FFC];
	_ =	sdelay $0x3  }
0xc: {  	_ =	strace s2  }
0xd: {  	s2 =	sld [smem:$0x3FFD];
	_ =	sdelay $0x3  }
0xe: {  	_ =	strace s2  }
0xf: {  	_ =	strace $0x8FFFFFFF  }
0x10: {  	s20 =	sld [smem:$0x3FDB];
	_ =	sdelay $0x1  }
0x11: {  	s21 =	simm.s32 $_scs_section_size  }
0x12: {  	s4 =	simm.s32 $_size__tile_overlayer_lowered;
	s5 =	simm.s32 $_tile_overlayer_lowered  }
0x13: {  	s6 =	simm.s32 $0x1BFF;
	s22 =	sshll.u32 s5, $0x1;
	s3 =	sadd.s32 s21, s20  }
0x14: {  	s23 =	simm.s32 $0x0;
	s4 =	sshll.u32 s4, $0x1;
	s5 =	sadd.s32 s22, s3  }
0x15: {  	[timem:s23], [sflag:s6] =	dma.local [hbm:s5], s4  }
0x16: {  	_ =	swait.ge [sflag:s6], s4  }
0x17: {  	s4 =	ssub.s32 $0x0, s4;
	[sflag:s6] =	ssyncset.done $0x0  }
0x18: {  	[sflag:s6] =	ssyncadd.s32 s4;
	_ =	sdelay $0x1  }
0x19: {  	s24 =	simm.s32 $0x1B8B  }
0x1a: {  	_ =	swait.ge [sflag:s24], $0x1  }
0x1b: {  	[sflag:s24] =	ssyncset.done $0x0  }
0x1c: {  	[sflag:s24] =	ssyncadd.s32 $0xFFFFFFFF  }
0x1d: {  	s4 =	sld [smem:$0x0]  }
0x1e: {  	s5 =	sand.u32 $0xFFFFFFFE, s1  }
0x1f: {  	p0 =	sne.s32 s1, s5  }
0x20: {  	s5 =	sshll.u32 @p0 s5, $0xE  }
0x21: {  	s5 =	sadd.s32 @p0 $0x11B8D, s5;
	s6 =	sshll.u32 @p0 s4, $0x11  }
0x22: {  	s5 =	sor.u32 @p0 s6, s5  }
0x23: {  	[sflag:s5] =	ssyncadd.remote.s32 @p0 $0x1;
	_ =	sdelay $0x1  }
0x24: {  	s5 =	simm.s32 @p0 $0x1B8D  }
0x25: {  	_ =	swait.eq @p0 [sflag:s5], $0x1  }
0x26: {  	[sflag:s5] =	ssyncadd.s32 @p0 $0xFFFFFFFF  }
0x27: {  	s6 =	sshll.u32 @!p0 s1, $0xE  }
0x28: {  	s6 =	sor.u32 @!p0 $0x4000, s6;
	s5 =	simm.s32 @!p0 $0x1B8D  }
0x29: {  	s4 =	sshll.u32 @!p0 s4, $0x11;
	s6 =	sadd.s32 @!p0 $0x11B8D, s6;
	_ =	swait.eq @!p0 [sflag:s5], $0x1  }
0x2a: {  	s4 =	sor.u32 @!p0 s4, s6;
	[sflag:s5] =	ssyncadd.s32 @!p0 $0xFFFFFFFF  }
0x2b: {  	s26 =	simm.s32 $0x1B8E;
	s25 =	sld [smem:$0x3FFE];
	[sflag:s4] =	ssyncadd.remote.s32 @!p0 $0x1  }
0x2c: {  	s27 =	simm.s32 $execute0_lowered;
	[smem:$0x3FD2] =	sst s26  }
0x2d: {  	s5 =	sshll.u32 s27, $0x1;
	_ =	strace $0x80000058;
	[dreg:$0x1] =	wrdreg $0xFFFFFFFF  }
0x2e: {  	s28 =	simm.s32 $_size_execute0_lowered;
	s3 =	sadd.s32 s3, s5;
	[dreg:$0x0] =	wrdreg $0x0  }
0x2f: {  	s5 =	sshll.u32 s28, $0x1;
	[dreg:$0x2] =	wrdreg s3  }
0x30: {  	[dreg:$0x3] =	wrdreg s5  }
0x31: {  	[dreg:$0x4] =	wrdreg $0xC0  }
0x32: {  	_ =	task [dreg:s23], $0x5FFFF  }
0x33: {  	[dreg:$0x1] =	wrdreg $0xFFFFFFFF  }
0x34: {  	[dreg:$0x0] =	wrdreg $0x60  }
0x35: {  	[dreg:$0x2] =	wrdreg s25  }
0x36: {  	[dreg:$0x3] =	wrdreg $0xC  }
0x37: {  	_ =	task.clear_ibuf [dreg:s23], $0x4FFFF;
	_ =	strace $0x90000058  }
0x38: {  	s29 =	simm.s32 $0xC;
	_ =	strace $0x8000005A  }
0x39: {  	_ =	swait.ge [sflag:s29], $0x1  }
0x3a: {  	[sflag:s29] =	ssyncadd.s32 $0xFFFFFFFF  }
0x3b: {  	_ =	strace $0x9000005A  }
0x3c: {  	_ =	sfence  }
0x3d: {  	s30 =	sld [smem:$0x0];
	_ =	sdelay $0x2  }
0x3e: {  	s31 =	sshll.u32 s1, $0xD;
	s1 =	sshrl.u32 s1, $0x2  }
0x3f: {  	s4 =	sand.u32 $0x4000, s31;
	s1 =	sadd.s32 s1, s30  }
0x40: {  	s0 =	sor.u32 s4, s0;
	s1 =	sshll.u32 s1, $0x11  }
0x41: {  	s0 =	sor.u32 s1, s0  }
0x42: {  	s0 =	sadd.s32 $0x8F2B, s0  }
0x43: {  	[sflag:s0] =	ssyncadd.remote.s32 $0x1  }
0x44: {  	_ =	sfence.sel $0xFFFF  }
0x45: {  	[dreg:$0x0] =	wrdreg $0xFFFFFFFF;
	(pc) =	sbr.abs _section_cstart, $3  }
0x46: {  	[dreg:$0x1] =	wrdreg $0xFFFFFFFF  }
0x47: {  	_ =	task.clear_ibuf [dreg:s23], $0x2FFFF;
	_ =	strace $0x9FFFFFFF  }
0x48: {  	(tm) =	ssettm $0x7FFFFFFF  }
0x49: {  	_ =	shalt  }
tec
execute0_lowered:
.L_overlay_start_1:
0x0: {  	(tag) =	ssettag $0x1  }
0x1: {  	s0 =	srdreg.scid  }
0x2: {  	s1 =	sshll.u32 s0, $0x4  }
0x3: {  	s0 =	stileid.u32;
	s1 =	sand.u32 $0x10, s1  }
0x4: {  	s1 =	sor.u32 s0, s1  }
0x5: {  	s6 =	rddreg [dreg:$0x0];
	s7 =	simm.s32 $0x2;
	s2 =	sshll.u32 s1, $0x7  }
0x6: {  	s12 =	simm.s32 $0x0;
	s8 =	simm.s32 $0x8000;
	s1 =	ssub.s32 $0x1000, s2  }
0x7: {  	s13 =	simm.s32 $0x0;
	s9 =	simm.s32 $0x0;
	s3 =	sand.u32 $0xF80, s1  }
0x8: {  	s11 =	simm.s32 $0x0;
	p0 =	sne.s32 s3, $0x0;
	s3 =	simm.s32 $0x1  }
.Ltmp0:
0x9: {  	s4 =	sshrl.u32 s1, $0xC;
	s3 =	simm.s32 @!p0 $0x0;
	(pc) =	sbr.rel .LBB1_1-.Ltmp0, $4  }
0xa: {  	s5 =	sadd.s32 $0x1B0DE00, s6;
	s1 =	rddreg [dreg:$0x1];
	s4 =	sadd.s32 s3, s4  }
0xb: {  	_ =	strace $0x80000059;
	s3 =	simm.s32 $0x1;
	s4 =	smul.u32 $0x32, s4  }
0xc: {  	s6 =	sadd.s32 $0x1E8DE00, s6;
	s10 =	smov.u32 s2;
	[sflag:s3] =	ssyncpa.u1 $0x0  }
0xd: {  	p0 =	por $0x0, $0x0;
	[sflag:s7] =	ssyncpa.u1 $0x0;
	s7 =	sor.u32 $0x1, s4  }
.LBB1_4:
0xe: {  	s16 =	sshll.u32 s13, $0x3;
	s17 =	sand.u32 $0x78, s13  }
0xf: {  	s30 =	sand.u32 $0x7E00, s13;
	s12 =	sshll.u32 s12, $0xF;
	s16 =	sand.u32 $0xC00, s16  }
0x10: {  	[tilespmem:s15+$0x810 ss:$0x81] =	vst.msk $0xffff, v2;
	s31 =	sand.u32 $0x7, s13;
	s16 =	sor.u32 s17, s16;
	s17 =	sadd.s32 s6, s30  }
0x11: {  	[tilespmem:s15+$0x1020 ss:$0x81] =	vst.msk $0xffff, v0;
	s13 =	sshll.u32 s31, $0x12;
	s12 =	sadd.s32 s12, s17;
	s16 =	sshrl.u32 s16, $0x3  }
0x12: {  	[tilespmem:s15+$0x0 ss:$0x81] =	vst.msk $0xffff, v1;
	s13 =	sor.u32 $0x400, s13;
	s12 =	sadd.s32 s16, s12  }
0x13: {  	[hbm4b:s12+s13] =	stream.strided.scatter [tilespmem:s14], [sflag:$0x2], $0x2000, s8, s13, $0x20;
	[tilespmem:$0x8080] =	vst v63  }
.LBB1_5:
0x14: {  	s14 =	sadd.s32 $0x1, s9  }
0x15: {  	s12 =	sadd.s32 $0x1000, s10;
	s16 =	smov.u32 s10;
	p2 =	sgt.s32 s14, $0x31  }
0x16: {  	s16 =	smov.u32 @p2 s12  }
0x17: {  	s14 =	simm.s32 @p2 $0x0;
	p2 =	sgt.s32 s16, $0xFFF  }
0x18: {  	s16 =	smov.u32 @p2 s2;
	p2 =	sne.s32 s11, s7  }
.Ltmp1:
0x19: {  	p1 =	slt.u32 s11, $0x2;
	(pc) =	sbr.rel @!p2 .LBB1_6-.Ltmp1, $4  }
0x1a: {  	s15 =	simm.s32 @!p1 $0x2  }
0x1b: {  	s13 =	smov.u32 s10;
	p0 =	por !p0, !p0;
	_ =	swait.ge @!p1 [sflag:s15], $0x2000  }
0x1c: {  	s12 =	smov.u32 s9;
	[sflag:s15] =	ssyncset.done @!p1 $0x0;
	s9 =	smov.u32 s14  }
0x1d: {  	s11 =	sadd.s32 $0x1, s11;
	[sflag:s15] =	ssyncadd.s32 @!p1 $0xFFFFE000;
	s10 =	smov.u32 s16  }
.LBB1_1:
0x1e: {  	p1 =	sge.u32 s11, s4  }
0x1f: {  	s14 =	sand.u32 @!p1 $0x1FFFFFF, s9  }
0x20: {  	s15 =	smulhi.u32 @!p1 $0x4924925, s14;
	_ =	sdelay $0x1  }
0x21: {  	s15 =	smul.u32 @!p1 $0x38, s15  }
0x22: {  	s16 =	sxor.u32 @!p1 $0xFFFFFFFF, s11;
	s17 =	smul.u32 @!p1 $0x380, s10  }
0x23: {  	s31 =	sadd.s32 $0xFFFFFFFF, s11;
	s16 =	sshll.u32 @!p1 s16, $0xD;
	s14 =	ssub.s32 @!p1 s14, s15  }
0x24: {  	s15 =	sand.u32 @!p1 $0x2000, s16;
	s16 =	sadd.s32 @!p1 s5, s17;
	s14 =	sshll.u32 @!p1 s14, $0x4  }
0x25: {  	s17 =	simm.s32 @!p1 $0x1C00;
	s14 =	sadd.s32 @!p1 s14, s16;
	s16 =	simm.s32 @!p1 $0x40  }
0x26: {  	[tilespmem:s15], [sflag:$0x1] =	stream.strided.gather @!p1 [hbm4b:s14+s16], $0x2000, s17, s16, $0x38;
	[tilespmem:$0x8080] =	vst v63  }
0x27: {  	p1 =	sge.u32 s31, s4  }
.Ltmp2:
0x28: {  	_ = 	snop;
	(pc) =	sbr.rel @p1 .LBB1_5-.Ltmp2, $1  }
0x29: {  	_ =	sdelay $0x3  }
0x2a: {  	s14 =	simm.s32 $0x1  }
0x2b: {  	_ =	swait.ge [sflag:s3], $0x2000;
	s14 =	simm.s32 @!p0 $0x0  }
0x2c: {  	[sflag:s3] =	ssyncset.done $0x0;
	s15 =	sshll.u32 s14, $0xD  }
0x2d: {  	[sflag:s3] =	ssyncadd.s32 $0xFFFFE000;
	s18 =	sor.u32 $0x20, s15  }
0x2e: {  	s14 =	smul.u32 $0x8100, s14;
	v3 =	vld [tilespmem:s18+$0x10]  }
0x2f: {  	s30 =	sand.u32 $0x1, s11;
	v2 =	vld [tilespmem:s18+$0xFFFFFFF0]  }
0x30: {  	s15 =	smul.u32 $0x8100, s30;
	s14 =	sshrl.u32 s14, $0x2;
	v0 =	vld [tilespmem:s18+$0x0]  }
0x31: {  	v1 =	vld [tilespmem:s18+$0xFFFFFFE0];
	s16 =	sor.u32 $0x4000, s14  }
0x32: {  	s31 =	sshrl.u32 s15, $0x2;
	s15 =	sadd.s32 $0x0, s16  }
0x33: {  	s17 =	simm.s32 $0x4;
	s18 =	sadd.s32 $0x40, s18;
	s14 =	sor.u32 $0x4000, s31;
	[tilespmem:s15+$0x1830 ss:$0x81] =	vst.msk $0xffff, v3  }
.LBB1_3:
0x34: {  	v3 =	vld [tilespmem:s18+$0x10];
	p1 =	sne.s32 s17, $0x1FC;
	[tilespmem:s15+$0x810 ss:$0x81] =	vst.msk $0xffff, v2;
	s19 =	smov.u32 s17;
	s17 =	sadd.s32 $0x4, s17  }
.Ltmp3:
0x35: {  	v2 =	vld [tilespmem:s18+$0xFFFFFFF0];
	[tilespmem:s15+$0x1020 ss:$0x81] =	vst.msk $0xffff, v0;
	(pc) =	sbr.rel @p1 .LBB1_3-.Ltmp3, $4  }
0x36: {  	v0 =	vld [tilespmem:s18+$0x0];
	[tilespmem:s15+$0x0 ss:$0x81] =	vst.msk $0xffff, v1  }
0x37: {  	s15 =	sshra.s32 s19, $0x2;
	v1 =	vld [tilespmem:s18+$0xFFFFFFE0]  }
0x38: {  	s15 =	sadd.s32 s15, s16  }
0x39: {  	s18 =	sadd.s32 $0x40, s18;
	[tilespmem:s15+$0x1830 ss:$0x81] =	vst.msk $0xffff, v3  }
.Ltmp4:
0x3a: {  	_ = 	snop;
	(pc) =	sbr.rel .LBB1_4-.Ltmp4, $1  }
0x3b: {  	_ =	sdelay $0x3  }
.LBB1_6:
0x3c: {  	_ =	sfence.sel $0x180000  }
0x3d: {  	s2 =	simm.s32 $0x1;
	[bflag:$0x0] =	sbarrier.arrive $0xFFFF  }
0x3e: {  	s31 =	simm.s32 $0x2;
	[sflag:s2] =	ssyncpa.u1 $0x1  }
0x3f: {  	[sflag:s31] =	ssyncpa.u1 $0x1  }
0x40: {  	p0 =	sne.s32 s0, $0x0;
	_ =	strace $0x90000059  }
0x41: {  	s0 =	sadd.s32 @!p0 $0x100000, s1;
	[bflag:$0x2] =	sbarrier.arrive $0xFFFF  }
0x42: {  	[sflag:s0] =	ssyncadd.tile.s32 @!p0 $0x1;
	_ =	shalt  }
.Lfunc_end1:
_tile_overlayer_lowered:
.L_overlay_start_2:
0x43: {  	(tag) =	ssettag $0x2  }
0x44: {  	s0 =	rddreg [dreg:$0x0];
	s2 =	stileid.u32  }
0x45: {  	s1 =	rddreg [dreg:$0x1];
	p0 =	sne.s32 s2, $0x0  }
0x46: {  	s3 =	rddreg [dreg:$0x2];
	[bflag:$0x3] =	sbarrier.arrive $0xFFFF;
	s2 =	simm.s32 @!p0 $0x1C01  }
0x47: {  	[timem:s3], [sflag:s2] =	dma.local @!p0 [hbm:s0], s1  }
0x48: {  	s0 =	simm.s32 @!p0 $0x1  }
0x49: {  	_ =	swait.ge @!p0 [sflag:s0], s1  }
0x4a: {  	s1 =	ssub.s32 @!p0 $0x0, s1;
	[sflag:s0] =	ssyncset.done @!p0 $0x0  }
0x4b: {  	[sflag:s0] =	ssyncadd.s32 @!p0 s1  }
0x4c: {  	[bflag:$0x3] =	sbarrier.arrive $0xFFFF  }
0x4d: {  	_ =	shalt  }

// kernel: sparse-core-data-format-call.3.cloned.1.call-start
scs
called_computation.3_lowered:
.L_overlay_start_0:
0x0: {  	s2 =	sld [smem:$0x3FD9]  }
0x1: {  	s3 =	sld [smem:$0x3FFE];
	_ =	sdelay $0x1  }
0x2: {  	s1 =	srdreg.scid  }
0x3: {  	s0 =	sand.u32 $0x1, s1  }
0x4: {  	s18 =	sshll.u32 s0, $0xA;
	s2 =	sadd.s32 s3, s2  }
0x5: {  	s2 =	sadd.s32 s2, s18  }
0x6: {  	[smem:$0x3FC6] =	sst s2  }
0x7: {  	_ = 	snop  }
0x8: {  	s19 =	sld [smem:$0x3FD0];
	(tm) =	ssettm $0x1  }
0x9: {  	s20 =	sld [smem:$0x3FFB];
	_ =	sdelay $0x3  }
0xa: {  	_ =	strace s20  }
0xb: {  	s2 =	sld [smem:$0x3FFC];
	_ =	sdelay $0x3  }
0xc: {  	_ =	strace s2  }
0xd: {  	s2 =	sld [smem:$0x3FFD];
	_ =	sdelay $0x3  }
0xe: {  	_ =	strace s2  }
0xf: {  	_ =	strace $0x8FFFFFFF  }
0x10: {  	s21 =	sld [smem:$0x3FDB];
	_ =	sdelay $0x1  }
0x11: {  	s4 =	simm.s32 $_scs_section_size  }
0x12: {  	s5 =	simm.s32 $_size__tile_overlayer_lowered;
	s6 =	simm.s32 $_tile_overlayer_lowered  }
0x13: {  	s7 =	simm.s32 $0x1BFF;
	s22 =	sshll.u32 s6, $0x1;
	s4 =	sadd.s32 s4, s21  }
0x14: {  	s23 =	simm.s32 $0x0;
	s5 =	sshll.u32 s5, $0x1;
	s6 =	sadd.s32 s22, s4  }
0x15: {  	[timem:s23], [sflag:s7] =	dma.local [hbm:s6], s5  }
0x16: {  	_ =	swait.ge [sflag:s7], s5  }
0x17: {  	s5 =	ssub.s32 $0x0, s5;
	[sflag:s7] =	ssyncset.done $0x0  }
0x18: {  	[sflag:s7] =	ssyncadd.s32 s5;
	_ =	sdelay $0x1  }
0x19: {  	s24 =	simm.s32 $0x1B8B  }
0x1a: {  	_ =	swait.ge [sflag:s24], $0x1  }
0x1b: {  	[sflag:s24] =	ssyncset.done $0x0  }
0x1c: {  	[sflag:s24] =	ssyncadd.s32 $0xFFFFFFFF  }
0x1d: {  	s5 =	sld [smem:$0x0]  }
0x1e: {  	s6 =	sand.u32 $0xFFFFFFFE, s1  }
0x1f: {  	p0 =	sne.s32 s1, s6  }
0x20: {  	s6 =	sshll.u32 @p0 s6, $0xE  }
0x21: {  	s6 =	sadd.s32 @p0 $0x11B8D, s6;
	s7 =	sshll.u32 @p0 s5, $0x11  }
0x22: {  	s6 =	sor.u32 @p0 s7, s6  }
0x23: {  	[sflag:s6] =	ssyncadd.remote.s32 @p0 $0x1;
	_ =	sdelay $0x1  }
0x24: {  	s6 =	simm.s32 @p0 $0x1B8D  }
0x25: {  	_ =	swait.eq @p0 [sflag:s6], $0x1  }
0x26: {  	[sflag:s6] =	ssyncadd.s32 @p0 $0xFFFFFFFF  }
0x27: {  	s7 =	sshll.u32 @!p0 s1, $0xE  }
0x28: {  	s7 =	sor.u32 @!p0 $0x4000, s7;
	s6 =	simm.s32 @!p0 $0x1B8D  }
0x29: {  	s5 =	sshll.u32 @!p0 s5, $0x11;
	s7 =	sadd.s32 @!p0 $0x11B8D, s7;
	_ =	swait.eq @!p0 [sflag:s6], $0x1  }
0x2a: {  	s5 =	sor.u32 @!p0 s5, s7;
	[sflag:s6] =	ssyncadd.s32 @!p0 $0xFFFFFFFF  }
0x2b: {  	s26 =	simm.s32 $0x1B8E;
	s25 =	sld [smem:$0x3FFE];
	[sflag:s5] =	ssyncadd.remote.s32 @!p0 $0x1  }
0x2c: {  	s27 =	simm.s32 $execute0_lowered;
	[smem:$0x3FD2] =	sst s26  }
0x2d: {  	s6 =	sshll.u32 s27, $0x1;
	_ =	strace $0x8000005B;
	[dreg:$0x1] =	wrdreg $0xFFFFFFFF  }
0x2e: {  	s28 =	simm.s32 $_size_execute0_lowered;
	s4 =	sadd.s32 s4, s6;
	[dreg:$0x0] =	wrdreg $0x0  }
0x2f: {  	s6 =	sshll.u32 s28, $0x1;
	[dreg:$0x2] =	wrdreg s4  }
0x30: {  	[dreg:$0x3] =	wrdreg s6  }
0x31: {  	[dreg:$0x4] =	wrdreg $0xC0  }
0x32: {  	_ =	task [dreg:s23], $0x5FFFF  }
0x33: {  	[dreg:$0x1] =	wrdreg $0xFFFFFFFF  }
0x34: {  	[dreg:$0x0] =	wrdreg $0x60  }
0x35: {  	[dreg:$0x2] =	wrdreg s19  }
0x36: {  	[dreg:$0x3] =	wrdreg s25  }
0x37: {  	[dreg:$0x4] =	wrdreg $0xA  }
0x38: {  	_ =	task.clear_ibuf [dreg:s23], $0x5FFFF;
	_ =	strace $0x9000005B  }
0x39: {  	s29 =	simm.s32 $0xA;
	_ =	strace $0x8000005D  }
0x3a: {  	_ =	swait.ge [sflag:s29], $0x1  }
0x3b: {  	[sflag:s29] =	ssyncadd.s32 $0xFFFFFFFF  }
0x3c: {  	_ =	strace $0x9000005D  }
0x3d: {  	_ =	sfence  }
0x3e: {  	s30 =	sld [smem:$0x0];
	_ =	sdelay $0x2  }
0x3f: {  	s31 =	sshll.u32 s1, $0xD;
	s1 =	sshrl.u32 s1, $0x2  }
0x40: {  	s4 =	sand.u32 $0x4000, s31;
	s1 =	sadd.s32 s1, s30  }
0x41: {  	s0 =	sor.u32 s4, s0;
	s1 =	sshll.u32 s1, $0x11  }
0x42: {  	s0 =	sor.u32 s1, s0  }
0x43: {  	s0 =	sadd.s32 $0x8F2B, s0  }
0x44: {  	[sflag:s0] =	ssyncadd.remote.s32 $0x1  }
0x45: {  	_ =	sfence.sel $0xFFFF  }
0x46: {  	[dreg:$0x0] =	wrdreg $0xFFFFFFFF;
	(pc) =	sbr.abs _section_cstart, $3  }
0x47: {  	[dreg:$0x1] =	wrdreg $0xFFFFFFFF  }
0x48: {  	_ =	task.clear_ibuf [dreg:s23], $0x2FFFF;
	_ =	strace $0x9FFFFFFF  }
0x49: {  	(tm) =	ssettm $0x7FFFFFFF  }
tec
execute0_lowered:
.L_overlay_start_1:
0x0: {  	(tag) =	ssettag $0x1  }
0x1: {  	s0 =	srdreg.scid  }
0x2: {  	s1 =	sshll.u32 s0, $0x4  }
0x3: {  	s0 =	stileid.u32;
	s1 =	sand.u32 $0x10, s1  }
0x4: {  	s3 =	rddreg [dreg:$0x0];
	s1 =	sor.u32 s0, s1  }
0x5: {  	s6 =	rddreg [dreg:$0x1];
	s2 =	sshll.u32 s1, $0x7  }
0x6: {  	s7 =	simm.s32 $0x2;
	s12 =	simm.s32 $0x0;
	s1 =	ssub.s32 $0x1000, s2  }
0x7: {  	s8 =	simm.s32 $0x8000;
	s13 =	simm.s32 $0x0;
	s4 =	sand.u32 $0xF80, s1  }
0x8: {  	s9 =	simm.s32 $0x0;
	p0 =	sne.s32 s4, $0x0;
	s4 =	simm.s32 $0x1  }
.Ltmp0:
0x9: {  	s5 =	sshrl.u32 s1, $0xC;
	s4 =	simm.s32 @!p0 $0x0;
	(pc) =	sbr.rel .LBB1_1-.Ltmp0, $4  }
0xa: {  	s11 =	simm.s32 $0x0;
	s1 =	rddreg [dreg:$0x2];
	s5 =	sadd.s32 s4, s5  }
0xb: {  	_ =	strace $0x8000005C;
	s4 =	simm.s32 $0x1;
	s5 =	smul.u32 $0x32, s5  }
0xc: {  	s6 =	sadd.s32 $0x127DE00, s6;
	s10 =	smov.u32 s2;
	[sflag:s4] =	ssyncpa.u1 $0x0  }
0xd: {  	p0 =	por $0x0, $0x0;
	[sflag:s7] =	ssyncpa.u1 $0x0;
	s7 =	sor.u32 $0x1, s5  }
.LBB1_4:
0xe: {  	s16 =	sshll.u32 s13, $0x3;
	s17 =	sand.u32 $0x78, s13  }
0xf: {  	s30 =	sand.u32 $0x7E00, s13;
	s12 =	sshll.u32 s12, $0xF;
	s16 =	sand.u32 $0xC00, s16  }
0x10: {  	[tilespmem:s15+$0x810 ss:$0x81] =	vst.msk $0xffff, v2;
	s31 =	sand.u32 $0x7, s13;
	s16 =	sor.u32 s17, s16;
	s17 =	sadd.s32 s6, s30  }
0x11: {  	[tilespmem:s15+$0x1020 ss:$0x81] =	vst.msk $0xffff, v0;
	s13 =	sshll.u32 s31, $0x12;
	s12 =	sadd.s32 s12, s17;
	s16 =	sshrl.u32 s16, $0x3  }
0x12: {  	[tilespmem:s15+$0x0 ss:$0x81] =	vst.msk $0xffff, v1;
	s13 =	sor.u32 $0x400, s13;
	s12 =	sadd.s32 s16, s12  }
0x13: {  	[hbm4b:s12+s13] =	stream.strided.scatter [tilespmem:s14], [sflag:$0x2], $0x2000, s8, s13, $0x20;
	[tilespmem:$0x8080] =	vst v63  }
.LBB1_5:
0x14: {  	s14 =	sadd.s32 $0x1, s9  }
0x15: {  	s12 =	sadd.s32 $0x1000, s10;
	s16 =	smov.u32 s10;
	p2 =	sgt.s32 s14, $0x31  }
0x16: {  	s16 =	smov.u32 @p2 s12  }
0x17: {  	s14 =	simm.s32 @p2 $0x0;
	p2 =	sgt.s32 s16, $0xFFF  }
0x18: {  	s16 =	smov.u32 @p2 s2;
	p2 =	sne.s32 s11, s7  }
.Ltmp1:
0x19: {  	p1 =	slt.u32 s11, $0x2;
	(pc) =	sbr.rel @!p2 .LBB1_6-.Ltmp1, $4  }
0x1a: {  	s15 =	simm.s32 @!p1 $0x2  }
0x1b: {  	s13 =	smov.u32 s10;
	p0 =	por !p0, !p0;
	_ =	swait.ge @!p1 [sflag:s15], $0x2000  }
0x1c: {  	s12 =	smov.u32 s9;
	[sflag:s15] =	ssyncset.done @!p1 $0x0;
	s9 =	smov.u32 s14  }
0x1d: {  	s11 =	sadd.s32 $0x1, s11;
	[sflag:s15] =	ssyncadd.s32 @!p1 $0xFFFFE000;
	s10 =	smov.u32 s16  }
.LBB1_1:
0x1e: {  	p1 =	sge.u32 s11, s5  }
0x1f: {  	s14 =	sand.u32 @!p1 $0x1FFFFFF, s9  }
0x20: {  	s15 =	smulhi.u32 @!p1 $0x4924925, s14;
	_ =	sdelay $0x1  }
0x21: {  	s15 =	smul.u32 @!p1 $0x38, s15  }
0x22: {  	s16 =	sxor.u32 @!p1 $0xFFFFFFFF, s11;
	s17 =	smul.u32 @!p1 $0x380, s10  }
0x23: {  	s31 =	sadd.s32 $0xFFFFFFFF, s11;
	s16 =	sshll.u32 @!p1 s16, $0xD;
	s14 =	ssub.s32 @!p1 s14, s15  }
0x24: {  	s15 =	sand.u32 @!p1 $0x2000, s16;
	s16 =	sadd.s32 @!p1 s3, s17;
	s14 =	sshll.u32 @!p1 s14, $0x4  }
0x25: {  	s17 =	simm.s32 @!p1 $0x1C00;
	s14 =	sadd.s32 @!p1 s14, s16;
	s16 =	simm.s32 @!p1 $0x40  }
0x26: {  	[tilespmem:s15], [sflag:$0x1] =	stream.strided.gather @!p1 [hbm4b:s14+s16], $0x2000, s17, s16, $0x38;
	[tilespmem:$0x8080] =	vst v63  }
0x27: {  	p1 =	sge.u32 s31, s5  }
.Ltmp2:
0x28: {  	_ = 	snop;
	(pc) =	sbr.rel @p1 .LBB1_5-.Ltmp2, $1  }
0x29: {  	_ =	sdelay $0x3  }
0x2a: {  	s14 =	simm.s32 $0x1  }
0x2b: {  	_ =	swait.ge [sflag:s4], $0x2000;
	s14 =	simm.s32 @!p0 $0x0  }
0x2c: {  	[sflag:s4] =	ssyncset.done $0x0;
	s15 =	sshll.u32 s14, $0xD  }
0x2d: {  	[sflag:s4] =	ssyncadd.s32 $0xFFFFE000;
	s18 =	sor.u32 $0x20, s15  }
0x2e: {  	s14 =	smul.u32 $0x8100, s14;
	v3 =	vld [tilespmem:s18+$0x10]  }
0x2f: {  	s30 =	sand.u32 $0x1, s11;
	v2 =	vld [tilespmem:s18+$0xFFFFFFF0]  }
0x30: {  	s15 =	smul.u32 $0x8100, s30;
	s14 =	sshrl.u32 s14, $0x2;
	v0 =	vld [tilespmem:s18+$0x0]  }
0x31: {  	v1 =	vld [tilespmem:s18+$0xFFFFFFE0];
	s16 =	sor.u32 $0x4000, s14  }
0x32: {  	s31 =	sshrl.u32 s15, $0x2;
	s15 =	sadd.s32 $0x0, s16  }
0x33: {  	s17 =	simm.s32 $0x4;
	s18 =	sadd.s32 $0x40, s18;
	s14 =	sor.u32 $0x4000, s31;
	[tilespmem:s15+$0x1830 ss:$0x81] =	vst.msk $0xffff, v3  }
.LBB1_3:
0x34: {  	v3 =	vld [tilespmem:s18+$0x10];
	p1 =	sne.s32 s17, $0x1FC;
	[tilespmem:s15+$0x810 ss:$0x81] =	vst.msk $0xffff, v2;
	s19 =	smov.u32 s17;
	s17 =	sadd.s32 $0x4, s17  }
.Ltmp3:
0x35: {  	v2 =	vld [tilespmem:s18+$0xFFFFFFF0];
	[tilespmem:s15+$0x1020 ss:$0x81] =	vst.msk $0xffff, v0;
	(pc) =	sbr.rel @p1 .LBB1_3-.Ltmp3, $4  }
0x36: {  	v0 =	vld [tilespmem:s18+$0x0];
	[tilespmem:s15+$0x0 ss:$0x81] =	vst.msk $0xffff, v1  }
0x37: {  	s15 =	sshra.s32 s19, $0x2;
	v1 =	vld [tilespmem:s18+$0xFFFFFFE0]  }
0x38: {  	s15 =	sadd.s32 s15, s16  }
0x39: {  	s18 =	sadd.s32 $0x40, s18;
	[tilespmem:s15+$0x1830 ss:$0x81] =	vst.msk $0xffff, v3  }
.Ltmp4:
0x3a: {  	_ = 	snop;
	(pc) =	sbr.rel .LBB1_4-.Ltmp4, $1  }
0x3b: {  	_ =	sdelay $0x3  }
.LBB1_6:
0x3c: {  	_ =	sfence.sel $0x180000  }
0x3d: {  	s2 =	simm.s32 $0x1;
	[bflag:$0x0] =	sbarrier.arrive $0xFFFF  }
0x3e: {  	s31 =	simm.s32 $0x2;
	[sflag:s2] =	ssyncpa.u1 $0x1  }
0x3f: {  	[sflag:s31] =	ssyncpa.u1 $0x1  }
0x40: {  	p0 =	sne.s32 s0, $0x0;
	_ =	strace $0x9000005C  }
0x41: {  	s0 =	sadd.s32 @!p0 $0x100000, s1;
	[bflag:$0x2] =	sbarrier.arrive $0xFFFF  }
0x42: {  	[sflag:s0] =	ssyncadd.tile.s32 @!p0 $0x1;
	_ =	shalt  }
.Lfunc_end1:
_tile_overlayer_lowered:
.L_overlay_start_2:
0x43: {  	(tag) =	ssettag $0x2  }
0x44: {  	s0 =	rddreg [dreg:$0x0];
	s2 =	stileid.u32  }
0x45: {  	s1 =	rddreg [dreg:$0x1];
	p0 =	sne.s32 s2, $0x0  }
0x46: {  	s3 =	rddreg [dreg:$0x2];
	[bflag:$0x3] =	sbarrier.arrive $0xFFFF;
	s2 =	simm.s32 @!p0 $0x1C01  }
0x47: {  	[timem:s3], [sflag:s2] =	dma.local @!p0 [hbm:s0], s1  }
0x48: {  	s0 =	simm.s32 @!p0 $0x1  }
0x49: {  	_ =	swait.ge @!p0 [sflag:s0], s1  }
0x4a: {  	s1 =	ssub.s32 @!p0 $0x0, s1;
	[sflag:s0] =	ssyncset.done @!p0 $0x0  }
0x4b: {  	[sflag:s0] =	ssyncadd.s32 @!p0 s1  }
0x4c: {  	[bflag:$0x3] =	sbarrier.arrive $0xFFFF  }
0x4d: {  	_ =	shalt  }

// kernel: sparse-core-data-format-call.cloned.1.call-start
scs
called_computation_lowered:
.L_overlay_start_0:
0x0: {  	s2 =	sld [smem:$0x3FD9]  }
0x1: {  	s3 =	sld [smem:$0x3FFE];
	_ =	sdelay $0x1  }
0x2: {  	s1 =	srdreg.scid  }
0x3: {  	s0 =	sand.u32 $0x1, s1  }
0x4: {  	s18 =	sshll.u32 s0, $0xA;
	s2 =	sadd.s32 s3, s2  }
0x5: {  	s2 =	sadd.s32 s2, s18  }
0x6: {  	[smem:$0x3FC6] =	sst s2  }
0x7: {  	_ = 	snop  }
0x8: {  	(tm) =	ssettm $0x1  }
0x9: {  	s19 =	sld [smem:$0x3FFB];
	_ =	sdelay $0x3  }
0xa: {  	_ =	strace s19  }
0xb: {  	s2 =	sld [smem:$0x3FFC];
	_ =	sdelay $0x3  }
0xc: {  	_ =	strace s2  }
0xd: {  	s2 =	sld [smem:$0x3FFD];
	_ =	sdelay $0x3  }
0xe: {  	_ =	strace s2  }
0xf: {  	_ =	strace $0x8FFFFFFF  }
0x10: {  	s20 =	sld [smem:$0x3FDB];
	_ =	sdelay $0x1  }
0x11: {  	s21 =	simm.s32 $_scs_section_size  }
0x12: {  	s4 =	simm.s32 $_size__tile_overlayer_lowered;
	s5 =	simm.s32 $_tile_overlayer_lowered  }
0x13: {  	s6 =	simm.s32 $0x1BFF;
	s22 =	sshll.u32 s5, $0x1;
	s3 =	sadd.s32 s21, s20  }
0x14: {  	s23 =	simm.s32 $0x0;
	s4 =	sshll.u32 s4, $0x1;
	s5 =	sadd.s32 s22, s3  }
0x15: {  	[timem:s23], [sflag:s6] =	dma.local [hbm:s5], s4  }
0x16: {  	_ =	swait.ge [sflag:s6], s4  }
0x17: {  	s4 =	ssub.s32 $0x0, s4;
	[sflag:s6] =	ssyncset.done $0x0  }
0x18: {  	[sflag:s6] =	ssyncadd.s32 s4;
	_ =	sdelay $0x1  }
0x19: {  	s24 =	simm.s32 $0x1B8B  }
0x1a: {  	_ =	swait.ge [sflag:s24], $0x1  }
0x1b: {  	[sflag:s24] =	ssyncset.done $0x0  }
0x1c: {  	[sflag:s24] =	ssyncadd.s32 $0xFFFFFFFF  }
0x1d: {  	s4 =	sld [smem:$0x0]  }
0x1e: {  	s5 =	sand.u32 $0xFFFFFFFE, s1  }
0x1f: {  	p0 =	sne.s32 s1, s5  }
0x20: {  	s5 =	sshll.u32 @p0 s5, $0xE  }
0x21: {  	s5 =	sadd.s32 @p0 $0x11B8D, s5;
	s6 =	sshll.u32 @p0 s4, $0x11  }
0x22: {  	s5 =	sor.u32 @p0 s6, s5  }
0x23: {  	[sflag:s5] =	ssyncadd.remote.s32 @p0 $0x1;
	_ =	sdelay $0x1  }
0x24: {  	s5 =	simm.s32 @p0 $0x1B8D  }
0x25: {  	_ =	swait.eq @p0 [sflag:s5], $0x1  }
0x26: {  	[sflag:s5] =	ssyncadd.s32 @p0 $0xFFFFFFFF  }
0x27: {  	s6 =	sshll.u32 @!p0 s1, $0xE  }
0x28: {  	s6 =	sor.u32 @!p0 $0x4000, s6;
	s5 =	simm.s32 @!p0 $0x1B8D  }
0x29: {  	s4 =	sshll.u32 @!p0 s4, $0x11;
	s6 =	sadd.s32 @!p0 $0x11B8D, s6;
	_ =	swait.eq @!p0 [sflag:s5], $0x1  }
0x2a: {  	s4 =	sor.u32 @!p0 s4, s6;
	[sflag:s5] =	ssyncadd.s32 @!p0 $0xFFFFFFFF  }
0x2b: {  	s26 =	simm.s32 $0x1B8E;
	s25 =	sld [smem:$0x3FFE];
	[sflag:s4] =	ssyncadd.remote.s32 @!p0 $0x1  }
0x2c: {  	s27 =	simm.s32 $execute0_lowered;
	[smem:$0x3FD2] =	sst s26  }
0x2d: {  	s5 =	sshll.u32 s27, $0x1;
	_ =	strace $0x80000052;
	[dreg:$0x1] =	wrdreg $0xFFFFFFFF  }
0x2e: {  	s28 =	simm.s32 $_size_execute0_lowered;
	s3 =	sadd.s32 s3, s5;
	[dreg:$0x0] =	wrdreg $0x0  }
0x2f: {  	s5 =	sshll.u32 s28, $0x1;
	[dreg:$0x2] =	wrdreg s3  }
0x30: {  	[dreg:$0x3] =	wrdreg s5  }
0x31: {  	[dreg:$0x4] =	wrdreg $0xC0  }
0x32: {  	_ =	task [dreg:s23], $0x5FFFF  }
0x33: {  	[dreg:$0x1] =	wrdreg $0xFFFFFFFF  }
0x34: {  	[dreg:$0x0] =	wrdreg $0x60  }
0x35: {  	[dreg:$0x2] =	wrdreg s25  }
0x36: {  	[dreg:$0x3] =	wrdreg $0x9  }
0x37: {  	_ =	task.clear_ibuf [dreg:s23], $0x4FFFF;
	_ =	strace $0x90000052  }
0x38: {  	s29 =	simm.s32 $0x9;
	_ =	strace $0x80000054  }
0x39: {  	_ =	swait.ge [sflag:s29], $0x1  }
0x3a: {  	[sflag:s29] =	ssyncadd.s32 $0xFFFFFFFF  }
0x3b: {  	_ =	strace $0x90000054  }
0x3c: {  	_ =	sfence  }
0x3d: {  	s30 =	sld [smem:$0x0];
	_ =	sdelay $0x2  }
0x3e: {  	s31 =	sshll.u32 s1, $0xD;
	s1 =	sshrl.u32 s1, $0x2  }
0x3f: {  	s4 =	sand.u32 $0x4000, s31;
	s1 =	sadd.s32 s1, s30  }
0x40: {  	s0 =	sor.u32 s4, s0;
	s1 =	sshll.u32 s1, $0x11  }
0x41: {  	s0 =	sor.u32 s1, s0  }
0x42: {  	s0 =	sadd.s32 $0x8F2B, s0  }
0x43: {  	[sflag:s0] =	ssyncadd.remote.s32 $0x1  }
0x44: {  	_ =	sfence.sel $0xFFFF  }
0x45: {  	[dreg:$0x0] =	wrdreg $0xFFFFFFFF;
	(pc) =	sbr.abs _section_cstart, $3  }
0x46: {  	[dreg:$0x1] =	wrdreg $0xFFFFFFFF  }
0x47: {  	_ =	task.clear_ibuf [dreg:s23], $0x2FFFF;
	_ =	strace $0x9FFFFFFF  }
0x48: {  	(tm) =	ssettm $0x7FFFFFFF  }
0x49: {  	_ =	shalt  }
tec
execute0_lowered:
.L_overlay_start_1:
0x0: {  	(tag) =	ssettag $0x1  }
0x1: {  	s0 =	srdreg.scid  }
0x2: {  	s1 =	sshll.u32 s0, $0x4  }
0x3: {  	s0 =	stileid.u32;
	s1 =	sand.u32 $0x10, s1  }
0x4: {  	s1 =	sor.u32 s0, s1  }
0x5: {  	s6 =	rddreg [dreg:$0x0];
	s7 =	simm.s32 $0x2;
	s2 =	sshll.u32 s1, $0x7  }
0x6: {  	s12 =	simm.s32 $0x0;
	s8 =	simm.s32 $0x8000;
	s1 =	ssub.s32 $0x1000, s2  }
0x7: {  	s13 =	simm.s32 $0x0;
	s9 =	simm.s32 $0x0;
	s3 =	sand.u32 $0xF80, s1  }
0x8: {  	s11 =	simm.s32 $0x0;
	p0 =	sne.s32 s3, $0x0;
	s3 =	simm.s32 $0x1  }
.Ltmp0:
0x9: {  	s4 =	sshrl.u32 s1, $0xC;
	s3 =	simm.s32 @!p0 $0x0;
	(pc) =	sbr.rel .LBB1_1-.Ltmp0, $4  }
0xa: {  	s5 =	sadd.s32 $0x140DE00, s6;
	s1 =	rddreg [dreg:$0x1];
	s4 =	sadd.s32 s3, s4  }
0xb: {  	_ =	strace $0x80000053;
	s3 =	simm.s32 $0x1;
	s4 =	smul.u32 $0x32, s4  }
0xc: {  	s6 =	sadd.s32 $0xF4B200, s6;
	s10 =	smov.u32 s2;
	[sflag:s3] =	ssyncpa.u1 $0x0  }
0xd: {  	p0 =	por $0x0, $0x0;
	[sflag:s7] =	ssyncpa.u1 $0x0;
	s7 =	sor.u32 $0x1, s4  }
.LBB1_4:
0xe: {  	s16 =	sshll.u32 s13, $0x3;
	s17 =	sand.u32 $0x78, s13  }
0xf: {  	s30 =	sand.u32 $0x7E00, s13;
	s12 =	sshll.u32 s12, $0xF;
	s16 =	sand.u32 $0xC00, s16  }
0x10: {  	[tilespmem:s15+$0x810 ss:$0x81] =	vst.msk $0xffff, v2;
	s31 =	sand.u32 $0x7, s13;
	s16 =	sor.u32 s17, s16;
	s17 =	sadd.s32 s6, s30  }
0x11: {  	[tilespmem:s15+$0x1020 ss:$0x81] =	vst.msk $0xffff, v0;
	s13 =	sshll.u32 s31, $0x12;
	s12 =	sadd.s32 s12, s17;
	s16 =	sshrl.u32 s16, $0x3  }
0x12: {  	[tilespmem:s15+$0x0 ss:$0x81] =	vst.msk $0xffff, v1;
	s13 =	sor.u32 $0x400, s13;
	s12 =	sadd.s32 s16, s12  }
0x13: {  	[hbm4b:s12+s13] =	stream.strided.scatter [tilespmem:s14], [sflag:$0x2], $0x2000, s8, s13, $0x20;
	[tilespmem:$0x8080] =	vst v63  }
.LBB1_5:
0x14: {  	s14 =	sadd.s32 $0x1, s9  }
0x15: {  	s12 =	sadd.s32 $0x1000, s10;
	s16 =	smov.u32 s10;
	p2 =	sgt.s32 s14, $0x31  }
0x16: {  	s16 =	smov.u32 @p2 s12  }
0x17: {  	s14 =	simm.s32 @p2 $0x0;
	p2 =	sgt.s32 s16, $0xFFF  }
0x18: {  	s16 =	smov.u32 @p2 s2;
	p2 =	sne.s32 s11, s7  }
.Ltmp1:
0x19: {  	p1 =	slt.u32 s11, $0x2;
	(pc) =	sbr.rel @!p2 .LBB1_6-.Ltmp1, $4  }
0x1a: {  	s15 =	simm.s32 @!p1 $0x2  }
0x1b: {  	s13 =	smov.u32 s10;
	p0 =	por !p0, !p0;
	_ =	swait.ge @!p1 [sflag:s15], $0x2000  }
0x1c: {  	s12 =	smov.u32 s9;
	[sflag:s15] =	ssyncset.done @!p1 $0x0;
	s9 =	smov.u32 s14  }
0x1d: {  	s11 =	sadd.s32 $0x1, s11;
	[sflag:s15] =	ssyncadd.s32 @!p1 $0xFFFFE000;
	s10 =	smov.u32 s16  }
.LBB1_1:
0x1e: {  	p1 =	sge.u32 s11, s4  }
0x1f: {  	s14 =	sand.u32 @!p1 $0x1FFFFFF, s9  }
0x20: {  	s15 =	smulhi.u32 @!p1 $0x4924925, s14;
	_ =	sdelay $0x1  }
0x21: {  	s15 =	smul.u32 @!p1 $0x38, s15  }
0x22: {  	s16 =	sxor.u32 @!p1 $0xFFFFFFFF, s11;
	s17 =	smul.u32 @!p1 $0x380, s10  }
0x23: {  	s31 =	sadd.s32 $0xFFFFFFFF, s11;
	s16 =	sshll.u32 @!p1 s16, $0xD;
	s14 =	ssub.s32 @!p1 s14, s15  }
0x24: {  	s15 =	sand.u32 @!p1 $0x2000, s16;
	s16 =	sadd.s32 @!p1 s5, s17;
	s14 =	sshll.u32 @!p1 s14, $0x4  }
0x25: {  	s17 =	simm.s32 @!p1 $0x1C00;
	s14 =	sadd.s32 @!p1 s14, s16;
	s16 =	simm.s32 @!p1 $0x40  }
0x26: {  	[tilespmem:s15], [sflag:$0x1] =	stream.strided.gather @!p1 [hbm4b:s14+s16], $0x2000, s17, s16, $0x38;
	[tilespmem:$0x8080] =	vst v63  }
0x27: {  	p1 =	sge.u32 s31, s4  }
.Ltmp2:
0x28: {  	_ = 	snop;
	(pc) =	sbr.rel @p1 .LBB1_5-.Ltmp2, $1  }
0x29: {  	_ =	sdelay $0x3  }
0x2a: {  	s14 =	simm.s32 $0x1  }
0x2b: {  	_ =	swait.ge [sflag:s3], $0x2000;
	s14 =	simm.s32 @!p0 $0x0  }
0x2c: {  	[sflag:s3] =	ssyncset.done $0x0;
	s15 =	sshll.u32 s14, $0xD  }
0x2d: {  	[sflag:s3] =	ssyncadd.s32 $0xFFFFE000;
	s18 =	sor.u32 $0x20, s15  }
0x2e: {  	s14 =	smul.u32 $0x8100, s14;
	v3 =	vld [tilespmem:s18+$0x10]  }
0x2f: {  	s30 =	sand.u32 $0x1, s11;
	v2 =	vld [tilespmem:s18+$0xFFFFFFF0]  }
0x30: {  	s15 =	smul.u32 $0x8100, s30;
	s14 =	sshrl.u32 s14, $0x2;
	v0 =	vld [tilespmem:s18+$0x0]  }
0x31: {  	v1 =	vld [tilespmem:s18+$0xFFFFFFE0];
	s16 =	sor.u32 $0x4000, s14  }
0x32: {  	s31 =	sshrl.u32 s15, $0x2;
	s15 =	sadd.s32 $0x0, s16  }
0x33: {  	s17 =	simm.s32 $0x4;
	s18 =	sadd.s32 $0x40, s18;
	s14 =	sor.u32 $0x4000, s31;
	[tilespmem:s15+$0x1830 ss:$0x81] =	vst.msk $0xffff, v3  }
.LBB1_3:
0x34: {  	v3 =	vld [tilespmem:s18+$0x10];
	p1 =	sne.s32 s17, $0x1FC;
	[tilespmem:s15+$0x810 ss:$0x81] =	vst.msk $0xffff, v2;
	s19 =	smov.u32 s17;
	s17 =	sadd.s32 $0x4, s17  }
.Ltmp3:
0x35: {  	v2 =	vld [tilespmem:s18+$0xFFFFFFF0];
	[tilespmem:s15+$0x1020 ss:$0x81] =	vst.msk $0xffff, v0;
	(pc) =	sbr.rel @p1 .LBB1_3-.Ltmp3, $4  }
0x36: {  	v0 =	vld [tilespmem:s18+$0x0];
	[tilespmem:s15+$0x0 ss:$0x81] =	vst.msk $0xffff, v1  }
0x37: {  	s15 =	sshra.s32 s19, $0x2;
	v1 =	vld [tilespmem:s18+$0xFFFFFFE0]  }
0x38: {  	s15 =	sadd.s32 s15, s16  }
0x39: {  	s18 =	sadd.s32 $0x40, s18;
	[tilespmem:s15+$0x1830 ss:$0x81] =	vst.msk $0xffff, v3  }
.Ltmp4:
0x3a: {  	_ = 	snop;
	(pc) =	sbr.rel .LBB1_4-.Ltmp4, $1  }
0x3b: {  	_ =	sdelay $0x3  }
.LBB1_6:
0x3c: {  	_ =	sfence.sel $0x180000  }
0x3d: {  	s2 =	simm.s32 $0x1;
	[bflag:$0x0] =	sbarrier.arrive $0xFFFF  }
0x3e: {  	s31 =	simm.s32 $0x2;
	[sflag:s2] =	ssyncpa.u1 $0x1  }
0x3f: {  	[sflag:s31] =	ssyncpa.u1 $0x1  }
0x40: {  	p0 =	sne.s32 s0, $0x0;
	_ =	strace $0x90000053  }
0x41: {  	s0 =	sadd.s32 @!p0 $0x100000, s1;
	[bflag:$0x2] =	sbarrier.arrive $0xFFFF  }
0x42: {  	[sflag:s0] =	ssyncadd.tile.s32 @!p0 $0x1;
	_ =	shalt  }
.Lfunc_end1:
_tile_overlayer_lowered:
.L_overlay_start_2:
0x43: {  	(tag) =	ssettag $0x2  }
0x44: {  	s0 =	rddreg [dreg:$0x0];
	s2 =	stileid.u32  }
0x45: {  	s1 =	rddreg [dreg:$0x1];
	p0 =	sne.s32 s2, $0x0  }
0x46: {  	s3 =	rddreg [dreg:$0x2];
	[bflag:$0x3] =	sbarrier.arrive $0xFFFF;
	s2 =	simm.s32 @!p0 $0x1C01  }
0x47: {  	[timem:s3], [sflag:s2] =	dma.local @!p0 [hbm:s0], s1  }
0x48: {  	s0 =	simm.s32 @!p0 $0x1  }
0x49: {  	_ =	swait.ge @!p0 [sflag:s0], s1  }
0x4a: {  	s1 =	ssub.s32 @!p0 $0x0, s1;
	[sflag:s0] =	ssyncset.done @!p0 $0x0  }
0x4b: {  	[sflag:s0] =	ssyncadd.s32 @!p0 s1  }
0x4c: {  	[bflag:$0x3] =	sbarrier.arrive $0xFFFF  }
0x4d: {  	_ =	shalt  }

</sc_bundles>
